<compile_context>
chip_gen: v7x
topology: tpu7x:2x2x1
jax: 0.10.2.dev20260603
libtpu: 0.0.44.dev20260713+nightly
codegen_flags: <defaults>
</compile_context>

<pallas_src>
import functools

import jax
import jax.numpy as jnp
from jax import lax
from jax.experimental import pallas as pl
from jax.experimental.pallas import tpu as pltpu
from jax.experimental.pallas import tpu_sc as plsc

_RADIUS2 = 0.8 * 0.8
_NS = 16
_B = 4
_NPB = 16384
_MPB = 4096
_N = _B * _NPB
_M = _B * _MPB
_C = 32
_L = 16
_QPW = _M // 32
_UNR = 8
_NSUP = _NPB // (_L * _UNR)
_CHUNK = 128
_ROWS = 3 + _C

_mesh = plsc.VectorSubcoreMesh(core_axis_name="c", subcore_axis_name="s")
_params = pltpu.CompilerParams(needs_layout_passes=False)


def _rtne_bits(v):
    u = plsc.bitcast(v, jnp.int32)
    return (u + jnp.int32(0x7FFF) + ((u >> 16) & 1)) & jnp.int32(-65536)


def _rtne_bf16(v):
    return plsc.bitcast(_rtne_bits(v), jnp.float32)


def _bcast(v, t):
    dn = lax.GatherDimensionNumbers(
        offset_dims=(), collapsed_slice_dims=(0,), start_index_map=(0,))
    tv = jnp.full((_L,), t, jnp.int32)
    return lax.gather(v, tv[:, None], dn, slice_sizes=(1,),
                      mode=lax.GatherScatterMode.PROMISE_IN_BOUNDS)


@functools.partial(
    pl.kernel,
    out_type=(
        jax.ShapeDtypeStruct((_M, _NS), jnp.int32),
        jax.ShapeDtypeStruct((_M, _NS), jnp.int32),
        jax.ShapeDtypeStruct((_M,), jnp.int32),
    ),
    mesh=_mesh,
    compiler_params=_params,
    scratch_types=[
        pltpu.VMEM((_NPB,), jnp.float32),
        pltpu.VMEM((_NPB,), jnp.float32),
        pltpu.VMEM((_NPB,), jnp.float32),
        pltpu.VMEM((_QPW,), jnp.float32),
        pltpu.VMEM((_QPW,), jnp.float32),
        pltpu.VMEM((_QPW,), jnp.float32),
        pltpu.VMEM((_NS,), jnp.int32),
        pltpu.VMEM((_L,), jnp.int32),
        pltpu.VMEM((64, _NS), jnp.int32),
        pltpu.VMEM((64, _NS), jnp.int32),
        pltpu.VMEM((_QPW,), jnp.int32),
        pltpu.SMEM((1,), jnp.int32),
    ],
)
def _ball_query(xyzt, nxyzt, idx_out, idx2_out, cnt_out,
                pp, xy, zs, qx, qy, qz, acc, cntref, idxb, idxb2, cntb, cs_s):
    wid = lax.axis_index("c") * 16 + lax.axis_index("s")
    qbase = wid * _QPW
    seg = qbase // _MPB
    pbase = seg * _NPB
    pltpu.sync_copy(xyzt.at[pl.ds(0 * _N + pbase, _NPB)], pp)
    pltpu.sync_copy(xyzt.at[pl.ds(1 * _N + pbase, _NPB)], xy)
    pltpu.sync_copy(xyzt.at[pl.ds(2 * _N + pbase, _NPB)], zs)
    pltpu.sync_copy(nxyzt.at[pl.ds(0 * _M + qbase, _QPW)], qx)
    pltpu.sync_copy(nxyzt.at[pl.ds(1 * _M + qbase, _QPW)], qy)
    pltpu.sync_copy(nxyzt.at[pl.ds(2 * _M + qbase, _QPW)], qz)

    iota = lax.iota(jnp.int32, _L)
    lane0 = iota == 0
    zeros = jnp.zeros((_L,), jnp.int32)

    def prep(i, carry_unused):
        b = pl.multiple_of(i * _L, _L)
        vx = pp[pl.ds(b, _L)]
        vy = xy[pl.ds(b, _L)]
        vz = zs[pl.ds(b, _L)]
        pp[pl.ds(b, _L)] = vx * vx + vy * vy + vz * vz
        bx = _rtne_bits(vx)
        by = _rtne_bits(vy)
        xy[pl.ds(b, _L)] = plsc.bitcast(
            bx | ((by >> 16) & jnp.int32(0xFFFF)), jnp.float32)
        zs[pl.ds(b, _L)] = _rtne_bf16(vz)
        return 0

    lax.fori_loop(0, _NPB // _L, prep, 0)

    def per_query(g, s, t):
        q = g * 64 + s * _L + t
        base16 = g * 64 + s * _L
        qx16 = qx[pl.ds(base16, _L)]
        qy16 = qy[pl.ds(base16, _L)]
        qz16 = qz[pl.ds(base16, _L)]
        qq16 = qx16 * qx16 + qy16 * qy16 + qz16 * qz16
        qq = _bcast(qq16, t)
        qxb = _bcast(_rtne_bf16(qx16), t)
        qyb = _bcast(_rtne_bf16(qy16), t)
        qzb = _bcast(_rtne_bf16(qz16), t)
        cntref[...] = zeros
        cs_s[0] = jnp.int32(0)

        def within_at(base):
            w = plsc.bitcast(xy[pl.ds(base, _L)], jnp.int32)
            px = plsc.bitcast(w & jnp.int32(-65536), jnp.float32)
            py = plsc.bitcast(w << 16, jnp.float32)
            pz = zs[pl.ds(base, _L)]
            dot = qxb * px + qyb * py + qzb * pz
            d2 = (qq + pp[pl.ds(base, _L)]) - jnp.float32(2.0) * dot
            return d2 < _RADIUS2

        def cond(carry):
            j, cs = carry
            return jnp.logical_and(j < _NSUP, cs < _NS)

        def body(carry):
            j, cs = carry
            sup = pl.multiple_of(j * (_L * _UNR), _L * _UNR)
            anym = within_at(sup)
            for u in range(1, _UNR):
                anym = jnp.logical_or(anym, within_at(sup + u * _L))

            @pl.when(jnp.any(anym))
            def _append():
                cntv = cntref[...]
                for u in range(_UNR):
                    base = sup + u * _L
                    within = within_at(base)
                    c = plsc.all_reduce_population_count(within)
                    keys = base + iota
                    sk = plsc.sort_key_val(keys, keys, mask=within)[0]
                    dest = cntv + iota
                    m = jnp.logical_and(iota < c, dest < _NS)
                    plsc.store_scatter(acc, [dest], sk, mask=m)
                    cntv = jnp.minimum(cntv + c, _NS)
                cntref[...] = cntv
                cs_s[0] = jnp.max(cntv)

            return j + 1, cs_s[0]

        lax.while_loop(cond, body, (jnp.int32(0), jnp.int32(0)))
        cntv = cntref[...]
        accv = acc[...]
        first = plsc.cummax(jnp.where(lane0, accv, jnp.int32(-1)))
        valid = iota < cntv
        nonempty = cntv > 0
        idxv = jnp.where(nonempty, jnp.where(valid, accv, first), 0)
        tl = s * _L + t
        idxb[tl, :] = idxv
        idxb2[tl, :] = jnp.where(nonempty, idxv, _NPB)
        qsplat = jnp.full((_L,), q, jnp.int32)
        plsc.store_scatter(cntb, [qsplat], cntv, mask=lane0)
        return 0

    def per_group(g, carry_unused):
        for s in range(4):
            lax.fori_loop(0, _L, lambda t, cu: per_query(g, s, t), 0)
        pltpu.sync_copy(idxb, idx_out.at[pl.ds(qbase + g * 64, 64)])
        pltpu.sync_copy(idxb2, idx2_out.at[pl.ds(qbase + g * 64, 64)])
        return 0

    lax.fori_loop(0, _QPW // 64, per_group, 0)
    pltpu.sync_copy(cntb, cnt_out.at[pl.ds(qbase, _QPW)])


@functools.partial(
    pl.kernel,
    out_type=jax.ShapeDtypeStruct((_ROWS, _M, _NS), jnp.float32),
    mesh=_mesh,
    compiler_params=_params,
    scratch_types=[
        pltpu.VMEM((_NPB + _L,), jnp.float32),
        pltpu.VMEM((_NPB + _L,), jnp.float32),
        pltpu.VMEM((_MPB,), jnp.float32),
        pltpu.VMEM((_CHUNK, _NS), jnp.int32),
        pltpu.VMEM((_CHUNK,), jnp.int32),
        pltpu.VMEM((_CHUNK, _L), jnp.float32),
        pltpu.VMEM((_CHUNK, _L), jnp.float32),
        pltpu.SemaphoreType.DMA,
    ],
)
def _group(table, cent, idx_in, cnt_in, out,
           ta, tb, ccol, idxc, cntc, sa, sb, sem):
    wid = lax.axis_index("c") * 16 + lax.axis_index("s")
    seg = wid // 8
    k = wid % 8
    qg0 = seg * _MPB
    pbase = seg * _NPB
    fzeros = jnp.zeros((_L,), jnp.float32)

    def load_col(chan, buf):
        pltpu.sync_copy(table.at[pl.ds(chan * _N + pbase, _NPB)],
                        buf.at[pl.ds(0, _NPB)])
        buf[pl.ds(_NPB, _L)] = fzeros

    def run_pass2(chA, chB, coord):
        load_col(chA, ta)
        load_col(chB, tb)
        if coord:
            pltpu.sync_copy(cent.at[pl.ds(chA * _M + qg0, _MPB)], ccol)

        def per_chunk(cb, carry_unused):
            qb = qg0 + cb * _CHUNK
            pltpu.sync_copy(idx_in.at[pl.ds(qb, _CHUNK)], idxc)
            if coord:
                pltpu.sync_copy(cnt_in.at[pl.ds(qb, _CHUNK)], cntc)

            def do_query(q):
                idxv = idxc[q, :]
                va = plsc.load_gather(ta, [idxv])
                if coord:
                    qsplat = jnp.full((_L,), q, jnp.int32)
                    cq = plsc.load_gather(cntc, [qsplat])
                    qcs = jnp.full((_L,), cb * _CHUNK, jnp.int32) + qsplat
                    cv = plsc.load_gather(ccol, [qcs])
                    va = jnp.where(cq > 0, va - cv, jnp.float32(0.0))
                sa[q, :] = va
                sb[q, :] = plsc.load_gather(tb, [idxv])

            def per_q4(qu, carry_unused2):
                q0 = qu * 4
                for i in range(4):
                    do_query(q0 + i)
                return 0

            lax.fori_loop(0, _CHUNK // 4, per_q4, 0)
            d1 = pltpu.async_copy(sa, out.at[chA, pl.ds(qb, _CHUNK), :], sem)
            d2 = pltpu.async_copy(sb, out.at[chB, pl.ds(qb, _CHUNK), :], sem)
            d1.wait()
            d2.wait()
            return 0

        lax.fori_loop(0, _MPB // _CHUNK, per_chunk, 0)

    def run_pass1(chA):
        load_col(chA, ta)

        def per_chunk(cb, carry_unused):
            qb = qg0 + cb * _CHUNK
            pltpu.sync_copy(idx_in.at[pl.ds(qb, _CHUNK)], idxc)

            def per_q4(qu, carry_unused2):
                q0 = qu * 4
                for i in range(4):
                    sa[q0 + i, :] = plsc.load_gather(ta, [idxc[q0 + i, :]])
                return 0

            lax.fori_loop(0, _CHUNK // 4, per_q4, 0)
            pltpu.sync_copy(sa, out.at[chA, pl.ds(qb, _CHUNK), :])
            return 0

        lax.fori_loop(0, _MPB // _CHUNK, per_chunk, 0)

    @pl.when(k < 3)
    def _coord():
        run_pass2(k, k + 8, coord=True)

    @pl.when(k >= 3)
    def _plain():
        run_pass2(k, k + 8, coord=False)

    run_pass2(k + 16, k + 24, coord=False)

    @pl.when(k < 3)
    def _tail():
        run_pass1(k + 32)


def kernel(xyz, xyz_batch_cnt, new_xyz, new_xyz_batch_cnt, features):
    xyzt = jnp.transpose(xyz).reshape(-1)
    nxyzt = jnp.transpose(new_xyz).reshape(-1)
    idx, idx2, cnt = _ball_query(xyzt, nxyzt)
    table = jnp.concatenate(
        [jnp.transpose(xyz), jnp.transpose(features)], axis=0).reshape(-1)
    cent = nxyzt
    grouped = _group(table, cent, idx2, cnt)
    new_features = jnp.transpose(grouped, (1, 0, 2))
    return new_features, idx

# --- scband reference (transcript-rebuilt; emitter-appended) ---
"""Pipeline reference for scband-query-and-group-23055384444933 (READ-ONLY COPY).

The authoritative reference and input builder live on the scoring server;
editing this copy changes nothing except your own understanding.
"""

import jax, jax.numpy as jnp
import numpy as np

RADIUS = 0.8
NSAMPLE = 16
B = 4
NPB = 16384  # points per batch (N = B*NPB = 65536)
MPB = 4096   # query centers per batch (M = B*MPB = 16384)
C = 32


def setup_inputs(seed: int = 0) -> dict:
    key = jax.random.key(seed)
    k1, k2, k3 = jax.random.split(key, 3)
    xyz = jax.random.normal(k1, (B * NPB, 3), dtype=jnp.float32)
    new_xyz = jax.random.normal(k2, (B * MPB, 3), dtype=jnp.float32)
    features = jax.random.normal(k3, (B * NPB, C), dtype=jnp.float32)
    xyz_batch_cnt = jnp.full((B,), NPB, dtype=jnp.int32)
    new_xyz_batch_cnt = jnp.full((B,), MPB, dtype=jnp.int32)
    return {
        "xyz": xyz,
        "xyz_batch_cnt": xyz_batch_cnt,
        "new_xyz": new_xyz,
        "new_xyz_batch_cnt": new_xyz_batch_cnt,
        "features": features,
    }


def _ball_query_batch(nx, x, radius, nsample):
    # nx: (m, 3) query centers, x: (n, 3) candidate points (same batch segment)
    m = nx.shape[0]
    n = x.shape[0]
    d2 = (
        jnp.sum(nx * nx, axis=1, keepdims=True)
        + jnp.sum(x * x, axis=1)[None, :]
        - 2.0 * (nx @ x.T)
    )
    within = d2 < (radius * radius)
    # CUDA kernel scans candidates in index order; emulate: smallest nsample
    # indices among within-radius points, pad remainder with the first found.
    keyed = jnp.where(within, jnp.arange(n, dtype=jnp.int32)[None, :], jnp.int32(n))
    neg_topk, _ = jax.lax.top_k(-keyed, nsample)  # nsample smallest keys per row
    order = -neg_topk  # ascending index order, invalid slots == n
    cnt = jnp.sum(within, axis=1)
    first = order[:, 0]
    idx = jnp.where(order < n, order, first[:, None])
    empty = cnt == 0
    idx = jnp.where(empty[:, None], 0, idx).astype(jnp.int32)
    return idx, empty


def reference(xyz, xyz_batch_cnt, new_xyz, new_xyz_batch_cnt, features):
    # ball_query (stacked, per-batch-segment local indices)
    idx_list = []
    empty_list = []
    for b in range(B):
        x = jax.lax.dynamic_slice_in_dim(xyz, b * NPB, NPB, 0)
        nx = jax.lax.dynamic_slice_in_dim(new_xyz, b * MPB, MPB, 0)
        i, e = _ball_query_batch(nx, x, RADIUS, NSAMPLE)
        idx_list.append(i)
        empty_list.append(e)
    idx = jnp.concatenate(idx_list, axis=0)      # (M, nsample), local per segment
    empty = jnp.concatenate(empty_list, axis=0)  # (M,)

    # grouping_operation: gather with per-batch offsets
    offsets = jnp.repeat(jnp.arange(B, dtype=jnp.int32) * NPB, MPB)
    gidx = idx + offsets[:, None]                # (M, nsample) global indices

    grouped_xyz = jnp.transpose(xyz[gidx], (0, 2, 1))        # (M, 3, nsample)
    grouped_xyz = grouped_xyz - new_xyz[:, :, None]
    grouped_xyz = jnp.where(empty[:, None, None], 0.0, grouped_xyz)

    grouped_feat = jnp.transpose(features[gidx], (0, 2, 1))  # (M, C, nsample)
    grouped_feat = jnp.where(empty[:, None, None], 0.0, grouped_feat)

    new_features = jnp.concatenate([grouped_xyz, grouped_feat], axis=1)  # (M, 3+C, nsample)
    return new_features, idx

if __name__ == "__main__":
    import jax
    _d = setup_inputs()
    print(jax.jit(kernel)(*tuple(_d.values())))

</pallas_src>

<mosaic_0001>
#map = affine_map<(d0, d1) -> (0)>
#map1 = affine_map<(d0, d1) -> (0, 0)>
#map2 = affine_map<(d0, d1) -> (0, 0, 0)>
module attributes {stable_mosaic.version = 14 : i64} {
  func.func @_group(%arg0: i32, %arg1: i32, %arg2: memref<2293760xf32, #tpu.memory_space<hbm>>, %arg3: memref<49152xf32, #tpu.memory_space<hbm>>, %arg4: memref<16384x16xi32, #tpu.memory_space<hbm>>, %arg5: memref<16384xi32, #tpu.memory_space<hbm>>, %arg6: memref<35x16384x16xf32, #tpu.memory_space<hbm>>, %arg7: memref<16400xf32, #tpu.memory_space<vmem>>, %arg8: memref<16400xf32, #tpu.memory_space<vmem>>, %arg9: memref<4096xf32, #tpu.memory_space<vmem>>, %arg10: memref<128x16xi32, #tpu.memory_space<vmem>>, %arg11: memref<128xi32, #tpu.memory_space<vmem>>, %arg12: memref<128x16xf32, #tpu.memory_space<vmem>>, %arg13: memref<128x16xf32, #tpu.memory_space<vmem>>, %arg14: memref<!tpu.dma_semaphore, #tpu.memory_space<semaphore_mem>>) attributes {dimension_semantics = [#tpu.dimension_semantics<core_parallel>, #tpu.dimension_semantics<subcore_parallel>], iteration_bounds = array<i64: 2, 16>, scalar_prefetch = 0 : i64, scratch_operands = 8 : i64, tpu.core_type = #tpu.core_type<sc_vector_subcore>, window_params = [{transform_indices = #map}, {transform_indices = #map}, {transform_indices = #map1}, {transform_indices = #map}, {transform_indices = #map2}]} {
    %mul3A = arith.constant 16 : i32
    %mul3A_0 = arith.muli %arg0, %mul3A : i32
    %add3A = arith.addi %mul3A_0, %arg1 : i32
    %jit3A = arith.constant 8 : i32
    %div3A = arith.divsi %add3A, %jit3A : i32
    %sign3A = arith.constant 0 : i32
    %sign3A_1 = arith.cmpi sgt, %add3A, %sign3A : i32
    %sign3A_2 = arith.extui %sign3A_1 : i1 to i32
    %sign3A_3 = arith.constant 0 : i32
    %sign3A_4 = arith.cmpi slt, %add3A, %sign3A_3 : i32
    %sign3A_5 = arith.extui %sign3A_4 : i1 to i32
    %sign3A_6 = arith.subi %sign3A_2, %sign3A_5 : i32
    %sign3A_7 = arith.constant 0 : i32
    %sign3A_8 = arith.cmpi sgt, %jit3A, %sign3A_7 : i32
    %sign3A_9 = arith.extui %sign3A_8 : i1 to i32
    %sign3A_10 = arith.constant 0 : i32
    %sign3A_11 = arith.cmpi slt, %jit3A, %sign3A_10 : i32
    %sign3A_12 = arith.extui %sign3A_11 : i1 to i32
    %sign3A_13 = arith.subi %sign3A_9, %sign3A_12 : i32
    %ne3A = arith.cmpi ne, %sign3A_6, %sign3A_13 : i32
    %rem3A = arith.remsi %add3A, %jit3A : i32
    %ne3A_14 = arith.constant 0 : i32
    %ne3A_15 = arith.cmpi ne, %rem3A, %ne3A_14 : i32
    %and3A = arith.andi %ne3A, %ne3A_15 : i1
    %sub3A = arith.constant 1 : i32
    %sub3A_16 = arith.subi %div3A, %sub3A : i32
    %select_n3A = arith.select %and3A, %sub3A_16, %div3A : i32
    %jit3A_17 = arith.constant 8 : i32
    %eq3A = arith.constant 0 : i32
    %eq3A_18 = arith.cmpi eq, %jit3A_17, %eq3A : i32
    %jit3A_19 = arith.constant 1 : i32
    %select_n3A_20 = arith.select %eq3A_18, %jit3A_19, %jit3A_17 : i32
    %rem3A_21 = arith.remsi %add3A, %select_n3A_20 : i32
    %ne3A_22 = arith.constant 0 : i32
    %ne3A_23 = arith.cmpi ne, %rem3A_21, %ne3A_22 : i32
    %lt3A = arith.constant 0 : i32
    %lt3A_24 = arith.cmpi slt, %rem3A_21, %lt3A : i32
    %lt3A_25 = arith.constant 0 : i32
    %lt3A_26 = arith.cmpi slt, %select_n3A_20, %lt3A_25 : i32
    %ne3A_27 = arith.xori %lt3A_24, %lt3A_26 : i1
    %and3A_28 = arith.andi %ne3A_27, %ne3A_23 : i1
    %add3A_29 = arith.addi %rem3A_21, %select_n3A_20 : i32
    %select_n3A_30 = arith.select %and3A_28, %add3A_29, %rem3A_21 : i32
    %mul3A_31 = arith.constant 4096 : i32
    %mul3A_32 = arith.muli %select_n3A, %mul3A_31 : i32
    %mul3A_33 = arith.constant 16384 : i32
    %mul3A_34 = arith.muli %select_n3A, %mul3A_33 : i32
    %broadcast_in_dim3A = arith.constant 0.000000e+00 : f32
    %broadcast_in_dim3A_35 = vector.broadcast %broadcast_in_dim3A : f32 to vector<16xf32>
    %lt3A_36 = arith.constant 3 : i32
    %lt3A_37 = arith.cmpi slt, %select_n3A_30, %lt3A_36 : i32
    %convert_element_type3A = arith.extui %lt3A_37 : i1 to i32
    %cond3A = arith.constant 0 : i32
    %cond3A_38 = arith.cmpi ne, %convert_element_type3A, %cond3A : i32
    scf.if %cond3A_38 {
      %add3A_67 = arith.constant 8 : i32
      %add3A_68 = arith.addi %select_n3A_30, %add3A_67 : i32
      %mul3A_69 = arith.constant 65536 : i32
      %mul3A_70 = arith.muli %select_n3A_30, %mul3A_69 : i32
      %add3A_71 = arith.addi %mul3A_70, %mul3A_34 : i32
      "tpu.region"() ({
        %run_scoped3A = tpu.sem_alloc : memref<!tpu.dma_semaphore, #tpu.memory_space<semaphore_mem>>
        %dma_start3A = arith.constant 0 : i32
        %dma_start3A_89 = tpu.memref_slice %arg7[%dma_start3A] : memref<16400xf32, #tpu.memory_space<vmem>> -> memref<16384xf32, #tpu.memory_space<vmem>>
        %dma_start3A_90 = tpu.memref_slice %arg2[%add3A_71] : memref<2293760xf32, #tpu.memory_space<hbm>> -> memref<16384xf32, #tpu.memory_space<hbm>>
        %dma_start3A_91 = arith.constant 0 : i32
        %dma_start3A_92 = tpu.memref_slice %arg7[%dma_start3A_91] : memref<16400xf32, #tpu.memory_space<vmem>> -> memref<16384xf32, #tpu.memory_space<vmem>>
        %dma_start3A_93 = tpu.memref_slice %arg2[%add3A_71] : memref<2293760xf32, #tpu.memory_space<hbm>> -> memref<16384xf32, #tpu.memory_space<hbm>>
        tpu.enqueue_dma source(%dma_start3A_93 : memref<16384xf32, #tpu.memory_space<hbm>>) target(%dma_start3A_92 : memref<16384xf32, #tpu.memory_space<vmem>>) target_semaphore(%run_scoped3A : memref<!tpu.dma_semaphore, #tpu.memory_space<semaphore_mem>>)
        %dma_wait3A = arith.constant 0 : i32
        %dma_wait3A_94 = tpu.memref_slice %arg7[%dma_wait3A] : memref<16400xf32, #tpu.memory_space<vmem>> -> memref<16384xf32, #tpu.memory_space<vmem>>
        %dma_wait3A_95 = tpu.memref_slice %arg2[%add3A_71] : memref<2293760xf32, #tpu.memory_space<hbm>> -> memref<16384xf32, #tpu.memory_space<hbm>>
        %dma_wait3A_96 = arith.constant 0 : i32
        %dma_wait3A_97 = tpu.memref_slice %arg7[%dma_wait3A_96] : memref<16400xf32, #tpu.memory_space<vmem>> -> memref<16384xf32, #tpu.memory_space<vmem>>
        %dma_wait3A_98 = tpu.memref_slice %arg2[%add3A_71] : memref<2293760xf32, #tpu.memory_space<hbm>> -> memref<16384xf32, #tpu.memory_space<hbm>>
        tpu.wait_dma2 semaphore(%run_scoped3A : memref<!tpu.dma_semaphore, #tpu.memory_space<semaphore_mem>>) src(%dma_wait3A_98 : memref<16384xf32, #tpu.memory_space<hbm>>) dst(%dma_wait3A_97 : memref<16384xf32, #tpu.memory_space<vmem>>)
        tpu.yield
      }) : () -> ()
      %swap3A_72 = arith.constant 16384 : index
      %swap3A_73 = tpu.vector_load %arg7[%swap3A_72] {strides = array<i32>} : memref<16400xf32, #tpu.memory_space<vmem>>, vector<16xf32>,
      tpu.vector_store %arg7[%swap3A_72], %broadcast_in_dim3A_35 {strides = array<i32>} : memref<16400xf32, #tpu.memory_space<vmem>>, vector<16xf32>,
      %mul3A_74 = arith.constant 65536 : i32
      %mul3A_75 = arith.muli %add3A_68, %mul3A_74 : i32
      %add3A_76 = arith.addi %mul3A_75, %mul3A_34 : i32
      "tpu.region"() ({
        %run_scoped3A = tpu.sem_alloc : memref<!tpu.dma_semaphore, #tpu.memory_space<semaphore_mem>>
        %dma_start3A = arith.constant 0 : i32
        %dma_start3A_89 = tpu.memref_slice %arg8[%dma_start3A] : memref<16400xf32, #tpu.memory_space<vmem>> -> memref<16384xf32, #tpu.memory_space<vmem>>
        %dma_start3A_90 = tpu.memref_slice %arg2[%add3A_76] : memref<2293760xf32, #tpu.memory_space<hbm>> -> memref<16384xf32, #tpu.memory_space<hbm>>
        %dma_start3A_91 = arith.constant 0 : i32
        %dma_start3A_92 = tpu.memref_slice %arg8[%dma_start3A_91] : memref<16400xf32, #tpu.memory_space<vmem>> -> memref<16384xf32, #tpu.memory_space<vmem>>
        %dma_start3A_93 = tpu.memref_slice %arg2[%add3A_76] : memref<2293760xf32, #tpu.memory_space<hbm>> -> memref<16384xf32, #tpu.memory_space<hbm>>
        tpu.enqueue_dma source(%dma_start3A_93 : memref<16384xf32, #tpu.memory_space<hbm>>) target(%dma_start3A_92 : memref<16384xf32, #tpu.memory_space<vmem>>) target_semaphore(%run_scoped3A : memref<!tpu.dma_semaphore, #tpu.memory_space<semaphore_mem>>)
        %dma_wait3A = arith.constant 0 : i32
        %dma_wait3A_94 = tpu.memref_slice %arg8[%dma_wait3A] : memref<16400xf32, #tpu.memory_space<vmem>> -> memref<16384xf32, #tpu.memory_space<vmem>>
        %dma_wait3A_95 = tpu.memref_slice %arg2[%add3A_76] : memref<2293760xf32, #tpu.memory_space<hbm>> -> memref<16384xf32, #tpu.memory_space<hbm>>
        %dma_wait3A_96 = arith.constant 0 : i32
        %dma_wait3A_97 = tpu.memref_slice %arg8[%dma_wait3A_96] : memref<16400xf32, #tpu.memory_space<vmem>> -> memref<16384xf32, #tpu.memory_space<vmem>>
        %dma_wait3A_98 = tpu.memref_slice %arg2[%add3A_76] : memref<2293760xf32, #tpu.memory_space<hbm>> -> memref<16384xf32, #tpu.memory_space<hbm>>
        tpu.wait_dma2 semaphore(%run_scoped3A : memref<!tpu.dma_semaphore, #tpu.memory_space<semaphore_mem>>) src(%dma_wait3A_98 : memref<16384xf32, #tpu.memory_space<hbm>>) dst(%dma_wait3A_97 : memref<16384xf32, #tpu.memory_space<vmem>>)
        tpu.yield
      }) : () -> ()
      %swap3A_77 = arith.constant 16384 : index
      %swap3A_78 = tpu.vector_load %arg8[%swap3A_77] {strides = array<i32>} : memref<16400xf32, #tpu.memory_space<vmem>>, vector<16xf32>,
      tpu.vector_store %arg8[%swap3A_77], %broadcast_in_dim3A_35 {strides = array<i32>} : memref<16400xf32, #tpu.memory_space<vmem>>, vector<16xf32>,
      %mul3A_79 = arith.constant 16384 : i32
      %mul3A_80 = arith.muli %select_n3A_30, %mul3A_79 : i32
      %add3A_81 = arith.addi %mul3A_80, %mul3A_32 : i32
      "tpu.region"() ({
        %run_scoped3A = tpu.sem_alloc : memref<!tpu.dma_semaphore, #tpu.memory_space<semaphore_mem>>
        %dma_start3A = tpu.memref_slice %arg3[%add3A_81] : memref<49152xf32, #tpu.memory_space<hbm>> -> memref<4096xf32, #tpu.memory_space<hbm>>
        %dma_start3A_89 = tpu.memref_slice %arg3[%add3A_81] : memref<49152xf32, #tpu.memory_space<hbm>> -> memref<4096xf32, #tpu.memory_space<hbm>>
        tpu.enqueue_dma source(%dma_start3A_89 : memref<4096xf32, #tpu.memory_space<hbm>>) target(%arg9 : memref<4096xf32, #tpu.memory_space<vmem>>) target_semaphore(%run_scoped3A : memref<!tpu.dma_semaphore, #tpu.memory_space<semaphore_mem>>)
        %dma_wait3A = tpu.memref_slice %arg3[%add3A_81] : memref<49152xf32, #tpu.memory_space<hbm>> -> memref<4096xf32, #tpu.memory_space<hbm>>
        %dma_wait3A_90 = tpu.memref_slice %arg3[%add3A_81] : memref<49152xf32, #tpu.memory_space<hbm>> -> memref<4096xf32, #tpu.memory_space<hbm>>
        tpu.wait_dma2 semaphore(%run_scoped3A : memref<!tpu.dma_semaphore, #tpu.memory_space<semaphore_mem>>) src(%dma_wait3A_90 : memref<4096xf32, #tpu.memory_space<hbm>>) dst(%arg9 : memref<4096xf32, #tpu.memory_space<vmem>>)
        tpu.yield
      }) : () -> ()
      %scan3A_82 = arith.constant 0 : i32
      %scan3A_83 = arith.constant 0 : i32
      %scan3A_84 = arith.constant 32 : i32
      %scan3A_85 = arith.addi %scan3A_83, %scan3A_84 : i32
      %scan3A_86 = arith.constant 1 : i32
      %scan3A_87 = scf.for %scan3A_89 = %scan3A_83 to %scan3A_85 step %scan3A_86 iter_args(%scan3A_90 = %scan3A_82) -> (i32)  : i32 {
        %mul3A_91 = arith.constant 128 : i32
        %mul3A_92 = arith.muli %scan3A_89, %mul3A_91 : i32
        %add3A_93 = arith.addi %mul3A_32, %mul3A_92 : i32
        "tpu.region"() ({
          %run_scoped3A = tpu.sem_alloc : memref<!tpu.dma_semaphore, #tpu.memory_space<semaphore_mem>>
          %dma_start3A_124 = arith.constant 0 : i32
          %dma_start3A_125 = tpu.memref_slice %arg4[%add3A_93, %dma_start3A_124] : memref<16384x16xi32, #tpu.memory_space<hbm>> -> memref<128x16xi32, #tpu.memory_space<hbm>>
          %dma_start3A_126 = arith.constant 0 : i32
          %dma_start3A_127 = tpu.memref_slice %arg4[%add3A_93, %dma_start3A_126] : memref<16384x16xi32, #tpu.memory_space<hbm>> -> memref<128x16xi32, #tpu.memory_space<hbm>>
          tpu.enqueue_dma source(%dma_start3A_127 : memref<128x16xi32, #tpu.memory_space<hbm>>) target(%arg10 : memref<128x16xi32, #tpu.memory_space<vmem>>) target_semaphore(%run_scoped3A : memref<!tpu.dma_semaphore, #tpu.memory_space<semaphore_mem>>)
          %dma_wait3A_128 = arith.constant 0 : i32
          %dma_wait3A_129 = tpu.memref_slice %arg4[%add3A_93, %dma_wait3A_128] : memref<16384x16xi32, #tpu.memory_space<hbm>> -> memref<128x16xi32, #tpu.memory_space<hbm>>
          %dma_wait3A_130 = arith.constant 0 : i32
          %dma_wait3A_131 = tpu.memref_slice %arg4[%add3A_93, %dma_wait3A_130] : memref<16384x16xi32, #tpu.memory_space<hbm>> -> memref<128x16xi32, #tpu.memory_space<hbm>>
          tpu.wait_dma2 semaphore(%run_scoped3A : memref<!tpu.dma_semaphore, #tpu.memory_space<semaphore_mem>>) src(%dma_wait3A_131 : memref<128x16xi32, #tpu.memory_space<hbm>>) dst(%arg10 : memref<128x16xi32, #tpu.memory_space<vmem>>)
          tpu.yield
        }) : () -> ()
        "tpu.region"() ({
          %run_scoped3A = tpu.sem_alloc : memref<!tpu.dma_semaphore, #tpu.memory_space<semaphore_mem>>
          %dma_start3A_124 = tpu.memref_slice %arg5[%add3A_93] : memref<16384xi32, #tpu.memory_space<hbm>> -> memref<128xi32, #tpu.memory_space<hbm>>
          %dma_start3A_125 = tpu.memref_slice %arg5[%add3A_93] : memref<16384xi32, #tpu.memory_space<hbm>> -> memref<128xi32, #tpu.memory_space<hbm>>
          tpu.enqueue_dma source(%dma_start3A_125 : memref<128xi32, #tpu.memory_space<hbm>>) target(%arg11 : memref<128xi32, #tpu.memory_space<vmem>>) target_semaphore(%run_scoped3A : memref<!tpu.dma_semaphore, #tpu.memory_space<semaphore_mem>>)
          %dma_wait3A_126 = tpu.memref_slice %arg5[%add3A_93] : memref<16384xi32, #tpu.memory_space<hbm>> -> memref<128xi32, #tpu.memory_space<hbm>>
          %dma_wait3A_127 = tpu.memref_slice %arg5[%add3A_93] : memref<16384xi32, #tpu.memory_space<hbm>> -> memref<128xi32, #tpu.memory_space<hbm>>
          tpu.wait_dma2 semaphore(%run_scoped3A : memref<!tpu.dma_semaphore, #tpu.memory_space<semaphore_mem>>) src(%dma_wait3A_127 : memref<128xi32, #tpu.memory_space<hbm>>) dst(%arg11 : memref<128xi32, #tpu.memory_space<vmem>>)
          tpu.yield
        }) : () -> ()
        %scan3A_94 = arith.constant 0 : i32
        %scan3A_95 = arith.constant 0 : i32
        %scan3A_96 = arith.constant 32 : i32
        %scan3A_97 = arith.addi %scan3A_95, %scan3A_96 : i32
        %scan3A_98 = arith.constant 1 : i32
        %scan3A_99 = scf.for %scan3A_124 = %scan3A_95 to %scan3A_97 step %scan3A_98 iter_args(%scan3A_125 = %scan3A_94) -> (i32)  : i32 {
          %mul3A_126 = arith.constant 4 : i32
          %mul3A_127 = arith.muli %scan3A_124, %mul3A_126 : i32
          %add3A_128 = arith.constant 0 : i32
          %add3A_129 = arith.addi %mul3A_127, %add3A_128 : i32
          %get3A = arith.index_cast %add3A_129 : i32 to index
          %get3A_130 = arith.constant 0 : index
          %get3A_131 = tpu.vector_load %arg10[%get3A, %get3A_130] {strides = array<i32>} : memref<128x16xi32, #tpu.memory_space<vmem>>, vector<16xi32>,
          %gather3A = tpu.vector_load_idx %arg7[%get3A_131] : memref<16400xf32, #tpu.memory_space<vmem>>[vector<16xi32>], vector<16xf32>,
          %broadcast_in_dim3A_132 = vector.broadcast %add3A_129 : i32 to vector<16xi32>
          %gather3A_133 = tpu.vector_load_idx %arg11[%broadcast_in_dim3A_132] : memref<128xi32, #tpu.memory_space<vmem>>[vector<16xi32>], vector<16xi32>,
          %mul3A_134 = arith.constant 128 : i32
          %mul3A_135 = arith.muli %scan3A_89, %mul3A_134 : i32
          %broadcast_in_dim3A_136 = vector.broadcast %mul3A_135 : i32 to vector<16xi32>
          %add3A_137 = arith.addi %broadcast_in_dim3A_136, %broadcast_in_dim3A_132 : vector<16xi32>
          %gather3A_138 = tpu.vector_load_idx %arg9[%add3A_137] : memref<4096xf32, #tpu.memory_space<vmem>>[vector<16xi32>], vector<16xf32>,
          %gt3A = arith.constant 0 : i32
          %gt3A_139 = vector.broadcast %gt3A : i32 to vector<16xi32>
          %gt3A_140 = arith.cmpi sgt, %gather3A_133, %gt3A_139 : vector<16xi32>
          %sub3A_141 = arith.subf %gather3A, %gather3A_138 : vector<16xf32>
          %jit3A_142 = arith.constant 0.000000e+00 : f32
          %broadcast_in_dim3A_143 = vector.broadcast %jit3A_142 : f32 to vector<16xf32>
          %select_n3A_144 = arith.select %gt3A_140, %sub3A_141, %broadcast_in_dim3A_143 : vector<16xi1>, vector<16xf32>
          %swap3A_145 = arith.index_cast %add3A_129 : i32 to index
          %swap3A_146 = arith.constant 0 : index
          %swap3A_147 = tpu.vector_load %arg12[%swap3A_145, %swap3A_146] {strides = array<i32>} : memref<128x16xf32, #tpu.memory_space<vmem>>, vector<16xf32>,
          tpu.vector_store %arg12[%swap3A_145, %swap3A_146], %select_n3A_144 {strides = array<i32>} : memref<128x16xf32, #tpu.memory_space<vmem>>, vector<16xf32>,
          %gather3A_148 = tpu.vector_load_idx %arg8[%get3A_131] : memref<16400xf32, #tpu.memory_space<vmem>>[vector<16xi32>], vector<16xf32>,
          %swap3A_149 = arith.index_cast %add3A_129 : i32 to index
          %swap3A_150 = arith.constant 0 : index
          %swap3A_151 = tpu.vector_load %arg13[%swap3A_149, %swap3A_150] {strides = array<i32>} : memref<128x16xf32, #tpu.memory_space<vmem>>, vector<16xf32>,
          tpu.vector_store %arg13[%swap3A_149, %swap3A_150], %gather3A_148 {strides = array<i32>} : memref<128x16xf32, #tpu.memory_space<vmem>>, vector<16xf32>,
          %add3A_152 = arith.constant 1 : i32
          %add3A_153 = arith.addi %mul3A_127, %add3A_152 : i32
          %get3A_154 = arith.index_cast %add3A_153 : i32 to index
          %get3A_155 = arith.constant 0 : index
          %get3A_156 = tpu.vector_load %arg10[%get3A_154, %get3A_155] {strides = array<i32>} : memref<128x16xi32, #tpu.memory_space<vmem>>, vector<16xi32>,
          %gather3A_157 = tpu.vector_load_idx %arg7[%get3A_156] : memref<16400xf32, #tpu.memory_space<vmem>>[vector<16xi32>], vector<16xf32>,
          %broadcast_in_dim3A_158 = vector.broadcast %add3A_153 : i32 to vector<16xi32>
          %gather3A_159 = tpu.vector_load_idx %arg11[%broadcast_in_dim3A_158] : memref<128xi32, #tpu.memory_space<vmem>>[vector<16xi32>], vector<16xi32>,
          %mul3A_160 = arith.constant 128 : i32
          %mul3A_161 = arith.muli %scan3A_89, %mul3A_160 : i32
          %broadcast_in_dim3A_162 = vector.broadcast %mul3A_161 : i32 to vector<16xi32>
          %add3A_163 = arith.addi %broadcast_in_dim3A_162, %broadcast_in_dim3A_158 : vector<16xi32>
          %gather3A_164 = tpu.vector_load_idx %arg9[%add3A_163] : memref<4096xf32, #tpu.memory_space<vmem>>[vector<16xi32>], vector<16xf32>,
          %gt3A_165 = arith.constant 0 : i32
          %gt3A_166 = vector.broadcast %gt3A_165 : i32 to vector<16xi32>
          %gt3A_167 = arith.cmpi sgt, %gather3A_159, %gt3A_166 : vector<16xi32>
          %sub3A_168 = arith.subf %gather3A_157, %gather3A_164 : vector<16xf32>
          %jit3A_169 = arith.constant 0.000000e+00 : f32
          %broadcast_in_dim3A_170 = vector.broadcast %jit3A_169 : f32 to vector<16xf32>
          %select_n3A_171 = arith.select %gt3A_167, %sub3A_168, %broadcast_in_dim3A_170 : vector<16xi1>, vector<16xf32>
          %swap3A_172 = arith.index_cast %add3A_153 : i32 to index
          %swap3A_173 = arith.constant 0 : index
          %swap3A_174 = tpu.vector_load %arg12[%swap3A_172, %swap3A_173] {strides = array<i32>} : memref<128x16xf32, #tpu.memory_space<vmem>>, vector<16xf32>,
          tpu.vector_store %arg12[%swap3A_172, %swap3A_173], %select_n3A_171 {strides = array<i32>} : memref<128x16xf32, #tpu.memory_space<vmem>>, vector<16xf32>,
          %gather3A_175 = tpu.vector_load_idx %arg8[%get3A_156] : memref<16400xf32, #tpu.memory_space<vmem>>[vector<16xi32>], vector<16xf32>,
          %swap3A_176 = arith.index_cast %add3A_153 : i32 to index
          %swap3A_177 = arith.constant 0 : index
          %swap3A_178 = tpu.vector_load %arg13[%swap3A_176, %swap3A_177] {strides = array<i32>} : memref<128x16xf32, #tpu.memory_space<vmem>>, vector<16xf32>,
          tpu.vector_store %arg13[%swap3A_176, %swap3A_177], %gather3A_175 {strides = array<i32>} : memref<128x16xf32, #tpu.memory_space<vmem>>, vector<16xf32>,
          %add3A_179 = arith.constant 2 : i32
          %add3A_180 = arith.addi %mul3A_127, %add3A_179 : i32
          %get3A_181 = arith.index_cast %add3A_180 : i32 to index
          %get3A_182 = arith.constant 0 : index
          %get3A_183 = tpu.vector_load %arg10[%get3A_181, %get3A_182] {strides = array<i32>} : memref<128x16xi32, #tpu.memory_space<vmem>>, vector<16xi32>,
          %gather3A_184 = tpu.vector_load_idx %arg7[%get3A_183] : memref<16400xf32, #tpu.memory_space<vmem>>[vector<16xi32>], vector<16xf32>,
          %broadcast_in_dim3A_185 = vector.broadcast %add3A_180 : i32 to vector<16xi32>
          %gather3A_186 = tpu.vector_load_idx %arg11[%broadcast_in_dim3A_185] : memref<128xi32, #tpu.memory_space<vmem>>[vector<16xi32>], vector<16xi32>,
          %mul3A_187 = arith.constant 128 : i32
          %mul3A_188 = arith.muli %scan3A_89, %mul3A_187 : i32
          %broadcast_in_dim3A_189 = vector.broadcast %mul3A_188 : i32 to vector<16xi32>
          %add3A_190 = arith.addi %broadcast_in_dim3A_189, %broadcast_in_dim3A_185 : vector<16xi32>
          %gather3A_191 = tpu.vector_load_idx %arg9[%add3A_190] : memref<4096xf32, #tpu.memory_space<vmem>>[vector<16xi32>], vector<16xf32>,
          %gt3A_192 = arith.constant 0 : i32
          %gt3A_193 = vector.broadcast %gt3A_192 : i32 to vector<16xi32>
          %gt3A_194 = arith.cmpi sgt, %gather3A_186, %gt3A_193 : vector<16xi32>
          %sub3A_195 = arith.subf %gather3A_184, %gather3A_191 : vector<16xf32>
          %jit3A_196 = arith.constant 0.000000e+00 : f32
          %broadcast_in_dim3A_197 = vector.broadcast %jit3A_196 : f32 to vector<16xf32>
          %select_n3A_198 = arith.select %gt3A_194, %sub3A_195, %broadcast_in_dim3A_197 : vector<16xi1>, vector<16xf32>
          %swap3A_199 = arith.index_cast %add3A_180 : i32 to index
          %swap3A_200 = arith.constant 0 : index
          %swap3A_201 = tpu.vector_load %arg12[%swap3A_199, %swap3A_200] {strides = array<i32>} : memref<128x16xf32, #tpu.memory_space<vmem>>, vector<16xf32>,
          tpu.vector_store %arg12[%swap3A_199, %swap3A_200], %select_n3A_198 {strides = array<i32>} : memref<128x16xf32, #tpu.memory_space<vmem>>, vector<16xf32>,
          %gather3A_202 = tpu.vector_load_idx %arg8[%get3A_183] : memref<16400xf32, #tpu.memory_space<vmem>>[vector<16xi32>], vector<16xf32>,
          %swap3A_203 = arith.index_cast %add3A_180 : i32 to index
          %swap3A_204 = arith.constant 0 : index
          %swap3A_205 = tpu.vector_load %arg13[%swap3A_203, %swap3A_204] {strides = array<i32>} : memref<128x16xf32, #tpu.memory_space<vmem>>, vector<16xf32>,
          tpu.vector_store %arg13[%swap3A_203, %swap3A_204], %gather3A_202 {strides = array<i32>} : memref<128x16xf32, #tpu.memory_space<vmem>>, vector<16xf32>,
          %add3A_206 = arith.constant 3 : i32
          %add3A_207 = arith.addi %mul3A_127, %add3A_206 : i32
          %get3A_208 = arith.index_cast %add3A_207 : i32 to index
          %get3A_209 = arith.constant 0 : index
          %get3A_210 = tpu.vector_load %arg10[%get3A_208, %get3A_209] {strides = array<i32>} : memref<128x16xi32, #tpu.memory_space<vmem>>, vector<16xi32>,
          %gather3A_211 = tpu.vector_load_idx %arg7[%get3A_210] : memref<16400xf32, #tpu.memory_space<vmem>>[vector<16xi32>], vector<16xf32>,
          %broadcast_in_dim3A_212 = vector.broadcast %add3A_207 : i32 to vector<16xi32>
          %gather3A_213 = tpu.vector_load_idx %arg11[%broadcast_in_dim3A_212] : memref<128xi32, #tpu.memory_space<vmem>>[vector<16xi32>], vector<16xi32>,
          %mul3A_214 = arith.constant 128 : i32
          %mul3A_215 = arith.muli %scan3A_89, %mul3A_214 : i32
          %broadcast_in_dim3A_216 = vector.broadcast %mul3A_215 : i32 to vector<16xi32>
          %add3A_217 = arith.addi %broadcast_in_dim3A_216, %broadcast_in_dim3A_212 : vector<16xi32>
          %gather3A_218 = tpu.vector_load_idx %arg9[%add3A_217] : memref<4096xf32, #tpu.memory_space<vmem>>[vector<16xi32>], vector<16xf32>,
          %gt3A_219 = arith.constant 0 : i32
          %gt3A_220 = vector.broadcast %gt3A_219 : i32 to vector<16xi32>
          %gt3A_221 = arith.cmpi sgt, %gather3A_213, %gt3A_220 : vector<16xi32>
          %sub3A_222 = arith.subf %gather3A_211, %gather3A_218 : vector<16xf32>
          %jit3A_223 = arith.constant 0.000000e+00 : f32
          %broadcast_in_dim3A_224 = vector.broadcast %jit3A_223 : f32 to vector<16xf32>
          %select_n3A_225 = arith.select %gt3A_221, %sub3A_222, %broadcast_in_dim3A_224 : vector<16xi1>, vector<16xf32>
          %swap3A_226 = arith.index_cast %add3A_207 : i32 to index
          %swap3A_227 = arith.constant 0 : index
          %swap3A_228 = tpu.vector_load %arg12[%swap3A_226, %swap3A_227] {strides = array<i32>} : memref<128x16xf32, #tpu.memory_space<vmem>>, vector<16xf32>,
          tpu.vector_store %arg12[%swap3A_226, %swap3A_227], %select_n3A_225 {strides = array<i32>} : memref<128x16xf32, #tpu.memory_space<vmem>>, vector<16xf32>,
          %gather3A_229 = tpu.vector_load_idx %arg8[%get3A_210] : memref<16400xf32, #tpu.memory_space<vmem>>[vector<16xi32>], vector<16xf32>,
          %swap3A_230 = arith.index_cast %add3A_207 : i32 to index
          %swap3A_231 = arith.constant 0 : index
          %swap3A_232 = tpu.vector_load %arg13[%swap3A_230, %swap3A_231] {strides = array<i32>} : memref<128x16xf32, #tpu.memory_space<vmem>>, vector<16xf32>,
          tpu.vector_store %arg13[%swap3A_230, %swap3A_231], %gather3A_229 {strides = array<i32>} : memref<128x16xf32, #tpu.memory_space<vmem>>, vector<16xf32>,
          %scan3A_233 = arith.constant 0 : i32
          scf.yield %scan3A_233 : i32
        }
        %scan3A_100 = arith.constant 32 : i32
        %dma_start3A = arith.constant 0 : i32
        %dma_start3A_101 = tpu.memref_slice %arg6[%select_n3A_30, %add3A_93, %dma_start3A] : memref<35x16384x16xf32, #tpu.memory_space<hbm>> -> memref<1x128x16xf32, #tpu.memory_space<hbm>>
        %dma_start3A_102 = tpu.memref_squeeze %dma_start3A_101 : memref<1x128x16xf32, #tpu.memory_space<hbm>> -> memref<128x16xf32, #tpu.memory_space<hbm>>
        %dma_start3A_103 = arith.constant 0 : i32
        %dma_start3A_104 = tpu.memref_slice %arg6[%select_n3A_30, %add3A_93, %dma_start3A_103] : memref<35x16384x16xf32, #tpu.memory_space<hbm>> -> memref<1x128x16xf32, #tpu.memory_space<hbm>>
        %dma_start3A_105 = tpu.memref_squeeze %dma_start3A_104 : memref<1x128x16xf32, #tpu.memory_space<hbm>> -> memref<128x16xf32, #tpu.memory_space<hbm>>
        tpu.enqueue_dma source(%arg12 : memref<128x16xf32, #tpu.memory_space<vmem>>) target(%dma_start3A_105 : memref<128x16xf32, #tpu.memory_space<hbm>>) target_semaphore(%arg14 : memref<!tpu.dma_semaphore, #tpu.memory_space<semaphore_mem>>)
        %dma_start3A_106 = arith.constant 0 : i32
        %dma_start3A_107 = tpu.memref_slice %arg6[%add3A_68, %add3A_93, %dma_start3A_106] : memref<35x16384x16xf32, #tpu.memory_space<hbm>> -> memref<1x128x16xf32, #tpu.memory_space<hbm>>
        %dma_start3A_108 = tpu.memref_squeeze %dma_start3A_107 : memref<1x128x16xf32, #tpu.memory_space<hbm>> -> memref<128x16xf32, #tpu.memory_space<hbm>>
        %dma_start3A_109 = arith.constant 0 : i32
        %dma_start3A_110 = tpu.memref_slice %arg6[%add3A_68, %add3A_93, %dma_start3A_109] : memref<35x16384x16xf32, #tpu.memory_space<hbm>> -> memref<1x128x16xf32, #tpu.memory_space<hbm>>
        %dma_start3A_111 = tpu.memref_squeeze %dma_start3A_110 : memref<1x128x16xf32, #tpu.memory_space<hbm>> -> memref<128x16xf32, #tpu.memory_space<hbm>>
        tpu.enqueue_dma source(%arg13 : memref<128x16xf32, #tpu.memory_space<vmem>>) target(%dma_start3A_111 : memref<128x16xf32, #tpu.memory_space<hbm>>) target_semaphore(%arg14 : memref<!tpu.dma_semaphore, #tpu.memory_space<semaphore_mem>>)
        %dma_wait3A = arith.constant 0 : i32
        %dma_wait3A_112 = tpu.memref_slice %arg6[%select_n3A_30, %add3A_93, %dma_wait3A] : memref<35x16384x16xf32, #tpu.memory_space<hbm>> -> memref<1x128x16xf32, #tpu.memory_space<hbm>>
        %dma_wait3A_113 = tpu.memref_squeeze %dma_wait3A_112 : memref<1x128x16xf32, #tpu.memory_space<hbm>> -> memref<128x16xf32, #tpu.memory_space<hbm>>
        %dma_wait3A_114 = arith.constant 0 : i32
        %dma_wait3A_115 = tpu.memref_slice %arg6[%select_n3A_30, %add3A_93, %dma_wait3A_114] : memref<35x16384x16xf32, #tpu.memory_space<hbm>> -> memref<1x128x16xf32, #tpu.memory_space<hbm>>
        %dma_wait3A_116 = tpu.memref_squeeze %dma_wait3A_115 : memref<1x128x16xf32, #tpu.memory_space<hbm>> -> memref<128x16xf32, #tpu.memory_space<hbm>>
        tpu.wait_dma2 semaphore(%arg14 : memref<!tpu.dma_semaphore, #tpu.memory_space<semaphore_mem>>) src(%arg12 : memref<128x16xf32, #tpu.memory_space<vmem>>) dst(%dma_wait3A_116 : memref<128x16xf32, #tpu.memory_space<hbm>>)
        %dma_wait3A_117 = arith.constant 0 : i32
        %dma_wait3A_118 = tpu.memref_slice %arg6[%add3A_68, %add3A_93, %dma_wait3A_117] : memref<35x16384x16xf32, #tpu.memory_space<hbm>> -> memref<1x128x16xf32, #tpu.memory_space<hbm>>
        %dma_wait3A_119 = tpu.memref_squeeze %dma_wait3A_118 : memref<1x128x16xf32, #tpu.memory_space<hbm>> -> memref<128x16xf32, #tpu.memory_space<hbm>>
        %dma_wait3A_120 = arith.constant 0 : i32
        %dma_wait3A_121 = tpu.memref_slice %arg6[%add3A_68, %add3A_93, %dma_wait3A_120] : memref<35x16384x16xf32, #tpu.memory_space<hbm>> -> memref<1x128x16xf32, #tpu.memory_space<hbm>>
        %dma_wait3A_122 = tpu.memref_squeeze %dma_wait3A_121 : memref<1x128x16xf32, #tpu.memory_space<hbm>> -> memref<128x16xf32, #tpu.memory_space<hbm>>
        tpu.wait_dma2 semaphore(%arg14 : memref<!tpu.dma_semaphore, #tpu.memory_space<semaphore_mem>>) src(%arg13 : memref<128x16xf32, #tpu.memory_space<vmem>>) dst(%dma_wait3A_122 : memref<128x16xf32, #tpu.memory_space<hbm>>)
        %scan3A_123 = arith.constant 0 : i32
        scf.yield %scan3A_123 : i32
      }
      %scan3A_88 = arith.constant 32 : i32
    } else {
    }
    %ge3A = arith.constant 3 : i32
    %ge3A_39 = arith.cmpi sge, %select_n3A_30, %ge3A : i32
    %convert_element_type3A_40 = arith.extui %ge3A_39 : i1 to i32
    %cond3A_41 = arith.constant 0 : i32
    %cond3A_42 = arith.cmpi ne, %convert_element_type3A_40, %cond3A_41 : i32
    scf.if %cond3A_42 {
      %add3A_67 = arith.constant 8 : i32
      %add3A_68 = arith.addi %select_n3A_30, %add3A_67 : i32
      %mul3A_69 = arith.constant 65536 : i32
      %mul3A_70 = arith.muli %select_n3A_30, %mul3A_69 : i32
      %add3A_71 = arith.addi %mul3A_70, %mul3A_34 : i32
      "tpu.region"() ({
        %run_scoped3A = tpu.sem_alloc : memref<!tpu.dma_semaphore, #tpu.memory_space<semaphore_mem>>
        %dma_start3A = arith.constant 0 : i32
        %dma_start3A_86 = tpu.memref_slice %arg7[%dma_start3A] : memref<16400xf32, #tpu.memory_space<vmem>> -> memref<16384xf32, #tpu.memory_space<vmem>>
        %dma_start3A_87 = tpu.memref_slice %arg2[%add3A_71] : memref<2293760xf32, #tpu.memory_space<hbm>> -> memref<16384xf32, #tpu.memory_space<hbm>>
        %dma_start3A_88 = arith.constant 0 : i32
        %dma_start3A_89 = tpu.memref_slice %arg7[%dma_start3A_88] : memref<16400xf32, #tpu.memory_space<vmem>> -> memref<16384xf32, #tpu.memory_space<vmem>>
        %dma_start3A_90 = tpu.memref_slice %arg2[%add3A_71] : memref<2293760xf32, #tpu.memory_space<hbm>> -> memref<16384xf32, #tpu.memory_space<hbm>>
        tpu.enqueue_dma source(%dma_start3A_90 : memref<16384xf32, #tpu.memory_space<hbm>>) target(%dma_start3A_89 : memref<16384xf32, #tpu.memory_space<vmem>>) target_semaphore(%run_scoped3A : memref<!tpu.dma_semaphore, #tpu.memory_space<semaphore_mem>>)
        %dma_wait3A = arith.constant 0 : i32
        %dma_wait3A_91 = tpu.memref_slice %arg7[%dma_wait3A] : memref<16400xf32, #tpu.memory_space<vmem>> -> memref<16384xf32, #tpu.memory_space<vmem>>
        %dma_wait3A_92 = tpu.memref_slice %arg2[%add3A_71] : memref<2293760xf32, #tpu.memory_space<hbm>> -> memref<16384xf32, #tpu.memory_space<hbm>>
        %dma_wait3A_93 = arith.constant 0 : i32
        %dma_wait3A_94 = tpu.memref_slice %arg7[%dma_wait3A_93] : memref<16400xf32, #tpu.memory_space<vmem>> -> memref<16384xf32, #tpu.memory_space<vmem>>
        %dma_wait3A_95 = tpu.memref_slice %arg2[%add3A_71] : memref<2293760xf32, #tpu.memory_space<hbm>> -> memref<16384xf32, #tpu.memory_space<hbm>>
        tpu.wait_dma2 semaphore(%run_scoped3A : memref<!tpu.dma_semaphore, #tpu.memory_space<semaphore_mem>>) src(%dma_wait3A_95 : memref<16384xf32, #tpu.memory_space<hbm>>) dst(%dma_wait3A_94 : memref<16384xf32, #tpu.memory_space<vmem>>)
        tpu.yield
      }) : () -> ()
      %swap3A_72 = arith.constant 16384 : index
      %swap3A_73 = tpu.vector_load %arg7[%swap3A_72] {strides = array<i32>} : memref<16400xf32, #tpu.memory_space<vmem>>, vector<16xf32>,
      tpu.vector_store %arg7[%swap3A_72], %broadcast_in_dim3A_35 {strides = array<i32>} : memref<16400xf32, #tpu.memory_space<vmem>>, vector<16xf32>,
      %mul3A_74 = arith.constant 65536 : i32
      %mul3A_75 = arith.muli %add3A_68, %mul3A_74 : i32
      %add3A_76 = arith.addi %mul3A_75, %mul3A_34 : i32
      "tpu.region"() ({
        %run_scoped3A = tpu.sem_alloc : memref<!tpu.dma_semaphore, #tpu.memory_space<semaphore_mem>>
        %dma_start3A = arith.constant 0 : i32
        %dma_start3A_86 = tpu.memref_slice %arg8[%dma_start3A] : memref<16400xf32, #tpu.memory_space<vmem>> -> memref<16384xf32, #tpu.memory_space<vmem>>
        %dma_start3A_87 = tpu.memref_slice %arg2[%add3A_76] : memref<2293760xf32, #tpu.memory_space<hbm>> -> memref<16384xf32, #tpu.memory_space<hbm>>
        %dma_start3A_88 = arith.constant 0 : i32
        %dma_start3A_89 = tpu.memref_slice %arg8[%dma_start3A_88] : memref<16400xf32, #tpu.memory_space<vmem>> -> memref<16384xf32, #tpu.memory_space<vmem>>
        %dma_start3A_90 = tpu.memref_slice %arg2[%add3A_76] : memref<2293760xf32, #tpu.memory_space<hbm>> -> memref<16384xf32, #tpu.memory_space<hbm>>
        tpu.enqueue_dma source(%dma_start3A_90 : memref<16384xf32, #tpu.memory_space<hbm>>) target(%dma_start3A_89 : memref<16384xf32, #tpu.memory_space<vmem>>) target_semaphore(%run_scoped3A : memref<!tpu.dma_semaphore, #tpu.memory_space<semaphore_mem>>)
        %dma_wait3A = arith.constant 0 : i32
        %dma_wait3A_91 = tpu.memref_slice %arg8[%dma_wait3A] : memref<16400xf32, #tpu.memory_space<vmem>> -> memref<16384xf32, #tpu.memory_space<vmem>>
        %dma_wait3A_92 = tpu.memref_slice %arg2[%add3A_76] : memref<2293760xf32, #tpu.memory_space<hbm>> -> memref<16384xf32, #tpu.memory_space<hbm>>
        %dma_wait3A_93 = arith.constant 0 : i32
        %dma_wait3A_94 = tpu.memref_slice %arg8[%dma_wait3A_93] : memref<16400xf32, #tpu.memory_space<vmem>> -> memref<16384xf32, #tpu.memory_space<vmem>>
        %dma_wait3A_95 = tpu.memref_slice %arg2[%add3A_76] : memref<2293760xf32, #tpu.memory_space<hbm>> -> memref<16384xf32, #tpu.memory_space<hbm>>
        tpu.wait_dma2 semaphore(%run_scoped3A : memref<!tpu.dma_semaphore, #tpu.memory_space<semaphore_mem>>) src(%dma_wait3A_95 : memref<16384xf32, #tpu.memory_space<hbm>>) dst(%dma_wait3A_94 : memref<16384xf32, #tpu.memory_space<vmem>>)
        tpu.yield
      }) : () -> ()
      %swap3A_77 = arith.constant 16384 : index
      %swap3A_78 = tpu.vector_load %arg8[%swap3A_77] {strides = array<i32>} : memref<16400xf32, #tpu.memory_space<vmem>>, vector<16xf32>,
      tpu.vector_store %arg8[%swap3A_77], %broadcast_in_dim3A_35 {strides = array<i32>} : memref<16400xf32, #tpu.memory_space<vmem>>, vector<16xf32>,
      %scan3A_79 = arith.constant 0 : i32
      %scan3A_80 = arith.constant 0 : i32
      %scan3A_81 = arith.constant 32 : i32
      %scan3A_82 = arith.addi %scan3A_80, %scan3A_81 : i32
      %scan3A_83 = arith.constant 1 : i32
      %scan3A_84 = scf.for %scan3A_86 = %scan3A_80 to %scan3A_82 step %scan3A_83 iter_args(%scan3A_87 = %scan3A_79) -> (i32)  : i32 {
        %mul3A_88 = arith.constant 128 : i32
        %mul3A_89 = arith.muli %scan3A_86, %mul3A_88 : i32
        %add3A_90 = arith.addi %mul3A_32, %mul3A_89 : i32
        "tpu.region"() ({
          %run_scoped3A = tpu.sem_alloc : memref<!tpu.dma_semaphore, #tpu.memory_space<semaphore_mem>>
          %dma_start3A_121 = arith.constant 0 : i32
          %dma_start3A_122 = tpu.memref_slice %arg4[%add3A_90, %dma_start3A_121] : memref<16384x16xi32, #tpu.memory_space<hbm>> -> memref<128x16xi32, #tpu.memory_space<hbm>>
          %dma_start3A_123 = arith.constant 0 : i32
          %dma_start3A_124 = tpu.memref_slice %arg4[%add3A_90, %dma_start3A_123] : memref<16384x16xi32, #tpu.memory_space<hbm>> -> memref<128x16xi32, #tpu.memory_space<hbm>>
          tpu.enqueue_dma source(%dma_start3A_124 : memref<128x16xi32, #tpu.memory_space<hbm>>) target(%arg10 : memref<128x16xi32, #tpu.memory_space<vmem>>) target_semaphore(%run_scoped3A : memref<!tpu.dma_semaphore, #tpu.memory_space<semaphore_mem>>)
          %dma_wait3A_125 = arith.constant 0 : i32
          %dma_wait3A_126 = tpu.memref_slice %arg4[%add3A_90, %dma_wait3A_125] : memref<16384x16xi32, #tpu.memory_space<hbm>> -> memref<128x16xi32, #tpu.memory_space<hbm>>
          %dma_wait3A_127 = arith.constant 0 : i32
          %dma_wait3A_128 = tpu.memref_slice %arg4[%add3A_90, %dma_wait3A_127] : memref<16384x16xi32, #tpu.memory_space<hbm>> -> memref<128x16xi32, #tpu.memory_space<hbm>>
          tpu.wait_dma2 semaphore(%run_scoped3A : memref<!tpu.dma_semaphore, #tpu.memory_space<semaphore_mem>>) src(%dma_wait3A_128 : memref<128x16xi32, #tpu.memory_space<hbm>>) dst(%arg10 : memref<128x16xi32, #tpu.memory_space<vmem>>)
          tpu.yield
        }) : () -> ()
        %scan3A_91 = arith.constant 0 : i32
        %scan3A_92 = arith.constant 0 : i32
        %scan3A_93 = arith.constant 32 : i32
        %scan3A_94 = arith.addi %scan3A_92, %scan3A_93 : i32
        %scan3A_95 = arith.constant 1 : i32
        %scan3A_96 = scf.for %scan3A_121 = %scan3A_92 to %scan3A_94 step %scan3A_95 iter_args(%scan3A_122 = %scan3A_91) -> (i32)  : i32 {
          %mul3A_123 = arith.constant 4 : i32
          %mul3A_124 = arith.muli %scan3A_121, %mul3A_123 : i32
          %add3A_125 = arith.constant 0 : i32
          %add3A_126 = arith.addi %mul3A_124, %add3A_125 : i32
          %get3A = arith.index_cast %add3A_126 : i32 to index
          %get3A_127 = arith.constant 0 : index
          %get3A_128 = tpu.vector_load %arg10[%get3A, %get3A_127] {strides = array<i32>} : memref<128x16xi32, #tpu.memory_space<vmem>>, vector<16xi32>,
          %gather3A = tpu.vector_load_idx %arg7[%get3A_128] : memref<16400xf32, #tpu.memory_space<vmem>>[vector<16xi32>], vector<16xf32>,
          %swap3A_129 = arith.index_cast %add3A_126 : i32 to index
          %swap3A_130 = arith.constant 0 : index
          %swap3A_131 = tpu.vector_load %arg12[%swap3A_129, %swap3A_130] {strides = array<i32>} : memref<128x16xf32, #tpu.memory_space<vmem>>, vector<16xf32>,
          tpu.vector_store %arg12[%swap3A_129, %swap3A_130], %gather3A {strides = array<i32>} : memref<128x16xf32, #tpu.memory_space<vmem>>, vector<16xf32>,
          %gather3A_132 = tpu.vector_load_idx %arg8[%get3A_128] : memref<16400xf32, #tpu.memory_space<vmem>>[vector<16xi32>], vector<16xf32>,
          %swap3A_133 = arith.index_cast %add3A_126 : i32 to index
          %swap3A_134 = arith.constant 0 : index
          %swap3A_135 = tpu.vector_load %arg13[%swap3A_133, %swap3A_134] {strides = array<i32>} : memref<128x16xf32, #tpu.memory_space<vmem>>, vector<16xf32>,
          tpu.vector_store %arg13[%swap3A_133, %swap3A_134], %gather3A_132 {strides = array<i32>} : memref<128x16xf32, #tpu.memory_space<vmem>>, vector<16xf32>,
          %add3A_136 = arith.constant 1 : i32
          %add3A_137 = arith.addi %mul3A_124, %add3A_136 : i32
          %get3A_138 = arith.index_cast %add3A_137 : i32 to index
          %get3A_139 = arith.constant 0 : index
          %get3A_140 = tpu.vector_load %arg10[%get3A_138, %get3A_139] {strides = array<i32>} : memref<128x16xi32, #tpu.memory_space<vmem>>, vector<16xi32>,
          %gather3A_141 = tpu.vector_load_idx %arg7[%get3A_140] : memref<16400xf32, #tpu.memory_space<vmem>>[vector<16xi32>], vector<16xf32>,
          %swap3A_142 = arith.index_cast %add3A_137 : i32 to index
          %swap3A_143 = arith.constant 0 : index
          %swap3A_144 = tpu.vector_load %arg12[%swap3A_142, %swap3A_143] {strides = array<i32>} : memref<128x16xf32, #tpu.memory_space<vmem>>, vector<16xf32>,
          tpu.vector_store %arg12[%swap3A_142, %swap3A_143], %gather3A_141 {strides = array<i32>} : memref<128x16xf32, #tpu.memory_space<vmem>>, vector<16xf32>,
          %gather3A_145 = tpu.vector_load_idx %arg8[%get3A_140] : memref<16400xf32, #tpu.memory_space<vmem>>[vector<16xi32>], vector<16xf32>,
          %swap3A_146 = arith.index_cast %add3A_137 : i32 to index
          %swap3A_147 = arith.constant 0 : index
          %swap3A_148 = tpu.vector_load %arg13[%swap3A_146, %swap3A_147] {strides = array<i32>} : memref<128x16xf32, #tpu.memory_space<vmem>>, vector<16xf32>,
          tpu.vector_store %arg13[%swap3A_146, %swap3A_147], %gather3A_145 {strides = array<i32>} : memref<128x16xf32, #tpu.memory_space<vmem>>, vector<16xf32>,
          %add3A_149 = arith.constant 2 : i32
          %add3A_150 = arith.addi %mul3A_124, %add3A_149 : i32
          %get3A_151 = arith.index_cast %add3A_150 : i32 to index
          %get3A_152 = arith.constant 0 : index
          %get3A_153 = tpu.vector_load %arg10[%get3A_151, %get3A_152] {strides = array<i32>} : memref<128x16xi32, #tpu.memory_space<vmem>>, vector<16xi32>,
          %gather3A_154 = tpu.vector_load_idx %arg7[%get3A_153] : memref<16400xf32, #tpu.memory_space<vmem>>[vector<16xi32>], vector<16xf32>,
          %swap3A_155 = arith.index_cast %add3A_150 : i32 to index
          %swap3A_156 = arith.constant 0 : index
          %swap3A_157 = tpu.vector_load %arg12[%swap3A_155, %swap3A_156] {strides = array<i32>} : memref<128x16xf32, #tpu.memory_space<vmem>>, vector<16xf32>,
          tpu.vector_store %arg12[%swap3A_155, %swap3A_156], %gather3A_154 {strides = array<i32>} : memref<128x16xf32, #tpu.memory_space<vmem>>, vector<16xf32>,
          %gather3A_158 = tpu.vector_load_idx %arg8[%get3A_153] : memref<16400xf32, #tpu.memory_space<vmem>>[vector<16xi32>], vector<16xf32>,
          %swap3A_159 = arith.index_cast %add3A_150 : i32 to index
          %swap3A_160 = arith.constant 0 : index
          %swap3A_161 = tpu.vector_load %arg13[%swap3A_159, %swap3A_160] {strides = array<i32>} : memref<128x16xf32, #tpu.memory_space<vmem>>, vector<16xf32>,
          tpu.vector_store %arg13[%swap3A_159, %swap3A_160], %gather3A_158 {strides = array<i32>} : memref<128x16xf32, #tpu.memory_space<vmem>>, vector<16xf32>,
          %add3A_162 = arith.constant 3 : i32
          %add3A_163 = arith.addi %mul3A_124, %add3A_162 : i32
          %get3A_164 = arith.index_cast %add3A_163 : i32 to index
          %get3A_165 = arith.constant 0 : index
          %get3A_166 = tpu.vector_load %arg10[%get3A_164, %get3A_165] {strides = array<i32>} : memref<128x16xi32, #tpu.memory_space<vmem>>, vector<16xi32>,
          %gather3A_167 = tpu.vector_load_idx %arg7[%get3A_166] : memref<16400xf32, #tpu.memory_space<vmem>>[vector<16xi32>], vector<16xf32>,
          %swap3A_168 = arith.index_cast %add3A_163 : i32 to index
          %swap3A_169 = arith.constant 0 : index
          %swap3A_170 = tpu.vector_load %arg12[%swap3A_168, %swap3A_169] {strides = array<i32>} : memref<128x16xf32, #tpu.memory_space<vmem>>, vector<16xf32>,
          tpu.vector_store %arg12[%swap3A_168, %swap3A_169], %gather3A_167 {strides = array<i32>} : memref<128x16xf32, #tpu.memory_space<vmem>>, vector<16xf32>,
          %gather3A_171 = tpu.vector_load_idx %arg8[%get3A_166] : memref<16400xf32, #tpu.memory_space<vmem>>[vector<16xi32>], vector<16xf32>,
          %swap3A_172 = arith.index_cast %add3A_163 : i32 to index
          %swap3A_173 = arith.constant 0 : index
          %swap3A_174 = tpu.vector_load %arg13[%swap3A_172, %swap3A_173] {strides = array<i32>} : memref<128x16xf32, #tpu.memory_space<vmem>>, vector<16xf32>,
          tpu.vector_store %arg13[%swap3A_172, %swap3A_173], %gather3A_171 {strides = array<i32>} : memref<128x16xf32, #tpu.memory_space<vmem>>, vector<16xf32>,
          %scan3A_175 = arith.constant 0 : i32
          scf.yield %scan3A_175 : i32
        }
        %scan3A_97 = arith.constant 32 : i32
        %dma_start3A = arith.constant 0 : i32
        %dma_start3A_98 = tpu.memref_slice %arg6[%select_n3A_30, %add3A_90, %dma_start3A] : memref<35x16384x16xf32, #tpu.memory_space<hbm>> -> memref<1x128x16xf32, #tpu.memory_space<hbm>>
        %dma_start3A_99 = tpu.memref_squeeze %dma_start3A_98 : memref<1x128x16xf32, #tpu.memory_space<hbm>> -> memref<128x16xf32, #tpu.memory_space<hbm>>
        %dma_start3A_100 = arith.constant 0 : i32
        %dma_start3A_101 = tpu.memref_slice %arg6[%select_n3A_30, %add3A_90, %dma_start3A_100] : memref<35x16384x16xf32, #tpu.memory_space<hbm>> -> memref<1x128x16xf32, #tpu.memory_space<hbm>>
        %dma_start3A_102 = tpu.memref_squeeze %dma_start3A_101 : memref<1x128x16xf32, #tpu.memory_space<hbm>> -> memref<128x16xf32, #tpu.memory_space<hbm>>
        tpu.enqueue_dma source(%arg12 : memref<128x16xf32, #tpu.memory_space<vmem>>) target(%dma_start3A_102 : memref<128x16xf32, #tpu.memory_space<hbm>>) target_semaphore(%arg14 : memref<!tpu.dma_semaphore, #tpu.memory_space<semaphore_mem>>)
        %dma_start3A_103 = arith.constant 0 : i32
        %dma_start3A_104 = tpu.memref_slice %arg6[%add3A_68, %add3A_90, %dma_start3A_103] : memref<35x16384x16xf32, #tpu.memory_space<hbm>> -> memref<1x128x16xf32, #tpu.memory_space<hbm>>
        %dma_start3A_105 = tpu.memref_squeeze %dma_start3A_104 : memref<1x128x16xf32, #tpu.memory_space<hbm>> -> memref<128x16xf32, #tpu.memory_space<hbm>>
        %dma_start3A_106 = arith.constant 0 : i32
        %dma_start3A_107 = tpu.memref_slice %arg6[%add3A_68, %add3A_90, %dma_start3A_106] : memref<35x16384x16xf32, #tpu.memory_space<hbm>> -> memref<1x128x16xf32, #tpu.memory_space<hbm>>
        %dma_start3A_108 = tpu.memref_squeeze %dma_start3A_107 : memref<1x128x16xf32, #tpu.memory_space<hbm>> -> memref<128x16xf32, #tpu.memory_space<hbm>>
        tpu.enqueue_dma source(%arg13 : memref<128x16xf32, #tpu.memory_space<vmem>>) target(%dma_start3A_108 : memref<128x16xf32, #tpu.memory_space<hbm>>) target_semaphore(%arg14 : memref<!tpu.dma_semaphore, #tpu.memory_space<semaphore_mem>>)
        %dma_wait3A = arith.constant 0 : i32
        %dma_wait3A_109 = tpu.memref_slice %arg6[%select_n3A_30, %add3A_90, %dma_wait3A] : memref<35x16384x16xf32, #tpu.memory_space<hbm>> -> memref<1x128x16xf32, #tpu.memory_space<hbm>>
        %dma_wait3A_110 = tpu.memref_squeeze %dma_wait3A_109 : memref<1x128x16xf32, #tpu.memory_space<hbm>> -> memref<128x16xf32, #tpu.memory_space<hbm>>
        %dma_wait3A_111 = arith.constant 0 : i32
        %dma_wait3A_112 = tpu.memref_slice %arg6[%select_n3A_30, %add3A_90, %dma_wait3A_111] : memref<35x16384x16xf32, #tpu.memory_space<hbm>> -> memref<1x128x16xf32, #tpu.memory_space<hbm>>
        %dma_wait3A_113 = tpu.memref_squeeze %dma_wait3A_112 : memref<1x128x16xf32, #tpu.memory_space<hbm>> -> memref<128x16xf32, #tpu.memory_space<hbm>>
        tpu.wait_dma2 semaphore(%arg14 : memref<!tpu.dma_semaphore, #tpu.memory_space<semaphore_mem>>) src(%arg12 : memref<128x16xf32, #tpu.memory_space<vmem>>) dst(%dma_wait3A_113 : memref<128x16xf32, #tpu.memory_space<hbm>>)
        %dma_wait3A_114 = arith.constant 0 : i32
        %dma_wait3A_115 = tpu.memref_slice %arg6[%add3A_68, %add3A_90, %dma_wait3A_114] : memref<35x16384x16xf32, #tpu.memory_space<hbm>> -> memref<1x128x16xf32, #tpu.memory_space<hbm>>
        %dma_wait3A_116 = tpu.memref_squeeze %dma_wait3A_115 : memref<1x128x16xf32, #tpu.memory_space<hbm>> -> memref<128x16xf32, #tpu.memory_space<hbm>>
        %dma_wait3A_117 = arith.constant 0 : i32
        %dma_wait3A_118 = tpu.memref_slice %arg6[%add3A_68, %add3A_90, %dma_wait3A_117] : memref<35x16384x16xf32, #tpu.memory_space<hbm>> -> memref<1x128x16xf32, #tpu.memory_space<hbm>>
        %dma_wait3A_119 = tpu.memref_squeeze %dma_wait3A_118 : memref<1x128x16xf32, #tpu.memory_space<hbm>> -> memref<128x16xf32, #tpu.memory_space<hbm>>
        tpu.wait_dma2 semaphore(%arg14 : memref<!tpu.dma_semaphore, #tpu.memory_space<semaphore_mem>>) src(%arg13 : memref<128x16xf32, #tpu.memory_space<vmem>>) dst(%dma_wait3A_119 : memref<128x16xf32, #tpu.memory_space<hbm>>)
        %scan3A_120 = arith.constant 0 : i32
        scf.yield %scan3A_120 : i32
      }
      %scan3A_85 = arith.constant 32 : i32
    } else {
    }
    %add3A_43 = arith.constant 16 : i32
    %add3A_44 = arith.addi %select_n3A_30, %add3A_43 : i32
    %add3A_45 = arith.constant 24 : i32
    %add3A_46 = arith.addi %select_n3A_30, %add3A_45 : i32
    %mul3A_47 = arith.constant 65536 : i32
    %mul3A_48 = arith.muli %add3A_44, %mul3A_47 : i32
    %add3A_49 = arith.addi %mul3A_48, %mul3A_34 : i32
    "tpu.region"() ({
      %run_scoped3A = tpu.sem_alloc : memref<!tpu.dma_semaphore, #tpu.memory_space<semaphore_mem>>
      %dma_start3A = arith.constant 0 : i32
      %dma_start3A_67 = tpu.memref_slice %arg7[%dma_start3A] : memref<16400xf32, #tpu.memory_space<vmem>> -> memref<16384xf32, #tpu.memory_space<vmem>>
      %dma_start3A_68 = tpu.memref_slice %arg2[%add3A_49] : memref<2293760xf32, #tpu.memory_space<hbm>> -> memref<16384xf32, #tpu.memory_space<hbm>>
      %dma_start3A_69 = arith.constant 0 : i32
      %dma_start3A_70 = tpu.memref_slice %arg7[%dma_start3A_69] : memref<16400xf32, #tpu.memory_space<vmem>> -> memref<16384xf32, #tpu.memory_space<vmem>>
      %dma_start3A_71 = tpu.memref_slice %arg2[%add3A_49] : memref<2293760xf32, #tpu.memory_space<hbm>> -> memref<16384xf32, #tpu.memory_space<hbm>>
      tpu.enqueue_dma source(%dma_start3A_71 : memref<16384xf32, #tpu.memory_space<hbm>>) target(%dma_start3A_70 : memref<16384xf32, #tpu.memory_space<vmem>>) target_semaphore(%run_scoped3A : memref<!tpu.dma_semaphore, #tpu.memory_space<semaphore_mem>>)
      %dma_wait3A = arith.constant 0 : i32
      %dma_wait3A_72 = tpu.memref_slice %arg7[%dma_wait3A] : memref<16400xf32, #tpu.memory_space<vmem>> -> memref<16384xf32, #tpu.memory_space<vmem>>
      %dma_wait3A_73 = tpu.memref_slice %arg2[%add3A_49] : memref<2293760xf32, #tpu.memory_space<hbm>> -> memref<16384xf32, #tpu.memory_space<hbm>>
      %dma_wait3A_74 = arith.constant 0 : i32
      %dma_wait3A_75 = tpu.memref_slice %arg7[%dma_wait3A_74] : memref<16400xf32, #tpu.memory_space<vmem>> -> memref<16384xf32, #tpu.memory_space<vmem>>
      %dma_wait3A_76 = tpu.memref_slice %arg2[%add3A_49] : memref<2293760xf32, #tpu.memory_space<hbm>> -> memref<16384xf32, #tpu.memory_space<hbm>>
      tpu.wait_dma2 semaphore(%run_scoped3A : memref<!tpu.dma_semaphore, #tpu.memory_space<semaphore_mem>>) src(%dma_wait3A_76 : memref<16384xf32, #tpu.memory_space<hbm>>) dst(%dma_wait3A_75 : memref<16384xf32, #tpu.memory_space<vmem>>)
      tpu.yield
    }) : () -> ()
    %swap3A = arith.constant 16384 : index
    %swap3A_50 = tpu.vector_load %arg7[%swap3A] {strides = array<i32>} : memref<16400xf32, #tpu.memory_space<vmem>>, vector<16xf32>,
    tpu.vector_store %arg7[%swap3A], %broadcast_in_dim3A_35 {strides = array<i32>} : memref<16400xf32, #tpu.memory_space<vmem>>, vector<16xf32>,
    %mul3A_51 = arith.constant 65536 : i32
    %mul3A_52 = arith.muli %add3A_46, %mul3A_51 : i32
    %add3A_53 = arith.addi %mul3A_52, %mul3A_34 : i32
    "tpu.region"() ({
      %run_scoped3A = tpu.sem_alloc : memref<!tpu.dma_semaphore, #tpu.memory_space<semaphore_mem>>
      %dma_start3A = arith.constant 0 : i32
      %dma_start3A_67 = tpu.memref_slice %arg8[%dma_start3A] : memref<16400xf32, #tpu.memory_space<vmem>> -> memref<16384xf32, #tpu.memory_space<vmem>>
      %dma_start3A_68 = tpu.memref_slice %arg2[%add3A_53] : memref<2293760xf32, #tpu.memory_space<hbm>> -> memref<16384xf32, #tpu.memory_space<hbm>>
      %dma_start3A_69 = arith.constant 0 : i32
      %dma_start3A_70 = tpu.memref_slice %arg8[%dma_start3A_69] : memref<16400xf32, #tpu.memory_space<vmem>> -> memref<16384xf32, #tpu.memory_space<vmem>>
      %dma_start3A_71 = tpu.memref_slice %arg2[%add3A_53] : memref<2293760xf32, #tpu.memory_space<hbm>> -> memref<16384xf32, #tpu.memory_space<hbm>>
      tpu.enqueue_dma source(%dma_start3A_71 : memref<16384xf32, #tpu.memory_space<hbm>>) target(%dma_start3A_70 : memref<16384xf32, #tpu.memory_space<vmem>>) target_semaphore(%run_scoped3A : memref<!tpu.dma_semaphore, #tpu.memory_space<semaphore_mem>>)
      %dma_wait3A = arith.constant 0 : i32
      %dma_wait3A_72 = tpu.memref_slice %arg8[%dma_wait3A] : memref<16400xf32, #tpu.memory_space<vmem>> -> memref<16384xf32, #tpu.memory_space<vmem>>
      %dma_wait3A_73 = tpu.memref_slice %arg2[%add3A_53] : memref<2293760xf32, #tpu.memory_space<hbm>> -> memref<16384xf32, #tpu.memory_space<hbm>>
      %dma_wait3A_74 = arith.constant 0 : i32
      %dma_wait3A_75 = tpu.memref_slice %arg8[%dma_wait3A_74] : memref<16400xf32, #tpu.memory_space<vmem>> -> memref<16384xf32, #tpu.memory_space<vmem>>
      %dma_wait3A_76 = tpu.memref_slice %arg2[%add3A_53] : memref<2293760xf32, #tpu.memory_space<hbm>> -> memref<16384xf32, #tpu.memory_space<hbm>>
      tpu.wait_dma2 semaphore(%run_scoped3A : memref<!tpu.dma_semaphore, #tpu.memory_space<semaphore_mem>>) src(%dma_wait3A_76 : memref<16384xf32, #tpu.memory_space<hbm>>) dst(%dma_wait3A_75 : memref<16384xf32, #tpu.memory_space<vmem>>)
      tpu.yield
    }) : () -> ()
    %swap3A_54 = arith.constant 16384 : index
    %swap3A_55 = tpu.vector_load %arg8[%swap3A_54] {strides = array<i32>} : memref<16400xf32, #tpu.memory_space<vmem>>, vector<16xf32>,
    tpu.vector_store %arg8[%swap3A_54], %broadcast_in_dim3A_35 {strides = array<i32>} : memref<16400xf32, #tpu.memory_space<vmem>>, vector<16xf32>,
    %scan3A = arith.constant 0 : i32
    %scan3A_56 = arith.constant 0 : i32
    %scan3A_57 = arith.constant 32 : i32
    %scan3A_58 = arith.addi %scan3A_56, %scan3A_57 : i32
    %scan3A_59 = arith.constant 1 : i32
    %scan3A_60 = scf.for %scan3A_67 = %scan3A_56 to %scan3A_58 step %scan3A_59 iter_args(%scan3A_68 = %scan3A) -> (i32)  : i32 {
      %mul3A_69 = arith.constant 128 : i32
      %mul3A_70 = arith.muli %scan3A_67, %mul3A_69 : i32
      %add3A_71 = arith.addi %mul3A_32, %mul3A_70 : i32
      "tpu.region"() ({
        %run_scoped3A = tpu.sem_alloc : memref<!tpu.dma_semaphore, #tpu.memory_space<semaphore_mem>>
        %dma_start3A_102 = arith.constant 0 : i32
        %dma_start3A_103 = tpu.memref_slice %arg4[%add3A_71, %dma_start3A_102] : memref<16384x16xi32, #tpu.memory_space<hbm>> -> memref<128x16xi32, #tpu.memory_space<hbm>>
        %dma_start3A_104 = arith.constant 0 : i32
        %dma_start3A_105 = tpu.memref_slice %arg4[%add3A_71, %dma_start3A_104] : memref<16384x16xi32, #tpu.memory_space<hbm>> -> memref<128x16xi32, #tpu.memory_space<hbm>>
        tpu.enqueue_dma source(%dma_start3A_105 : memref<128x16xi32, #tpu.memory_space<hbm>>) target(%arg10 : memref<128x16xi32, #tpu.memory_space<vmem>>) target_semaphore(%run_scoped3A : memref<!tpu.dma_semaphore, #tpu.memory_space<semaphore_mem>>)
        %dma_wait3A_106 = arith.constant 0 : i32
        %dma_wait3A_107 = tpu.memref_slice %arg4[%add3A_71, %dma_wait3A_106] : memref<16384x16xi32, #tpu.memory_space<hbm>> -> memref<128x16xi32, #tpu.memory_space<hbm>>
        %dma_wait3A_108 = arith.constant 0 : i32
        %dma_wait3A_109 = tpu.memref_slice %arg4[%add3A_71, %dma_wait3A_108] : memref<16384x16xi32, #tpu.memory_space<hbm>> -> memref<128x16xi32, #tpu.memory_space<hbm>>
        tpu.wait_dma2 semaphore(%run_scoped3A : memref<!tpu.dma_semaphore, #tpu.memory_space<semaphore_mem>>) src(%dma_wait3A_109 : memref<128x16xi32, #tpu.memory_space<hbm>>) dst(%arg10 : memref<128x16xi32, #tpu.memory_space<vmem>>)
        tpu.yield
      }) : () -> ()
      %scan3A_72 = arith.constant 0 : i32
      %scan3A_73 = arith.constant 0 : i32
      %scan3A_74 = arith.constant 32 : i32
      %scan3A_75 = arith.addi %scan3A_73, %scan3A_74 : i32
      %scan3A_76 = arith.constant 1 : i32
      %scan3A_77 = scf.for %scan3A_102 = %scan3A_73 to %scan3A_75 step %scan3A_76 iter_args(%scan3A_103 = %scan3A_72) -> (i32)  : i32 {
        %mul3A_104 = arith.constant 4 : i32
        %mul3A_105 = arith.muli %scan3A_102, %mul3A_104 : i32
        %add3A_106 = arith.constant 0 : i32
        %add3A_107 = arith.addi %mul3A_105, %add3A_106 : i32
        %get3A = arith.index_cast %add3A_107 : i32 to index
        %get3A_108 = arith.constant 0 : index
        %get3A_109 = tpu.vector_load %arg10[%get3A, %get3A_108] {strides = array<i32>} : memref<128x16xi32, #tpu.memory_space<vmem>>, vector<16xi32>,
        %gather3A = tpu.vector_load_idx %arg7[%get3A_109] : memref<16400xf32, #tpu.memory_space<vmem>>[vector<16xi32>], vector<16xf32>,
        %swap3A_110 = arith.index_cast %add3A_107 : i32 to index
        %swap3A_111 = arith.constant 0 : index
        %swap3A_112 = tpu.vector_load %arg12[%swap3A_110, %swap3A_111] {strides = array<i32>} : memref<128x16xf32, #tpu.memory_space<vmem>>, vector<16xf32>,
        tpu.vector_store %arg12[%swap3A_110, %swap3A_111], %gather3A {strides = array<i32>} : memref<128x16xf32, #tpu.memory_space<vmem>>, vector<16xf32>,
        %gather3A_113 = tpu.vector_load_idx %arg8[%get3A_109] : memref<16400xf32, #tpu.memory_space<vmem>>[vector<16xi32>], vector<16xf32>,
        %swap3A_114 = arith.index_cast %add3A_107 : i32 to index
        %swap3A_115 = arith.constant 0 : index
        %swap3A_116 = tpu.vector_load %arg13[%swap3A_114, %swap3A_115] {strides = array<i32>} : memref<128x16xf32, #tpu.memory_space<vmem>>, vector<16xf32>,
        tpu.vector_store %arg13[%swap3A_114, %swap3A_115], %gather3A_113 {strides = array<i32>} : memref<128x16xf32, #tpu.memory_space<vmem>>, vector<16xf32>,
        %add3A_117 = arith.constant 1 : i32
        %add3A_118 = arith.addi %mul3A_105, %add3A_117 : i32
        %get3A_119 = arith.index_cast %add3A_118 : i32 to index
        %get3A_120 = arith.constant 0 : index
        %get3A_121 = tpu.vector_load %arg10[%get3A_119, %get3A_120] {strides = array<i32>} : memref<128x16xi32, #tpu.memory_space<vmem>>, vector<16xi32>,
        %gather3A_122 = tpu.vector_load_idx %arg7[%get3A_121] : memref<16400xf32, #tpu.memory_space<vmem>>[vector<16xi32>], vector<16xf32>,
        %swap3A_123 = arith.index_cast %add3A_118 : i32 to index
        %swap3A_124 = arith.constant 0 : index
        %swap3A_125 = tpu.vector_load %arg12[%swap3A_123, %swap3A_124] {strides = array<i32>} : memref<128x16xf32, #tpu.memory_space<vmem>>, vector<16xf32>,
        tpu.vector_store %arg12[%swap3A_123, %swap3A_124], %gather3A_122 {strides = array<i32>} : memref<128x16xf32, #tpu.memory_space<vmem>>, vector<16xf32>,
        %gather3A_126 = tpu.vector_load_idx %arg8[%get3A_121] : memref<16400xf32, #tpu.memory_space<vmem>>[vector<16xi32>], vector<16xf32>,
        %swap3A_127 = arith.index_cast %add3A_118 : i32 to index
        %swap3A_128 = arith.constant 0 : index
        %swap3A_129 = tpu.vector_load %arg13[%swap3A_127, %swap3A_128] {strides = array<i32>} : memref<128x16xf32, #tpu.memory_space<vmem>>, vector<16xf32>,
        tpu.vector_store %arg13[%swap3A_127, %swap3A_128], %gather3A_126 {strides = array<i32>} : memref<128x16xf32, #tpu.memory_space<vmem>>, vector<16xf32>,
        %add3A_130 = arith.constant 2 : i32
        %add3A_131 = arith.addi %mul3A_105, %add3A_130 : i32
        %get3A_132 = arith.index_cast %add3A_131 : i32 to index
        %get3A_133 = arith.constant 0 : index
        %get3A_134 = tpu.vector_load %arg10[%get3A_132, %get3A_133] {strides = array<i32>} : memref<128x16xi32, #tpu.memory_space<vmem>>, vector<16xi32>,
        %gather3A_135 = tpu.vector_load_idx %arg7[%get3A_134] : memref<16400xf32, #tpu.memory_space<vmem>>[vector<16xi32>], vector<16xf32>,
        %swap3A_136 = arith.index_cast %add3A_131 : i32 to index
        %swap3A_137 = arith.constant 0 : index
        %swap3A_138 = tpu.vector_load %arg12[%swap3A_136, %swap3A_137] {strides = array<i32>} : memref<128x16xf32, #tpu.memory_space<vmem>>, vector<16xf32>,
        tpu.vector_store %arg12[%swap3A_136, %swap3A_137], %gather3A_135 {strides = array<i32>} : memref<128x16xf32, #tpu.memory_space<vmem>>, vector<16xf32>,
        %gather3A_139 = tpu.vector_load_idx %arg8[%get3A_134] : memref<16400xf32, #tpu.memory_space<vmem>>[vector<16xi32>], vector<16xf32>,
        %swap3A_140 = arith.index_cast %add3A_131 : i32 to index
        %swap3A_141 = arith.constant 0 : index
        %swap3A_142 = tpu.vector_load %arg13[%swap3A_140, %swap3A_141] {strides = array<i32>} : memref<128x16xf32, #tpu.memory_space<vmem>>, vector<16xf32>,
        tpu.vector_store %arg13[%swap3A_140, %swap3A_141], %gather3A_139 {strides = array<i32>} : memref<128x16xf32, #tpu.memory_space<vmem>>, vector<16xf32>,
        %add3A_143 = arith.constant 3 : i32
        %add3A_144 = arith.addi %mul3A_105, %add3A_143 : i32
        %get3A_145 = arith.index_cast %add3A_144 : i32 to index
        %get3A_146 = arith.constant 0 : index
        %get3A_147 = tpu.vector_load %arg10[%get3A_145, %get3A_146] {strides = array<i32>} : memref<128x16xi32, #tpu.memory_space<vmem>>, vector<16xi32>,
        %gather3A_148 = tpu.vector_load_idx %arg7[%get3A_147] : memref<16400xf32, #tpu.memory_space<vmem>>[vector<16xi32>], vector<16xf32>,
        %swap3A_149 = arith.index_cast %add3A_144 : i32 to index
        %swap3A_150 = arith.constant 0 : index
        %swap3A_151 = tpu.vector_load %arg12[%swap3A_149, %swap3A_150] {strides = array<i32>} : memref<128x16xf32, #tpu.memory_space<vmem>>, vector<16xf32>,
        tpu.vector_store %arg12[%swap3A_149, %swap3A_150], %gather3A_148 {strides = array<i32>} : memref<128x16xf32, #tpu.memory_space<vmem>>, vector<16xf32>,
        %gather3A_152 = tpu.vector_load_idx %arg8[%get3A_147] : memref<16400xf32, #tpu.memory_space<vmem>>[vector<16xi32>], vector<16xf32>,
        %swap3A_153 = arith.index_cast %add3A_144 : i32 to index
        %swap3A_154 = arith.constant 0 : index
        %swap3A_155 = tpu.vector_load %arg13[%swap3A_153, %swap3A_154] {strides = array<i32>} : memref<128x16xf32, #tpu.memory_space<vmem>>, vector<16xf32>,
        tpu.vector_store %arg13[%swap3A_153, %swap3A_154], %gather3A_152 {strides = array<i32>} : memref<128x16xf32, #tpu.memory_space<vmem>>, vector<16xf32>,
        %scan3A_156 = arith.constant 0 : i32
        scf.yield %scan3A_156 : i32
      }
      %scan3A_78 = arith.constant 32 : i32
      %dma_start3A = arith.constant 0 : i32
      %dma_start3A_79 = tpu.memref_slice %arg6[%add3A_44, %add3A_71, %dma_start3A] : memref<35x16384x16xf32, #tpu.memory_space<hbm>> -> memref<1x128x16xf32, #tpu.memory_space<hbm>>
      %dma_start3A_80 = tpu.memref_squeeze %dma_start3A_79 : memref<1x128x16xf32, #tpu.memory_space<hbm>> -> memref<128x16xf32, #tpu.memory_space<hbm>>
      %dma_start3A_81 = arith.constant 0 : i32
      %dma_start3A_82 = tpu.memref_slice %arg6[%add3A_44, %add3A_71, %dma_start3A_81] : memref<35x16384x16xf32, #tpu.memory_space<hbm>> -> memref<1x128x16xf32, #tpu.memory_space<hbm>>
      %dma_start3A_83 = tpu.memref_squeeze %dma_start3A_82 : memref<1x128x16xf32, #tpu.memory_space<hbm>> -> memref<128x16xf32, #tpu.memory_space<hbm>>
      tpu.enqueue_dma source(%arg12 : memref<128x16xf32, #tpu.memory_space<vmem>>) target(%dma_start3A_83 : memref<128x16xf32, #tpu.memory_space<hbm>>) target_semaphore(%arg14 : memref<!tpu.dma_semaphore, #tpu.memory_space<semaphore_mem>>)
      %dma_start3A_84 = arith.constant 0 : i32
      %dma_start3A_85 = tpu.memref_slice %arg6[%add3A_46, %add3A_71, %dma_start3A_84] : memref<35x16384x16xf32, #tpu.memory_space<hbm>> -> memref<1x128x16xf32, #tpu.memory_space<hbm>>
      %dma_start3A_86 = tpu.memref_squeeze %dma_start3A_85 : memref<1x128x16xf32, #tpu.memory_space<hbm>> -> memref<128x16xf32, #tpu.memory_space<hbm>>
      %dma_start3A_87 = arith.constant 0 : i32
      %dma_start3A_88 = tpu.memref_slice %arg6[%add3A_46, %add3A_71, %dma_start3A_87] : memref<35x16384x16xf32, #tpu.memory_space<hbm>> -> memref<1x128x16xf32, #tpu.memory_space<hbm>>
      %dma_start3A_89 = tpu.memref_squeeze %dma_start3A_88 : memref<1x128x16xf32, #tpu.memory_space<hbm>> -> memref<128x16xf32, #tpu.memory_space<hbm>>
      tpu.enqueue_dma source(%arg13 : memref<128x16xf32, #tpu.memory_space<vmem>>) target(%dma_start3A_89 : memref<128x16xf32, #tpu.memory_space<hbm>>) target_semaphore(%arg14 : memref<!tpu.dma_semaphore, #tpu.memory_space<semaphore_mem>>)
      %dma_wait3A = arith.constant 0 : i32
      %dma_wait3A_90 = tpu.memref_slice %arg6[%add3A_44, %add3A_71, %dma_wait3A] : memref<35x16384x16xf32, #tpu.memory_space<hbm>> -> memref<1x128x16xf32, #tpu.memory_space<hbm>>
      %dma_wait3A_91 = tpu.memref_squeeze %dma_wait3A_90 : memref<1x128x16xf32, #tpu.memory_space<hbm>> -> memref<128x16xf32, #tpu.memory_space<hbm>>
      %dma_wait3A_92 = arith.constant 0 : i32
      %dma_wait3A_93 = tpu.memref_slice %arg6[%add3A_44, %add3A_71, %dma_wait3A_92] : memref<35x16384x16xf32, #tpu.memory_space<hbm>> -> memref<1x128x16xf32, #tpu.memory_space<hbm>>
      %dma_wait3A_94 = tpu.memref_squeeze %dma_wait3A_93 : memref<1x128x16xf32, #tpu.memory_space<hbm>> -> memref<128x16xf32, #tpu.memory_space<hbm>>
      tpu.wait_dma2 semaphore(%arg14 : memref<!tpu.dma_semaphore, #tpu.memory_space<semaphore_mem>>) src(%arg12 : memref<128x16xf32, #tpu.memory_space<vmem>>) dst(%dma_wait3A_94 : memref<128x16xf32, #tpu.memory_space<hbm>>)
      %dma_wait3A_95 = arith.constant 0 : i32
      %dma_wait3A_96 = tpu.memref_slice %arg6[%add3A_46, %add3A_71, %dma_wait3A_95] : memref<35x16384x16xf32, #tpu.memory_space<hbm>> -> memref<1x128x16xf32, #tpu.memory_space<hbm>>
      %dma_wait3A_97 = tpu.memref_squeeze %dma_wait3A_96 : memref<1x128x16xf32, #tpu.memory_space<hbm>> -> memref<128x16xf32, #tpu.memory_space<hbm>>
      %dma_wait3A_98 = arith.constant 0 : i32
      %dma_wait3A_99 = tpu.memref_slice %arg6[%add3A_46, %add3A_71, %dma_wait3A_98] : memref<35x16384x16xf32, #tpu.memory_space<hbm>> -> memref<1x128x16xf32, #tpu.memory_space<hbm>>
      %dma_wait3A_100 = tpu.memref_squeeze %dma_wait3A_99 : memref<1x128x16xf32, #tpu.memory_space<hbm>> -> memref<128x16xf32, #tpu.memory_space<hbm>>
      tpu.wait_dma2 semaphore(%arg14 : memref<!tpu.dma_semaphore, #tpu.memory_space<semaphore_mem>>) src(%arg13 : memref<128x16xf32, #tpu.memory_space<vmem>>) dst(%dma_wait3A_100 : memref<128x16xf32, #tpu.memory_space<hbm>>)
      %scan3A_101 = arith.constant 0 : i32
      scf.yield %scan3A_101 : i32
    }
    %scan3A_61 = arith.constant 32 : i32
    %lt3A_62 = arith.constant 3 : i32
    %lt3A_63 = arith.cmpi slt, %select_n3A_30, %lt3A_62 : i32
    %convert_element_type3A_64 = arith.extui %lt3A_63 : i1 to i32
    %cond3A_65 = arith.constant 0 : i32
    %cond3A_66 = arith.cmpi ne, %convert_element_type3A_64, %cond3A_65 : i32
    scf.if %cond3A_66 {
      %add3A_67 = arith.constant 32 : i32
      %add3A_68 = arith.addi %select_n3A_30, %add3A_67 : i32
      %mul3A_69 = arith.constant 65536 : i32
      %mul3A_70 = arith.muli %add3A_68, %mul3A_69 : i32
      %add3A_71 = arith.addi %mul3A_70, %mul3A_34 : i32
      "tpu.region"() ({
        %run_scoped3A = tpu.sem_alloc : memref<!tpu.dma_semaphore, #tpu.memory_space<semaphore_mem>>
        %dma_start3A = arith.constant 0 : i32
        %dma_start3A_81 = tpu.memref_slice %arg7[%dma_start3A] : memref<16400xf32, #tpu.memory_space<vmem>> -> memref<16384xf32, #tpu.memory_space<vmem>>
        %dma_start3A_82 = tpu.memref_slice %arg2[%add3A_71] : memref<2293760xf32, #tpu.memory_space<hbm>> -> memref<16384xf32, #tpu.memory_space<hbm>>
        %dma_start3A_83 = arith.constant 0 : i32
        %dma_start3A_84 = tpu.memref_slice %arg7[%dma_start3A_83] : memref<16400xf32, #tpu.memory_space<vmem>> -> memref<16384xf32, #tpu.memory_space<vmem>>
        %dma_start3A_85 = tpu.memref_slice %arg2[%add3A_71] : memref<2293760xf32, #tpu.memory_space<hbm>> -> memref<16384xf32, #tpu.memory_space<hbm>>
        tpu.enqueue_dma source(%dma_start3A_85 : memref<16384xf32, #tpu.memory_space<hbm>>) target(%dma_start3A_84 : memref<16384xf32, #tpu.memory_space<vmem>>) target_semaphore(%run_scoped3A : memref<!tpu.dma_semaphore, #tpu.memory_space<semaphore_mem>>)
        %dma_wait3A = arith.constant 0 : i32
        %dma_wait3A_86 = tpu.memref_slice %arg7[%dma_wait3A] : memref<16400xf32, #tpu.memory_space<vmem>> -> memref<16384xf32, #tpu.memory_space<vmem>>
        %dma_wait3A_87 = tpu.memref_slice %arg2[%add3A_71] : memref<2293760xf32, #tpu.memory_space<hbm>> -> memref<16384xf32, #tpu.memory_space<hbm>>
        %dma_wait3A_88 = arith.constant 0 : i32
        %dma_wait3A_89 = tpu.memref_slice %arg7[%dma_wait3A_88] : memref<16400xf32, #tpu.memory_space<vmem>> -> memref<16384xf32, #tpu.memory_space<vmem>>
        %dma_wait3A_90 = tpu.memref_slice %arg2[%add3A_71] : memref<2293760xf32, #tpu.memory_space<hbm>> -> memref<16384xf32, #tpu.memory_space<hbm>>
        tpu.wait_dma2 semaphore(%run_scoped3A : memref<!tpu.dma_semaphore, #tpu.memory_space<semaphore_mem>>) src(%dma_wait3A_90 : memref<16384xf32, #tpu.memory_space<hbm>>) dst(%dma_wait3A_89 : memref<16384xf32, #tpu.memory_space<vmem>>)
        tpu.yield
      }) : () -> ()
      %swap3A_72 = arith.constant 16384 : index
      %swap3A_73 = tpu.vector_load %arg7[%swap3A_72] {strides = array<i32>} : memref<16400xf32, #tpu.memory_space<vmem>>, vector<16xf32>,
      tpu.vector_store %arg7[%swap3A_72], %broadcast_in_dim3A_35 {strides = array<i32>} : memref<16400xf32, #tpu.memory_space<vmem>>, vector<16xf32>,
      %scan3A_74 = arith.constant 0 : i32
      %scan3A_75 = arith.constant 0 : i32
      %scan3A_76 = arith.constant 32 : i32
      %scan3A_77 = arith.addi %scan3A_75, %scan3A_76 : i32
      %scan3A_78 = arith.constant 1 : i32
      %scan3A_79 = scf.for %scan3A_81 = %scan3A_75 to %scan3A_77 step %scan3A_78 iter_args(%scan3A_82 = %scan3A_74) -> (i32)  : i32 {
        %mul3A_83 = arith.constant 128 : i32
        %mul3A_84 = arith.muli %scan3A_81, %mul3A_83 : i32
        %add3A_85 = arith.addi %mul3A_32, %mul3A_84 : i32
        "tpu.region"() ({
          %run_scoped3A = tpu.sem_alloc : memref<!tpu.dma_semaphore, #tpu.memory_space<semaphore_mem>>
          %dma_start3A = arith.constant 0 : i32
          %dma_start3A_94 = tpu.memref_slice %arg4[%add3A_85, %dma_start3A] : memref<16384x16xi32, #tpu.memory_space<hbm>> -> memref<128x16xi32, #tpu.memory_space<hbm>>
          %dma_start3A_95 = arith.constant 0 : i32
          %dma_start3A_96 = tpu.memref_slice %arg4[%add3A_85, %dma_start3A_95] : memref<16384x16xi32, #tpu.memory_space<hbm>> -> memref<128x16xi32, #tpu.memory_space<hbm>>
          tpu.enqueue_dma source(%dma_start3A_96 : memref<128x16xi32, #tpu.memory_space<hbm>>) target(%arg10 : memref<128x16xi32, #tpu.memory_space<vmem>>) target_semaphore(%run_scoped3A : memref<!tpu.dma_semaphore, #tpu.memory_space<semaphore_mem>>)
          %dma_wait3A = arith.constant 0 : i32
          %dma_wait3A_97 = tpu.memref_slice %arg4[%add3A_85, %dma_wait3A] : memref<16384x16xi32, #tpu.memory_space<hbm>> -> memref<128x16xi32, #tpu.memory_space<hbm>>
          %dma_wait3A_98 = arith.constant 0 : i32
          %dma_wait3A_99 = tpu.memref_slice %arg4[%add3A_85, %dma_wait3A_98] : memref<16384x16xi32, #tpu.memory_space<hbm>> -> memref<128x16xi32, #tpu.memory_space<hbm>>
          tpu.wait_dma2 semaphore(%run_scoped3A : memref<!tpu.dma_semaphore, #tpu.memory_space<semaphore_mem>>) src(%dma_wait3A_99 : memref<128x16xi32, #tpu.memory_space<hbm>>) dst(%arg10 : memref<128x16xi32, #tpu.memory_space<vmem>>)
          tpu.yield
        }) : () -> ()
        %scan3A_86 = arith.constant 0 : i32
        %scan3A_87 = arith.constant 0 : i32
        %scan3A_88 = arith.constant 32 : i32
        %scan3A_89 = arith.addi %scan3A_87, %scan3A_88 : i32
        %scan3A_90 = arith.constant 1 : i32
        %scan3A_91 = scf.for %scan3A_94 = %scan3A_87 to %scan3A_89 step %scan3A_90 iter_args(%scan3A_95 = %scan3A_86) -> (i32)  : i32 {
          %mul3A_96 = arith.constant 4 : i32
          %mul3A_97 = arith.muli %scan3A_94, %mul3A_96 : i32
          %add3A_98 = arith.constant 0 : i32
          %add3A_99 = arith.addi %mul3A_97, %add3A_98 : i32
          %get3A = arith.index_cast %add3A_99 : i32 to index
          %get3A_100 = arith.constant 0 : index
          %get3A_101 = tpu.vector_load %arg10[%get3A, %get3A_100] {strides = array<i32>} : memref<128x16xi32, #tpu.memory_space<vmem>>, vector<16xi32>,
          %gather3A = tpu.vector_load_idx %arg7[%get3A_101] : memref<16400xf32, #tpu.memory_space<vmem>>[vector<16xi32>], vector<16xf32>,
          %add3A_102 = arith.constant 0 : i32
          %add3A_103 = arith.addi %mul3A_97, %add3A_102 : i32
          %swap3A_104 = arith.index_cast %add3A_103 : i32 to index
          %swap3A_105 = arith.constant 0 : index
          %swap3A_106 = tpu.vector_load %arg12[%swap3A_104, %swap3A_105] {strides = array<i32>} : memref<128x16xf32, #tpu.memory_space<vmem>>, vector<16xf32>,
          tpu.vector_store %arg12[%swap3A_104, %swap3A_105], %gather3A {strides = array<i32>} : memref<128x16xf32, #tpu.memory_space<vmem>>, vector<16xf32>,
          %add3A_107 = arith.constant 1 : i32
          %add3A_108 = arith.addi %mul3A_97, %add3A_107 : i32
          %get3A_109 = arith.index_cast %add3A_108 : i32 to index
          %get3A_110 = arith.constant 0 : index
          %get3A_111 = tpu.vector_load %arg10[%get3A_109, %get3A_110] {strides = array<i32>} : memref<128x16xi32, #tpu.memory_space<vmem>>, vector<16xi32>,
          %gather3A_112 = tpu.vector_load_idx %arg7[%get3A_111] : memref<16400xf32, #tpu.memory_space<vmem>>[vector<16xi32>], vector<16xf32>,
          %add3A_113 = arith.constant 1 : i32
          %add3A_114 = arith.addi %mul3A_97, %add3A_113 : i32
          %swap3A_115 = arith.index_cast %add3A_114 : i32 to index
          %swap3A_116 = arith.constant 0 : index
          %swap3A_117 = tpu.vector_load %arg12[%swap3A_115, %swap3A_116] {strides = array<i32>} : memref<128x16xf32, #tpu.memory_space<vmem>>, vector<16xf32>,
          tpu.vector_store %arg12[%swap3A_115, %swap3A_116], %gather3A_112 {strides = array<i32>} : memref<128x16xf32, #tpu.memory_space<vmem>>, vector<16xf32>,
          %add3A_118 = arith.constant 2 : i32
          %add3A_119 = arith.addi %mul3A_97, %add3A_118 : i32
          %get3A_120 = arith.index_cast %add3A_119 : i32 to index
          %get3A_121 = arith.constant 0 : index
          %get3A_122 = tpu.vector_load %arg10[%get3A_120, %get3A_121] {strides = array<i32>} : memref<128x16xi32, #tpu.memory_space<vmem>>, vector<16xi32>,
          %gather3A_123 = tpu.vector_load_idx %arg7[%get3A_122] : memref<16400xf32, #tpu.memory_space<vmem>>[vector<16xi32>], vector<16xf32>,
          %add3A_124 = arith.constant 2 : i32
          %add3A_125 = arith.addi %mul3A_97, %add3A_124 : i32
          %swap3A_126 = arith.index_cast %add3A_125 : i32 to index
          %swap3A_127 = arith.constant 0 : index
          %swap3A_128 = tpu.vector_load %arg12[%swap3A_126, %swap3A_127] {strides = array<i32>} : memref<128x16xf32, #tpu.memory_space<vmem>>, vector<16xf32>,
          tpu.vector_store %arg12[%swap3A_126, %swap3A_127], %gather3A_123 {strides = array<i32>} : memref<128x16xf32, #tpu.memory_space<vmem>>, vector<16xf32>,
          %add3A_129 = arith.constant 3 : i32
          %add3A_130 = arith.addi %mul3A_97, %add3A_129 : i32
          %get3A_131 = arith.index_cast %add3A_130 : i32 to index
          %get3A_132 = arith.constant 0 : index
          %get3A_133 = tpu.vector_load %arg10[%get3A_131, %get3A_132] {strides = array<i32>} : memref<128x16xi32, #tpu.memory_space<vmem>>, vector<16xi32>,
          %gather3A_134 = tpu.vector_load_idx %arg7[%get3A_133] : memref<16400xf32, #tpu.memory_space<vmem>>[vector<16xi32>], vector<16xf32>,
          %add3A_135 = arith.constant 3 : i32
          %add3A_136 = arith.addi %mul3A_97, %add3A_135 : i32
          %swap3A_137 = arith.index_cast %add3A_136 : i32 to index
          %swap3A_138 = arith.constant 0 : index
          %swap3A_139 = tpu.vector_load %arg12[%swap3A_137, %swap3A_138] {strides = array<i32>} : memref<128x16xf32, #tpu.memory_space<vmem>>, vector<16xf32>,
          tpu.vector_store %arg12[%swap3A_137, %swap3A_138], %gather3A_134 {strides = array<i32>} : memref<128x16xf32, #tpu.memory_space<vmem>>, vector<16xf32>,
          %scan3A_140 = arith.constant 0 : i32
          scf.yield %scan3A_140 : i32
        }
        %scan3A_92 = arith.constant 32 : i32
        "tpu.region"() ({
          %run_scoped3A = tpu.sem_alloc : memref<!tpu.dma_semaphore, #tpu.memory_space<semaphore_mem>>
          %dma_start3A = arith.constant 0 : i32
          %dma_start3A_94 = tpu.memref_slice %arg6[%add3A_68, %add3A_85, %dma_start3A] : memref<35x16384x16xf32, #tpu.memory_space<hbm>> -> memref<1x128x16xf32, #tpu.memory_space<hbm>>
          %dma_start3A_95 = tpu.memref_squeeze %dma_start3A_94 : memref<1x128x16xf32, #tpu.memory_space<hbm>> -> memref<128x16xf32, #tpu.memory_space<hbm>>
          %dma_start3A_96 = arith.constant 0 : i32
          %dma_start3A_97 = tpu.memref_slice %arg6[%add3A_68, %add3A_85, %dma_start3A_96] : memref<35x16384x16xf32, #tpu.memory_space<hbm>> -> memref<1x128x16xf32, #tpu.memory_space<hbm>>
          %dma_start3A_98 = tpu.memref_squeeze %dma_start3A_97 : memref<1x128x16xf32, #tpu.memory_space<hbm>> -> memref<128x16xf32, #tpu.memory_space<hbm>>
          tpu.enqueue_dma source(%arg12 : memref<128x16xf32, #tpu.memory_space<vmem>>) target(%dma_start3A_98 : memref<128x16xf32, #tpu.memory_space<hbm>>) target_semaphore(%run_scoped3A : memref<!tpu.dma_semaphore, #tpu.memory_space<semaphore_mem>>)
          %dma_wait3A = arith.constant 0 : i32
          %dma_wait3A_99 = tpu.memref_slice %arg6[%add3A_68, %add3A_85, %dma_wait3A] : memref<35x16384x16xf32, #tpu.memory_space<hbm>> -> memref<1x128x16xf32, #tpu.memory_space<hbm>>
          %dma_wait3A_100 = tpu.memref_squeeze %dma_wait3A_99 : memref<1x128x16xf32, #tpu.memory_space<hbm>> -> memref<128x16xf32, #tpu.memory_space<hbm>>
          %dma_wait3A_101 = arith.constant 0 : i32
          %dma_wait3A_102 = tpu.memref_slice %arg6[%add3A_68, %add3A_85, %dma_wait3A_101] : memref<35x16384x16xf32, #tpu.memory_space<hbm>> -> memref<1x128x16xf32, #tpu.memory_space<hbm>>
          %dma_wait3A_103 = tpu.memref_squeeze %dma_wait3A_102 : memref<1x128x16xf32, #tpu.memory_space<hbm>> -> memref<128x16xf32, #tpu.memory_space<hbm>>
          tpu.wait_dma2 semaphore(%run_scoped3A : memref<!tpu.dma_semaphore, #tpu.memory_space<semaphore_mem>>) src(%arg12 : memref<128x16xf32, #tpu.memory_space<vmem>>) dst(%dma_wait3A_103 : memref<128x16xf32, #tpu.memory_space<hbm>>)
          tpu.yield
        }) : () -> ()
        %scan3A_93 = arith.constant 0 : i32
        scf.yield %scan3A_93 : i32
      }
      %scan3A_80 = arith.constant 32 : i32
    } else {
    }
    return
  }
}

#map = affine_map<(d0, d1) -> (0)>
#map1 = affine_map<(d0, d1) -> (0, 0)>
module attributes {stable_mosaic.version = 14 : i64} {
  func.func @_ball_query(%arg0: i32, %arg1: i32, %arg2: memref<196608xf32, #tpu.memory_space<hbm>>, %arg3: memref<49152xf32, #tpu.memory_space<hbm>>, %arg4: memref<16384x16xi32, #tpu.memory_space<hbm>>, %arg5: memref<16384x16xi32, #tpu.memory_space<hbm>>, %arg6: memref<16384xi32, #tpu.memory_space<hbm>>, %arg7: memref<16384xf32, #tpu.memory_space<vmem>>, %arg8: memref<16384xf32, #tpu.memory_space<vmem>>, %arg9: memref<16384xf32, #tpu.memory_space<vmem>>, %arg10: memref<512xf32, #tpu.memory_space<vmem>>, %arg11: memref<512xf32, #tpu.memory_space<vmem>>, %arg12: memref<512xf32, #tpu.memory_space<vmem>>, %arg13: memref<16xi32, #tpu.memory_space<vmem>>, %arg14: memref<16xi32, #tpu.memory_space<vmem>>, %arg15: memref<64x16xi32, #tpu.memory_space<vmem>>, %arg16: memref<64x16xi32, #tpu.memory_space<vmem>>, %arg17: memref<512xi32, #tpu.memory_space<vmem>>, %arg18: memref<1xi32, #tpu.memory_space<smem>>) attributes {dimension_semantics = [#tpu.dimension_semantics<core_parallel>, #tpu.dimension_semantics<subcore_parallel>], iteration_bounds = array<i64: 2, 16>, scalar_prefetch = 0 : i64, scratch_operands = 12 : i64, tpu.core_type = #tpu.core_type<sc_vector_subcore>, window_params = [{transform_indices = #map}, {transform_indices = #map}, {transform_indices = #map1}, {transform_indices = #map1}, {transform_indices = #map}]} {
    %mul3A = arith.constant 16 : i32
    %mul3A_0 = arith.muli %arg0, %mul3A : i32
    %add3A = arith.addi %mul3A_0, %arg1 : i32
    %mul3A_1 = arith.constant 512 : i32
    %mul3A_2 = arith.muli %add3A, %mul3A_1 : i32
    %jit3A = arith.constant 4096 : i32
    %div3A = arith.divsi %mul3A_2, %jit3A : i32
    %sign3A = arith.constant 0 : i32
    %sign3A_3 = arith.cmpi sgt, %mul3A_2, %sign3A : i32
    %sign3A_4 = arith.extui %sign3A_3 : i1 to i32
    %sign3A_5 = arith.constant 0 : i32
    %sign3A_6 = arith.cmpi slt, %mul3A_2, %sign3A_5 : i32
    %sign3A_7 = arith.extui %sign3A_6 : i1 to i32
    %sign3A_8 = arith.subi %sign3A_4, %sign3A_7 : i32
    %sign3A_9 = arith.constant 0 : i32
    %sign3A_10 = arith.cmpi sgt, %jit3A, %sign3A_9 : i32
    %sign3A_11 = arith.extui %sign3A_10 : i1 to i32
    %sign3A_12 = arith.constant 0 : i32
    %sign3A_13 = arith.cmpi slt, %jit3A, %sign3A_12 : i32
    %sign3A_14 = arith.extui %sign3A_13 : i1 to i32
    %sign3A_15 = arith.subi %sign3A_11, %sign3A_14 : i32
    %ne3A = arith.cmpi ne, %sign3A_8, %sign3A_15 : i32
    %rem3A = arith.remsi %mul3A_2, %jit3A : i32
    %ne3A_16 = arith.constant 0 : i32
    %ne3A_17 = arith.cmpi ne, %rem3A, %ne3A_16 : i32
    %and3A = arith.andi %ne3A, %ne3A_17 : i1
    %sub3A = arith.constant 1 : i32
    %sub3A_18 = arith.subi %div3A, %sub3A : i32
    %select_n3A = arith.select %and3A, %sub3A_18, %div3A : i32
    %mul3A_19 = arith.constant 16384 : i32
    %mul3A_20 = arith.muli %select_n3A, %mul3A_19 : i32
    %add3A_21 = arith.constant 0 : i32
    %add3A_22 = arith.addi %add3A_21, %mul3A_20 : i32
    "tpu.region"() ({
      %run_scoped3A = tpu.sem_alloc : memref<!tpu.dma_semaphore, #tpu.memory_space<semaphore_mem>>
      %dma_start3A = tpu.memref_slice %arg2[%add3A_22] : memref<196608xf32, #tpu.memory_space<hbm>> -> memref<16384xf32, #tpu.memory_space<hbm>>
      %dma_start3A_49 = tpu.memref_slice %arg2[%add3A_22] : memref<196608xf32, #tpu.memory_space<hbm>> -> memref<16384xf32, #tpu.memory_space<hbm>>
      tpu.enqueue_dma source(%dma_start3A_49 : memref<16384xf32, #tpu.memory_space<hbm>>) target(%arg7 : memref<16384xf32, #tpu.memory_space<vmem>>) target_semaphore(%run_scoped3A : memref<!tpu.dma_semaphore, #tpu.memory_space<semaphore_mem>>)
      %dma_wait3A = tpu.memref_slice %arg2[%add3A_22] : memref<196608xf32, #tpu.memory_space<hbm>> -> memref<16384xf32, #tpu.memory_space<hbm>>
      %dma_wait3A_50 = tpu.memref_slice %arg2[%add3A_22] : memref<196608xf32, #tpu.memory_space<hbm>> -> memref<16384xf32, #tpu.memory_space<hbm>>
      tpu.wait_dma2 semaphore(%run_scoped3A : memref<!tpu.dma_semaphore, #tpu.memory_space<semaphore_mem>>) src(%dma_wait3A_50 : memref<16384xf32, #tpu.memory_space<hbm>>) dst(%arg7 : memref<16384xf32, #tpu.memory_space<vmem>>)
      tpu.yield
    }) : () -> ()
    %add3A_23 = arith.constant 65536 : i32
    %add3A_24 = arith.addi %add3A_23, %mul3A_20 : i32
    "tpu.region"() ({
      %run_scoped3A = tpu.sem_alloc : memref<!tpu.dma_semaphore, #tpu.memory_space<semaphore_mem>>
      %dma_start3A = tpu.memref_slice %arg2[%add3A_24] : memref<196608xf32, #tpu.memory_space<hbm>> -> memref<16384xf32, #tpu.memory_space<hbm>>
      %dma_start3A_49 = tpu.memref_slice %arg2[%add3A_24] : memref<196608xf32, #tpu.memory_space<hbm>> -> memref<16384xf32, #tpu.memory_space<hbm>>
      tpu.enqueue_dma source(%dma_start3A_49 : memref<16384xf32, #tpu.memory_space<hbm>>) target(%arg8 : memref<16384xf32, #tpu.memory_space<vmem>>) target_semaphore(%run_scoped3A : memref<!tpu.dma_semaphore, #tpu.memory_space<semaphore_mem>>)
      %dma_wait3A = tpu.memref_slice %arg2[%add3A_24] : memref<196608xf32, #tpu.memory_space<hbm>> -> memref<16384xf32, #tpu.memory_space<hbm>>
      %dma_wait3A_50 = tpu.memref_slice %arg2[%add3A_24] : memref<196608xf32, #tpu.memory_space<hbm>> -> memref<16384xf32, #tpu.memory_space<hbm>>
      tpu.wait_dma2 semaphore(%run_scoped3A : memref<!tpu.dma_semaphore, #tpu.memory_space<semaphore_mem>>) src(%dma_wait3A_50 : memref<16384xf32, #tpu.memory_space<hbm>>) dst(%arg8 : memref<16384xf32, #tpu.memory_space<vmem>>)
      tpu.yield
    }) : () -> ()
    %add3A_25 = arith.constant 131072 : i32
    %add3A_26 = arith.addi %add3A_25, %mul3A_20 : i32
    "tpu.region"() ({
      %run_scoped3A = tpu.sem_alloc : memref<!tpu.dma_semaphore, #tpu.memory_space<semaphore_mem>>
      %dma_start3A = tpu.memref_slice %arg2[%add3A_26] : memref<196608xf32, #tpu.memory_space<hbm>> -> memref<16384xf32, #tpu.memory_space<hbm>>
      %dma_start3A_49 = tpu.memref_slice %arg2[%add3A_26] : memref<196608xf32, #tpu.memory_space<hbm>> -> memref<16384xf32, #tpu.memory_space<hbm>>
      tpu.enqueue_dma source(%dma_start3A_49 : memref<16384xf32, #tpu.memory_space<hbm>>) target(%arg9 : memref<16384xf32, #tpu.memory_space<vmem>>) target_semaphore(%run_scoped3A : memref<!tpu.dma_semaphore, #tpu.memory_space<semaphore_mem>>)
      %dma_wait3A = tpu.memref_slice %arg2[%add3A_26] : memref<196608xf32, #tpu.memory_space<hbm>> -> memref<16384xf32, #tpu.memory_space<hbm>>
      %dma_wait3A_50 = tpu.memref_slice %arg2[%add3A_26] : memref<196608xf32, #tpu.memory_space<hbm>> -> memref<16384xf32, #tpu.memory_space<hbm>>
      tpu.wait_dma2 semaphore(%run_scoped3A : memref<!tpu.dma_semaphore, #tpu.memory_space<semaphore_mem>>) src(%dma_wait3A_50 : memref<16384xf32, #tpu.memory_space<hbm>>) dst(%arg9 : memref<16384xf32, #tpu.memory_space<vmem>>)
      tpu.yield
    }) : () -> ()
    %add3A_27 = arith.constant 0 : i32
    %add3A_28 = arith.addi %add3A_27, %mul3A_2 : i32
    "tpu.region"() ({
      %run_scoped3A = tpu.sem_alloc : memref<!tpu.dma_semaphore, #tpu.memory_space<semaphore_mem>>
      %dma_start3A = tpu.memref_slice %arg3[%add3A_28] : memref<49152xf32, #tpu.memory_space<hbm>> -> memref<512xf32, #tpu.memory_space<hbm>>
      %dma_start3A_49 = tpu.memref_slice %arg3[%add3A_28] : memref<49152xf32, #tpu.memory_space<hbm>> -> memref<512xf32, #tpu.memory_space<hbm>>
      tpu.enqueue_dma source(%dma_start3A_49 : memref<512xf32, #tpu.memory_space<hbm>>) target(%arg10 : memref<512xf32, #tpu.memory_space<vmem>>) target_semaphore(%run_scoped3A : memref<!tpu.dma_semaphore, #tpu.memory_space<semaphore_mem>>)
      %dma_wait3A = tpu.memref_slice %arg3[%add3A_28] : memref<49152xf32, #tpu.memory_space<hbm>> -> memref<512xf32, #tpu.memory_space<hbm>>
      %dma_wait3A_50 = tpu.memref_slice %arg3[%add3A_28] : memref<49152xf32, #tpu.memory_space<hbm>> -> memref<512xf32, #tpu.memory_space<hbm>>
      tpu.wait_dma2 semaphore(%run_scoped3A : memref<!tpu.dma_semaphore, #tpu.memory_space<semaphore_mem>>) src(%dma_wait3A_50 : memref<512xf32, #tpu.memory_space<hbm>>) dst(%arg10 : memref<512xf32, #tpu.memory_space<vmem>>)
      tpu.yield
    }) : () -> ()
    %add3A_29 = arith.constant 16384 : i32
    %add3A_30 = arith.addi %add3A_29, %mul3A_2 : i32
    "tpu.region"() ({
      %run_scoped3A = tpu.sem_alloc : memref<!tpu.dma_semaphore, #tpu.memory_space<semaphore_mem>>
      %dma_start3A = tpu.memref_slice %arg3[%add3A_30] : memref<49152xf32, #tpu.memory_space<hbm>> -> memref<512xf32, #tpu.memory_space<hbm>>
      %dma_start3A_49 = tpu.memref_slice %arg3[%add3A_30] : memref<49152xf32, #tpu.memory_space<hbm>> -> memref<512xf32, #tpu.memory_space<hbm>>
      tpu.enqueue_dma source(%dma_start3A_49 : memref<512xf32, #tpu.memory_space<hbm>>) target(%arg11 : memref<512xf32, #tpu.memory_space<vmem>>) target_semaphore(%run_scoped3A : memref<!tpu.dma_semaphore, #tpu.memory_space<semaphore_mem>>)
      %dma_wait3A = tpu.memref_slice %arg3[%add3A_30] : memref<49152xf32, #tpu.memory_space<hbm>> -> memref<512xf32, #tpu.memory_space<hbm>>
      %dma_wait3A_50 = tpu.memref_slice %arg3[%add3A_30] : memref<49152xf32, #tpu.memory_space<hbm>> -> memref<512xf32, #tpu.memory_space<hbm>>
      tpu.wait_dma2 semaphore(%run_scoped3A : memref<!tpu.dma_semaphore, #tpu.memory_space<semaphore_mem>>) src(%dma_wait3A_50 : memref<512xf32, #tpu.memory_space<hbm>>) dst(%arg11 : memref<512xf32, #tpu.memory_space<vmem>>)
      tpu.yield
    }) : () -> ()
    %add3A_31 = arith.constant 32768 : i32
    %add3A_32 = arith.addi %add3A_31, %mul3A_2 : i32
    "tpu.region"() ({
      %run_scoped3A = tpu.sem_alloc : memref<!tpu.dma_semaphore, #tpu.memory_space<semaphore_mem>>
      %dma_start3A = tpu.memref_slice %arg3[%add3A_32] : memref<49152xf32, #tpu.memory_space<hbm>> -> memref<512xf32, #tpu.memory_space<hbm>>
      %dma_start3A_49 = tpu.memref_slice %arg3[%add3A_32] : memref<49152xf32, #tpu.memory_space<hbm>> -> memref<512xf32, #tpu.memory_space<hbm>>
      tpu.enqueue_dma source(%dma_start3A_49 : memref<512xf32, #tpu.memory_space<hbm>>) target(%arg12 : memref<512xf32, #tpu.memory_space<vmem>>) target_semaphore(%run_scoped3A : memref<!tpu.dma_semaphore, #tpu.memory_space<semaphore_mem>>)
      %dma_wait3A = tpu.memref_slice %arg3[%add3A_32] : memref<49152xf32, #tpu.memory_space<hbm>> -> memref<512xf32, #tpu.memory_space<hbm>>
      %dma_wait3A_50 = tpu.memref_slice %arg3[%add3A_32] : memref<49152xf32, #tpu.memory_space<hbm>> -> memref<512xf32, #tpu.memory_space<hbm>>
      tpu.wait_dma2 semaphore(%run_scoped3A : memref<!tpu.dma_semaphore, #tpu.memory_space<semaphore_mem>>) src(%dma_wait3A_50 : memref<512xf32, #tpu.memory_space<hbm>>) dst(%arg12 : memref<512xf32, #tpu.memory_space<vmem>>)
      tpu.yield
    }) : () -> ()
    %iota3A = tpu.iota {dimensions = array<i32: 0>} : vector<16xi32>
    %eq3A = arith.constant 0 : i32
    %eq3A_33 = vector.broadcast %eq3A : i32 to vector<16xi32>
    %eq3A_34 = arith.cmpi eq, %iota3A, %eq3A_33 : vector<16xi32>
    %broadcast_in_dim3A = arith.constant 0 : i32
    %broadcast_in_dim3A_35 = vector.broadcast %broadcast_in_dim3A : i32 to vector<16xi32>
    %scan3A = arith.constant 0 : i32
    %scan3A_36 = arith.constant 0 : i32
    %scan3A_37 = arith.constant 1024 : i32
    %scan3A_38 = arith.addi %scan3A_36, %scan3A_37 : i32
    %scan3A_39 = arith.constant 1 : i32
    %scan3A_40 = scf.for %scan3A_49 = %scan3A_36 to %scan3A_38 step %scan3A_39 iter_args(%scan3A_50 = %scan3A) -> (i32)  : i32 {
      %mul3A_51 = arith.constant 16 : i32
      %mul3A_52 = arith.muli %scan3A_49, %mul3A_51 : i32
      %multiple_of3A = tpu.assume_multiple %mul3A_52, 16 : i32
      %get3A = arith.index_cast %multiple_of3A : i32 to index
      %get3A_53 = tpu.vector_load %arg7[%get3A] {strides = array<i32>} : memref<16384xf32, #tpu.memory_space<vmem>>, vector<16xf32>,
      %get3A_54 = arith.index_cast %multiple_of3A : i32 to index
      %get3A_55 = tpu.vector_load %arg8[%get3A_54] {strides = array<i32>} : memref<16384xf32, #tpu.memory_space<vmem>>, vector<16xf32>,
      %get3A_56 = arith.index_cast %multiple_of3A : i32 to index
      %get3A_57 = tpu.vector_load %arg9[%get3A_56] {strides = array<i32>} : memref<16384xf32, #tpu.memory_space<vmem>>, vector<16xf32>,
      %mul3A_58 = arith.mulf %get3A_53, %get3A_53 : vector<16xf32>
      %mul3A_59 = arith.mulf %get3A_55, %get3A_55 : vector<16xf32>
      %add3A_60 = arith.addf %mul3A_58, %mul3A_59 : vector<16xf32>
      %mul3A_61 = arith.mulf %get3A_57, %get3A_57 : vector<16xf32>
      %add3A_62 = arith.addf %add3A_60, %mul3A_61 : vector<16xf32>
      %swap3A = arith.index_cast %multiple_of3A : i32 to index
      %swap3A_63 = tpu.vector_load %arg7[%swap3A] {strides = array<i32>} : memref<16384xf32, #tpu.memory_space<vmem>>, vector<16xf32>,
      tpu.vector_store %arg7[%swap3A], %add3A_62 {strides = array<i32>} : memref<16384xf32, #tpu.memory_space<vmem>>, vector<16xf32>,
      %bitcast3A = vector.bitcast %get3A_53 : vector<16xf32> to vector<16xi32>
      %add3A_64 = arith.constant 32767 : i32
      %add3A_65 = vector.broadcast %add3A_64 : i32 to vector<16xi32>
      %add3A_66 = arith.addi %bitcast3A, %add3A_65 : vector<16xi32>
      %shift_right_arithmetic3A = arith.constant 16 : i32
      %shift_right_arithmetic3A_67 = vector.broadcast %shift_right_arithmetic3A : i32 to vector<16xi32>
      %shift_right_arithmetic3A_68 = arith.shrsi %bitcast3A, %shift_right_arithmetic3A_67 : vector<16xi32>
      %and3A_69 = arith.constant 1 : i32
      %and3A_70 = vector.broadcast %and3A_69 : i32 to vector<16xi32>
      %and3A_71 = arith.andi %shift_right_arithmetic3A_68, %and3A_70 : vector<16xi32>
      %add3A_72 = arith.addi %add3A_66, %and3A_71 : vector<16xi32>
      %and3A_73 = arith.constant -65536 : i32
      %and3A_74 = vector.broadcast %and3A_73 : i32 to vector<16xi32>
      %and3A_75 = arith.andi %add3A_72, %and3A_74 : vector<16xi32>
      %bitcast3A_76 = vector.bitcast %get3A_55 : vector<16xf32> to vector<16xi32>
      %add3A_77 = arith.constant 32767 : i32
      %add3A_78 = vector.broadcast %add3A_77 : i32 to vector<16xi32>
      %add3A_79 = arith.addi %bitcast3A_76, %add3A_78 : vector<16xi32>
      %shift_right_arithmetic3A_80 = arith.constant 16 : i32
      %shift_right_arithmetic3A_81 = vector.broadcast %shift_right_arithmetic3A_80 : i32 to vector<16xi32>
      %shift_right_arithmetic3A_82 = arith.shrsi %bitcast3A_76, %shift_right_arithmetic3A_81 : vector<16xi32>
      %and3A_83 = arith.constant 1 : i32
      %and3A_84 = vector.broadcast %and3A_83 : i32 to vector<16xi32>
      %and3A_85 = arith.andi %shift_right_arithmetic3A_82, %and3A_84 : vector<16xi32>
      %add3A_86 = arith.addi %add3A_79, %and3A_85 : vector<16xi32>
      %and3A_87 = arith.constant -65536 : i32
      %and3A_88 = vector.broadcast %and3A_87 : i32 to vector<16xi32>
      %and3A_89 = arith.andi %add3A_86, %and3A_88 : vector<16xi32>
      %shift_right_arithmetic3A_90 = arith.constant 16 : i32
      %shift_right_arithmetic3A_91 = vector.broadcast %shift_right_arithmetic3A_90 : i32 to vector<16xi32>
      %shift_right_arithmetic3A_92 = arith.shrsi %and3A_89, %shift_right_arithmetic3A_91 : vector<16xi32>
      %and3A_93 = arith.constant 65535 : i32
      %and3A_94 = vector.broadcast %and3A_93 : i32 to vector<16xi32>
      %and3A_95 = arith.andi %shift_right_arithmetic3A_92, %and3A_94 : vector<16xi32>
      %or3A = arith.ori %and3A_75, %and3A_95 : vector<16xi32>
      %bitcast3A_96 = vector.bitcast %or3A : vector<16xi32> to vector<16xf32>
      %swap3A_97 = arith.index_cast %multiple_of3A : i32 to index
      %swap3A_98 = tpu.vector_load %arg8[%swap3A_97] {strides = array<i32>} : memref<16384xf32, #tpu.memory_space<vmem>>, vector<16xf32>,
      tpu.vector_store %arg8[%swap3A_97], %bitcast3A_96 {strides = array<i32>} : memref<16384xf32, #tpu.memory_space<vmem>>, vector<16xf32>,
      %bitcast3A_99 = vector.bitcast %get3A_57 : vector<16xf32> to vector<16xi32>
      %add3A_100 = arith.constant 32767 : i32
      %add3A_101 = vector.broadcast %add3A_100 : i32 to vector<16xi32>
      %add3A_102 = arith.addi %bitcast3A_99, %add3A_101 : vector<16xi32>
      %shift_right_arithmetic3A_103 = arith.constant 16 : i32
      %shift_right_arithmetic3A_104 = vector.broadcast %shift_right_arithmetic3A_103 : i32 to vector<16xi32>
      %shift_right_arithmetic3A_105 = arith.shrsi %bitcast3A_99, %shift_right_arithmetic3A_104 : vector<16xi32>
      %and3A_106 = arith.constant 1 : i32
      %and3A_107 = vector.broadcast %and3A_106 : i32 to vector<16xi32>
      %and3A_108 = arith.andi %shift_right_arithmetic3A_105, %and3A_107 : vector<16xi32>
      %add3A_109 = arith.addi %add3A_102, %and3A_108 : vector<16xi32>
      %and3A_110 = arith.constant -65536 : i32
      %and3A_111 = vector.broadcast %and3A_110 : i32 to vector<16xi32>
      %and3A_112 = arith.andi %add3A_109, %and3A_111 : vector<16xi32>
      %bitcast3A_113 = vector.bitcast %and3A_112 : vector<16xi32> to vector<16xf32>
      %swap3A_114 = arith.index_cast %multiple_of3A : i32 to index
      %swap3A_115 = tpu.vector_load %arg9[%swap3A_114] {strides = array<i32>} : memref<16384xf32, #tpu.memory_space<vmem>>, vector<16xf32>,
      tpu.vector_store %arg9[%swap3A_114], %bitcast3A_113 {strides = array<i32>} : memref<16384xf32, #tpu.memory_space<vmem>>, vector<16xf32>,
      %scan3A_116 = arith.constant 0 : i32
      scf.yield %scan3A_116 : i32
    }
    %scan3A_41 = arith.constant 1024 : i32
    %scan3A_42 = arith.constant 0 : i32
    %scan3A_43 = arith.constant 0 : i32
    %scan3A_44 = arith.constant 8 : i32
    %scan3A_45 = arith.addi %scan3A_43, %scan3A_44 : i32
    %scan3A_46 = arith.constant 1 : i32
    %scan3A_47 = scf.for %scan3A_49 = %scan3A_43 to %scan3A_45 step %scan3A_46 iter_args(%scan3A_50 = %scan3A_42) -> (i32)  : i32 {
      %scan3A_51 = arith.constant 0 : i32
      %scan3A_52 = arith.constant 0 : i32
      %scan3A_53 = arith.constant 16 : i32
      %scan3A_54 = arith.addi %scan3A_52, %scan3A_53 : i32
      %scan3A_55 = arith.constant 1 : i32
      %scan3A_56 = scf.for %scan3A_86 = %scan3A_52 to %scan3A_54 step %scan3A_55 iter_args(%scan3A_87 = %scan3A_51) -> (i32)  : i32 {
        %mul3A_88 = arith.constant 64 : i32
        %mul3A_89 = arith.muli %scan3A_49, %mul3A_88 : i32
        %add3A_90 = arith.constant 0 : i32
        %add3A_91 = arith.addi %mul3A_89, %add3A_90 : i32
        %add3A_92 = arith.addi %add3A_91, %scan3A_86 : i32
        %mul3A_93 = arith.constant 64 : i32
        %mul3A_94 = arith.muli %scan3A_49, %mul3A_93 : i32
        %add3A_95 = arith.constant 0 : i32
        %add3A_96 = arith.addi %mul3A_94, %add3A_95 : i32
        %get3A = arith.index_cast %add3A_96 : i32 to index
        %get3A_97 = tpu.vector_load %arg10[%get3A] {strides = array<i32>} : memref<512xf32, #tpu.memory_space<vmem>>, vector<16xf32>,
        %get3A_98 = arith.index_cast %add3A_96 : i32 to index
        %get3A_99 = tpu.vector_load %arg11[%get3A_98] {strides = array<i32>} : memref<512xf32, #tpu.memory_space<vmem>>, vector<16xf32>,
        %get3A_100 = arith.index_cast %add3A_96 : i32 to index
        %get3A_101 = tpu.vector_load %arg12[%get3A_100] {strides = array<i32>} : memref<512xf32, #tpu.memory_space<vmem>>, vector<16xf32>,
        %mul3A_102 = arith.mulf %get3A_97, %get3A_97 : vector<16xf32>
        %mul3A_103 = arith.mulf %get3A_99, %get3A_99 : vector<16xf32>
        %add3A_104 = arith.addf %mul3A_102, %mul3A_103 : vector<16xf32>
        %mul3A_105 = arith.mulf %get3A_101, %get3A_101 : vector<16xf32>
        %add3A_106 = arith.addf %add3A_104, %mul3A_105 : vector<16xf32>
        %broadcast_in_dim3A_107 = vector.broadcast %scan3A_86 : i32 to vector<16xi32>
        %broadcast_in_dim3A_108 = vector.shape_cast %broadcast_in_dim3A_107 : vector<16xi32> to vector<16x1xi32>
        %gather3A = vector.shape_cast %broadcast_in_dim3A_108 : vector<16x1xi32> to vector<16xi32>
        %gather3A_109 = tpu.dynamic_gather %add3A_106[%gather3A] in [0] : vector<16xf32>, vector<16xi32> -> vector<16xf32>
        %bitcast3A = vector.bitcast %get3A_97 : vector<16xf32> to vector<16xi32>
        %add3A_110 = arith.constant 32767 : i32
        %add3A_111 = vector.broadcast %add3A_110 : i32 to vector<16xi32>
        %add3A_112 = arith.addi %bitcast3A, %add3A_111 : vector<16xi32>
        %shift_right_arithmetic3A = arith.constant 16 : i32
        %shift_right_arithmetic3A_113 = vector.broadcast %shift_right_arithmetic3A : i32 to vector<16xi32>
        %shift_right_arithmetic3A_114 = arith.shrsi %bitcast3A, %shift_right_arithmetic3A_113 : vector<16xi32>
        %and3A_115 = arith.constant 1 : i32
        %and3A_116 = vector.broadcast %and3A_115 : i32 to vector<16xi32>
        %and3A_117 = arith.andi %shift_right_arithmetic3A_114, %and3A_116 : vector<16xi32>
        %add3A_118 = arith.addi %add3A_112, %and3A_117 : vector<16xi32>
        %and3A_119 = arith.constant -65536 : i32
        %and3A_120 = vector.broadcast %and3A_119 : i32 to vector<16xi32>
        %and3A_121 = arith.andi %add3A_118, %and3A_120 : vector<16xi32>
        %bitcast3A_122 = vector.bitcast %and3A_121 : vector<16xi32> to vector<16xf32>
        %broadcast_in_dim3A_123 = vector.broadcast %scan3A_86 : i32 to vector<16xi32>
        %broadcast_in_dim3A_124 = vector.shape_cast %broadcast_in_dim3A_123 : vector<16xi32> to vector<16x1xi32>
        %gather3A_125 = vector.shape_cast %broadcast_in_dim3A_124 : vector<16x1xi32> to vector<16xi32>
        %gather3A_126 = tpu.dynamic_gather %bitcast3A_122[%gather3A_125] in [0] : vector<16xf32>, vector<16xi32> -> vector<16xf32>
        %bitcast3A_127 = vector.bitcast %get3A_99 : vector<16xf32> to vector<16xi32>
        %add3A_128 = arith.constant 32767 : i32
        %add3A_129 = vector.broadcast %add3A_128 : i32 to vector<16xi32>
        %add3A_130 = arith.addi %bitcast3A_127, %add3A_129 : vector<16xi32>
        %shift_right_arithmetic3A_131 = arith.constant 16 : i32
        %shift_right_arithmetic3A_132 = vector.broadcast %shift_right_arithmetic3A_131 : i32 to vector<16xi32>
        %shift_right_arithmetic3A_133 = arith.shrsi %bitcast3A_127, %shift_right_arithmetic3A_132 : vector<16xi32>
        %and3A_134 = arith.constant 1 : i32
        %and3A_135 = vector.broadcast %and3A_134 : i32 to vector<16xi32>
        %and3A_136 = arith.andi %shift_right_arithmetic3A_133, %and3A_135 : vector<16xi32>
        %add3A_137 = arith.addi %add3A_130, %and3A_136 : vector<16xi32>
        %and3A_138 = arith.constant -65536 : i32
        %and3A_139 = vector.broadcast %and3A_138 : i32 to vector<16xi32>
        %and3A_140 = arith.andi %add3A_137, %and3A_139 : vector<16xi32>
        %bitcast3A_141 = vector.bitcast %and3A_140 : vector<16xi32> to vector<16xf32>
        %broadcast_in_dim3A_142 = vector.broadcast %scan3A_86 : i32 to vector<16xi32>
        %broadcast_in_dim3A_143 = vector.shape_cast %broadcast_in_dim3A_142 : vector<16xi32> to vector<16x1xi32>
        %gather3A_144 = vector.shape_cast %broadcast_in_dim3A_143 : vector<16x1xi32> to vector<16xi32>
        %gather3A_145 = tpu.dynamic_gather %bitcast3A_141[%gather3A_144] in [0] : vector<16xf32>, vector<16xi32> -> vector<16xf32>
        %bitcast3A_146 = vector.bitcast %get3A_101 : vector<16xf32> to vector<16xi32>
        %add3A_147 = arith.constant 32767 : i32
        %add3A_148 = vector.broadcast %add3A_147 : i32 to vector<16xi32>
        %add3A_149 = arith.addi %bitcast3A_146, %add3A_148 : vector<16xi32>
        %shift_right_arithmetic3A_150 = arith.constant 16 : i32
        %shift_right_arithmetic3A_151 = vector.broadcast %shift_right_arithmetic3A_150 : i32 to vector<16xi32>
        %shift_right_arithmetic3A_152 = arith.shrsi %bitcast3A_146, %shift_right_arithmetic3A_151 : vector<16xi32>
        %and3A_153 = arith.constant 1 : i32
        %and3A_154 = vector.broadcast %and3A_153 : i32 to vector<16xi32>
        %and3A_155 = arith.andi %shift_right_arithmetic3A_152, %and3A_154 : vector<16xi32>
        %add3A_156 = arith.addi %add3A_149, %and3A_155 : vector<16xi32>
        %and3A_157 = arith.constant -65536 : i32
        %and3A_158 = vector.broadcast %and3A_157 : i32 to vector<16xi32>
        %and3A_159 = arith.andi %add3A_156, %and3A_158 : vector<16xi32>
        %bitcast3A_160 = vector.bitcast %and3A_159 : vector<16xi32> to vector<16xf32>
        %broadcast_in_dim3A_161 = vector.broadcast %scan3A_86 : i32 to vector<16xi32>
        %broadcast_in_dim3A_162 = vector.shape_cast %broadcast_in_dim3A_161 : vector<16xi32> to vector<16x1xi32>
        %gather3A_163 = vector.shape_cast %broadcast_in_dim3A_162 : vector<16x1xi32> to vector<16xi32>
        %gather3A_164 = tpu.dynamic_gather %bitcast3A_160[%gather3A_163] in [0] : vector<16xf32>, vector<16xi32> -> vector<16xf32>
        %swap3A = arith.constant 0 : index
        %swap3A_165 = tpu.vector_load %arg14[%swap3A] {strides = array<i32>} : memref<16xi32, #tpu.memory_space<vmem>>, vector<16xi32>,
        tpu.vector_store %arg14[%swap3A], %broadcast_in_dim3A_35 {strides = array<i32>} : memref<16xi32, #tpu.memory_space<vmem>>, vector<16xi32>,
        %swap3A_166 = arith.constant 0 : i32
        %swap3A_167 = arith.constant 0 : i32
        %swap3A_168 = arith.index_cast %swap3A_167 : i32 to index
        %swap3A_169 = memref.load %arg18[%swap3A_168] : memref<1xi32, #tpu.memory_space<smem>>
        memref.store %swap3A_166, %arg18[%swap3A_168] : memref<1xi32, #tpu.memory_space<smem>>
        %while3A = arith.constant 0 : i32
        %while3A_170 = arith.constant 0 : i32
        %while3A_171:2 = scf.while (%while3A_204 = %while3A, %while3A_205 = %while3A_170) : (i32, i32) -> (i32, i32) {
          %lt3A_206 = arith.constant 128 : i32
          %lt3A_207 = arith.cmpi slt, %while3A_204, %lt3A_206 : i32
          %lt3A_208 = arith.constant 16 : i32
          %lt3A_209 = arith.cmpi slt, %while3A_205, %lt3A_208 : i32
          %and3A_210 = arith.andi %lt3A_207, %lt3A_209 : i1
          scf.condition(%and3A_210) %while3A_204, %while3A_205 : i32, i32
        } do {
        ^bb0(%while3A_204: i32, %while3A_205: i32):
          %mul3A_206 = arith.constant 128 : i32
          %mul3A_207 = arith.muli %while3A_204, %mul3A_206 : i32
          %multiple_of3A = tpu.assume_multiple %mul3A_207, 128 : i32
          %get3A_208 = arith.index_cast %multiple_of3A : i32 to index
          %get3A_209 = tpu.vector_load %arg8[%get3A_208] {strides = array<i32>} : memref<16384xf32, #tpu.memory_space<vmem>>, vector<16xf32>,
          %bitcast3A_210 = vector.bitcast %get3A_209 : vector<16xf32> to vector<16xi32>
          %and3A_211 = arith.constant -65536 : i32
          %and3A_212 = vector.broadcast %and3A_211 : i32 to vector<16xi32>
          %and3A_213 = arith.andi %bitcast3A_210, %and3A_212 : vector<16xi32>
          %bitcast3A_214 = vector.bitcast %and3A_213 : vector<16xi32> to vector<16xf32>
          %shift_left3A = arith.constant 16 : i32
          %shift_left3A_215 = vector.broadcast %shift_left3A : i32 to vector<16xi32>
          %shift_left3A_216 = arith.shli %bitcast3A_210, %shift_left3A_215 : vector<16xi32>
          %bitcast3A_217 = vector.bitcast %shift_left3A_216 : vector<16xi32> to vector<16xf32>
          %get3A_218 = arith.index_cast %multiple_of3A : i32 to index
          %get3A_219 = tpu.vector_load %arg9[%get3A_218] {strides = array<i32>} : memref<16384xf32, #tpu.memory_space<vmem>>, vector<16xf32>,
          %mul3A_220 = arith.mulf %gather3A_126, %bitcast3A_214 : vector<16xf32>
          %mul3A_221 = arith.mulf %gather3A_145, %bitcast3A_217 : vector<16xf32>
          %add3A_222 = arith.addf %mul3A_220, %mul3A_221 : vector<16xf32>
          %mul3A_223 = arith.mulf %gather3A_164, %get3A_219 : vector<16xf32>
          %add3A_224 = arith.addf %add3A_222, %mul3A_223 : vector<16xf32>
          %get3A_225 = arith.index_cast %multiple_of3A : i32 to index
          %get3A_226 = tpu.vector_load %arg7[%get3A_225] {strides = array<i32>} : memref<16384xf32, #tpu.memory_space<vmem>>, vector<16xf32>,
          %add3A_227 = arith.addf %gather3A_109, %get3A_226 : vector<16xf32>
          %mul3A_228 = arith.constant 2.000000e+00 : f32
          %mul3A_229 = vector.broadcast %mul3A_228 : f32 to vector<16xf32>
          %mul3A_230 = arith.mulf %mul3A_229, %add3A_224 : vector<16xf32>
          %sub3A_231 = arith.subf %add3A_227, %mul3A_230 : vector<16xf32>
          %lt3A_232 = arith.constant 6.400000e-01 : f32
          %lt3A_233 = vector.broadcast %lt3A_232 : f32 to vector<16xf32>
          %lt3A_234 = arith.cmpf olt, %sub3A_231, %lt3A_233 : vector<16xf32>
          %add3A_235 = arith.constant 16 : i32
          %add3A_236 = arith.addi %multiple_of3A, %add3A_235 : i32
          %get3A_237 = arith.index_cast %add3A_236 : i32 to index
          %get3A_238 = tpu.vector_load %arg8[%get3A_237] {strides = array<i32>} : memref<16384xf32, #tpu.memory_space<vmem>>, vector<16xf32>,
          %bitcast3A_239 = vector.bitcast %get3A_238 : vector<16xf32> to vector<16xi32>
          %and3A_240 = arith.constant -65536 : i32
          %and3A_241 = vector.broadcast %and3A_240 : i32 to vector<16xi32>
          %and3A_242 = arith.andi %bitcast3A_239, %and3A_241 : vector<16xi32>
          %bitcast3A_243 = vector.bitcast %and3A_242 : vector<16xi32> to vector<16xf32>
          %shift_left3A_244 = arith.constant 16 : i32
          %shift_left3A_245 = vector.broadcast %shift_left3A_244 : i32 to vector<16xi32>
          %shift_left3A_246 = arith.shli %bitcast3A_239, %shift_left3A_245 : vector<16xi32>
          %bitcast3A_247 = vector.bitcast %shift_left3A_246 : vector<16xi32> to vector<16xf32>
          %get3A_248 = arith.index_cast %add3A_236 : i32 to index
          %get3A_249 = tpu.vector_load %arg9[%get3A_248] {strides = array<i32>} : memref<16384xf32, #tpu.memory_space<vmem>>, vector<16xf32>,
          %mul3A_250 = arith.mulf %gather3A_126, %bitcast3A_243 : vector<16xf32>
          %mul3A_251 = arith.mulf %gather3A_145, %bitcast3A_247 : vector<16xf32>
          %add3A_252 = arith.addf %mul3A_250, %mul3A_251 : vector<16xf32>
          %mul3A_253 = arith.mulf %gather3A_164, %get3A_249 : vector<16xf32>
          %add3A_254 = arith.addf %add3A_252, %mul3A_253 : vector<16xf32>
          %get3A_255 = arith.index_cast %add3A_236 : i32 to index
          %get3A_256 = tpu.vector_load %arg7[%get3A_255] {strides = array<i32>} : memref<16384xf32, #tpu.memory_space<vmem>>, vector<16xf32>,
          %add3A_257 = arith.addf %gather3A_109, %get3A_256 : vector<16xf32>
          %mul3A_258 = arith.constant 2.000000e+00 : f32
          %mul3A_259 = vector.broadcast %mul3A_258 : f32 to vector<16xf32>
          %mul3A_260 = arith.mulf %mul3A_259, %add3A_254 : vector<16xf32>
          %sub3A_261 = arith.subf %add3A_257, %mul3A_260 : vector<16xf32>
          %lt3A_262 = arith.constant 6.400000e-01 : f32
          %lt3A_263 = vector.broadcast %lt3A_262 : f32 to vector<16xf32>
          %lt3A_264 = arith.cmpf olt, %sub3A_261, %lt3A_263 : vector<16xf32>
          %or3A = arith.ori %lt3A_234, %lt3A_264 : vector<16xi1>
          %add3A_265 = arith.constant 32 : i32
          %add3A_266 = arith.addi %multiple_of3A, %add3A_265 : i32
          %get3A_267 = arith.index_cast %add3A_266 : i32 to index
          %get3A_268 = tpu.vector_load %arg8[%get3A_267] {strides = array<i32>} : memref<16384xf32, #tpu.memory_space<vmem>>, vector<16xf32>,
          %bitcast3A_269 = vector.bitcast %get3A_268 : vector<16xf32> to vector<16xi32>
          %and3A_270 = arith.constant -65536 : i32
          %and3A_271 = vector.broadcast %and3A_270 : i32 to vector<16xi32>
          %and3A_272 = arith.andi %bitcast3A_269, %and3A_271 : vector<16xi32>
          %bitcast3A_273 = vector.bitcast %and3A_272 : vector<16xi32> to vector<16xf32>
          %shift_left3A_274 = arith.constant 16 : i32
          %shift_left3A_275 = vector.broadcast %shift_left3A_274 : i32 to vector<16xi32>
          %shift_left3A_276 = arith.shli %bitcast3A_269, %shift_left3A_275 : vector<16xi32>
          %bitcast3A_277 = vector.bitcast %shift_left3A_276 : vector<16xi32> to vector<16xf32>
          %get3A_278 = arith.index_cast %add3A_266 : i32 to index
          %get3A_279 = tpu.vector_load %arg9[%get3A_278] {strides = array<i32>} : memref<16384xf32, #tpu.memory_space<vmem>>, vector<16xf32>,
          %mul3A_280 = arith.mulf %gather3A_126, %bitcast3A_273 : vector<16xf32>
          %mul3A_281 = arith.mulf %gather3A_145, %bitcast3A_277 : vector<16xf32>
          %add3A_282 = arith.addf %mul3A_280, %mul3A_281 : vector<16xf32>
          %mul3A_283 = arith.mulf %gather3A_164, %get3A_279 : vector<16xf32>
          %add3A_284 = arith.addf %add3A_282, %mul3A_283 : vector<16xf32>
          %get3A_285 = arith.index_cast %add3A_266 : i32 to index
          %get3A_286 = tpu.vector_load %arg7[%get3A_285] {strides = array<i32>} : memref<16384xf32, #tpu.memory_space<vmem>>, vector<16xf32>,
          %add3A_287 = arith.addf %gather3A_109, %get3A_286 : vector<16xf32>
          %mul3A_288 = arith.constant 2.000000e+00 : f32
          %mul3A_289 = vector.broadcast %mul3A_288 : f32 to vector<16xf32>
          %mul3A_290 = arith.mulf %mul3A_289, %add3A_284 : vector<16xf32>
          %sub3A_291 = arith.subf %add3A_287, %mul3A_290 : vector<16xf32>
          %lt3A_292 = arith.constant 6.400000e-01 : f32
          %lt3A_293 = vector.broadcast %lt3A_292 : f32 to vector<16xf32>
          %lt3A_294 = arith.cmpf olt, %sub3A_291, %lt3A_293 : vector<16xf32>
          %or3A_295 = arith.ori %or3A, %lt3A_294 : vector<16xi1>
          %add3A_296 = arith.constant 48 : i32
          %add3A_297 = arith.addi %multiple_of3A, %add3A_296 : i32
          %get3A_298 = arith.index_cast %add3A_297 : i32 to index
          %get3A_299 = tpu.vector_load %arg8[%get3A_298] {strides = array<i32>} : memref<16384xf32, #tpu.memory_space<vmem>>, vector<16xf32>,
          %bitcast3A_300 = vector.bitcast %get3A_299 : vector<16xf32> to vector<16xi32>
          %and3A_301 = arith.constant -65536 : i32
          %and3A_302 = vector.broadcast %and3A_301 : i32 to vector<16xi32>
          %and3A_303 = arith.andi %bitcast3A_300, %and3A_302 : vector<16xi32>
          %bitcast3A_304 = vector.bitcast %and3A_303 : vector<16xi32> to vector<16xf32>
          %shift_left3A_305 = arith.constant 16 : i32
          %shift_left3A_306 = vector.broadcast %shift_left3A_305 : i32 to vector<16xi32>
          %shift_left3A_307 = arith.shli %bitcast3A_300, %shift_left3A_306 : vector<16xi32>
          %bitcast3A_308 = vector.bitcast %shift_left3A_307 : vector<16xi32> to vector<16xf32>
          %get3A_309 = arith.index_cast %add3A_297 : i32 to index
          %get3A_310 = tpu.vector_load %arg9[%get3A_309] {strides = array<i32>} : memref<16384xf32, #tpu.memory_space<vmem>>, vector<16xf32>,
          %mul3A_311 = arith.mulf %gather3A_126, %bitcast3A_304 : vector<16xf32>
          %mul3A_312 = arith.mulf %gather3A_145, %bitcast3A_308 : vector<16xf32>
          %add3A_313 = arith.addf %mul3A_311, %mul3A_312 : vector<16xf32>
          %mul3A_314 = arith.mulf %gather3A_164, %get3A_310 : vector<16xf32>
          %add3A_315 = arith.addf %add3A_313, %mul3A_314 : vector<16xf32>
          %get3A_316 = arith.index_cast %add3A_297 : i32 to index
          %get3A_317 = tpu.vector_load %arg7[%get3A_316] {strides = array<i32>} : memref<16384xf32, #tpu.memory_space<vmem>>, vector<16xf32>,
          %add3A_318 = arith.addf %gather3A_109, %get3A_317 : vector<16xf32>
          %mul3A_319 = arith.constant 2.000000e+00 : f32
          %mul3A_320 = vector.broadcast %mul3A_319 : f32 to vector<16xf32>
          %mul3A_321 = arith.mulf %mul3A_320, %add3A_315 : vector<16xf32>
          %sub3A_322 = arith.subf %add3A_318, %mul3A_321 : vector<16xf32>
          %lt3A_323 = arith.constant 6.400000e-01 : f32
          %lt3A_324 = vector.broadcast %lt3A_323 : f32 to vector<16xf32>
          %lt3A_325 = arith.cmpf olt, %sub3A_322, %lt3A_324 : vector<16xf32>
          %or3A_326 = arith.ori %or3A_295, %lt3A_325 : vector<16xi1>
          %add3A_327 = arith.constant 64 : i32
          %add3A_328 = arith.addi %multiple_of3A, %add3A_327 : i32
          %get3A_329 = arith.index_cast %add3A_328 : i32 to index
          %get3A_330 = tpu.vector_load %arg8[%get3A_329] {strides = array<i32>} : memref<16384xf32, #tpu.memory_space<vmem>>, vector<16xf32>,
          %bitcast3A_331 = vector.bitcast %get3A_330 : vector<16xf32> to vector<16xi32>
          %and3A_332 = arith.constant -65536 : i32
          %and3A_333 = vector.broadcast %and3A_332 : i32 to vector<16xi32>
          %and3A_334 = arith.andi %bitcast3A_331, %and3A_333 : vector<16xi32>
          %bitcast3A_335 = vector.bitcast %and3A_334 : vector<16xi32> to vector<16xf32>
          %shift_left3A_336 = arith.constant 16 : i32
          %shift_left3A_337 = vector.broadcast %shift_left3A_336 : i32 to vector<16xi32>
          %shift_left3A_338 = arith.shli %bitcast3A_331, %shift_left3A_337 : vector<16xi32>
          %bitcast3A_339 = vector.bitcast %shift_left3A_338 : vector<16xi32> to vector<16xf32>
          %get3A_340 = arith.index_cast %add3A_328 : i32 to index
          %get3A_341 = tpu.vector_load %arg9[%get3A_340] {strides = array<i32>} : memref<16384xf32, #tpu.memory_space<vmem>>, vector<16xf32>,
          %mul3A_342 = arith.mulf %gather3A_126, %bitcast3A_335 : vector<16xf32>
          %mul3A_343 = arith.mulf %gather3A_145, %bitcast3A_339 : vector<16xf32>
          %add3A_344 = arith.addf %mul3A_342, %mul3A_343 : vector<16xf32>
          %mul3A_345 = arith.mulf %gather3A_164, %get3A_341 : vector<16xf32>
          %add3A_346 = arith.addf %add3A_344, %mul3A_345 : vector<16xf32>
          %get3A_347 = arith.index_cast %add3A_328 : i32 to index
          %get3A_348 = tpu.vector_load %arg7[%get3A_347] {strides = array<i32>} : memref<16384xf32, #tpu.memory_space<vmem>>, vector<16xf32>,
          %add3A_349 = arith.addf %gather3A_109, %get3A_348 : vector<16xf32>
          %mul3A_350 = arith.constant 2.000000e+00 : f32
          %mul3A_351 = vector.broadcast %mul3A_350 : f32 to vector<16xf32>
          %mul3A_352 = arith.mulf %mul3A_351, %add3A_346 : vector<16xf32>
          %sub3A_353 = arith.subf %add3A_349, %mul3A_352 : vector<16xf32>
          %lt3A_354 = arith.constant 6.400000e-01 : f32
          %lt3A_355 = vector.broadcast %lt3A_354 : f32 to vector<16xf32>
          %lt3A_356 = arith.cmpf olt, %sub3A_353, %lt3A_355 : vector<16xf32>
          %or3A_357 = arith.ori %or3A_326, %lt3A_356 : vector<16xi1>
          %add3A_358 = arith.constant 80 : i32
          %add3A_359 = arith.addi %multiple_of3A, %add3A_358 : i32
          %get3A_360 = arith.index_cast %add3A_359 : i32 to index
          %get3A_361 = tpu.vector_load %arg8[%get3A_360] {strides = array<i32>} : memref<16384xf32, #tpu.memory_space<vmem>>, vector<16xf32>,
          %bitcast3A_362 = vector.bitcast %get3A_361 : vector<16xf32> to vector<16xi32>
          %and3A_363 = arith.constant -65536 : i32
          %and3A_364 = vector.broadcast %and3A_363 : i32 to vector<16xi32>
          %and3A_365 = arith.andi %bitcast3A_362, %and3A_364 : vector<16xi32>
          %bitcast3A_366 = vector.bitcast %and3A_365 : vector<16xi32> to vector<16xf32>
          %shift_left3A_367 = arith.constant 16 : i32
          %shift_left3A_368 = vector.broadcast %shift_left3A_367 : i32 to vector<16xi32>
          %shift_left3A_369 = arith.shli %bitcast3A_362, %shift_left3A_368 : vector<16xi32>
          %bitcast3A_370 = vector.bitcast %shift_left3A_369 : vector<16xi32> to vector<16xf32>
          %get3A_371 = arith.index_cast %add3A_359 : i32 to index
          %get3A_372 = tpu.vector_load %arg9[%get3A_371] {strides = array<i32>} : memref<16384xf32, #tpu.memory_space<vmem>>, vector<16xf32>,
          %mul3A_373 = arith.mulf %gather3A_126, %bitcast3A_366 : vector<16xf32>
          %mul3A_374 = arith.mulf %gather3A_145, %bitcast3A_370 : vector<16xf32>
          %add3A_375 = arith.addf %mul3A_373, %mul3A_374 : vector<16xf32>
          %mul3A_376 = arith.mulf %gather3A_164, %get3A_372 : vector<16xf32>
          %add3A_377 = arith.addf %add3A_375, %mul3A_376 : vector<16xf32>
          %get3A_378 = arith.index_cast %add3A_359 : i32 to index
          %get3A_379 = tpu.vector_load %arg7[%get3A_378] {strides = array<i32>} : memref<16384xf32, #tpu.memory_space<vmem>>, vector<16xf32>,
          %add3A_380 = arith.addf %gather3A_109, %get3A_379 : vector<16xf32>
          %mul3A_381 = arith.constant 2.000000e+00 : f32
          %mul3A_382 = vector.broadcast %mul3A_381 : f32 to vector<16xf32>
          %mul3A_383 = arith.mulf %mul3A_382, %add3A_377 : vector<16xf32>
          %sub3A_384 = arith.subf %add3A_380, %mul3A_383 : vector<16xf32>
          %lt3A_385 = arith.constant 6.400000e-01 : f32
          %lt3A_386 = vector.broadcast %lt3A_385 : f32 to vector<16xf32>
          %lt3A_387 = arith.cmpf olt, %sub3A_384, %lt3A_386 : vector<16xf32>
          %or3A_388 = arith.ori %or3A_357, %lt3A_387 : vector<16xi1>
          %add3A_389 = arith.constant 96 : i32
          %add3A_390 = arith.addi %multiple_of3A, %add3A_389 : i32
          %get3A_391 = arith.index_cast %add3A_390 : i32 to index
          %get3A_392 = tpu.vector_load %arg8[%get3A_391] {strides = array<i32>} : memref<16384xf32, #tpu.memory_space<vmem>>, vector<16xf32>,
          %bitcast3A_393 = vector.bitcast %get3A_392 : vector<16xf32> to vector<16xi32>
          %and3A_394 = arith.constant -65536 : i32
          %and3A_395 = vector.broadcast %and3A_394 : i32 to vector<16xi32>
          %and3A_396 = arith.andi %bitcast3A_393, %and3A_395 : vector<16xi32>
          %bitcast3A_397 = vector.bitcast %and3A_396 : vector<16xi32> to vector<16xf32>
          %shift_left3A_398 = arith.constant 16 : i32
          %shift_left3A_399 = vector.broadcast %shift_left3A_398 : i32 to vector<16xi32>
          %shift_left3A_400 = arith.shli %bitcast3A_393, %shift_left3A_399 : vector<16xi32>
          %bitcast3A_401 = vector.bitcast %shift_left3A_400 : vector<16xi32> to vector<16xf32>
          %get3A_402 = arith.index_cast %add3A_390 : i32 to index
          %get3A_403 = tpu.vector_load %arg9[%get3A_402] {strides = array<i32>} : memref<16384xf32, #tpu.memory_space<vmem>>, vector<16xf32>,
          %mul3A_404 = arith.mulf %gather3A_126, %bitcast3A_397 : vector<16xf32>
          %mul3A_405 = arith.mulf %gather3A_145, %bitcast3A_401 : vector<16xf32>
          %add3A_406 = arith.addf %mul3A_404, %mul3A_405 : vector<16xf32>
          %mul3A_407 = arith.mulf %gather3A_164, %get3A_403 : vector<16xf32>
          %add3A_408 = arith.addf %add3A_406, %mul3A_407 : vector<16xf32>
          %get3A_409 = arith.index_cast %add3A_390 : i32 to index
          %get3A_410 = tpu.vector_load %arg7[%get3A_409] {strides = array<i32>} : memref<16384xf32, #tpu.memory_space<vmem>>, vector<16xf32>,
          %add3A_411 = arith.addf %gather3A_109, %get3A_410 : vector<16xf32>
          %mul3A_412 = arith.constant 2.000000e+00 : f32
          %mul3A_413 = vector.broadcast %mul3A_412 : f32 to vector<16xf32>
          %mul3A_414 = arith.mulf %mul3A_413, %add3A_408 : vector<16xf32>
          %sub3A_415 = arith.subf %add3A_411, %mul3A_414 : vector<16xf32>
          %lt3A_416 = arith.constant 6.400000e-01 : f32
          %lt3A_417 = vector.broadcast %lt3A_416 : f32 to vector<16xf32>
          %lt3A_418 = arith.cmpf olt, %sub3A_415, %lt3A_417 : vector<16xf32>
          %or3A_419 = arith.ori %or3A_388, %lt3A_418 : vector<16xi1>
          %add3A_420 = arith.constant 112 : i32
          %add3A_421 = arith.addi %multiple_of3A, %add3A_420 : i32
          %get3A_422 = arith.index_cast %add3A_421 : i32 to index
          %get3A_423 = tpu.vector_load %arg8[%get3A_422] {strides = array<i32>} : memref<16384xf32, #tpu.memory_space<vmem>>, vector<16xf32>,
          %bitcast3A_424 = vector.bitcast %get3A_423 : vector<16xf32> to vector<16xi32>
          %and3A_425 = arith.constant -65536 : i32
          %and3A_426 = vector.broadcast %and3A_425 : i32 to vector<16xi32>
          %and3A_427 = arith.andi %bitcast3A_424, %and3A_426 : vector<16xi32>
          %bitcast3A_428 = vector.bitcast %and3A_427 : vector<16xi32> to vector<16xf32>
          %shift_left3A_429 = arith.constant 16 : i32
          %shift_left3A_430 = vector.broadcast %shift_left3A_429 : i32 to vector<16xi32>
          %shift_left3A_431 = arith.shli %bitcast3A_424, %shift_left3A_430 : vector<16xi32>
          %bitcast3A_432 = vector.bitcast %shift_left3A_431 : vector<16xi32> to vector<16xf32>
          %get3A_433 = arith.index_cast %add3A_421 : i32 to index
          %get3A_434 = tpu.vector_load %arg9[%get3A_433] {strides = array<i32>} : memref<16384xf32, #tpu.memory_space<vmem>>, vector<16xf32>,
          %mul3A_435 = arith.mulf %gather3A_126, %bitcast3A_428 : vector<16xf32>
          %mul3A_436 = arith.mulf %gather3A_145, %bitcast3A_432 : vector<16xf32>
          %add3A_437 = arith.addf %mul3A_435, %mul3A_436 : vector<16xf32>
          %mul3A_438 = arith.mulf %gather3A_164, %get3A_434 : vector<16xf32>
          %add3A_439 = arith.addf %add3A_437, %mul3A_438 : vector<16xf32>
          %get3A_440 = arith.index_cast %add3A_421 : i32 to index
          %get3A_441 = tpu.vector_load %arg7[%get3A_440] {strides = array<i32>} : memref<16384xf32, #tpu.memory_space<vmem>>, vector<16xf32>,
          %add3A_442 = arith.addf %gather3A_109, %get3A_441 : vector<16xf32>
          %mul3A_443 = arith.constant 2.000000e+00 : f32
          %mul3A_444 = vector.broadcast %mul3A_443 : f32 to vector<16xf32>
          %mul3A_445 = arith.mulf %mul3A_444, %add3A_439 : vector<16xf32>
          %sub3A_446 = arith.subf %add3A_442, %mul3A_445 : vector<16xf32>
          %lt3A_447 = arith.constant 6.400000e-01 : f32
          %lt3A_448 = vector.broadcast %lt3A_447 : f32 to vector<16xf32>
          %lt3A_449 = arith.cmpf olt, %sub3A_446, %lt3A_448 : vector<16xf32>
          %or3A_450 = arith.ori %or3A_419, %lt3A_449 : vector<16xi1>
          %reduce_or3A = arith.constant 1.000000e+00 : f32
          %reduce_or3A_451 = arith.constant 0.000000e+00 : f32
          %reduce_or3A_452 = vector.broadcast %reduce_or3A : f32 to vector<16xf32>
          %reduce_or3A_453 = vector.broadcast %reduce_or3A_451 : f32 to vector<16xf32>
          %reduce_or3A_454 = arith.select %or3A_450, %reduce_or3A_452, %reduce_or3A_453 : vector<16xi1>, vector<16xf32>
          %reduce_or3A_455 = arith.constant true
          %reduce_or3A_456 = vector.broadcast %reduce_or3A_455 : i1 to vector<16xi1>
          %reduce_or3A_457 = tpu.scan <max>, %reduce_or3A_454 masked %reduce_or3A_456 : vector<16xf32>, vector<16xi1> -> vector<16xf32>
          %reduce_or3A_458 = vector.extract %reduce_or3A_457[15] : f32 from vector<16xf32>
          %reduce_or3A_459 = arith.constant 0.000000e+00 : f32
          %reduce_or3A_460 = arith.cmpf ogt, %reduce_or3A_458, %reduce_or3A_459 : f32
          %convert_element_type3A = arith.extui %reduce_or3A_460 : i1 to i32
          %cond3A = arith.constant 0 : i32
          %cond3A_461 = arith.cmpi ne, %convert_element_type3A, %cond3A : i32
          scf.if %cond3A_461 {
            %get3A_467 = arith.constant 0 : index
            %get3A_468 = tpu.vector_load %arg14[%get3A_467] {strides = array<i32>} : memref<16xi32, #tpu.memory_space<vmem>>, vector<16xi32>,
            %add3A_469 = arith.constant 0 : i32
            %add3A_470 = arith.addi %multiple_of3A, %add3A_469 : i32
            %get3A_471 = arith.index_cast %add3A_470 : i32 to index
            %get3A_472 = tpu.vector_load %arg8[%get3A_471] {strides = array<i32>} : memref<16384xf32, #tpu.memory_space<vmem>>, vector<16xf32>,
            %bitcast3A_473 = vector.bitcast %get3A_472 : vector<16xf32> to vector<16xi32>
            %and3A_474 = arith.constant -65536 : i32
            %and3A_475 = vector.broadcast %and3A_474 : i32 to vector<16xi32>
            %and3A_476 = arith.andi %bitcast3A_473, %and3A_475 : vector<16xi32>
            %bitcast3A_477 = vector.bitcast %and3A_476 : vector<16xi32> to vector<16xf32>
            %shift_left3A_478 = arith.constant 16 : i32
            %shift_left3A_479 = vector.broadcast %shift_left3A_478 : i32 to vector<16xi32>
            %shift_left3A_480 = arith.shli %bitcast3A_473, %shift_left3A_479 : vector<16xi32>
            %bitcast3A_481 = vector.bitcast %shift_left3A_480 : vector<16xi32> to vector<16xf32>
            %get3A_482 = arith.index_cast %add3A_470 : i32 to index
            %get3A_483 = tpu.vector_load %arg9[%get3A_482] {strides = array<i32>} : memref<16384xf32, #tpu.memory_space<vmem>>, vector<16xf32>,
            %mul3A_484 = arith.mulf %gather3A_126, %bitcast3A_477 : vector<16xf32>
            %mul3A_485 = arith.mulf %gather3A_145, %bitcast3A_481 : vector<16xf32>
            %add3A_486 = arith.addf %mul3A_484, %mul3A_485 : vector<16xf32>
            %mul3A_487 = arith.mulf %gather3A_164, %get3A_483 : vector<16xf32>
            %add3A_488 = arith.addf %add3A_486, %mul3A_487 : vector<16xf32>
            %get3A_489 = arith.index_cast %add3A_470 : i32 to index
            %get3A_490 = tpu.vector_load %arg7[%get3A_489] {strides = array<i32>} : memref<16384xf32, #tpu.memory_space<vmem>>, vector<16xf32>,
            %add3A_491 = arith.addf %gather3A_109, %get3A_490 : vector<16xf32>
            %mul3A_492 = arith.constant 2.000000e+00 : f32
            %mul3A_493 = vector.broadcast %mul3A_492 : f32 to vector<16xf32>
            %mul3A_494 = arith.mulf %mul3A_493, %add3A_488 : vector<16xf32>
            %sub3A_495 = arith.subf %add3A_491, %mul3A_494 : vector<16xf32>
            %lt3A_496 = arith.constant 6.400000e-01 : f32
            %lt3A_497 = vector.broadcast %lt3A_496 : f32 to vector<16xf32>
            %lt3A_498 = arith.cmpf olt, %sub3A_495, %lt3A_497 : vector<16xf32>
            %all_reduce_population_count3A = tpu.all_reduce %lt3A_498 {dim = 0 : i64, kind = #tpu.reduction_kind<sum>} : vector<16xi1> -> vector<16xi32>
            %add3A_499 = vector.broadcast %add3A_470 : i32 to vector<16xi32>
            %add3A_500 = arith.addi %add3A_499, %iota3A : vector<16xi32>
            %masked_sort3A = arith.constant -2147483648 : i32
            %masked_sort3A_501 = vector.broadcast %masked_sort3A : i32 to vector<16xi32>
            %masked_sort3A_502 = arith.xori %add3A_500, %masked_sort3A_501 : vector<16xi32>
            %masked_sort3A_503, %masked_sort3A_504, %masked_sort3A_505 = tpu.sort %masked_sort3A_502, %add3A_500 masked %lt3A_498 : (vector<16xi32>, vector<16xi32>, vector<16xi1>) -> (vector<16xi1>, vector<16xi32>, vector<16xi32>)
            %masked_sort3A_506 = arith.xori %masked_sort3A_504, %masked_sort3A_501 : vector<16xi32>
            %add3A_507 = arith.addi %get3A_468, %iota3A : vector<16xi32>
            %lt3A_508 = arith.cmpi slt, %iota3A, %all_reduce_population_count3A : vector<16xi32>
            %lt3A_509 = arith.constant 16 : i32
            %lt3A_510 = vector.broadcast %lt3A_509 : i32 to vector<16xi32>
            %lt3A_511 = arith.cmpi slt, %add3A_507, %lt3A_510 : vector<16xi32>
            %and3A_512 = arith.andi %lt3A_508, %lt3A_511 : vector<16xi1>
            tpu.vector_store_idx %arg13[%add3A_507], %masked_sort3A_506 masked %and3A_512 : memref<16xi32, #tpu.memory_space<vmem>>[vector<16xi32>], vector<16xi32>, vector<16xi1>
            %add3A_513 = arith.addi %get3A_468, %all_reduce_population_count3A : vector<16xi32>
            %min3A = arith.constant 16 : i32
            %min3A_514 = vector.broadcast %min3A : i32 to vector<16xi32>
            %min3A_515 = arith.minsi %add3A_513, %min3A_514 : vector<16xi32>
            %add3A_516 = arith.constant 16 : i32
            %add3A_517 = arith.addi %multiple_of3A, %add3A_516 : i32
            %get3A_518 = arith.index_cast %add3A_517 : i32 to index
            %get3A_519 = tpu.vector_load %arg8[%get3A_518] {strides = array<i32>} : memref<16384xf32, #tpu.memory_space<vmem>>, vector<16xf32>,
            %bitcast3A_520 = vector.bitcast %get3A_519 : vector<16xf32> to vector<16xi32>
            %and3A_521 = arith.constant -65536 : i32
            %and3A_522 = vector.broadcast %and3A_521 : i32 to vector<16xi32>
            %and3A_523 = arith.andi %bitcast3A_520, %and3A_522 : vector<16xi32>
            %bitcast3A_524 = vector.bitcast %and3A_523 : vector<16xi32> to vector<16xf32>
            %shift_left3A_525 = arith.constant 16 : i32
            %shift_left3A_526 = vector.broadcast %shift_left3A_525 : i32 to vector<16xi32>
            %shift_left3A_527 = arith.shli %bitcast3A_520, %shift_left3A_526 : vector<16xi32>
            %bitcast3A_528 = vector.bitcast %shift_left3A_527 : vector<16xi32> to vector<16xf32>
            %get3A_529 = arith.index_cast %add3A_517 : i32 to index
            %get3A_530 = tpu.vector_load %arg9[%get3A_529] {strides = array<i32>} : memref<16384xf32, #tpu.memory_space<vmem>>, vector<16xf32>,
            %mul3A_531 = arith.mulf %gather3A_126, %bitcast3A_524 : vector<16xf32>
            %mul3A_532 = arith.mulf %gather3A_145, %bitcast3A_528 : vector<16xf32>
            %add3A_533 = arith.addf %mul3A_531, %mul3A_532 : vector<16xf32>
            %mul3A_534 = arith.mulf %gather3A_164, %get3A_530 : vector<16xf32>
            %add3A_535 = arith.addf %add3A_533, %mul3A_534 : vector<16xf32>
            %get3A_536 = arith.index_cast %add3A_517 : i32 to index
            %get3A_537 = tpu.vector_load %arg7[%get3A_536] {strides = array<i32>} : memref<16384xf32, #tpu.memory_space<vmem>>, vector<16xf32>,
            %add3A_538 = arith.addf %gather3A_109, %get3A_537 : vector<16xf32>
            %mul3A_539 = arith.constant 2.000000e+00 : f32
            %mul3A_540 = vector.broadcast %mul3A_539 : f32 to vector<16xf32>
            %mul3A_541 = arith.mulf %mul3A_540, %add3A_535 : vector<16xf32>
            %sub3A_542 = arith.subf %add3A_538, %mul3A_541 : vector<16xf32>
            %lt3A_543 = arith.constant 6.400000e-01 : f32
            %lt3A_544 = vector.broadcast %lt3A_543 : f32 to vector<16xf32>
            %lt3A_545 = arith.cmpf olt, %sub3A_542, %lt3A_544 : vector<16xf32>
            %all_reduce_population_count3A_546 = tpu.all_reduce %lt3A_545 {dim = 0 : i64, kind = #tpu.reduction_kind<sum>} : vector<16xi1> -> vector<16xi32>
            %add3A_547 = vector.broadcast %add3A_517 : i32 to vector<16xi32>
            %add3A_548 = arith.addi %add3A_547, %iota3A : vector<16xi32>
            %masked_sort3A_549 = arith.constant -2147483648 : i32
            %masked_sort3A_550 = vector.broadcast %masked_sort3A_549 : i32 to vector<16xi32>
            %masked_sort3A_551 = arith.xori %add3A_548, %masked_sort3A_550 : vector<16xi32>
            %masked_sort3A_552, %masked_sort3A_553, %masked_sort3A_554 = tpu.sort %masked_sort3A_551, %add3A_548 masked %lt3A_545 : (vector<16xi32>, vector<16xi32>, vector<16xi1>) -> (vector<16xi1>, vector<16xi32>, vector<16xi32>)
            %masked_sort3A_555 = arith.xori %masked_sort3A_553, %masked_sort3A_550 : vector<16xi32>
            %add3A_556 = arith.addi %min3A_515, %iota3A : vector<16xi32>
            %lt3A_557 = arith.cmpi slt, %iota3A, %all_reduce_population_count3A_546 : vector<16xi32>
            %lt3A_558 = arith.constant 16 : i32
            %lt3A_559 = vector.broadcast %lt3A_558 : i32 to vector<16xi32>
            %lt3A_560 = arith.cmpi slt, %add3A_556, %lt3A_559 : vector<16xi32>
            %and3A_561 = arith.andi %lt3A_557, %lt3A_560 : vector<16xi1>
            tpu.vector_store_idx %arg13[%add3A_556], %masked_sort3A_555 masked %and3A_561 : memref<16xi32, #tpu.memory_space<vmem>>[vector<16xi32>], vector<16xi32>, vector<16xi1>
            %add3A_562 = arith.addi %min3A_515, %all_reduce_population_count3A_546 : vector<16xi32>
            %min3A_563 = arith.constant 16 : i32
            %min3A_564 = vector.broadcast %min3A_563 : i32 to vector<16xi32>
            %min3A_565 = arith.minsi %add3A_562, %min3A_564 : vector<16xi32>
            %add3A_566 = arith.constant 32 : i32
            %add3A_567 = arith.addi %multiple_of3A, %add3A_566 : i32
            %get3A_568 = arith.index_cast %add3A_567 : i32 to index
            %get3A_569 = tpu.vector_load %arg8[%get3A_568] {strides = array<i32>} : memref<16384xf32, #tpu.memory_space<vmem>>, vector<16xf32>,
            %bitcast3A_570 = vector.bitcast %get3A_569 : vector<16xf32> to vector<16xi32>
            %and3A_571 = arith.constant -65536 : i32
            %and3A_572 = vector.broadcast %and3A_571 : i32 to vector<16xi32>
            %and3A_573 = arith.andi %bitcast3A_570, %and3A_572 : vector<16xi32>
            %bitcast3A_574 = vector.bitcast %and3A_573 : vector<16xi32> to vector<16xf32>
            %shift_left3A_575 = arith.constant 16 : i32
            %shift_left3A_576 = vector.broadcast %shift_left3A_575 : i32 to vector<16xi32>
            %shift_left3A_577 = arith.shli %bitcast3A_570, %shift_left3A_576 : vector<16xi32>
            %bitcast3A_578 = vector.bitcast %shift_left3A_577 : vector<16xi32> to vector<16xf32>
            %get3A_579 = arith.index_cast %add3A_567 : i32 to index
            %get3A_580 = tpu.vector_load %arg9[%get3A_579] {strides = array<i32>} : memref<16384xf32, #tpu.memory_space<vmem>>, vector<16xf32>,
            %mul3A_581 = arith.mulf %gather3A_126, %bitcast3A_574 : vector<16xf32>
            %mul3A_582 = arith.mulf %gather3A_145, %bitcast3A_578 : vector<16xf32>
            %add3A_583 = arith.addf %mul3A_581, %mul3A_582 : vector<16xf32>
            %mul3A_584 = arith.mulf %gather3A_164, %get3A_580 : vector<16xf32>
            %add3A_585 = arith.addf %add3A_583, %mul3A_584 : vector<16xf32>
            %get3A_586 = arith.index_cast %add3A_567 : i32 to index
            %get3A_587 = tpu.vector_load %arg7[%get3A_586] {strides = array<i32>} : memref<16384xf32, #tpu.memory_space<vmem>>, vector<16xf32>,
            %add3A_588 = arith.addf %gather3A_109, %get3A_587 : vector<16xf32>
            %mul3A_589 = arith.constant 2.000000e+00 : f32
            %mul3A_590 = vector.broadcast %mul3A_589 : f32 to vector<16xf32>
            %mul3A_591 = arith.mulf %mul3A_590, %add3A_585 : vector<16xf32>
            %sub3A_592 = arith.subf %add3A_588, %mul3A_591 : vector<16xf32>
            %lt3A_593 = arith.constant 6.400000e-01 : f32
            %lt3A_594 = vector.broadcast %lt3A_593 : f32 to vector<16xf32>
            %lt3A_595 = arith.cmpf olt, %sub3A_592, %lt3A_594 : vector<16xf32>
            %all_reduce_population_count3A_596 = tpu.all_reduce %lt3A_595 {dim = 0 : i64, kind = #tpu.reduction_kind<sum>} : vector<16xi1> -> vector<16xi32>
            %add3A_597 = vector.broadcast %add3A_567 : i32 to vector<16xi32>
            %add3A_598 = arith.addi %add3A_597, %iota3A : vector<16xi32>
            %masked_sort3A_599 = arith.constant -2147483648 : i32
            %masked_sort3A_600 = vector.broadcast %masked_sort3A_599 : i32 to vector<16xi32>
            %masked_sort3A_601 = arith.xori %add3A_598, %masked_sort3A_600 : vector<16xi32>
            %masked_sort3A_602, %masked_sort3A_603, %masked_sort3A_604 = tpu.sort %masked_sort3A_601, %add3A_598 masked %lt3A_595 : (vector<16xi32>, vector<16xi32>, vector<16xi1>) -> (vector<16xi1>, vector<16xi32>, vector<16xi32>)
            %masked_sort3A_605 = arith.xori %masked_sort3A_603, %masked_sort3A_600 : vector<16xi32>
            %add3A_606 = arith.addi %min3A_565, %iota3A : vector<16xi32>
            %lt3A_607 = arith.cmpi slt, %iota3A, %all_reduce_population_count3A_596 : vector<16xi32>
            %lt3A_608 = arith.constant 16 : i32
            %lt3A_609 = vector.broadcast %lt3A_608 : i32 to vector<16xi32>
            %lt3A_610 = arith.cmpi slt, %add3A_606, %lt3A_609 : vector<16xi32>
            %and3A_611 = arith.andi %lt3A_607, %lt3A_610 : vector<16xi1>
            tpu.vector_store_idx %arg13[%add3A_606], %masked_sort3A_605 masked %and3A_611 : memref<16xi32, #tpu.memory_space<vmem>>[vector<16xi32>], vector<16xi32>, vector<16xi1>
            %add3A_612 = arith.addi %min3A_565, %all_reduce_population_count3A_596 : vector<16xi32>
            %min3A_613 = arith.constant 16 : i32
            %min3A_614 = vector.broadcast %min3A_613 : i32 to vector<16xi32>
            %min3A_615 = arith.minsi %add3A_612, %min3A_614 : vector<16xi32>
            %add3A_616 = arith.constant 48 : i32
            %add3A_617 = arith.addi %multiple_of3A, %add3A_616 : i32
            %get3A_618 = arith.index_cast %add3A_617 : i32 to index
            %get3A_619 = tpu.vector_load %arg8[%get3A_618] {strides = array<i32>} : memref<16384xf32, #tpu.memory_space<vmem>>, vector<16xf32>,
            %bitcast3A_620 = vector.bitcast %get3A_619 : vector<16xf32> to vector<16xi32>
            %and3A_621 = arith.constant -65536 : i32
            %and3A_622 = vector.broadcast %and3A_621 : i32 to vector<16xi32>
            %and3A_623 = arith.andi %bitcast3A_620, %and3A_622 : vector<16xi32>
            %bitcast3A_624 = vector.bitcast %and3A_623 : vector<16xi32> to vector<16xf32>
            %shift_left3A_625 = arith.constant 16 : i32
            %shift_left3A_626 = vector.broadcast %shift_left3A_625 : i32 to vector<16xi32>
            %shift_left3A_627 = arith.shli %bitcast3A_620, %shift_left3A_626 : vector<16xi32>
            %bitcast3A_628 = vector.bitcast %shift_left3A_627 : vector<16xi32> to vector<16xf32>
            %get3A_629 = arith.index_cast %add3A_617 : i32 to index
            %get3A_630 = tpu.vector_load %arg9[%get3A_629] {strides = array<i32>} : memref<16384xf32, #tpu.memory_space<vmem>>, vector<16xf32>,
            %mul3A_631 = arith.mulf %gather3A_126, %bitcast3A_624 : vector<16xf32>
            %mul3A_632 = arith.mulf %gather3A_145, %bitcast3A_628 : vector<16xf32>
            %add3A_633 = arith.addf %mul3A_631, %mul3A_632 : vector<16xf32>
            %mul3A_634 = arith.mulf %gather3A_164, %get3A_630 : vector<16xf32>
            %add3A_635 = arith.addf %add3A_633, %mul3A_634 : vector<16xf32>
            %get3A_636 = arith.index_cast %add3A_617 : i32 to index
            %get3A_637 = tpu.vector_load %arg7[%get3A_636] {strides = array<i32>} : memref<16384xf32, #tpu.memory_space<vmem>>, vector<16xf32>,
            %add3A_638 = arith.addf %gather3A_109, %get3A_637 : vector<16xf32>
            %mul3A_639 = arith.constant 2.000000e+00 : f32
            %mul3A_640 = vector.broadcast %mul3A_639 : f32 to vector<16xf32>
            %mul3A_641 = arith.mulf %mul3A_640, %add3A_635 : vector<16xf32>
            %sub3A_642 = arith.subf %add3A_638, %mul3A_641 : vector<16xf32>
            %lt3A_643 = arith.constant 6.400000e-01 : f32
            %lt3A_644 = vector.broadcast %lt3A_643 : f32 to vector<16xf32>
            %lt3A_645 = arith.cmpf olt, %sub3A_642, %lt3A_644 : vector<16xf32>
            %all_reduce_population_count3A_646 = tpu.all_reduce %lt3A_645 {dim = 0 : i64, kind = #tpu.reduction_kind<sum>} : vector<16xi1> -> vector<16xi32>
            %add3A_647 = vector.broadcast %add3A_617 : i32 to vector<16xi32>
            %add3A_648 = arith.addi %add3A_647, %iota3A : vector<16xi32>
            %masked_sort3A_649 = arith.constant -2147483648 : i32
            %masked_sort3A_650 = vector.broadcast %masked_sort3A_649 : i32 to vector<16xi32>
            %masked_sort3A_651 = arith.xori %add3A_648, %masked_sort3A_650 : vector<16xi32>
            %masked_sort3A_652, %masked_sort3A_653, %masked_sort3A_654 = tpu.sort %masked_sort3A_651, %add3A_648 masked %lt3A_645 : (vector<16xi32>, vector<16xi32>, vector<16xi1>) -> (vector<16xi1>, vector<16xi32>, vector<16xi32>)
            %masked_sort3A_655 = arith.xori %masked_sort3A_653, %masked_sort3A_650 : vector<16xi32>
            %add3A_656 = arith.addi %min3A_615, %iota3A : vector<16xi32>
            %lt3A_657 = arith.cmpi slt, %iota3A, %all_reduce_population_count3A_646 : vector<16xi32>
            %lt3A_658 = arith.constant 16 : i32
            %lt3A_659 = vector.broadcast %lt3A_658 : i32 to vector<16xi32>
            %lt3A_660 = arith.cmpi slt, %add3A_656, %lt3A_659 : vector<16xi32>
            %and3A_661 = arith.andi %lt3A_657, %lt3A_660 : vector<16xi1>
            tpu.vector_store_idx %arg13[%add3A_656], %masked_sort3A_655 masked %and3A_661 : memref<16xi32, #tpu.memory_space<vmem>>[vector<16xi32>], vector<16xi32>, vector<16xi1>
            %add3A_662 = arith.addi %min3A_615, %all_reduce_population_count3A_646 : vector<16xi32>
            %min3A_663 = arith.constant 16 : i32
            %min3A_664 = vector.broadcast %min3A_663 : i32 to vector<16xi32>
            %min3A_665 = arith.minsi %add3A_662, %min3A_664 : vector<16xi32>
            %add3A_666 = arith.constant 64 : i32
            %add3A_667 = arith.addi %multiple_of3A, %add3A_666 : i32
            %get3A_668 = arith.index_cast %add3A_667 : i32 to index
            %get3A_669 = tpu.vector_load %arg8[%get3A_668] {strides = array<i32>} : memref<16384xf32, #tpu.memory_space<vmem>>, vector<16xf32>,
            %bitcast3A_670 = vector.bitcast %get3A_669 : vector<16xf32> to vector<16xi32>
            %and3A_671 = arith.constant -65536 : i32
            %and3A_672 = vector.broadcast %and3A_671 : i32 to vector<16xi32>
            %and3A_673 = arith.andi %bitcast3A_670, %and3A_672 : vector<16xi32>
            %bitcast3A_674 = vector.bitcast %and3A_673 : vector<16xi32> to vector<16xf32>
            %shift_left3A_675 = arith.constant 16 : i32
            %shift_left3A_676 = vector.broadcast %shift_left3A_675 : i32 to vector<16xi32>
            %shift_left3A_677 = arith.shli %bitcast3A_670, %shift_left3A_676 : vector<16xi32>
            %bitcast3A_678 = vector.bitcast %shift_left3A_677 : vector<16xi32> to vector<16xf32>
            %get3A_679 = arith.index_cast %add3A_667 : i32 to index
            %get3A_680 = tpu.vector_load %arg9[%get3A_679] {strides = array<i32>} : memref<16384xf32, #tpu.memory_space<vmem>>, vector<16xf32>,
            %mul3A_681 = arith.mulf %gather3A_126, %bitcast3A_674 : vector<16xf32>
            %mul3A_682 = arith.mulf %gather3A_145, %bitcast3A_678 : vector<16xf32>
            %add3A_683 = arith.addf %mul3A_681, %mul3A_682 : vector<16xf32>
            %mul3A_684 = arith.mulf %gather3A_164, %get3A_680 : vector<16xf32>
            %add3A_685 = arith.addf %add3A_683, %mul3A_684 : vector<16xf32>
            %get3A_686 = arith.index_cast %add3A_667 : i32 to index
            %get3A_687 = tpu.vector_load %arg7[%get3A_686] {strides = array<i32>} : memref<16384xf32, #tpu.memory_space<vmem>>, vector<16xf32>,
            %add3A_688 = arith.addf %gather3A_109, %get3A_687 : vector<16xf32>
            %mul3A_689 = arith.constant 2.000000e+00 : f32
            %mul3A_690 = vector.broadcast %mul3A_689 : f32 to vector<16xf32>
            %mul3A_691 = arith.mulf %mul3A_690, %add3A_685 : vector<16xf32>
            %sub3A_692 = arith.subf %add3A_688, %mul3A_691 : vector<16xf32>
            %lt3A_693 = arith.constant 6.400000e-01 : f32
            %lt3A_694 = vector.broadcast %lt3A_693 : f32 to vector<16xf32>
            %lt3A_695 = arith.cmpf olt, %sub3A_692, %lt3A_694 : vector<16xf32>
            %all_reduce_population_count3A_696 = tpu.all_reduce %lt3A_695 {dim = 0 : i64, kind = #tpu.reduction_kind<sum>} : vector<16xi1> -> vector<16xi32>
            %add3A_697 = vector.broadcast %add3A_667 : i32 to vector<16xi32>
            %add3A_698 = arith.addi %add3A_697, %iota3A : vector<16xi32>
            %masked_sort3A_699 = arith.constant -2147483648 : i32
            %masked_sort3A_700 = vector.broadcast %masked_sort3A_699 : i32 to vector<16xi32>
            %masked_sort3A_701 = arith.xori %add3A_698, %masked_sort3A_700 : vector<16xi32>
            %masked_sort3A_702, %masked_sort3A_703, %masked_sort3A_704 = tpu.sort %masked_sort3A_701, %add3A_698 masked %lt3A_695 : (vector<16xi32>, vector<16xi32>, vector<16xi1>) -> (vector<16xi1>, vector<16xi32>, vector<16xi32>)
            %masked_sort3A_705 = arith.xori %masked_sort3A_703, %masked_sort3A_700 : vector<16xi32>
            %add3A_706 = arith.addi %min3A_665, %iota3A : vector<16xi32>
            %lt3A_707 = arith.cmpi slt, %iota3A, %all_reduce_population_count3A_696 : vector<16xi32>
            %lt3A_708 = arith.constant 16 : i32
            %lt3A_709 = vector.broadcast %lt3A_708 : i32 to vector<16xi32>
            %lt3A_710 = arith.cmpi slt, %add3A_706, %lt3A_709 : vector<16xi32>
            %and3A_711 = arith.andi %lt3A_707, %lt3A_710 : vector<16xi1>
            tpu.vector_store_idx %arg13[%add3A_706], %masked_sort3A_705 masked %and3A_711 : memref<16xi32, #tpu.memory_space<vmem>>[vector<16xi32>], vector<16xi32>, vector<16xi1>
            %add3A_712 = arith.addi %min3A_665, %all_reduce_population_count3A_696 : vector<16xi32>
            %min3A_713 = arith.constant 16 : i32
            %min3A_714 = vector.broadcast %min3A_713 : i32 to vector<16xi32>
            %min3A_715 = arith.minsi %add3A_712, %min3A_714 : vector<16xi32>
            %add3A_716 = arith.constant 80 : i32
            %add3A_717 = arith.addi %multiple_of3A, %add3A_716 : i32
            %get3A_718 = arith.index_cast %add3A_717 : i32 to index
            %get3A_719 = tpu.vector_load %arg8[%get3A_718] {strides = array<i32>} : memref<16384xf32, #tpu.memory_space<vmem>>, vector<16xf32>,
            %bitcast3A_720 = vector.bitcast %get3A_719 : vector<16xf32> to vector<16xi32>
            %and3A_721 = arith.constant -65536 : i32
            %and3A_722 = vector.broadcast %and3A_721 : i32 to vector<16xi32>
            %and3A_723 = arith.andi %bitcast3A_720, %and3A_722 : vector<16xi32>
            %bitcast3A_724 = vector.bitcast %and3A_723 : vector<16xi32> to vector<16xf32>
            %shift_left3A_725 = arith.constant 16 : i32
            %shift_left3A_726 = vector.broadcast %shift_left3A_725 : i32 to vector<16xi32>
            %shift_left3A_727 = arith.shli %bitcast3A_720, %shift_left3A_726 : vector<16xi32>
            %bitcast3A_728 = vector.bitcast %shift_left3A_727 : vector<16xi32> to vector<16xf32>
            %get3A_729 = arith.index_cast %add3A_717 : i32 to index
            %get3A_730 = tpu.vector_load %arg9[%get3A_729] {strides = array<i32>} : memref<16384xf32, #tpu.memory_space<vmem>>, vector<16xf32>,
            %mul3A_731 = arith.mulf %gather3A_126, %bitcast3A_724 : vector<16xf32>
            %mul3A_732 = arith.mulf %gather3A_145, %bitcast3A_728 : vector<16xf32>
            %add3A_733 = arith.addf %mul3A_731, %mul3A_732 : vector<16xf32>
            %mul3A_734 = arith.mulf %gather3A_164, %get3A_730 : vector<16xf32>
            %add3A_735 = arith.addf %add3A_733, %mul3A_734 : vector<16xf32>
            %get3A_736 = arith.index_cast %add3A_717 : i32 to index
            %get3A_737 = tpu.vector_load %arg7[%get3A_736] {strides = array<i32>} : memref<16384xf32, #tpu.memory_space<vmem>>, vector<16xf32>,
            %add3A_738 = arith.addf %gather3A_109, %get3A_737 : vector<16xf32>
            %mul3A_739 = arith.constant 2.000000e+00 : f32
            %mul3A_740 = vector.broadcast %mul3A_739 : f32 to vector<16xf32>
            %mul3A_741 = arith.mulf %mul3A_740, %add3A_735 : vector<16xf32>
            %sub3A_742 = arith.subf %add3A_738, %mul3A_741 : vector<16xf32>
            %lt3A_743 = arith.constant 6.400000e-01 : f32
            %lt3A_744 = vector.broadcast %lt3A_743 : f32 to vector<16xf32>
            %lt3A_745 = arith.cmpf olt, %sub3A_742, %lt3A_744 : vector<16xf32>
            %all_reduce_population_count3A_746 = tpu.all_reduce %lt3A_745 {dim = 0 : i64, kind = #tpu.reduction_kind<sum>} : vector<16xi1> -> vector<16xi32>
            %add3A_747 = vector.broadcast %add3A_717 : i32 to vector<16xi32>
            %add3A_748 = arith.addi %add3A_747, %iota3A : vector<16xi32>
            %masked_sort3A_749 = arith.constant -2147483648 : i32
            %masked_sort3A_750 = vector.broadcast %masked_sort3A_749 : i32 to vector<16xi32>
            %masked_sort3A_751 = arith.xori %add3A_748, %masked_sort3A_750 : vector<16xi32>
            %masked_sort3A_752, %masked_sort3A_753, %masked_sort3A_754 = tpu.sort %masked_sort3A_751, %add3A_748 masked %lt3A_745 : (vector<16xi32>, vector<16xi32>, vector<16xi1>) -> (vector<16xi1>, vector<16xi32>, vector<16xi32>)
            %masked_sort3A_755 = arith.xori %masked_sort3A_753, %masked_sort3A_750 : vector<16xi32>
            %add3A_756 = arith.addi %min3A_715, %iota3A : vector<16xi32>
            %lt3A_757 = arith.cmpi slt, %iota3A, %all_reduce_population_count3A_746 : vector<16xi32>
            %lt3A_758 = arith.constant 16 : i32
            %lt3A_759 = vector.broadcast %lt3A_758 : i32 to vector<16xi32>
            %lt3A_760 = arith.cmpi slt, %add3A_756, %lt3A_759 : vector<16xi32>
            %and3A_761 = arith.andi %lt3A_757, %lt3A_760 : vector<16xi1>
            tpu.vector_store_idx %arg13[%add3A_756], %masked_sort3A_755 masked %and3A_761 : memref<16xi32, #tpu.memory_space<vmem>>[vector<16xi32>], vector<16xi32>, vector<16xi1>
            %add3A_762 = arith.addi %min3A_715, %all_reduce_population_count3A_746 : vector<16xi32>
            %min3A_763 = arith.constant 16 : i32
            %min3A_764 = vector.broadcast %min3A_763 : i32 to vector<16xi32>
            %min3A_765 = arith.minsi %add3A_762, %min3A_764 : vector<16xi32>
            %add3A_766 = arith.constant 96 : i32
            %add3A_767 = arith.addi %multiple_of3A, %add3A_766 : i32
            %get3A_768 = arith.index_cast %add3A_767 : i32 to index
            %get3A_769 = tpu.vector_load %arg8[%get3A_768] {strides = array<i32>} : memref<16384xf32, #tpu.memory_space<vmem>>, vector<16xf32>,
            %bitcast3A_770 = vector.bitcast %get3A_769 : vector<16xf32> to vector<16xi32>
            %and3A_771 = arith.constant -65536 : i32
            %and3A_772 = vector.broadcast %and3A_771 : i32 to vector<16xi32>
            %and3A_773 = arith.andi %bitcast3A_770, %and3A_772 : vector<16xi32>
            %bitcast3A_774 = vector.bitcast %and3A_773 : vector<16xi32> to vector<16xf32>
            %shift_left3A_775 = arith.constant 16 : i32
            %shift_left3A_776 = vector.broadcast %shift_left3A_775 : i32 to vector<16xi32>
            %shift_left3A_777 = arith.shli %bitcast3A_770, %shift_left3A_776 : vector<16xi32>
            %bitcast3A_778 = vector.bitcast %shift_left3A_777 : vector<16xi32> to vector<16xf32>
            %get3A_779 = arith.index_cast %add3A_767 : i32 to index
            %get3A_780 = tpu.vector_load %arg9[%get3A_779] {strides = array<i32>} : memref<16384xf32, #tpu.memory_space<vmem>>, vector<16xf32>,
            %mul3A_781 = arith.mulf %gather3A_126, %bitcast3A_774 : vector<16xf32>
            %mul3A_782 = arith.mulf %gather3A_145, %bitcast3A_778 : vector<16xf32>
            %add3A_783 = arith.addf %mul3A_781, %mul3A_782 : vector<16xf32>
            %mul3A_784 = arith.mulf %gather3A_164, %get3A_780 : vector<16xf32>
            %add3A_785 = arith.addf %add3A_783, %mul3A_784 : vector<16xf32>
            %get3A_786 = arith.index_cast %add3A_767 : i32 to index
            %get3A_787 = tpu.vector_load %arg7[%get3A_786] {strides = array<i32>} : memref<16384xf32, #tpu.memory_space<vmem>>, vector<16xf32>,
            %add3A_788 = arith.addf %gather3A_109, %get3A_787 : vector<16xf32>
            %mul3A_789 = arith.constant 2.000000e+00 : f32
            %mul3A_790 = vector.broadcast %mul3A_789 : f32 to vector<16xf32>
            %mul3A_791 = arith.mulf %mul3A_790, %add3A_785 : vector<16xf32>
            %sub3A_792 = arith.subf %add3A_788, %mul3A_791 : vector<16xf32>
            %lt3A_793 = arith.constant 6.400000e-01 : f32
            %lt3A_794 = vector.broadcast %lt3A_793 : f32 to vector<16xf32>
            %lt3A_795 = arith.cmpf olt, %sub3A_792, %lt3A_794 : vector<16xf32>
            %all_reduce_population_count3A_796 = tpu.all_reduce %lt3A_795 {dim = 0 : i64, kind = #tpu.reduction_kind<sum>} : vector<16xi1> -> vector<16xi32>
            %add3A_797 = vector.broadcast %add3A_767 : i32 to vector<16xi32>
            %add3A_798 = arith.addi %add3A_797, %iota3A : vector<16xi32>
            %masked_sort3A_799 = arith.constant -2147483648 : i32
            %masked_sort3A_800 = vector.broadcast %masked_sort3A_799 : i32 to vector<16xi32>
            %masked_sort3A_801 = arith.xori %add3A_798, %masked_sort3A_800 : vector<16xi32>
            %masked_sort3A_802, %masked_sort3A_803, %masked_sort3A_804 = tpu.sort %masked_sort3A_801, %add3A_798 masked %lt3A_795 : (vector<16xi32>, vector<16xi32>, vector<16xi1>) -> (vector<16xi1>, vector<16xi32>, vector<16xi32>)
            %masked_sort3A_805 = arith.xori %masked_sort3A_803, %masked_sort3A_800 : vector<16xi32>
            %add3A_806 = arith.addi %min3A_765, %iota3A : vector<16xi32>
            %lt3A_807 = arith.cmpi slt, %iota3A, %all_reduce_population_count3A_796 : vector<16xi32>
            %lt3A_808 = arith.constant 16 : i32
            %lt3A_809 = vector.broadcast %lt3A_808 : i32 to vector<16xi32>
            %lt3A_810 = arith.cmpi slt, %add3A_806, %lt3A_809 : vector<16xi32>
            %and3A_811 = arith.andi %lt3A_807, %lt3A_810 : vector<16xi1>
            tpu.vector_store_idx %arg13[%add3A_806], %masked_sort3A_805 masked %and3A_811 : memref<16xi32, #tpu.memory_space<vmem>>[vector<16xi32>], vector<16xi32>, vector<16xi1>
            %add3A_812 = arith.addi %min3A_765, %all_reduce_population_count3A_796 : vector<16xi32>
            %min3A_813 = arith.constant 16 : i32
            %min3A_814 = vector.broadcast %min3A_813 : i32 to vector<16xi32>
            %min3A_815 = arith.minsi %add3A_812, %min3A_814 : vector<16xi32>
            %add3A_816 = arith.constant 112 : i32
            %add3A_817 = arith.addi %multiple_of3A, %add3A_816 : i32
            %get3A_818 = arith.index_cast %add3A_817 : i32 to index
            %get3A_819 = tpu.vector_load %arg8[%get3A_818] {strides = array<i32>} : memref<16384xf32, #tpu.memory_space<vmem>>, vector<16xf32>,
            %bitcast3A_820 = vector.bitcast %get3A_819 : vector<16xf32> to vector<16xi32>
            %and3A_821 = arith.constant -65536 : i32
            %and3A_822 = vector.broadcast %and3A_821 : i32 to vector<16xi32>
            %and3A_823 = arith.andi %bitcast3A_820, %and3A_822 : vector<16xi32>
            %bitcast3A_824 = vector.bitcast %and3A_823 : vector<16xi32> to vector<16xf32>
            %shift_left3A_825 = arith.constant 16 : i32
            %shift_left3A_826 = vector.broadcast %shift_left3A_825 : i32 to vector<16xi32>
            %shift_left3A_827 = arith.shli %bitcast3A_820, %shift_left3A_826 : vector<16xi32>
            %bitcast3A_828 = vector.bitcast %shift_left3A_827 : vector<16xi32> to vector<16xf32>
            %get3A_829 = arith.index_cast %add3A_817 : i32 to index
            %get3A_830 = tpu.vector_load %arg9[%get3A_829] {strides = array<i32>} : memref<16384xf32, #tpu.memory_space<vmem>>, vector<16xf32>,
            %mul3A_831 = arith.mulf %gather3A_126, %bitcast3A_824 : vector<16xf32>
            %mul3A_832 = arith.mulf %gather3A_145, %bitcast3A_828 : vector<16xf32>
            %add3A_833 = arith.addf %mul3A_831, %mul3A_832 : vector<16xf32>
            %mul3A_834 = arith.mulf %gather3A_164, %get3A_830 : vector<16xf32>
            %add3A_835 = arith.addf %add3A_833, %mul3A_834 : vector<16xf32>
            %get3A_836 = arith.index_cast %add3A_817 : i32 to index
            %get3A_837 = tpu.vector_load %arg7[%get3A_836] {strides = array<i32>} : memref<16384xf32, #tpu.memory_space<vmem>>, vector<16xf32>,
            %add3A_838 = arith.addf %gather3A_109, %get3A_837 : vector<16xf32>
            %mul3A_839 = arith.constant 2.000000e+00 : f32
            %mul3A_840 = vector.broadcast %mul3A_839 : f32 to vector<16xf32>
            %mul3A_841 = arith.mulf %mul3A_840, %add3A_835 : vector<16xf32>
            %sub3A_842 = arith.subf %add3A_838, %mul3A_841 : vector<16xf32>
            %lt3A_843 = arith.constant 6.400000e-01 : f32
            %lt3A_844 = vector.broadcast %lt3A_843 : f32 to vector<16xf32>
            %lt3A_845 = arith.cmpf olt, %sub3A_842, %lt3A_844 : vector<16xf32>
            %all_reduce_population_count3A_846 = tpu.all_reduce %lt3A_845 {dim = 0 : i64, kind = #tpu.reduction_kind<sum>} : vector<16xi1> -> vector<16xi32>
            %add3A_847 = vector.broadcast %add3A_817 : i32 to vector<16xi32>
            %add3A_848 = arith.addi %add3A_847, %iota3A : vector<16xi32>
            %masked_sort3A_849 = arith.constant -2147483648 : i32
            %masked_sort3A_850 = vector.broadcast %masked_sort3A_849 : i32 to vector<16xi32>
            %masked_sort3A_851 = arith.xori %add3A_848, %masked_sort3A_850 : vector<16xi32>
            %masked_sort3A_852, %masked_sort3A_853, %masked_sort3A_854 = tpu.sort %masked_sort3A_851, %add3A_848 masked %lt3A_845 : (vector<16xi32>, vector<16xi32>, vector<16xi1>) -> (vector<16xi1>, vector<16xi32>, vector<16xi32>)
            %masked_sort3A_855 = arith.xori %masked_sort3A_853, %masked_sort3A_850 : vector<16xi32>
            %add3A_856 = arith.addi %min3A_815, %iota3A : vector<16xi32>
            %lt3A_857 = arith.cmpi slt, %iota3A, %all_reduce_population_count3A_846 : vector<16xi32>
            %lt3A_858 = arith.constant 16 : i32
            %lt3A_859 = vector.broadcast %lt3A_858 : i32 to vector<16xi32>
            %lt3A_860 = arith.cmpi slt, %add3A_856, %lt3A_859 : vector<16xi32>
            %and3A_861 = arith.andi %lt3A_857, %lt3A_860 : vector<16xi1>
            tpu.vector_store_idx %arg13[%add3A_856], %masked_sort3A_855 masked %and3A_861 : memref<16xi32, #tpu.memory_space<vmem>>[vector<16xi32>], vector<16xi32>, vector<16xi1>
            %add3A_862 = arith.addi %min3A_815, %all_reduce_population_count3A_846 : vector<16xi32>
            %min3A_863 = arith.constant 16 : i32
            %min3A_864 = vector.broadcast %min3A_863 : i32 to vector<16xi32>
            %min3A_865 = arith.minsi %add3A_862, %min3A_864 : vector<16xi32>
            %swap3A_866 = arith.constant 0 : index
            %swap3A_867 = tpu.vector_load %arg14[%swap3A_866] {strides = array<i32>} : memref<16xi32, #tpu.memory_space<vmem>>, vector<16xi32>,
            tpu.vector_store %arg14[%swap3A_866], %min3A_865 {strides = array<i32>} : memref<16xi32, #tpu.memory_space<vmem>>, vector<16xi32>,
            %reduce_max3A = arith.constant true
            %reduce_max3A_868 = vector.broadcast %reduce_max3A : i1 to vector<16xi1>
            %reduce_max3A_869 = arith.constant -2147483648 : i32
            %reduce_max3A_870 = vector.broadcast %reduce_max3A_869 : i32 to vector<16xi32>
            %reduce_max3A_871 = arith.xori %min3A_865, %reduce_max3A_870 : vector<16xi32>
            %reduce_max3A_872 = tpu.scan <max>, %reduce_max3A_871 masked %reduce_max3A_868 : vector<16xi32>, vector<16xi1> -> vector<16xi32>
            %reduce_max3A_873 = arith.xori %reduce_max3A_872, %reduce_max3A_870 : vector<16xi32>
            %reduce_max3A_874 = vector.extract %reduce_max3A_873[15] : i32 from vector<16xi32>
            %swap3A_875 = arith.constant 0 : i32
            %swap3A_876 = arith.index_cast %swap3A_875 : i32 to index
            %swap3A_877 = memref.load %arg18[%swap3A_876] : memref<1xi32, #tpu.memory_space<smem>>
            memref.store %reduce_max3A_874, %arg18[%swap3A_876] : memref<1xi32, #tpu.memory_space<smem>>
          } else {
          }
          %add3A_462 = arith.constant 1 : i32
          %add3A_463 = arith.addi %while3A_204, %add3A_462 : i32
          %get3A_464 = arith.constant 0 : i32
          %get3A_465 = arith.index_cast %get3A_464 : i32 to index
          %get3A_466 = memref.load %arg18[%get3A_465] : memref<1xi32, #tpu.memory_space<smem>>
          scf.yield %add3A_463, %get3A_466 : i32, i32
        }
        %get3A_172 = arith.constant 0 : index
        %get3A_173 = tpu.vector_load %arg14[%get3A_172] {strides = array<i32>} : memref<16xi32, #tpu.memory_space<vmem>>, vector<16xi32>,
        %get3A_174 = arith.constant 0 : index
        %get3A_175 = tpu.vector_load %arg13[%get3A_174] {strides = array<i32>} : memref<16xi32, #tpu.memory_space<vmem>>, vector<16xi32>,
        %jit3A_176 = arith.constant -1 : i32
        %broadcast_in_dim3A_177 = vector.broadcast %jit3A_176 : i32 to vector<16xi32>
        %select_n3A_178 = arith.select %eq3A_34, %get3A_175, %broadcast_in_dim3A_177 : vector<16xi1>, vector<16xi32>
        %broadcast_in_dim3A_179 = arith.constant true
        %broadcast_in_dim3A_180 = vector.broadcast %broadcast_in_dim3A_179 : i1 to vector<16xi1>
        %masked_cummax3A = arith.constant -2147483648 : i32
        %masked_cummax3A_181 = vector.broadcast %masked_cummax3A : i32 to vector<16xi32>
        %masked_cummax3A_182 = arith.xori %select_n3A_178, %masked_cummax3A_181 : vector<16xi32>
        %masked_cummax3A_183 = tpu.scan <max>, %masked_cummax3A_182 masked %broadcast_in_dim3A_180 : vector<16xi32>, vector<16xi1> -> vector<16xi32>
        %masked_cummax3A_184 = arith.xori %masked_cummax3A_183, %masked_cummax3A_181 : vector<16xi32>
        %lt3A = arith.cmpi slt, %iota3A, %get3A_173 : vector<16xi32>
        %gt3A = arith.constant 0 : i32
        %gt3A_185 = vector.broadcast %gt3A : i32 to vector<16xi32>
        %gt3A_186 = arith.cmpi sgt, %get3A_173, %gt3A_185 : vector<16xi32>
        %select_n3A_187 = arith.select %lt3A, %get3A_175, %masked_cummax3A_184 : vector<16xi1>, vector<16xi32>
        %jit3A_188 = arith.constant 0 : i32
        %broadcast_in_dim3A_189 = vector.broadcast %jit3A_188 : i32 to vector<16xi32>
        %select_n3A_190 = arith.select %gt3A_186, %select_n3A_187, %broadcast_in_dim3A_189 : vector<16xi1>, vector<16xi32>
        %add3A_191 = arith.constant 0 : i32
        %add3A_192 = arith.addi %add3A_191, %scan3A_86 : i32
        %swap3A_193 = arith.index_cast %add3A_192 : i32 to index
        %swap3A_194 = arith.constant 0 : index
        %swap3A_195 = tpu.vector_load %arg15[%swap3A_193, %swap3A_194] {strides = array<i32>} : memref<64x16xi32, #tpu.memory_space<vmem>>, vector<16xi32>,
        tpu.vector_store %arg15[%swap3A_193, %swap3A_194], %select_n3A_190 {strides = array<i32>} : memref<64x16xi32, #tpu.memory_space<vmem>>, vector<16xi32>,
        %jit3A_196 = arith.constant 16384 : i32
        %broadcast_in_dim3A_197 = vector.broadcast %jit3A_196 : i32 to vector<16xi32>
        %select_n3A_198 = arith.select %gt3A_186, %select_n3A_190, %broadcast_in_dim3A_197 : vector<16xi1>, vector<16xi32>
        %swap3A_199 = arith.index_cast %add3A_192 : i32 to index
        %swap3A_200 = arith.constant 0 : index
        %swap3A_201 = tpu.vector_load %arg16[%swap3A_199, %swap3A_200] {strides = array<i32>} : memref<64x16xi32, #tpu.memory_space<vmem>>, vector<16xi32>,
        tpu.vector_store %arg16[%swap3A_199, %swap3A_200], %select_n3A_198 {strides = array<i32>} : memref<64x16xi32, #tpu.memory_space<vmem>>, vector<16xi32>,
        %broadcast_in_dim3A_202 = vector.broadcast %add3A_92 : i32 to vector<16xi32>
        tpu.vector_store_idx %arg17[%broadcast_in_dim3A_202], %get3A_173 masked %eq3A_34 : memref<512xi32, #tpu.memory_space<vmem>>[vector<16xi32>], vector<16xi32>, vector<16xi1>
        %scan3A_203 = arith.constant 0 : i32
        scf.yield %scan3A_203 : i32
      }
      %scan3A_57 = arith.constant 16 : i32
      %scan3A_58 = arith.constant 0 : i32
      %scan3A_59 = arith.constant 0 : i32
      %scan3A_60 = arith.constant 16 : i32
      %scan3A_61 = arith.addi %scan3A_59, %scan3A_60 : i32
      %scan3A_62 = arith.constant 1 : i32
      %scan3A_63 = scf.for %scan3A_86 = %scan3A_59 to %scan3A_61 step %scan3A_62 iter_args(%scan3A_87 = %scan3A_58) -> (i32)  : i32 {
        %mul3A_88 = arith.constant 64 : i32
        %mul3A_89 = arith.muli %scan3A_49, %mul3A_88 : i32
        %add3A_90 = arith.constant 16 : i32
        %add3A_91 = arith.addi %mul3A_89, %add3A_90 : i32
        %add3A_92 = arith.addi %add3A_91, %scan3A_86 : i32
        %mul3A_93 = arith.constant 64 : i32
        %mul3A_94 = arith.muli %scan3A_49, %mul3A_93 : i32
        %add3A_95 = arith.constant 16 : i32
        %add3A_96 = arith.addi %mul3A_94, %add3A_95 : i32
        %get3A = arith.index_cast %add3A_96 : i32 to index
        %get3A_97 = tpu.vector_load %arg10[%get3A] {strides = array<i32>} : memref<512xf32, #tpu.memory_space<vmem>>, vector<16xf32>,
        %get3A_98 = arith.index_cast %add3A_96 : i32 to index
        %get3A_99 = tpu.vector_load %arg11[%get3A_98] {strides = array<i32>} : memref<512xf32, #tpu.memory_space<vmem>>, vector<16xf32>,
        %get3A_100 = arith.index_cast %add3A_96 : i32 to index
        %get3A_101 = tpu.vector_load %arg12[%get3A_100] {strides = array<i32>} : memref<512xf32, #tpu.memory_space<vmem>>, vector<16xf32>,
        %mul3A_102 = arith.mulf %get3A_97, %get3A_97 : vector<16xf32>
        %mul3A_103 = arith.mulf %get3A_99, %get3A_99 : vector<16xf32>
        %add3A_104 = arith.addf %mul3A_102, %mul3A_103 : vector<16xf32>
        %mul3A_105 = arith.mulf %get3A_101, %get3A_101 : vector<16xf32>
        %add3A_106 = arith.addf %add3A_104, %mul3A_105 : vector<16xf32>
        %broadcast_in_dim3A_107 = vector.broadcast %scan3A_86 : i32 to vector<16xi32>
        %broadcast_in_dim3A_108 = vector.shape_cast %broadcast_in_dim3A_107 : vector<16xi32> to vector<16x1xi32>
        %gather3A = vector.shape_cast %broadcast_in_dim3A_108 : vector<16x1xi32> to vector<16xi32>
        %gather3A_109 = tpu.dynamic_gather %add3A_106[%gather3A] in [0] : vector<16xf32>, vector<16xi32> -> vector<16xf32>
        %bitcast3A = vector.bitcast %get3A_97 : vector<16xf32> to vector<16xi32>
        %add3A_110 = arith.constant 32767 : i32
        %add3A_111 = vector.broadcast %add3A_110 : i32 to vector<16xi32>
        %add3A_112 = arith.addi %bitcast3A, %add3A_111 : vector<16xi32>
        %shift_right_arithmetic3A = arith.constant 16 : i32
        %shift_right_arithmetic3A_113 = vector.broadcast %shift_right_arithmetic3A : i32 to vector<16xi32>
        %shift_right_arithmetic3A_114 = arith.shrsi %bitcast3A, %shift_right_arithmetic3A_113 : vector<16xi32>
        %and3A_115 = arith.constant 1 : i32
        %and3A_116 = vector.broadcast %and3A_115 : i32 to vector<16xi32>
        %and3A_117 = arith.andi %shift_right_arithmetic3A_114, %and3A_116 : vector<16xi32>
        %add3A_118 = arith.addi %add3A_112, %and3A_117 : vector<16xi32>
        %and3A_119 = arith.constant -65536 : i32
        %and3A_120 = vector.broadcast %and3A_119 : i32 to vector<16xi32>
        %and3A_121 = arith.andi %add3A_118, %and3A_120 : vector<16xi32>
        %bitcast3A_122 = vector.bitcast %and3A_121 : vector<16xi32> to vector<16xf32>
        %broadcast_in_dim3A_123 = vector.broadcast %scan3A_86 : i32 to vector<16xi32>
        %broadcast_in_dim3A_124 = vector.shape_cast %broadcast_in_dim3A_123 : vector<16xi32> to vector<16x1xi32>
        %gather3A_125 = vector.shape_cast %broadcast_in_dim3A_124 : vector<16x1xi32> to vector<16xi32>
        %gather3A_126 = tpu.dynamic_gather %bitcast3A_122[%gather3A_125] in [0] : vector<16xf32>, vector<16xi32> -> vector<16xf32>
        %bitcast3A_127 = vector.bitcast %get3A_99 : vector<16xf32> to vector<16xi32>
        %add3A_128 = arith.constant 32767 : i32
        %add3A_129 = vector.broadcast %add3A_128 : i32 to vector<16xi32>
        %add3A_130 = arith.addi %bitcast3A_127, %add3A_129 : vector<16xi32>
        %shift_right_arithmetic3A_131 = arith.constant 16 : i32
        %shift_right_arithmetic3A_132 = vector.broadcast %shift_right_arithmetic3A_131 : i32 to vector<16xi32>
        %shift_right_arithmetic3A_133 = arith.shrsi %bitcast3A_127, %shift_right_arithmetic3A_132 : vector<16xi32>
        %and3A_134 = arith.constant 1 : i32
        %and3A_135 = vector.broadcast %and3A_134 : i32 to vector<16xi32>
        %and3A_136 = arith.andi %shift_right_arithmetic3A_133, %and3A_135 : vector<16xi32>
        %add3A_137 = arith.addi %add3A_130, %and3A_136 : vector<16xi32>
        %and3A_138 = arith.constant -65536 : i32
        %and3A_139 = vector.broadcast %and3A_138 : i32 to vector<16xi32>
        %and3A_140 = arith.andi %add3A_137, %and3A_139 : vector<16xi32>
        %bitcast3A_141 = vector.bitcast %and3A_140 : vector<16xi32> to vector<16xf32>
        %broadcast_in_dim3A_142 = vector.broadcast %scan3A_86 : i32 to vector<16xi32>
        %broadcast_in_dim3A_143 = vector.shape_cast %broadcast_in_dim3A_142 : vector<16xi32> to vector<16x1xi32>
        %gather3A_144 = vector.shape_cast %broadcast_in_dim3A_143 : vector<16x1xi32> to vector<16xi32>
        %gather3A_145 = tpu.dynamic_gather %bitcast3A_141[%gather3A_144] in [0] : vector<16xf32>, vector<16xi32> -> vector<16xf32>
        %bitcast3A_146 = vector.bitcast %get3A_101 : vector<16xf32> to vector<16xi32>
        %add3A_147 = arith.constant 32767 : i32
        %add3A_148 = vector.broadcast %add3A_147 : i32 to vector<16xi32>
        %add3A_149 = arith.addi %bitcast3A_146, %add3A_148 : vector<16xi32>
        %shift_right_arithmetic3A_150 = arith.constant 16 : i32
        %shift_right_arithmetic3A_151 = vector.broadcast %shift_right_arithmetic3A_150 : i32 to vector<16xi32>
        %shift_right_arithmetic3A_152 = arith.shrsi %bitcast3A_146, %shift_right_arithmetic3A_151 : vector<16xi32>
        %and3A_153 = arith.constant 1 : i32
        %and3A_154 = vector.broadcast %and3A_153 : i32 to vector<16xi32>
        %and3A_155 = arith.andi %shift_right_arithmetic3A_152, %and3A_154 : vector<16xi32>
        %add3A_156 = arith.addi %add3A_149, %and3A_155 : vector<16xi32>
        %and3A_157 = arith.constant -65536 : i32
        %and3A_158 = vector.broadcast %and3A_157 : i32 to vector<16xi32>
        %and3A_159 = arith.andi %add3A_156, %and3A_158 : vector<16xi32>
        %bitcast3A_160 = vector.bitcast %and3A_159 : vector<16xi32> to vector<16xf32>
        %broadcast_in_dim3A_161 = vector.broadcast %scan3A_86 : i32 to vector<16xi32>
        %broadcast_in_dim3A_162 = vector.shape_cast %broadcast_in_dim3A_161 : vector<16xi32> to vector<16x1xi32>
        %gather3A_163 = vector.shape_cast %broadcast_in_dim3A_162 : vector<16x1xi32> to vector<16xi32>
        %gather3A_164 = tpu.dynamic_gather %bitcast3A_160[%gather3A_163] in [0] : vector<16xf32>, vector<16xi32> -> vector<16xf32>
        %swap3A = arith.constant 0 : index
        %swap3A_165 = tpu.vector_load %arg14[%swap3A] {strides = array<i32>} : memref<16xi32, #tpu.memory_space<vmem>>, vector<16xi32>,
        tpu.vector_store %arg14[%swap3A], %broadcast_in_dim3A_35 {strides = array<i32>} : memref<16xi32, #tpu.memory_space<vmem>>, vector<16xi32>,
        %swap3A_166 = arith.constant 0 : i32
        %swap3A_167 = arith.constant 0 : i32
        %swap3A_168 = arith.index_cast %swap3A_167 : i32 to index
        %swap3A_169 = memref.load %arg18[%swap3A_168] : memref<1xi32, #tpu.memory_space<smem>>
        memref.store %swap3A_166, %arg18[%swap3A_168] : memref<1xi32, #tpu.memory_space<smem>>
        %while3A = arith.constant 0 : i32
        %while3A_170 = arith.constant 0 : i32
        %while3A_171:2 = scf.while (%while3A_204 = %while3A, %while3A_205 = %while3A_170) : (i32, i32) -> (i32, i32) {
          %lt3A_206 = arith.constant 128 : i32
          %lt3A_207 = arith.cmpi slt, %while3A_204, %lt3A_206 : i32
          %lt3A_208 = arith.constant 16 : i32
          %lt3A_209 = arith.cmpi slt, %while3A_205, %lt3A_208 : i32
          %and3A_210 = arith.andi %lt3A_207, %lt3A_209 : i1
          scf.condition(%and3A_210) %while3A_204, %while3A_205 : i32, i32
        } do {
        ^bb0(%while3A_204: i32, %while3A_205: i32):
          %mul3A_206 = arith.constant 128 : i32
          %mul3A_207 = arith.muli %while3A_204, %mul3A_206 : i32
          %multiple_of3A = tpu.assume_multiple %mul3A_207, 128 : i32
          %get3A_208 = arith.index_cast %multiple_of3A : i32 to index
          %get3A_209 = tpu.vector_load %arg8[%get3A_208] {strides = array<i32>} : memref<16384xf32, #tpu.memory_space<vmem>>, vector<16xf32>,
          %bitcast3A_210 = vector.bitcast %get3A_209 : vector<16xf32> to vector<16xi32>
          %and3A_211 = arith.constant -65536 : i32
          %and3A_212 = vector.broadcast %and3A_211 : i32 to vector<16xi32>
          %and3A_213 = arith.andi %bitcast3A_210, %and3A_212 : vector<16xi32>
          %bitcast3A_214 = vector.bitcast %and3A_213 : vector<16xi32> to vector<16xf32>
          %shift_left3A = arith.constant 16 : i32
          %shift_left3A_215 = vector.broadcast %shift_left3A : i32 to vector<16xi32>
          %shift_left3A_216 = arith.shli %bitcast3A_210, %shift_left3A_215 : vector<16xi32>
          %bitcast3A_217 = vector.bitcast %shift_left3A_216 : vector<16xi32> to vector<16xf32>
          %get3A_218 = arith.index_cast %multiple_of3A : i32 to index
          %get3A_219 = tpu.vector_load %arg9[%get3A_218] {strides = array<i32>} : memref<16384xf32, #tpu.memory_space<vmem>>, vector<16xf32>,
          %mul3A_220 = arith.mulf %gather3A_126, %bitcast3A_214 : vector<16xf32>
          %mul3A_221 = arith.mulf %gather3A_145, %bitcast3A_217 : vector<16xf32>
          %add3A_222 = arith.addf %mul3A_220, %mul3A_221 : vector<16xf32>
          %mul3A_223 = arith.mulf %gather3A_164, %get3A_219 : vector<16xf32>
          %add3A_224 = arith.addf %add3A_222, %mul3A_223 : vector<16xf32>
          %get3A_225 = arith.index_cast %multiple_of3A : i32 to index
          %get3A_226 = tpu.vector_load %arg7[%get3A_225] {strides = array<i32>} : memref<16384xf32, #tpu.memory_space<vmem>>, vector<16xf32>,
          %add3A_227 = arith.addf %gather3A_109, %get3A_226 : vector<16xf32>
          %mul3A_228 = arith.constant 2.000000e+00 : f32
          %mul3A_229 = vector.broadcast %mul3A_228 : f32 to vector<16xf32>
          %mul3A_230 = arith.mulf %mul3A_229, %add3A_224 : vector<16xf32>
          %sub3A_231 = arith.subf %add3A_227, %mul3A_230 : vector<16xf32>
          %lt3A_232 = arith.constant 6.400000e-01 : f32
          %lt3A_233 = vector.broadcast %lt3A_232 : f32 to vector<16xf32>
          %lt3A_234 = arith.cmpf olt, %sub3A_231, %lt3A_233 : vector<16xf32>
          %add3A_235 = arith.constant 16 : i32
          %add3A_236 = arith.addi %multiple_of3A, %add3A_235 : i32
          %get3A_237 = arith.index_cast %add3A_236 : i32 to index
          %get3A_238 = tpu.vector_load %arg8[%get3A_237] {strides = array<i32>} : memref<16384xf32, #tpu.memory_space<vmem>>, vector<16xf32>,
          %bitcast3A_239 = vector.bitcast %get3A_238 : vector<16xf32> to vector<16xi32>
          %and3A_240 = arith.constant -65536 : i32
          %and3A_241 = vector.broadcast %and3A_240 : i32 to vector<16xi32>
          %and3A_242 = arith.andi %bitcast3A_239, %and3A_241 : vector<16xi32>
          %bitcast3A_243 = vector.bitcast %and3A_242 : vector<16xi32> to vector<16xf32>
          %shift_left3A_244 = arith.constant 16 : i32
          %shift_left3A_245 = vector.broadcast %shift_left3A_244 : i32 to vector<16xi32>
          %shift_left3A_246 = arith.shli %bitcast3A_239, %shift_left3A_245 : vector<16xi32>
          %bitcast3A_247 = vector.bitcast %shift_left3A_246 : vector<16xi32> to vector<16xf32>
          %get3A_248 = arith.index_cast %add3A_236 : i32 to index
          %get3A_249 = tpu.vector_load %arg9[%get3A_248] {strides = array<i32>} : memref<16384xf32, #tpu.memory_space<vmem>>, vector<16xf32>,
          %mul3A_250 = arith.mulf %gather3A_126, %bitcast3A_243 : vector<16xf32>
          %mul3A_251 = arith.mulf %gather3A_145, %bitcast3A_247 : vector<16xf32>
          %add3A_252 = arith.addf %mul3A_250, %mul3A_251 : vector<16xf32>
          %mul3A_253 = arith.mulf %gather3A_164, %get3A_249 : vector<16xf32>
          %add3A_254 = arith.addf %add3A_252, %mul3A_253 : vector<16xf32>
          %get3A_255 = arith.index_cast %add3A_236 : i32 to index
          %get3A_256 = tpu.vector_load %arg7[%get3A_255] {strides = array<i32>} : memref<16384xf32, #tpu.memory_space<vmem>>, vector<16xf32>,
          %add3A_257 = arith.addf %gather3A_109, %get3A_256 : vector<16xf32>
          %mul3A_258 = arith.constant 2.000000e+00 : f32
          %mul3A_259 = vector.broadcast %mul3A_258 : f32 to vector<16xf32>
          %mul3A_260 = arith.mulf %mul3A_259, %add3A_254 : vector<16xf32>
          %sub3A_261 = arith.subf %add3A_257, %mul3A_260 : vector<16xf32>
          %lt3A_262 = arith.constant 6.400000e-01 : f32
          %lt3A_263 = vector.broadcast %lt3A_262 : f32 to vector<16xf32>
          %lt3A_264 = arith.cmpf olt, %sub3A_261, %lt3A_263 : vector<16xf32>
          %or3A = arith.ori %lt3A_234, %lt3A_264 : vector<16xi1>
          %add3A_265 = arith.constant 32 : i32
          %add3A_266 = arith.addi %multiple_of3A, %add3A_265 : i32
          %get3A_267 = arith.index_cast %add3A_266 : i32 to index
          %get3A_268 = tpu.vector_load %arg8[%get3A_267] {strides = array<i32>} : memref<16384xf32, #tpu.memory_space<vmem>>, vector<16xf32>,
          %bitcast3A_269 = vector.bitcast %get3A_268 : vector<16xf32> to vector<16xi32>
          %and3A_270 = arith.constant -65536 : i32
          %and3A_271 = vector.broadcast %and3A_270 : i32 to vector<16xi32>
          %and3A_272 = arith.andi %bitcast3A_269, %and3A_271 : vector<16xi32>
          %bitcast3A_273 = vector.bitcast %and3A_272 : vector<16xi32> to vector<16xf32>
          %shift_left3A_274 = arith.constant 16 : i32
          %shift_left3A_275 = vector.broadcast %shift_left3A_274 : i32 to vector<16xi32>
          %shift_left3A_276 = arith.shli %bitcast3A_269, %shift_left3A_275 : vector<16xi32>
          %bitcast3A_277 = vector.bitcast %shift_left3A_276 : vector<16xi32> to vector<16xf32>
          %get3A_278 = arith.index_cast %add3A_266 : i32 to index
          %get3A_279 = tpu.vector_load %arg9[%get3A_278] {strides = array<i32>} : memref<16384xf32, #tpu.memory_space<vmem>>, vector<16xf32>,
          %mul3A_280 = arith.mulf %gather3A_126, %bitcast3A_273 : vector<16xf32>
          %mul3A_281 = arith.mulf %gather3A_145, %bitcast3A_277 : vector<16xf32>
          %add3A_282 = arith.addf %mul3A_280, %mul3A_281 : vector<16xf32>
          %mul3A_283 = arith.mulf %gather3A_164, %get3A_279 : vector<16xf32>
          %add3A_284 = arith.addf %add3A_282, %mul3A_283 : vector<16xf32>
          %get3A_285 = arith.index_cast %add3A_266 : i32 to index
          %get3A_286 = tpu.vector_load %arg7[%get3A_285] {strides = array<i32>} : memref<16384xf32, #tpu.memory_space<vmem>>, vector<16xf32>,
          %add3A_287 = arith.addf %gather3A_109, %get3A_286 : vector<16xf32>
          %mul3A_288 = arith.constant 2.000000e+00 : f32
          %mul3A_289 = vector.broadcast %mul3A_288 : f32 to vector<16xf32>
          %mul3A_290 = arith.mulf %mul3A_289, %add3A_284 : vector<16xf32>
          %sub3A_291 = arith.subf %add3A_287, %mul3A_290 : vector<16xf32>
          %lt3A_292 = arith.constant 6.400000e-01 : f32
          %lt3A_293 = vector.broadcast %lt3A_292 : f32 to vector<16xf32>
          %lt3A_294 = arith.cmpf olt, %sub3A_291, %lt3A_293 : vector<16xf32>
          %or3A_295 = arith.ori %or3A, %lt3A_294 : vector<16xi1>
          %add3A_296 = arith.constant 48 : i32
          %add3A_297 = arith.addi %multiple_of3A, %add3A_296 : i32
          %get3A_298 = arith.index_cast %add3A_297 : i32 to index
          %get3A_299 = tpu.vector_load %arg8[%get3A_298] {strides = array<i32>} : memref<16384xf32, #tpu.memory_space<vmem>>, vector<16xf32>,
          %bitcast3A_300 = vector.bitcast %get3A_299 : vector<16xf32> to vector<16xi32>
          %and3A_301 = arith.constant -65536 : i32
          %and3A_302 = vector.broadcast %and3A_301 : i32 to vector<16xi32>
          %and3A_303 = arith.andi %bitcast3A_300, %and3A_302 : vector<16xi32>
          %bitcast3A_304 = vector.bitcast %and3A_303 : vector<16xi32> to vector<16xf32>
          %shift_left3A_305 = arith.constant 16 : i32
          %shift_left3A_306 = vector.broadcast %shift_left3A_305 : i32 to vector<16xi32>
          %shift_left3A_307 = arith.shli %bitcast3A_300, %shift_left3A_306 : vector<16xi32>
          %bitcast3A_308 = vector.bitcast %shift_left3A_307 : vector<16xi32> to vector<16xf32>
          %get3A_309 = arith.index_cast %add3A_297 : i32 to index
          %get3A_310 = tpu.vector_load %arg9[%get3A_309] {strides = array<i32>} : memref<16384xf32, #tpu.memory_space<vmem>>, vector<16xf32>,
          %mul3A_311 = arith.mulf %gather3A_126, %bitcast3A_304 : vector<16xf32>
          %mul3A_312 = arith.mulf %gather3A_145, %bitcast3A_308 : vector<16xf32>
          %add3A_313 = arith.addf %mul3A_311, %mul3A_312 : vector<16xf32>
          %mul3A_314 = arith.mulf %gather3A_164, %get3A_310 : vector<16xf32>
          %add3A_315 = arith.addf %add3A_313, %mul3A_314 : vector<16xf32>
          %get3A_316 = arith.index_cast %add3A_297 : i32 to index
          %get3A_317 = tpu.vector_load %arg7[%get3A_316] {strides = array<i32>} : memref<16384xf32, #tpu.memory_space<vmem>>, vector<16xf32>,
          %add3A_318 = arith.addf %gather3A_109, %get3A_317 : vector<16xf32>
          %mul3A_319 = arith.constant 2.000000e+00 : f32
          %mul3A_320 = vector.broadcast %mul3A_319 : f32 to vector<16xf32>
          %mul3A_321 = arith.mulf %mul3A_320, %add3A_315 : vector<16xf32>
          %sub3A_322 = arith.subf %add3A_318, %mul3A_321 : vector<16xf32>
          %lt3A_323 = arith.constant 6.400000e-01 : f32
          %lt3A_324 = vector.broadcast %lt3A_323 : f32 to vector<16xf32>
          %lt3A_325 = arith.cmpf olt, %sub3A_322, %lt3A_324 : vector<16xf32>
          %or3A_326 = arith.ori %or3A_295, %lt3A_325 : vector<16xi1>
          %add3A_327 = arith.constant 64 : i32
          %add3A_328 = arith.addi %multiple_of3A, %add3A_327 : i32
          %get3A_329 = arith.index_cast %add3A_328 : i32 to index
          %get3A_330 = tpu.vector_load %arg8[%get3A_329] {strides = array<i32>} : memref<16384xf32, #tpu.memory_space<vmem>>, vector<16xf32>,
          %bitcast3A_331 = vector.bitcast %get3A_330 : vector<16xf32> to vector<16xi32>
          %and3A_332 = arith.constant -65536 : i32
          %and3A_333 = vector.broadcast %and3A_332 : i32 to vector<16xi32>
          %and3A_334 = arith.andi %bitcast3A_331, %and3A_333 : vector<16xi32>
          %bitcast3A_335 = vector.bitcast %and3A_334 : vector<16xi32> to vector<16xf32>
          %shift_left3A_336 = arith.constant 16 : i32
          %shift_left3A_337 = vector.broadcast %shift_left3A_336 : i32 to vector<16xi32>
          %shift_left3A_338 = arith.shli %bitcast3A_331, %shift_left3A_337 : vector<16xi32>
          %bitcast3A_339 = vector.bitcast %shift_left3A_338 : vector<16xi32> to vector<16xf32>
          %get3A_340 = arith.index_cast %add3A_328 : i32 to index
          %get3A_341 = tpu.vector_load %arg9[%get3A_340] {strides = array<i32>} : memref<16384xf32, #tpu.memory_space<vmem>>, vector<16xf32>,
          %mul3A_342 = arith.mulf %gather3A_126, %bitcast3A_335 : vector<16xf32>
          %mul3A_343 = arith.mulf %gather3A_145, %bitcast3A_339 : vector<16xf32>
          %add3A_344 = arith.addf %mul3A_342, %mul3A_343 : vector<16xf32>
          %mul3A_345 = arith.mulf %gather3A_164, %get3A_341 : vector<16xf32>
          %add3A_346 = arith.addf %add3A_344, %mul3A_345 : vector<16xf32>
          %get3A_347 = arith.index_cast %add3A_328 : i32 to index
          %get3A_348 = tpu.vector_load %arg7[%get3A_347] {strides = array<i32>} : memref<16384xf32, #tpu.memory_space<vmem>>, vector<16xf32>,
          %add3A_349 = arith.addf %gather3A_109, %get3A_348 : vector<16xf32>
          %mul3A_350 = arith.constant 2.000000e+00 : f32
          %mul3A_351 = vector.broadcast %mul3A_350 : f32 to vector<16xf32>
          %mul3A_352 = arith.mulf %mul3A_351, %add3A_346 : vector<16xf32>
          %sub3A_353 = arith.subf %add3A_349, %mul3A_352 : vector<16xf32>
          %lt3A_354 = arith.constant 6.400000e-01 : f32
          %lt3A_355 = vector.broadcast %lt3A_354 : f32 to vector<16xf32>
          %lt3A_356 = arith.cmpf olt, %sub3A_353, %lt3A_355 : vector<16xf32>
          %or3A_357 = arith.ori %or3A_326, %lt3A_356 : vector<16xi1>
          %add3A_358 = arith.constant 80 : i32
          %add3A_359 = arith.addi %multiple_of3A, %add3A_358 : i32
          %get3A_360 = arith.index_cast %add3A_359 : i32 to index
          %get3A_361 = tpu.vector_load %arg8[%get3A_360] {strides = array<i32>} : memref<16384xf32, #tpu.memory_space<vmem>>, vector<16xf32>,
          %bitcast3A_362 = vector.bitcast %get3A_361 : vector<16xf32> to vector<16xi32>
          %and3A_363 = arith.constant -65536 : i32
          %and3A_364 = vector.broadcast %and3A_363 : i32 to vector<16xi32>
          %and3A_365 = arith.andi %bitcast3A_362, %and3A_364 : vector<16xi32>
          %bitcast3A_366 = vector.bitcast %and3A_365 : vector<16xi32> to vector<16xf32>
          %shift_left3A_367 = arith.constant 16 : i32
          %shift_left3A_368 = vector.broadcast %shift_left3A_367 : i32 to vector<16xi32>
          %shift_left3A_369 = arith.shli %bitcast3A_362, %shift_left3A_368 : vector<16xi32>
          %bitcast3A_370 = vector.bitcast %shift_left3A_369 : vector<16xi32> to vector<16xf32>
          %get3A_371 = arith.index_cast %add3A_359 : i32 to index
          %get3A_372 = tpu.vector_load %arg9[%get3A_371] {strides = array<i32>} : memref<16384xf32, #tpu.memory_space<vmem>>, vector<16xf32>,
          %mul3A_373 = arith.mulf %gather3A_126, %bitcast3A_366 : vector<16xf32>
          %mul3A_374 = arith.mulf %gather3A_145, %bitcast3A_370 : vector<16xf32>
          %add3A_375 = arith.addf %mul3A_373, %mul3A_374 : vector<16xf32>
          %mul3A_376 = arith.mulf %gather3A_164, %get3A_372 : vector<16xf32>
          %add3A_377 = arith.addf %add3A_375, %mul3A_376 : vector<16xf32>
          %get3A_378 = arith.index_cast %add3A_359 : i32 to index
          %get3A_379 = tpu.vector_load %arg7[%get3A_378] {strides = array<i32>} : memref<16384xf32, #tpu.memory_space<vmem>>, vector<16xf32>,
          %add3A_380 = arith.addf %gather3A_109, %get3A_379 : vector<16xf32>
          %mul3A_381 = arith.constant 2.000000e+00 : f32
          %mul3A_382 = vector.broadcast %mul3A_381 : f32 to vector<16xf32>
          %mul3A_383 = arith.mulf %mul3A_382, %add3A_377 : vector<16xf32>
          %sub3A_384 = arith.subf %add3A_380, %mul3A_383 : vector<16xf32>
          %lt3A_385 = arith.constant 6.400000e-01 : f32
          %lt3A_386 = vector.broadcast %lt3A_385 : f32 to vector<16xf32>
          %lt3A_387 = arith.cmpf olt, %sub3A_384, %lt3A_386 : vector<16xf32>
          %or3A_388 = arith.ori %or3A_357, %lt3A_387 : vector<16xi1>
          %add3A_389 = arith.constant 96 : i32
          %add3A_390 = arith.addi %multiple_of3A, %add3A_389 : i32
          %get3A_391 = arith.index_cast %add3A_390 : i32 to index
          %get3A_392 = tpu.vector_load %arg8[%get3A_391] {strides = array<i32>} : memref<16384xf32, #tpu.memory_space<vmem>>, vector<16xf32>,
          %bitcast3A_393 = vector.bitcast %get3A_392 : vector<16xf32> to vector<16xi32>
          %and3A_394 = arith.constant -65536 : i32
          %and3A_395 = vector.broadcast %and3A_394 : i32 to vector<16xi32>
          %and3A_396 = arith.andi %bitcast3A_393, %and3A_395 : vector<16xi32>
          %bitcast3A_397 = vector.bitcast %and3A_396 : vector<16xi32> to vector<16xf32>
          %shift_left3A_398 = arith.constant 16 : i32
          %shift_left3A_399 = vector.broadcast %shift_left3A_398 : i32 to vector<16xi32>
          %shift_left3A_400 = arith.shli %bitcast3A_393, %shift_left3A_399 : vector<16xi32>
          %bitcast3A_401 = vector.bitcast %shift_left3A_400 : vector<16xi32> to vector<16xf32>
          %get3A_402 = arith.index_cast %add3A_390 : i32 to index
          %get3A_403 = tpu.vector_load %arg9[%get3A_402] {strides = array<i32>} : memref<16384xf32, #tpu.memory_space<vmem>>, vector<16xf32>,
          %mul3A_404 = arith.mulf %gather3A_126, %bitcast3A_397 : vector<16xf32>
          %mul3A_405 = arith.mulf %gather3A_145, %bitcast3A_401 : vector<16xf32>
          %add3A_406 = arith.addf %mul3A_404, %mul3A_405 : vector<16xf32>
          %mul3A_407 = arith.mulf %gather3A_164, %get3A_403 : vector<16xf32>
          %add3A_408 = arith.addf %add3A_406, %mul3A_407 : vector<16xf32>
          %get3A_409 = arith.index_cast %add3A_390 : i32 to index
          %get3A_410 = tpu.vector_load %arg7[%get3A_409] {strides = array<i32>} : memref<16384xf32, #tpu.memory_space<vmem>>, vector<16xf32>,
          %add3A_411 = arith.addf %gather3A_109, %get3A_410 : vector<16xf32>
          %mul3A_412 = arith.constant 2.000000e+00 : f32
          %mul3A_413 = vector.broadcast %mul3A_412 : f32 to vector<16xf32>
          %mul3A_414 = arith.mulf %mul3A_413, %add3A_408 : vector<16xf32>
          %sub3A_415 = arith.subf %add3A_411, %mul3A_414 : vector<16xf32>
          %lt3A_416 = arith.constant 6.400000e-01 : f32
          %lt3A_417 = vector.broadcast %lt3A_416 : f32 to vector<16xf32>
          %lt3A_418 = arith.cmpf olt, %sub3A_415, %lt3A_417 : vector<16xf32>
          %or3A_419 = arith.ori %or3A_388, %lt3A_418 : vector<16xi1>
          %add3A_420 = arith.constant 112 : i32
          %add3A_421 = arith.addi %multiple_of3A, %add3A_420 : i32
          %get3A_422 = arith.index_cast %add3A_421 : i32 to index
          %get3A_423 = tpu.vector_load %arg8[%get3A_422] {strides = array<i32>} : memref<16384xf32, #tpu.memory_space<vmem>>, vector<16xf32>,
          %bitcast3A_424 = vector.bitcast %get3A_423 : vector<16xf32> to vector<16xi32>
          %and3A_425 = arith.constant -65536 : i32
          %and3A_426 = vector.broadcast %and3A_425 : i32 to vector<16xi32>
          %and3A_427 = arith.andi %bitcast3A_424, %and3A_426 : vector<16xi32>
          %bitcast3A_428 = vector.bitcast %and3A_427 : vector<16xi32> to vector<16xf32>
          %shift_left3A_429 = arith.constant 16 : i32
          %shift_left3A_430 = vector.broadcast %shift_left3A_429 : i32 to vector<16xi32>
          %shift_left3A_431 = arith.shli %bitcast3A_424, %shift_left3A_430 : vector<16xi32>
          %bitcast3A_432 = vector.bitcast %shift_left3A_431 : vector<16xi32> to vector<16xf32>
          %get3A_433 = arith.index_cast %add3A_421 : i32 to index
          %get3A_434 = tpu.vector_load %arg9[%get3A_433] {strides = array<i32>} : memref<16384xf32, #tpu.memory_space<vmem>>, vector<16xf32>,
          %mul3A_435 = arith.mulf %gather3A_126, %bitcast3A_428 : vector<16xf32>
          %mul3A_436 = arith.mulf %gather3A_145, %bitcast3A_432 : vector<16xf32>
          %add3A_437 = arith.addf %mul3A_435, %mul3A_436 : vector<16xf32>
          %mul3A_438 = arith.mulf %gather3A_164, %get3A_434 : vector<16xf32>
          %add3A_439 = arith.addf %add3A_437, %mul3A_438 : vector<16xf32>
          %get3A_440 = arith.index_cast %add3A_421 : i32 to index
          %get3A_441 = tpu.vector_load %arg7[%get3A_440] {strides = array<i32>} : memref<16384xf32, #tpu.memory_space<vmem>>, vector<16xf32>,
          %add3A_442 = arith.addf %gather3A_109, %get3A_441 : vector<16xf32>
          %mul3A_443 = arith.constant 2.000000e+00 : f32
          %mul3A_444 = vector.broadcast %mul3A_443 : f32 to vector<16xf32>
          %mul3A_445 = arith.mulf %mul3A_444, %add3A_439 : vector<16xf32>
          %sub3A_446 = arith.subf %add3A_442, %mul3A_445 : vector<16xf32>
          %lt3A_447 = arith.constant 6.400000e-01 : f32
          %lt3A_448 = vector.broadcast %lt3A_447 : f32 to vector<16xf32>
          %lt3A_449 = arith.cmpf olt, %sub3A_446, %lt3A_448 : vector<16xf32>
          %or3A_450 = arith.ori %or3A_419, %lt3A_449 : vector<16xi1>
          %reduce_or3A = arith.constant 1.000000e+00 : f32
          %reduce_or3A_451 = arith.constant 0.000000e+00 : f32
          %reduce_or3A_452 = vector.broadcast %reduce_or3A : f32 to vector<16xf32>
          %reduce_or3A_453 = vector.broadcast %reduce_or3A_451 : f32 to vector<16xf32>
          %reduce_or3A_454 = arith.select %or3A_450, %reduce_or3A_452, %reduce_or3A_453 : vector<16xi1>, vector<16xf32>
          %reduce_or3A_455 = arith.constant true
          %reduce_or3A_456 = vector.broadcast %reduce_or3A_455 : i1 to vector<16xi1>
          %reduce_or3A_457 = tpu.scan <max>, %reduce_or3A_454 masked %reduce_or3A_456 : vector<16xf32>, vector<16xi1> -> vector<16xf32>
          %reduce_or3A_458 = vector.extract %reduce_or3A_457[15] : f32 from vector<16xf32>
          %reduce_or3A_459 = arith.constant 0.000000e+00 : f32
          %reduce_or3A_460 = arith.cmpf ogt, %reduce_or3A_458, %reduce_or3A_459 : f32
          %convert_element_type3A = arith.extui %reduce_or3A_460 : i1 to i32
          %cond3A = arith.constant 0 : i32
          %cond3A_461 = arith.cmpi ne, %convert_element_type3A, %cond3A : i32
          scf.if %cond3A_461 {
            %get3A_467 = arith.constant 0 : index
            %get3A_468 = tpu.vector_load %arg14[%get3A_467] {strides = array<i32>} : memref<16xi32, #tpu.memory_space<vmem>>, vector<16xi32>,
            %add3A_469 = arith.constant 0 : i32
            %add3A_470 = arith.addi %multiple_of3A, %add3A_469 : i32
            %get3A_471 = arith.index_cast %add3A_470 : i32 to index
            %get3A_472 = tpu.vector_load %arg8[%get3A_471] {strides = array<i32>} : memref<16384xf32, #tpu.memory_space<vmem>>, vector<16xf32>,
            %bitcast3A_473 = vector.bitcast %get3A_472 : vector<16xf32> to vector<16xi32>
            %and3A_474 = arith.constant -65536 : i32
            %and3A_475 = vector.broadcast %and3A_474 : i32 to vector<16xi32>
            %and3A_476 = arith.andi %bitcast3A_473, %and3A_475 : vector<16xi32>
            %bitcast3A_477 = vector.bitcast %and3A_476 : vector<16xi32> to vector<16xf32>
            %shift_left3A_478 = arith.constant 16 : i32
            %shift_left3A_479 = vector.broadcast %shift_left3A_478 : i32 to vector<16xi32>
            %shift_left3A_480 = arith.shli %bitcast3A_473, %shift_left3A_479 : vector<16xi32>
            %bitcast3A_481 = vector.bitcast %shift_left3A_480 : vector<16xi32> to vector<16xf32>
            %get3A_482 = arith.index_cast %add3A_470 : i32 to index
            %get3A_483 = tpu.vector_load %arg9[%get3A_482] {strides = array<i32>} : memref<16384xf32, #tpu.memory_space<vmem>>, vector<16xf32>,
            %mul3A_484 = arith.mulf %gather3A_126, %bitcast3A_477 : vector<16xf32>
            %mul3A_485 = arith.mulf %gather3A_145, %bitcast3A_481 : vector<16xf32>
            %add3A_486 = arith.addf %mul3A_484, %mul3A_485 : vector<16xf32>
            %mul3A_487 = arith.mulf %gather3A_164, %get3A_483 : vector<16xf32>
            %add3A_488 = arith.addf %add3A_486, %mul3A_487 : vector<16xf32>
            %get3A_489 = arith.index_cast %add3A_470 : i32 to index
            %get3A_490 = tpu.vector_load %arg7[%get3A_489] {strides = array<i32>} : memref<16384xf32, #tpu.memory_space<vmem>>, vector<16xf32>,
            %add3A_491 = arith.addf %gather3A_109, %get3A_490 : vector<16xf32>
            %mul3A_492 = arith.constant 2.000000e+00 : f32
            %mul3A_493 = vector.broadcast %mul3A_492 : f32 to vector<16xf32>
            %mul3A_494 = arith.mulf %mul3A_493, %add3A_488 : vector<16xf32>
            %sub3A_495 = arith.subf %add3A_491, %mul3A_494 : vector<16xf32>
            %lt3A_496 = arith.constant 6.400000e-01 : f32
            %lt3A_497 = vector.broadcast %lt3A_496 : f32 to vector<16xf32>
            %lt3A_498 = arith.cmpf olt, %sub3A_495, %lt3A_497 : vector<16xf32>
            %all_reduce_population_count3A = tpu.all_reduce %lt3A_498 {dim = 0 : i64, kind = #tpu.reduction_kind<sum>} : vector<16xi1> -> vector<16xi32>
            %add3A_499 = vector.broadcast %add3A_470 : i32 to vector<16xi32>
            %add3A_500 = arith.addi %add3A_499, %iota3A : vector<16xi32>
            %masked_sort3A = arith.constant -2147483648 : i32
            %masked_sort3A_501 = vector.broadcast %masked_sort3A : i32 to vector<16xi32>
            %masked_sort3A_502 = arith.xori %add3A_500, %masked_sort3A_501 : vector<16xi32>
            %masked_sort3A_503, %masked_sort3A_504, %masked_sort3A_505 = tpu.sort %masked_sort3A_502, %add3A_500 masked %lt3A_498 : (vector<16xi32>, vector<16xi32>, vector<16xi1>) -> (vector<16xi1>, vector<16xi32>, vector<16xi32>)
            %masked_sort3A_506 = arith.xori %masked_sort3A_504, %masked_sort3A_501 : vector<16xi32>
            %add3A_507 = arith.addi %get3A_468, %iota3A : vector<16xi32>
            %lt3A_508 = arith.cmpi slt, %iota3A, %all_reduce_population_count3A : vector<16xi32>
            %lt3A_509 = arith.constant 16 : i32
            %lt3A_510 = vector.broadcast %lt3A_509 : i32 to vector<16xi32>
            %lt3A_511 = arith.cmpi slt, %add3A_507, %lt3A_510 : vector<16xi32>
            %and3A_512 = arith.andi %lt3A_508, %lt3A_511 : vector<16xi1>
            tpu.vector_store_idx %arg13[%add3A_507], %masked_sort3A_506 masked %and3A_512 : memref<16xi32, #tpu.memory_space<vmem>>[vector<16xi32>], vector<16xi32>, vector<16xi1>
            %add3A_513 = arith.addi %get3A_468, %all_reduce_population_count3A : vector<16xi32>
            %min3A = arith.constant 16 : i32
            %min3A_514 = vector.broadcast %min3A : i32 to vector<16xi32>
            %min3A_515 = arith.minsi %add3A_513, %min3A_514 : vector<16xi32>
            %add3A_516 = arith.constant 16 : i32
            %add3A_517 = arith.addi %multiple_of3A, %add3A_516 : i32
            %get3A_518 = arith.index_cast %add3A_517 : i32 to index
            %get3A_519 = tpu.vector_load %arg8[%get3A_518] {strides = array<i32>} : memref<16384xf32, #tpu.memory_space<vmem>>, vector<16xf32>,
            %bitcast3A_520 = vector.bitcast %get3A_519 : vector<16xf32> to vector<16xi32>
            %and3A_521 = arith.constant -65536 : i32
            %and3A_522 = vector.broadcast %and3A_521 : i32 to vector<16xi32>
            %and3A_523 = arith.andi %bitcast3A_520, %and3A_522 : vector<16xi32>
            %bitcast3A_524 = vector.bitcast %and3A_523 : vector<16xi32> to vector<16xf32>
            %shift_left3A_525 = arith.constant 16 : i32
            %shift_left3A_526 = vector.broadcast %shift_left3A_525 : i32 to vector<16xi32>
            %shift_left3A_527 = arith.shli %bitcast3A_520, %shift_left3A_526 : vector<16xi32>
            %bitcast3A_528 = vector.bitcast %shift_left3A_527 : vector<16xi32> to vector<16xf32>
            %get3A_529 = arith.index_cast %add3A_517 : i32 to index
            %get3A_530 = tpu.vector_load %arg9[%get3A_529] {strides = array<i32>} : memref<16384xf32, #tpu.memory_space<vmem>>, vector<16xf32>,
            %mul3A_531 = arith.mulf %gather3A_126, %bitcast3A_524 : vector<16xf32>
            %mul3A_532 = arith.mulf %gather3A_145, %bitcast3A_528 : vector<16xf32>
            %add3A_533 = arith.addf %mul3A_531, %mul3A_532 : vector<16xf32>
            %mul3A_534 = arith.mulf %gather3A_164, %get3A_530 : vector<16xf32>
            %add3A_535 = arith.addf %add3A_533, %mul3A_534 : vector<16xf32>
            %get3A_536 = arith.index_cast %add3A_517 : i32 to index
            %get3A_537 = tpu.vector_load %arg7[%get3A_536] {strides = array<i32>} : memref<16384xf32, #tpu.memory_space<vmem>>, vector<16xf32>,
            %add3A_538 = arith.addf %gather3A_109, %get3A_537 : vector<16xf32>
            %mul3A_539 = arith.constant 2.000000e+00 : f32
            %mul3A_540 = vector.broadcast %mul3A_539 : f32 to vector<16xf32>
            %mul3A_541 = arith.mulf %mul3A_540, %add3A_535 : vector<16xf32>
            %sub3A_542 = arith.subf %add3A_538, %mul3A_541 : vector<16xf32>
            %lt3A_543 = arith.constant 6.400000e-01 : f32
            %lt3A_544 = vector.broadcast %lt3A_543 : f32 to vector<16xf32>
            %lt3A_545 = arith.cmpf olt, %sub3A_542, %lt3A_544 : vector<16xf32>
            %all_reduce_population_count3A_546 = tpu.all_reduce %lt3A_545 {dim = 0 : i64, kind = #tpu.reduction_kind<sum>} : vector<16xi1> -> vector<16xi32>
            %add3A_547 = vector.broadcast %add3A_517 : i32 to vector<16xi32>
            %add3A_548 = arith.addi %add3A_547, %iota3A : vector<16xi32>
            %masked_sort3A_549 = arith.constant -2147483648 : i32
            %masked_sort3A_550 = vector.broadcast %masked_sort3A_549 : i32 to vector<16xi32>
            %masked_sort3A_551 = arith.xori %add3A_548, %masked_sort3A_550 : vector<16xi32>
            %masked_sort3A_552, %masked_sort3A_553, %masked_sort3A_554 = tpu.sort %masked_sort3A_551, %add3A_548 masked %lt3A_545 : (vector<16xi32>, vector<16xi32>, vector<16xi1>) -> (vector<16xi1>, vector<16xi32>, vector<16xi32>)
            %masked_sort3A_555 = arith.xori %masked_sort3A_553, %masked_sort3A_550 : vector<16xi32>
            %add3A_556 = arith.addi %min3A_515, %iota3A : vector<16xi32>
            %lt3A_557 = arith.cmpi slt, %iota3A, %all_reduce_population_count3A_546 : vector<16xi32>
            %lt3A_558 = arith.constant 16 : i32
            %lt3A_559 = vector.broadcast %lt3A_558 : i32 to vector<16xi32>
            %lt3A_560 = arith.cmpi slt, %add3A_556, %lt3A_559 : vector<16xi32>
            %and3A_561 = arith.andi %lt3A_557, %lt3A_560 : vector<16xi1>
            tpu.vector_store_idx %arg13[%add3A_556], %masked_sort3A_555 masked %and3A_561 : memref<16xi32, #tpu.memory_space<vmem>>[vector<16xi32>], vector<16xi32>, vector<16xi1>
            %add3A_562 = arith.addi %min3A_515, %all_reduce_population_count3A_546 : vector<16xi32>
            %min3A_563 = arith.constant 16 : i32
            %min3A_564 = vector.broadcast %min3A_563 : i32 to vector<16xi32>
            %min3A_565 = arith.minsi %add3A_562, %min3A_564 : vector<16xi32>
            %add3A_566 = arith.constant 32 : i32
            %add3A_567 = arith.addi %multiple_of3A, %add3A_566 : i32
            %get3A_568 = arith.index_cast %add3A_567 : i32 to index
            %get3A_569 = tpu.vector_load %arg8[%get3A_568] {strides = array<i32>} : memref<16384xf32, #tpu.memory_space<vmem>>, vector<16xf32>,
            %bitcast3A_570 = vector.bitcast %get3A_569 : vector<16xf32> to vector<16xi32>
            %and3A_571 = arith.constant -65536 : i32
            %and3A_572 = vector.broadcast %and3A_571 : i32 to vector<16xi32>
            %and3A_573 = arith.andi %bitcast3A_570, %and3A_572 : vector<16xi32>
            %bitcast3A_574 = vector.bitcast %and3A_573 : vector<16xi32> to vector<16xf32>
            %shift_left3A_575 = arith.constant 16 : i32
            %shift_left3A_576 = vector.broadcast %shift_left3A_575 : i32 to vector<16xi32>
            %shift_left3A_577 = arith.shli %bitcast3A_570, %shift_left3A_576 : vector<16xi32>
            %bitcast3A_578 = vector.bitcast %shift_left3A_577 : vector<16xi32> to vector<16xf32>
            %get3A_579 = arith.index_cast %add3A_567 : i32 to index
            %get3A_580 = tpu.vector_load %arg9[%get3A_579] {strides = array<i32>} : memref<16384xf32, #tpu.memory_space<vmem>>, vector<16xf32>,
            %mul3A_581 = arith.mulf %gather3A_126, %bitcast3A_574 : vector<16xf32>
            %mul3A_582 = arith.mulf %gather3A_145, %bitcast3A_578 : vector<16xf32>
            %add3A_583 = arith.addf %mul3A_581, %mul3A_582 : vector<16xf32>
            %mul3A_584 = arith.mulf %gather3A_164, %get3A_580 : vector<16xf32>
            %add3A_585 = arith.addf %add3A_583, %mul3A_584 : vector<16xf32>
            %get3A_586 = arith.index_cast %add3A_567 : i32 to index
            %get3A_587 = tpu.vector_load %arg7[%get3A_586] {strides = array<i32>} : memref<16384xf32, #tpu.memory_space<vmem>>, vector<16xf32>,
            %add3A_588 = arith.addf %gather3A_109, %get3A_587 : vector<16xf32>
            %mul3A_589 = arith.constant 2.000000e+00 : f32
            %mul3A_590 = vector.broadcast %mul3A_589 : f32 to vector<16xf32>
            %mul3A_591 = arith.mulf %mul3A_590, %add3A_585 : vector<16xf32>
            %sub3A_592 = arith.subf %add3A_588, %mul3A_591 : vector<16xf32>
            %lt3A_593 = arith.constant 6.400000e-01 : f32
            %lt3A_594 = vector.broadcast %lt3A_593 : f32 to vector<16xf32>
            %lt3A_595 = arith.cmpf olt, %sub3A_592, %lt3A_594 : vector<16xf32>
            %all_reduce_population_count3A_596 = tpu.all_reduce %lt3A_595 {dim = 0 : i64, kind = #tpu.reduction_kind<sum>} : vector<16xi1> -> vector<16xi32>
            %add3A_597 = vector.broadcast %add3A_567 : i32 to vector<16xi32>
            %add3A_598 = arith.addi %add3A_597, %iota3A : vector<16xi32>
            %masked_sort3A_599 = arith.constant -2147483648 : i32
            %masked_sort3A_600 = vector.broadcast %masked_sort3A_599 : i32 to vector<16xi32>
            %masked_sort3A_601 = arith.xori %add3A_598, %masked_sort3A_600 : vector<16xi32>
            %masked_sort3A_602, %masked_sort3A_603, %masked_sort3A_604 = tpu.sort %masked_sort3A_601, %add3A_598 masked %lt3A_595 : (vector<16xi32>, vector<16xi32>, vector<16xi1>) -> (vector<16xi1>, vector<16xi32>, vector<16xi32>)
            %masked_sort3A_605 = arith.xori %masked_sort3A_603, %masked_sort3A_600 : vector<16xi32>
            %add3A_606 = arith.addi %min3A_565, %iota3A : vector<16xi32>
            %lt3A_607 = arith.cmpi slt, %iota3A, %all_reduce_population_count3A_596 : vector<16xi32>
            %lt3A_608 = arith.constant 16 : i32
            %lt3A_609 = vector.broadcast %lt3A_608 : i32 to vector<16xi32>
            %lt3A_610 = arith.cmpi slt, %add3A_606, %lt3A_609 : vector<16xi32>
            %and3A_611 = arith.andi %lt3A_607, %lt3A_610 : vector<16xi1>
            tpu.vector_store_idx %arg13[%add3A_606], %masked_sort3A_605 masked %and3A_611 : memref<16xi32, #tpu.memory_space<vmem>>[vector<16xi32>], vector<16xi32>, vector<16xi1>
            %add3A_612 = arith.addi %min3A_565, %all_reduce_population_count3A_596 : vector<16xi32>
            %min3A_613 = arith.constant 16 : i32
            %min3A_614 = vector.broadcast %min3A_613 : i32 to vector<16xi32>
            %min3A_615 = arith.minsi %add3A_612, %min3A_614 : vector<16xi32>
            %add3A_616 = arith.constant 48 : i32
            %add3A_617 = arith.addi %multiple_of3A, %add3A_616 : i32
            %get3A_618 = arith.index_cast %add3A_617 : i32 to index
            %get3A_619 = tpu.vector_load %arg8[%get3A_618] {strides = array<i32>} : memref<16384xf32, #tpu.memory_space<vmem>>, vector<16xf32>,
            %bitcast3A_620 = vector.bitcast %get3A_619 : vector<16xf32> to vector<16xi32>
            %and3A_621 = arith.constant -65536 : i32
            %and3A_622 = vector.broadcast %and3A_621 : i32 to vector<16xi32>
            %and3A_623 = arith.andi %bitcast3A_620, %and3A_622 : vector<16xi32>
            %bitcast3A_624 = vector.bitcast %and3A_623 : vector<16xi32> to vector<16xf32>
            %shift_left3A_625 = arith.constant 16 : i32
            %shift_left3A_626 = vector.broadcast %shift_left3A_625 : i32 to vector<16xi32>
            %shift_left3A_627 = arith.shli %bitcast3A_620, %shift_left3A_626 : vector<16xi32>
            %bitcast3A_628 = vector.bitcast %shift_left3A_627 : vector<16xi32> to vector<16xf32>
            %get3A_629 = arith.index_cast %add3A_617 : i32 to index
            %get3A_630 = tpu.vector_load %arg9[%get3A_629] {strides = array<i32>} : memref<16384xf32, #tpu.memory_space<vmem>>, vector<16xf32>,
            %mul3A_631 = arith.mulf %gather3A_126, %bitcast3A_624 : vector<16xf32>
            %mul3A_632 = arith.mulf %gather3A_145, %bitcast3A_628 : vector<16xf32>
            %add3A_633 = arith.addf %mul3A_631, %mul3A_632 : vector<16xf32>
            %mul3A_634 = arith.mulf %gather3A_164, %get3A_630 : vector<16xf32>
            %add3A_635 = arith.addf %add3A_633, %mul3A_634 : vector<16xf32>
            %get3A_636 = arith.index_cast %add3A_617 : i32 to index
            %get3A_637 = tpu.vector_load %arg7[%get3A_636] {strides = array<i32>} : memref<16384xf32, #tpu.memory_space<vmem>>, vector<16xf32>,
            %add3A_638 = arith.addf %gather3A_109, %get3A_637 : vector<16xf32>
            %mul3A_639 = arith.constant 2.000000e+00 : f32
            %mul3A_640 = vector.broadcast %mul3A_639 : f32 to vector<16xf32>
            %mul3A_641 = arith.mulf %mul3A_640, %add3A_635 : vector<16xf32>
            %sub3A_642 = arith.subf %add3A_638, %mul3A_641 : vector<16xf32>
            %lt3A_643 = arith.constant 6.400000e-01 : f32
            %lt3A_644 = vector.broadcast %lt3A_643 : f32 to vector<16xf32>
            %lt3A_645 = arith.cmpf olt, %sub3A_642, %lt3A_644 : vector<16xf32>
            %all_reduce_population_count3A_646 = tpu.all_reduce %lt3A_645 {dim = 0 : i64, kind = #tpu.reduction_kind<sum>} : vector<16xi1> -> vector<16xi32>
            %add3A_647 = vector.broadcast %add3A_617 : i32 to vector<16xi32>
            %add3A_648 = arith.addi %add3A_647, %iota3A : vector<16xi32>
            %masked_sort3A_649 = arith.constant -2147483648 : i32
            %masked_sort3A_650 = vector.broadcast %masked_sort3A_649 : i32 to vector<16xi32>
            %masked_sort3A_651 = arith.xori %add3A_648, %masked_sort3A_650 : vector<16xi32>
            %masked_sort3A_652, %masked_sort3A_653, %masked_sort3A_654 = tpu.sort %masked_sort3A_651, %add3A_648 masked %lt3A_645 : (vector<16xi32>, vector<16xi32>, vector<16xi1>) -> (vector<16xi1>, vector<16xi32>, vector<16xi32>)
            %masked_sort3A_655 = arith.xori %masked_sort3A_653, %masked_sort3A_650 : vector<16xi32>
            %add3A_656 = arith.addi %min3A_615, %iota3A : vector<16xi32>
            %lt3A_657 = arith.cmpi slt, %iota3A, %all_reduce_population_count3A_646 : vector<16xi32>
            %lt3A_658 = arith.constant 16 : i32
            %lt3A_659 = vector.broadcast %lt3A_658 : i32 to vector<16xi32>
            %lt3A_660 = arith.cmpi slt, %add3A_656, %lt3A_659 : vector<16xi32>
            %and3A_661 = arith.andi %lt3A_657, %lt3A_660 : vector<16xi1>
            tpu.vector_store_idx %arg13[%add3A_656], %masked_sort3A_655 masked %and3A_661 : memref<16xi32, #tpu.memory_space<vmem>>[vector<16xi32>], vector<16xi32>, vector<16xi1>
            %add3A_662 = arith.addi %min3A_615, %all_reduce_population_count3A_646 : vector<16xi32>
            %min3A_663 = arith.constant 16 : i32
            %min3A_664 = vector.broadcast %min3A_663 : i32 to vector<16xi32>
            %min3A_665 = arith.minsi %add3A_662, %min3A_664 : vector<16xi32>
            %add3A_666 = arith.constant 64 : i32
            %add3A_667 = arith.addi %multiple_of3A, %add3A_666 : i32
            %get3A_668 = arith.index_cast %add3A_667 : i32 to index
            %get3A_669 = tpu.vector_load %arg8[%get3A_668] {strides = array<i32>} : memref<16384xf32, #tpu.memory_space<vmem>>, vector<16xf32>,
            %bitcast3A_670 = vector.bitcast %get3A_669 : vector<16xf32> to vector<16xi32>
            %and3A_671 = arith.constant -65536 : i32
            %and3A_672 = vector.broadcast %and3A_671 : i32 to vector<16xi32>
            %and3A_673 = arith.andi %bitcast3A_670, %and3A_672 : vector<16xi32>
            %bitcast3A_674 = vector.bitcast %and3A_673 : vector<16xi32> to vector<16xf32>
            %shift_left3A_675 = arith.constant 16 : i32
            %shift_left3A_676 = vector.broadcast %shift_left3A_675 : i32 to vector<16xi32>
            %shift_left3A_677 = arith.shli %bitcast3A_670, %shift_left3A_676 : vector<16xi32>
            %bitcast3A_678 = vector.bitcast %shift_left3A_677 : vector<16xi32> to vector<16xf32>
            %get3A_679 = arith.index_cast %add3A_667 : i32 to index
            %get3A_680 = tpu.vector_load %arg9[%get3A_679] {strides = array<i32>} : memref<16384xf32, #tpu.memory_space<vmem>>, vector<16xf32>,
            %mul3A_681 = arith.mulf %gather3A_126, %bitcast3A_674 : vector<16xf32>
            %mul3A_682 = arith.mulf %gather3A_145, %bitcast3A_678 : vector<16xf32>
            %add3A_683 = arith.addf %mul3A_681, %mul3A_682 : vector<16xf32>
            %mul3A_684 = arith.mulf %gather3A_164, %get3A_680 : vector<16xf32>
            %add3A_685 = arith.addf %add3A_683, %mul3A_684 : vector<16xf32>
            %get3A_686 = arith.index_cast %add3A_667 : i32 to index
            %get3A_687 = tpu.vector_load %arg7[%get3A_686] {strides = array<i32>} : memref<16384xf32, #tpu.memory_space<vmem>>, vector<16xf32>,
            %add3A_688 = arith.addf %gather3A_109, %get3A_687 : vector<16xf32>
            %mul3A_689 = arith.constant 2.000000e+00 : f32
            %mul3A_690 = vector.broadcast %mul3A_689 : f32 to vector<16xf32>
            %mul3A_691 = arith.mulf %mul3A_690, %add3A_685 : vector<16xf32>
            %sub3A_692 = arith.subf %add3A_688, %mul3A_691 : vector<16xf32>
            %lt3A_693 = arith.constant 6.400000e-01 : f32
            %lt3A_694 = vector.broadcast %lt3A_693 : f32 to vector<16xf32>
            %lt3A_695 = arith.cmpf olt, %sub3A_692, %lt3A_694 : vector<16xf32>
            %all_reduce_population_count3A_696 = tpu.all_reduce %lt3A_695 {dim = 0 : i64, kind = #tpu.reduction_kind<sum>} : vector<16xi1> -> vector<16xi32>
            %add3A_697 = vector.broadcast %add3A_667 : i32 to vector<16xi32>
            %add3A_698 = arith.addi %add3A_697, %iota3A : vector<16xi32>
            %masked_sort3A_699 = arith.constant -2147483648 : i32
            %masked_sort3A_700 = vector.broadcast %masked_sort3A_699 : i32 to vector<16xi32>
            %masked_sort3A_701 = arith.xori %add3A_698, %masked_sort3A_700 : vector<16xi32>
            %masked_sort3A_702, %masked_sort3A_703, %masked_sort3A_704 = tpu.sort %masked_sort3A_701, %add3A_698 masked %lt3A_695 : (vector<16xi32>, vector<16xi32>, vector<16xi1>) -> (vector<16xi1>, vector<16xi32>, vector<16xi32>)
            %masked_sort3A_705 = arith.xori %masked_sort3A_703, %masked_sort3A_700 : vector<16xi32>
            %add3A_706 = arith.addi %min3A_665, %iota3A : vector<16xi32>
            %lt3A_707 = arith.cmpi slt, %iota3A, %all_reduce_population_count3A_696 : vector<16xi32>
            %lt3A_708 = arith.constant 16 : i32
            %lt3A_709 = vector.broadcast %lt3A_708 : i32 to vector<16xi32>
            %lt3A_710 = arith.cmpi slt, %add3A_706, %lt3A_709 : vector<16xi32>
            %and3A_711 = arith.andi %lt3A_707, %lt3A_710 : vector<16xi1>
            tpu.vector_store_idx %arg13[%add3A_706], %masked_sort3A_705 masked %and3A_711 : memref<16xi32, #tpu.memory_space<vmem>>[vector<16xi32>], vector<16xi32>, vector<16xi1>
            %add3A_712 = arith.addi %min3A_665, %all_reduce_population_count3A_696 : vector<16xi32>
            %min3A_713 = arith.constant 16 : i32
            %min3A_714 = vector.broadcast %min3A_713 : i32 to vector<16xi32>
            %min3A_715 = arith.minsi %add3A_712, %min3A_714 : vector<16xi32>
            %add3A_716 = arith.constant 80 : i32
            %add3A_717 = arith.addi %multiple_of3A, %add3A_716 : i32
            %get3A_718 = arith.index_cast %add3A_717 : i32 to index
            %get3A_719 = tpu.vector_load %arg8[%get3A_718] {strides = array<i32>} : memref<16384xf32, #tpu.memory_space<vmem>>, vector<16xf32>,
            %bitcast3A_720 = vector.bitcast %get3A_719 : vector<16xf32> to vector<16xi32>
            %and3A_721 = arith.constant -65536 : i32
            %and3A_722 = vector.broadcast %and3A_721 : i32 to vector<16xi32>
            %and3A_723 = arith.andi %bitcast3A_720, %and3A_722 : vector<16xi32>
            %bitcast3A_724 = vector.bitcast %and3A_723 : vector<16xi32> to vector<16xf32>
            %shift_left3A_725 = arith.constant 16 : i32
            %shift_left3A_726 = vector.broadcast %shift_left3A_725 : i32 to vector<16xi32>
            %shift_left3A_727 = arith.shli %bitcast3A_720, %shift_left3A_726 : vector<16xi32>
            %bitcast3A_728 = vector.bitcast %shift_left3A_727 : vector<16xi32> to vector<16xf32>
            %get3A_729 = arith.index_cast %add3A_717 : i32 to index
            %get3A_730 = tpu.vector_load %arg9[%get3A_729] {strides = array<i32>} : memref<16384xf32, #tpu.memory_space<vmem>>, vector<16xf32>,
            %mul3A_731 = arith.mulf %gather3A_126, %bitcast3A_724 : vector<16xf32>
            %mul3A_732 = arith.mulf %gather3A_145, %bitcast3A_728 : vector<16xf32>
            %add3A_733 = arith.addf %mul3A_731, %mul3A_732 : vector<16xf32>
            %mul3A_734 = arith.mulf %gather3A_164, %get3A_730 : vector<16xf32>
            %add3A_735 = arith.addf %add3A_733, %mul3A_734 : vector<16xf32>
            %get3A_736 = arith.index_cast %add3A_717 : i32 to index
            %get3A_737 = tpu.vector_load %arg7[%get3A_736] {strides = array<i32>} : memref<16384xf32, #tpu.memory_space<vmem>>, vector<16xf32>,
            %add3A_738 = arith.addf %gather3A_109, %get3A_737 : vector<16xf32>
            %mul3A_739 = arith.constant 2.000000e+00 : f32
            %mul3A_740 = vector.broadcast %mul3A_739 : f32 to vector<16xf32>
            %mul3A_741 = arith.mulf %mul3A_740, %add3A_735 : vector<16xf32>
            %sub3A_742 = arith.subf %add3A_738, %mul3A_741 : vector<16xf32>
            %lt3A_743 = arith.constant 6.400000e-01 : f32
            %lt3A_744 = vector.broadcast %lt3A_743 : f32 to vector<16xf32>
            %lt3A_745 = arith.cmpf olt, %sub3A_742, %lt3A_744 : vector<16xf32>
            %all_reduce_population_count3A_746 = tpu.all_reduce %lt3A_745 {dim = 0 : i64, kind = #tpu.reduction_kind<sum>} : vector<16xi1> -> vector<16xi32>
            %add3A_747 = vector.broadcast %add3A_717 : i32 to vector<16xi32>
            %add3A_748 = arith.addi %add3A_747, %iota3A : vector<16xi32>
            %masked_sort3A_749 = arith.constant -2147483648 : i32
            %masked_sort3A_750 = vector.broadcast %masked_sort3A_749 : i32 to vector<16xi32>
            %masked_sort3A_751 = arith.xori %add3A_748, %masked_sort3A_750 : vector<16xi32>
            %masked_sort3A_752, %masked_sort3A_753, %masked_sort3A_754 = tpu.sort %masked_sort3A_751, %add3A_748 masked %lt3A_745 : (vector<16xi32>, vector<16xi32>, vector<16xi1>) -> (vector<16xi1>, vector<16xi32>, vector<16xi32>)
            %masked_sort3A_755 = arith.xori %masked_sort3A_753, %masked_sort3A_750 : vector<16xi32>
            %add3A_756 = arith.addi %min3A_715, %iota3A : vector<16xi32>
            %lt3A_757 = arith.cmpi slt, %iota3A, %all_reduce_population_count3A_746 : vector<16xi32>
            %lt3A_758 = arith.constant 16 : i32
            %lt3A_759 = vector.broadcast %lt3A_758 : i32 to vector<16xi32>
            %lt3A_760 = arith.cmpi slt, %add3A_756, %lt3A_759 : vector<16xi32>
            %and3A_761 = arith.andi %lt3A_757, %lt3A_760 : vector<16xi1>
            tpu.vector_store_idx %arg13[%add3A_756], %masked_sort3A_755 masked %and3A_761 : memref<16xi32, #tpu.memory_space<vmem>>[vector<16xi32>], vector<16xi32>, vector<16xi1>
            %add3A_762 = arith.addi %min3A_715, %all_reduce_population_count3A_746 : vector<16xi32>
            %min3A_763 = arith.constant 16 : i32
            %min3A_764 = vector.broadcast %min3A_763 : i32 to vector<16xi32>
            %min3A_765 = arith.minsi %add3A_762, %min3A_764 : vector<16xi32>
            %add3A_766 = arith.constant 96 : i32
            %add3A_767 = arith.addi %multiple_of3A, %add3A_766 : i32
            %get3A_768 = arith.index_cast %add3A_767 : i32 to index
            %get3A_769 = tpu.vector_load %arg8[%get3A_768] {strides = array<i32>} : memref<16384xf32, #tpu.memory_space<vmem>>, vector<16xf32>,
            %bitcast3A_770 = vector.bitcast %get3A_769 : vector<16xf32> to vector<16xi32>
            %and3A_771 = arith.constant -65536 : i32
            %and3A_772 = vector.broadcast %and3A_771 : i32 to vector<16xi32>
            %and3A_773 = arith.andi %bitcast3A_770, %and3A_772 : vector<16xi32>
            %bitcast3A_774 = vector.bitcast %and3A_773 : vector<16xi32> to vector<16xf32>
            %shift_left3A_775 = arith.constant 16 : i32
            %shift_left3A_776 = vector.broadcast %shift_left3A_775 : i32 to vector<16xi32>
            %shift_left3A_777 = arith.shli %bitcast3A_770, %shift_left3A_776 : vector<16xi32>
            %bitcast3A_778 = vector.bitcast %shift_left3A_777 : vector<16xi32> to vector<16xf32>
            %get3A_779 = arith.index_cast %add3A_767 : i32 to index
            %get3A_780 = tpu.vector_load %arg9[%get3A_779] {strides = array<i32>} : memref<16384xf32, #tpu.memory_space<vmem>>, vector<16xf32>,
            %mul3A_781 = arith.mulf %gather3A_126, %bitcast3A_774 : vector<16xf32>
            %mul3A_782 = arith.mulf %gather3A_145, %bitcast3A_778 : vector<16xf32>
            %add3A_783 = arith.addf %mul3A_781, %mul3A_782 : vector<16xf32>
            %mul3A_784 = arith.mulf %gather3A_164, %get3A_780 : vector<16xf32>
            %add3A_785 = arith.addf %add3A_783, %mul3A_784 : vector<16xf32>
            %get3A_786 = arith.index_cast %add3A_767 : i32 to index
            %get3A_787 = tpu.vector_load %arg7[%get3A_786] {strides = array<i32>} : memref<16384xf32, #tpu.memory_space<vmem>>, vector<16xf32>,
            %add3A_788 = arith.addf %gather3A_109, %get3A_787 : vector<16xf32>
            %mul3A_789 = arith.constant 2.000000e+00 : f32
            %mul3A_790 = vector.broadcast %mul3A_789 : f32 to vector<16xf32>
            %mul3A_791 = arith.mulf %mul3A_790, %add3A_785 : vector<16xf32>
            %sub3A_792 = arith.subf %add3A_788, %mul3A_791 : vector<16xf32>
            %lt3A_793 = arith.constant 6.400000e-01 : f32
            %lt3A_794 = vector.broadcast %lt3A_793 : f32 to vector<16xf32>
            %lt3A_795 = arith.cmpf olt, %sub3A_792, %lt3A_794 : vector<16xf32>
            %all_reduce_population_count3A_796 = tpu.all_reduce %lt3A_795 {dim = 0 : i64, kind = #tpu.reduction_kind<sum>} : vector<16xi1> -> vector<16xi32>
            %add3A_797 = vector.broadcast %add3A_767 : i32 to vector<16xi32>
            %add3A_798 = arith.addi %add3A_797, %iota3A : vector<16xi32>
            %masked_sort3A_799 = arith.constant -2147483648 : i32
            %masked_sort3A_800 = vector.broadcast %masked_sort3A_799 : i32 to vector<16xi32>
            %masked_sort3A_801 = arith.xori %add3A_798, %masked_sort3A_800 : vector<16xi32>
            %masked_sort3A_802, %masked_sort3A_803, %masked_sort3A_804 = tpu.sort %masked_sort3A_801, %add3A_798 masked %lt3A_795 : (vector<16xi32>, vector<16xi32>, vector<16xi1>) -> (vector<16xi1>, vector<16xi32>, vector<16xi32>)
            %masked_sort3A_805 = arith.xori %masked_sort3A_803, %masked_sort3A_800 : vector<16xi32>
            %add3A_806 = arith.addi %min3A_765, %iota3A : vector<16xi32>
            %lt3A_807 = arith.cmpi slt, %iota3A, %all_reduce_population_count3A_796 : vector<16xi32>
            %lt3A_808 = arith.constant 16 : i32
            %lt3A_809 = vector.broadcast %lt3A_808 : i32 to vector<16xi32>
            %lt3A_810 = arith.cmpi slt, %add3A_806, %lt3A_809 : vector<16xi32>
            %and3A_811 = arith.andi %lt3A_807, %lt3A_810 : vector<16xi1>
            tpu.vector_store_idx %arg13[%add3A_806], %masked_sort3A_805 masked %and3A_811 : memref<16xi32, #tpu.memory_space<vmem>>[vector<16xi32>], vector<16xi32>, vector<16xi1>
            %add3A_812 = arith.addi %min3A_765, %all_reduce_population_count3A_796 : vector<16xi32>
            %min3A_813 = arith.constant 16 : i32
            %min3A_814 = vector.broadcast %min3A_813 : i32 to vector<16xi32>
            %min3A_815 = arith.minsi %add3A_812, %min3A_814 : vector<16xi32>
            %add3A_816 = arith.constant 112 : i32
            %add3A_817 = arith.addi %multiple_of3A, %add3A_816 : i32
            %get3A_818 = arith.index_cast %add3A_817 : i32 to index
            %get3A_819 = tpu.vector_load %arg8[%get3A_818] {strides = array<i32>} : memref<16384xf32, #tpu.memory_space<vmem>>, vector<16xf32>,
            %bitcast3A_820 = vector.bitcast %get3A_819 : vector<16xf32> to vector<16xi32>
            %and3A_821 = arith.constant -65536 : i32
            %and3A_822 = vector.broadcast %and3A_821 : i32 to vector<16xi32>
            %and3A_823 = arith.andi %bitcast3A_820, %and3A_822 : vector<16xi32>
            %bitcast3A_824 = vector.bitcast %and3A_823 : vector<16xi32> to vector<16xf32>
            %shift_left3A_825 = arith.constant 16 : i32
            %shift_left3A_826 = vector.broadcast %shift_left3A_825 : i32 to vector<16xi32>
            %shift_left3A_827 = arith.shli %bitcast3A_820, %shift_left3A_826 : vector<16xi32>
            %bitcast3A_828 = vector.bitcast %shift_left3A_827 : vector<16xi32> to vector<16xf32>
            %get3A_829 = arith.index_cast %add3A_817 : i32 to index
            %get3A_830 = tpu.vector_load %arg9[%get3A_829] {strides = array<i32>} : memref<16384xf32, #tpu.memory_space<vmem>>, vector<16xf32>,
            %mul3A_831 = arith.mulf %gather3A_126, %bitcast3A_824 : vector<16xf32>
            %mul3A_832 = arith.mulf %gather3A_145, %bitcast3A_828 : vector<16xf32>
            %add3A_833 = arith.addf %mul3A_831, %mul3A_832 : vector<16xf32>
            %mul3A_834 = arith.mulf %gather3A_164, %get3A_830 : vector<16xf32>
            %add3A_835 = arith.addf %add3A_833, %mul3A_834 : vector<16xf32>
            %get3A_836 = arith.index_cast %add3A_817 : i32 to index
            %get3A_837 = tpu.vector_load %arg7[%get3A_836] {strides = array<i32>} : memref<16384xf32, #tpu.memory_space<vmem>>, vector<16xf32>,
            %add3A_838 = arith.addf %gather3A_109, %get3A_837 : vector<16xf32>
            %mul3A_839 = arith.constant 2.000000e+00 : f32
            %mul3A_840 = vector.broadcast %mul3A_839 : f32 to vector<16xf32>
            %mul3A_841 = arith.mulf %mul3A_840, %add3A_835 : vector<16xf32>
            %sub3A_842 = arith.subf %add3A_838, %mul3A_841 : vector<16xf32>
            %lt3A_843 = arith.constant 6.400000e-01 : f32
            %lt3A_844 = vector.broadcast %lt3A_843 : f32 to vector<16xf32>
            %lt3A_845 = arith.cmpf olt, %sub3A_842, %lt3A_844 : vector<16xf32>
            %all_reduce_population_count3A_846 = tpu.all_reduce %lt3A_845 {dim = 0 : i64, kind = #tpu.reduction_kind<sum>} : vector<16xi1> -> vector<16xi32>
            %add3A_847 = vector.broadcast %add3A_817 : i32 to vector<16xi32>
            %add3A_848 = arith.addi %add3A_847, %iota3A : vector<16xi32>
            %masked_sort3A_849 = arith.constant -2147483648 : i32
            %masked_sort3A_850 = vector.broadcast %masked_sort3A_849 : i32 to vector<16xi32>
            %masked_sort3A_851 = arith.xori %add3A_848, %masked_sort3A_850 : vector<16xi32>
            %masked_sort3A_852, %masked_sort3A_853, %masked_sort3A_854 = tpu.sort %masked_sort3A_851, %add3A_848 masked %lt3A_845 : (vector<16xi32>, vector<16xi32>, vector<16xi1>) -> (vector<16xi1>, vector<16xi32>, vector<16xi32>)
            %masked_sort3A_855 = arith.xori %masked_sort3A_853, %masked_sort3A_850 : vector<16xi32>
            %add3A_856 = arith.addi %min3A_815, %iota3A : vector<16xi32>
            %lt3A_857 = arith.cmpi slt, %iota3A, %all_reduce_population_count3A_846 : vector<16xi32>
            %lt3A_858 = arith.constant 16 : i32
            %lt3A_859 = vector.broadcast %lt3A_858 : i32 to vector<16xi32>
            %lt3A_860 = arith.cmpi slt, %add3A_856, %lt3A_859 : vector<16xi32>
            %and3A_861 = arith.andi %lt3A_857, %lt3A_860 : vector<16xi1>
            tpu.vector_store_idx %arg13[%add3A_856], %masked_sort3A_855 masked %and3A_861 : memref<16xi32, #tpu.memory_space<vmem>>[vector<16xi32>], vector<16xi32>, vector<16xi1>
            %add3A_862 = arith.addi %min3A_815, %all_reduce_population_count3A_846 : vector<16xi32>
            %min3A_863 = arith.constant 16 : i32
            %min3A_864 = vector.broadcast %min3A_863 : i32 to vector<16xi32>
            %min3A_865 = arith.minsi %add3A_862, %min3A_864 : vector<16xi32>
            %swap3A_866 = arith.constant 0 : index
            %swap3A_867 = tpu.vector_load %arg14[%swap3A_866] {strides = array<i32>} : memref<16xi32, #tpu.memory_space<vmem>>, vector<16xi32>,
            tpu.vector_store %arg14[%swap3A_866], %min3A_865 {strides = array<i32>} : memref<16xi32, #tpu.memory_space<vmem>>, vector<16xi32>,
            %reduce_max3A = arith.constant true
            %reduce_max3A_868 = vector.broadcast %reduce_max3A : i1 to vector<16xi1>
            %reduce_max3A_869 = arith.constant -2147483648 : i32
            %reduce_max3A_870 = vector.broadcast %reduce_max3A_869 : i32 to vector<16xi32>
            %reduce_max3A_871 = arith.xori %min3A_865, %reduce_max3A_870 : vector<16xi32>
            %reduce_max3A_872 = tpu.scan <max>, %reduce_max3A_871 masked %reduce_max3A_868 : vector<16xi32>, vector<16xi1> -> vector<16xi32>
            %reduce_max3A_873 = arith.xori %reduce_max3A_872, %reduce_max3A_870 : vector<16xi32>
            %reduce_max3A_874 = vector.extract %reduce_max3A_873[15] : i32 from vector<16xi32>
            %swap3A_875 = arith.constant 0 : i32
            %swap3A_876 = arith.index_cast %swap3A_875 : i32 to index
            %swap3A_877 = memref.load %arg18[%swap3A_876] : memref<1xi32, #tpu.memory_space<smem>>
            memref.store %reduce_max3A_874, %arg18[%swap3A_876] : memref<1xi32, #tpu.memory_space<smem>>
          } else {
          }
          %add3A_462 = arith.constant 1 : i32
          %add3A_463 = arith.addi %while3A_204, %add3A_462 : i32
          %get3A_464 = arith.constant 0 : i32
          %get3A_465 = arith.index_cast %get3A_464 : i32 to index
          %get3A_466 = memref.load %arg18[%get3A_465] : memref<1xi32, #tpu.memory_space<smem>>
          scf.yield %add3A_463, %get3A_466 : i32, i32
        }
        %get3A_172 = arith.constant 0 : index
        %get3A_173 = tpu.vector_load %arg14[%get3A_172] {strides = array<i32>} : memref<16xi32, #tpu.memory_space<vmem>>, vector<16xi32>,
        %get3A_174 = arith.constant 0 : index
        %get3A_175 = tpu.vector_load %arg13[%get3A_174] {strides = array<i32>} : memref<16xi32, #tpu.memory_space<vmem>>, vector<16xi32>,
        %jit3A_176 = arith.constant -1 : i32
        %broadcast_in_dim3A_177 = vector.broadcast %jit3A_176 : i32 to vector<16xi32>
        %select_n3A_178 = arith.select %eq3A_34, %get3A_175, %broadcast_in_dim3A_177 : vector<16xi1>, vector<16xi32>
        %broadcast_in_dim3A_179 = arith.constant true
        %broadcast_in_dim3A_180 = vector.broadcast %broadcast_in_dim3A_179 : i1 to vector<16xi1>
        %masked_cummax3A = arith.constant -2147483648 : i32
        %masked_cummax3A_181 = vector.broadcast %masked_cummax3A : i32 to vector<16xi32>
        %masked_cummax3A_182 = arith.xori %select_n3A_178, %masked_cummax3A_181 : vector<16xi32>
        %masked_cummax3A_183 = tpu.scan <max>, %masked_cummax3A_182 masked %broadcast_in_dim3A_180 : vector<16xi32>, vector<16xi1> -> vector<16xi32>
        %masked_cummax3A_184 = arith.xori %masked_cummax3A_183, %masked_cummax3A_181 : vector<16xi32>
        %lt3A = arith.cmpi slt, %iota3A, %get3A_173 : vector<16xi32>
        %gt3A = arith.constant 0 : i32
        %gt3A_185 = vector.broadcast %gt3A : i32 to vector<16xi32>
        %gt3A_186 = arith.cmpi sgt, %get3A_173, %gt3A_185 : vector<16xi32>
        %select_n3A_187 = arith.select %lt3A, %get3A_175, %masked_cummax3A_184 : vector<16xi1>, vector<16xi32>
        %jit3A_188 = arith.constant 0 : i32
        %broadcast_in_dim3A_189 = vector.broadcast %jit3A_188 : i32 to vector<16xi32>
        %select_n3A_190 = arith.select %gt3A_186, %select_n3A_187, %broadcast_in_dim3A_189 : vector<16xi1>, vector<16xi32>
        %add3A_191 = arith.constant 16 : i32
        %add3A_192 = arith.addi %add3A_191, %scan3A_86 : i32
        %swap3A_193 = arith.index_cast %add3A_192 : i32 to index
        %swap3A_194 = arith.constant 0 : index
        %swap3A_195 = tpu.vector_load %arg15[%swap3A_193, %swap3A_194] {strides = array<i32>} : memref<64x16xi32, #tpu.memory_space<vmem>>, vector<16xi32>,
        tpu.vector_store %arg15[%swap3A_193, %swap3A_194], %select_n3A_190 {strides = array<i32>} : memref<64x16xi32, #tpu.memory_space<vmem>>, vector<16xi32>,
        %jit3A_196 = arith.constant 16384 : i32
        %broadcast_in_dim3A_197 = vector.broadcast %jit3A_196 : i32 to vector<16xi32>
        %select_n3A_198 = arith.select %gt3A_186, %select_n3A_190, %broadcast_in_dim3A_197 : vector<16xi1>, vector<16xi32>
        %swap3A_199 = arith.index_cast %add3A_192 : i32 to index
        %swap3A_200 = arith.constant 0 : index
        %swap3A_201 = tpu.vector_load %arg16[%swap3A_199, %swap3A_200] {strides = array<i32>} : memref<64x16xi32, #tpu.memory_space<vmem>>, vector<16xi32>,
        tpu.vector_store %arg16[%swap3A_199, %swap3A_200], %select_n3A_198 {strides = array<i32>} : memref<64x16xi32, #tpu.memory_space<vmem>>, vector<16xi32>,
        %broadcast_in_dim3A_202 = vector.broadcast %add3A_92 : i32 to vector<16xi32>
        tpu.vector_store_idx %arg17[%broadcast_in_dim3A_202], %get3A_173 masked %eq3A_34 : memref<512xi32, #tpu.memory_space<vmem>>[vector<16xi32>], vector<16xi32>, vector<16xi1>
        %scan3A_203 = arith.constant 0 : i32
        scf.yield %scan3A_203 : i32
      }
      %scan3A_64 = arith.constant 16 : i32
      %scan3A_65 = arith.constant 0 : i32
      %scan3A_66 = arith.constant 0 : i32
      %scan3A_67 = arith.constant 16 : i32
      %scan3A_68 = arith.addi %scan3A_66, %scan3A_67 : i32
      %scan3A_69 = arith.constant 1 : i32
      %scan3A_70 = scf.for %scan3A_86 = %scan3A_66 to %scan3A_68 step %scan3A_69 iter_args(%scan3A_87 = %scan3A_65) -> (i32)  : i32 {
        %mul3A_88 = arith.constant 64 : i32
        %mul3A_89 = arith.muli %scan3A_49, %mul3A_88 : i32
        %add3A_90 = arith.constant 32 : i32
        %add3A_91 = arith.addi %mul3A_89, %add3A_90 : i32
        %add3A_92 = arith.addi %add3A_91, %scan3A_86 : i32
        %mul3A_93 = arith.constant 64 : i32
        %mul3A_94 = arith.muli %scan3A_49, %mul3A_93 : i32
        %add3A_95 = arith.constant 32 : i32
        %add3A_96 = arith.addi %mul3A_94, %add3A_95 : i32
        %get3A = arith.index_cast %add3A_96 : i32 to index
        %get3A_97 = tpu.vector_load %arg10[%get3A] {strides = array<i32>} : memref<512xf32, #tpu.memory_space<vmem>>, vector<16xf32>,
        %get3A_98 = arith.index_cast %add3A_96 : i32 to index
        %get3A_99 = tpu.vector_load %arg11[%get3A_98] {strides = array<i32>} : memref<512xf32, #tpu.memory_space<vmem>>, vector<16xf32>,
        %get3A_100 = arith.index_cast %add3A_96 : i32 to index
        %get3A_101 = tpu.vector_load %arg12[%get3A_100] {strides = array<i32>} : memref<512xf32, #tpu.memory_space<vmem>>, vector<16xf32>,
        %mul3A_102 = arith.mulf %get3A_97, %get3A_97 : vector<16xf32>
        %mul3A_103 = arith.mulf %get3A_99, %get3A_99 : vector<16xf32>
        %add3A_104 = arith.addf %mul3A_102, %mul3A_103 : vector<16xf32>
        %mul3A_105 = arith.mulf %get3A_101, %get3A_101 : vector<16xf32>
        %add3A_106 = arith.addf %add3A_104, %mul3A_105 : vector<16xf32>
        %broadcast_in_dim3A_107 = vector.broadcast %scan3A_86 : i32 to vector<16xi32>
        %broadcast_in_dim3A_108 = vector.shape_cast %broadcast_in_dim3A_107 : vector<16xi32> to vector<16x1xi32>
        %gather3A = vector.shape_cast %broadcast_in_dim3A_108 : vector<16x1xi32> to vector<16xi32>
        %gather3A_109 = tpu.dynamic_gather %add3A_106[%gather3A] in [0] : vector<16xf32>, vector<16xi32> -> vector<16xf32>
        %bitcast3A = vector.bitcast %get3A_97 : vector<16xf32> to vector<16xi32>
        %add3A_110 = arith.constant 32767 : i32
        %add3A_111 = vector.broadcast %add3A_110 : i32 to vector<16xi32>
        %add3A_112 = arith.addi %bitcast3A, %add3A_111 : vector<16xi32>
        %shift_right_arithmetic3A = arith.constant 16 : i32
        %shift_right_arithmetic3A_113 = vector.broadcast %shift_right_arithmetic3A : i32 to vector<16xi32>
        %shift_right_arithmetic3A_114 = arith.shrsi %bitcast3A, %shift_right_arithmetic3A_113 : vector<16xi32>
        %and3A_115 = arith.constant 1 : i32
        %and3A_116 = vector.broadcast %and3A_115 : i32 to vector<16xi32>
        %and3A_117 = arith.andi %shift_right_arithmetic3A_114, %and3A_116 : vector<16xi32>
        %add3A_118 = arith.addi %add3A_112, %and3A_117 : vector<16xi32>
        %and3A_119 = arith.constant -65536 : i32
        %and3A_120 = vector.broadcast %and3A_119 : i32 to vector<16xi32>
        %and3A_121 = arith.andi %add3A_118, %and3A_120 : vector<16xi32>
        %bitcast3A_122 = vector.bitcast %and3A_121 : vector<16xi32> to vector<16xf32>
        %broadcast_in_dim3A_123 = vector.broadcast %scan3A_86 : i32 to vector<16xi32>
        %broadcast_in_dim3A_124 = vector.shape_cast %broadcast_in_dim3A_123 : vector<16xi32> to vector<16x1xi32>
        %gather3A_125 = vector.shape_cast %broadcast_in_dim3A_124 : vector<16x1xi32> to vector<16xi32>
        %gather3A_126 = tpu.dynamic_gather %bitcast3A_122[%gather3A_125] in [0] : vector<16xf32>, vector<16xi32> -> vector<16xf32>
        %bitcast3A_127 = vector.bitcast %get3A_99 : vector<16xf32> to vector<16xi32>
        %add3A_128 = arith.constant 32767 : i32
        %add3A_129 = vector.broadcast %add3A_128 : i32 to vector<16xi32>
        %add3A_130 = arith.addi %bitcast3A_127, %add3A_129 : vector<16xi32>
        %shift_right_arithmetic3A_131 = arith.constant 16 : i32
        %shift_right_arithmetic3A_132 = vector.broadcast %shift_right_arithmetic3A_131 : i32 to vector<16xi32>
        %shift_right_arithmetic3A_133 = arith.shrsi %bitcast3A_127, %shift_right_arithmetic3A_132 : vector<16xi32>
        %and3A_134 = arith.constant 1 : i32
        %and3A_135 = vector.broadcast %and3A_134 : i32 to vector<16xi32>
        %and3A_136 = arith.andi %shift_right_arithmetic3A_133, %and3A_135 : vector<16xi32>
        %add3A_137 = arith.addi %add3A_130, %and3A_136 : vector<16xi32>
        %and3A_138 = arith.constant -65536 : i32
        %and3A_139 = vector.broadcast %and3A_138 : i32 to vector<16xi32>
        %and3A_140 = arith.andi %add3A_137, %and3A_139 : vector<16xi32>
        %bitcast3A_141 = vector.bitcast %and3A_140 : vector<16xi32> to vector<16xf32>
        %broadcast_in_dim3A_142 = vector.broadcast %scan3A_86 : i32 to vector<16xi32>
        %broadcast_in_dim3A_143 = vector.shape_cast %broadcast_in_dim3A_142 : vector<16xi32> to vector<16x1xi32>
        %gather3A_144 = vector.shape_cast %broadcast_in_dim3A_143 : vector<16x1xi32> to vector<16xi32>
        %gather3A_145 = tpu.dynamic_gather %bitcast3A_141[%gather3A_144] in [0] : vector<16xf32>, vector<16xi32> -> vector<16xf32>
        %bitcast3A_146 = vector.bitcast %get3A_101 : vector<16xf32> to vector<16xi32>
        %add3A_147 = arith.constant 32767 : i32
        %add3A_148 = vector.broadcast %add3A_147 : i32 to vector<16xi32>
        %add3A_149 = arith.addi %bitcast3A_146, %add3A_148 : vector<16xi32>
        %shift_right_arithmetic3A_150 = arith.constant 16 : i32
        %shift_right_arithmetic3A_151 = vector.broadcast %shift_right_arithmetic3A_150 : i32 to vector<16xi32>
        %shift_right_arithmetic3A_152 = arith.shrsi %bitcast3A_146, %shift_right_arithmetic3A_151 : vector<16xi32>
        %and3A_153 = arith.constant 1 : i32
        %and3A_154 = vector.broadcast %and3A_153 : i32 to vector<16xi32>
        %and3A_155 = arith.andi %shift_right_arithmetic3A_152, %and3A_154 : vector<16xi32>
        %add3A_156 = arith.addi %add3A_149, %and3A_155 : vector<16xi32>
        %and3A_157 = arith.constant -65536 : i32
        %and3A_158 = vector.broadcast %and3A_157 : i32 to vector<16xi32>
        %and3A_159 = arith.andi %add3A_156, %and3A_158 : vector<16xi32>
        %bitcast3A_160 = vector.bitcast %and3A_159 : vector<16xi32> to vector<16xf32>
        %broadcast_in_dim3A_161 = vector.broadcast %scan3A_86 : i32 to vector<16xi32>
        %broadcast_in_dim3A_162 = vector.shape_cast %broadcast_in_dim3A_161 : vector<16xi32> to vector<16x1xi32>
        %gather3A_163 = vector.shape_cast %broadcast_in_dim3A_162 : vector<16x1xi32> to vector<16xi32>
        %gather3A_164 = tpu.dynamic_gather %bitcast3A_160[%gather3A_163] in [0] : vector<16xf32>, vector<16xi32> -> vector<16xf32>
        %swap3A = arith.constant 0 : index
        %swap3A_165 = tpu.vector_load %arg14[%swap3A] {strides = array<i32>} : memref<16xi32, #tpu.memory_space<vmem>>, vector<16xi32>,
        tpu.vector_store %arg14[%swap3A], %broadcast_in_dim3A_35 {strides = array<i32>} : memref<16xi32, #tpu.memory_space<vmem>>, vector<16xi32>,
        %swap3A_166 = arith.constant 0 : i32
        %swap3A_167 = arith.constant 0 : i32
        %swap3A_168 = arith.index_cast %swap3A_167 : i32 to index
        %swap3A_169 = memref.load %arg18[%swap3A_168] : memref<1xi32, #tpu.memory_space<smem>>
        memref.store %swap3A_166, %arg18[%swap3A_168] : memref<1xi32, #tpu.memory_space<smem>>
        %while3A = arith.constant 0 : i32
        %while3A_170 = arith.constant 0 : i32
        %while3A_171:2 = scf.while (%while3A_204 = %while3A, %while3A_205 = %while3A_170) : (i32, i32) -> (i32, i32) {
          %lt3A_206 = arith.constant 128 : i32
          %lt3A_207 = arith.cmpi slt, %while3A_204, %lt3A_206 : i32
          %lt3A_208 = arith.constant 16 : i32
          %lt3A_209 = arith.cmpi slt, %while3A_205, %lt3A_208 : i32
          %and3A_210 = arith.andi %lt3A_207, %lt3A_209 : i1
          scf.condition(%and3A_210) %while3A_204, %while3A_205 : i32, i32
        } do {
        ^bb0(%while3A_204: i32, %while3A_205: i32):
          %mul3A_206 = arith.constant 128 : i32
          %mul3A_207 = arith.muli %while3A_204, %mul3A_206 : i32
          %multiple_of3A = tpu.assume_multiple %mul3A_207, 128 : i32
          %get3A_208 = arith.index_cast %multiple_of3A : i32 to index
          %get3A_209 = tpu.vector_load %arg8[%get3A_208] {strides = array<i32>} : memref<16384xf32, #tpu.memory_space<vmem>>, vector<16xf32>,
          %bitcast3A_210 = vector.bitcast %get3A_209 : vector<16xf32> to vector<16xi32>
          %and3A_211 = arith.constant -65536 : i32
          %and3A_212 = vector.broadcast %and3A_211 : i32 to vector<16xi32>
          %and3A_213 = arith.andi %bitcast3A_210, %and3A_212 : vector<16xi32>
          %bitcast3A_214 = vector.bitcast %and3A_213 : vector<16xi32> to vector<16xf32>
          %shift_left3A = arith.constant 16 : i32
          %shift_left3A_215 = vector.broadcast %shift_left3A : i32 to vector<16xi32>
          %shift_left3A_216 = arith.shli %bitcast3A_210, %shift_left3A_215 : vector<16xi32>
          %bitcast3A_217 = vector.bitcast %shift_left3A_216 : vector<16xi32> to vector<16xf32>
          %get3A_218 = arith.index_cast %multiple_of3A : i32 to index
          %get3A_219 = tpu.vector_load %arg9[%get3A_218] {strides = array<i32>} : memref<16384xf32, #tpu.memory_space<vmem>>, vector<16xf32>,
          %mul3A_220 = arith.mulf %gather3A_126, %bitcast3A_214 : vector<16xf32>
          %mul3A_221 = arith.mulf %gather3A_145, %bitcast3A_217 : vector<16xf32>
          %add3A_222 = arith.addf %mul3A_220, %mul3A_221 : vector<16xf32>
          %mul3A_223 = arith.mulf %gather3A_164, %get3A_219 : vector<16xf32>
          %add3A_224 = arith.addf %add3A_222, %mul3A_223 : vector<16xf32>
          %get3A_225 = arith.index_cast %multiple_of3A : i32 to index
          %get3A_226 = tpu.vector_load %arg7[%get3A_225] {strides = array<i32>} : memref<16384xf32, #tpu.memory_space<vmem>>, vector<16xf32>,
          %add3A_227 = arith.addf %gather3A_109, %get3A_226 : vector<16xf32>
          %mul3A_228 = arith.constant 2.000000e+00 : f32
          %mul3A_229 = vector.broadcast %mul3A_228 : f32 to vector<16xf32>
          %mul3A_230 = arith.mulf %mul3A_229, %add3A_224 : vector<16xf32>
          %sub3A_231 = arith.subf %add3A_227, %mul3A_230 : vector<16xf32>
          %lt3A_232 = arith.constant 6.400000e-01 : f32
          %lt3A_233 = vector.broadcast %lt3A_232 : f32 to vector<16xf32>
          %lt3A_234 = arith.cmpf olt, %sub3A_231, %lt3A_233 : vector<16xf32>
          %add3A_235 = arith.constant 16 : i32
          %add3A_236 = arith.addi %multiple_of3A, %add3A_235 : i32
          %get3A_237 = arith.index_cast %add3A_236 : i32 to index
          %get3A_238 = tpu.vector_load %arg8[%get3A_237] {strides = array<i32>} : memref<16384xf32, #tpu.memory_space<vmem>>, vector<16xf32>,
          %bitcast3A_239 = vector.bitcast %get3A_238 : vector<16xf32> to vector<16xi32>
          %and3A_240 = arith.constant -65536 : i32
          %and3A_241 = vector.broadcast %and3A_240 : i32 to vector<16xi32>
          %and3A_242 = arith.andi %bitcast3A_239, %and3A_241 : vector<16xi32>
          %bitcast3A_243 = vector.bitcast %and3A_242 : vector<16xi32> to vector<16xf32>
          %shift_left3A_244 = arith.constant 16 : i32
          %shift_left3A_245 = vector.broadcast %shift_left3A_244 : i32 to vector<16xi32>
          %shift_left3A_246 = arith.shli %bitcast3A_239, %shift_left3A_245 : vector<16xi32>
          %bitcast3A_247 = vector.bitcast %shift_left3A_246 : vector<16xi32> to vector<16xf32>
          %get3A_248 = arith.index_cast %add3A_236 : i32 to index
          %get3A_249 = tpu.vector_load %arg9[%get3A_248] {strides = array<i32>} : memref<16384xf32, #tpu.memory_space<vmem>>, vector<16xf32>,
          %mul3A_250 = arith.mulf %gather3A_126, %bitcast3A_243 : vector<16xf32>
          %mul3A_251 = arith.mulf %gather3A_145, %bitcast3A_247 : vector<16xf32>
          %add3A_252 = arith.addf %mul3A_250, %mul3A_251 : vector<16xf32>
          %mul3A_253 = arith.mulf %gather3A_164, %get3A_249 : vector<16xf32>
          %add3A_254 = arith.addf %add3A_252, %mul3A_253 : vector<16xf32>
          %get3A_255 = arith.index_cast %add3A_236 : i32 to index
          %get3A_256 = tpu.vector_load %arg7[%get3A_255] {strides = array<i32>} : memref<16384xf32, #tpu.memory_space<vmem>>, vector<16xf32>,
          %add3A_257 = arith.addf %gather3A_109, %get3A_256 : vector<16xf32>
          %mul3A_258 = arith.constant 2.000000e+00 : f32
          %mul3A_259 = vector.broadcast %mul3A_258 : f32 to vector<16xf32>
          %mul3A_260 = arith.mulf %mul3A_259, %add3A_254 : vector<16xf32>
          %sub3A_261 = arith.subf %add3A_257, %mul3A_260 : vector<16xf32>
          %lt3A_262 = arith.constant 6.400000e-01 : f32
          %lt3A_263 = vector.broadcast %lt3A_262 : f32 to vector<16xf32>
          %lt3A_264 = arith.cmpf olt, %sub3A_261, %lt3A_263 : vector<16xf32>
          %or3A = arith.ori %lt3A_234, %lt3A_264 : vector<16xi1>
          %add3A_265 = arith.constant 32 : i32
          %add3A_266 = arith.addi %multiple_of3A, %add3A_265 : i32
          %get3A_267 = arith.index_cast %add3A_266 : i32 to index
          %get3A_268 = tpu.vector_load %arg8[%get3A_267] {strides = array<i32>} : memref<16384xf32, #tpu.memory_space<vmem>>, vector<16xf32>,
          %bitcast3A_269 = vector.bitcast %get3A_268 : vector<16xf32> to vector<16xi32>
          %and3A_270 = arith.constant -65536 : i32
          %and3A_271 = vector.broadcast %and3A_270 : i32 to vector<16xi32>
          %and3A_272 = arith.andi %bitcast3A_269, %and3A_271 : vector<16xi32>
          %bitcast3A_273 = vector.bitcast %and3A_272 : vector<16xi32> to vector<16xf32>
          %shift_left3A_274 = arith.constant 16 : i32
          %shift_left3A_275 = vector.broadcast %shift_left3A_274 : i32 to vector<16xi32>
          %shift_left3A_276 = arith.shli %bitcast3A_269, %shift_left3A_275 : vector<16xi32>
          %bitcast3A_277 = vector.bitcast %shift_left3A_276 : vector<16xi32> to vector<16xf32>
          %get3A_278 = arith.index_cast %add3A_266 : i32 to index
          %get3A_279 = tpu.vector_load %arg9[%get3A_278] {strides = array<i32>} : memref<16384xf32, #tpu.memory_space<vmem>>, vector<16xf32>,
          %mul3A_280 = arith.mulf %gather3A_126, %bitcast3A_273 : vector<16xf32>
          %mul3A_281 = arith.mulf %gather3A_145, %bitcast3A_277 : vector<16xf32>
          %add3A_282 = arith.addf %mul3A_280, %mul3A_281 : vector<16xf32>
          %mul3A_283 = arith.mulf %gather3A_164, %get3A_279 : vector<16xf32>
          %add3A_284 = arith.addf %add3A_282, %mul3A_283 : vector<16xf32>
          %get3A_285 = arith.index_cast %add3A_266 : i32 to index
          %get3A_286 = tpu.vector_load %arg7[%get3A_285] {strides = array<i32>} : memref<16384xf32, #tpu.memory_space<vmem>>, vector<16xf32>,
          %add3A_287 = arith.addf %gather3A_109, %get3A_286 : vector<16xf32>
          %mul3A_288 = arith.constant 2.000000e+00 : f32
          %mul3A_289 = vector.broadcast %mul3A_288 : f32 to vector<16xf32>
          %mul3A_290 = arith.mulf %mul3A_289, %add3A_284 : vector<16xf32>
          %sub3A_291 = arith.subf %add3A_287, %mul3A_290 : vector<16xf32>
          %lt3A_292 = arith.constant 6.400000e-01 : f32
          %lt3A_293 = vector.broadcast %lt3A_292 : f32 to vector<16xf32>
          %lt3A_294 = arith.cmpf olt, %sub3A_291, %lt3A_293 : vector<16xf32>
          %or3A_295 = arith.ori %or3A, %lt3A_294 : vector<16xi1>
          %add3A_296 = arith.constant 48 : i32
          %add3A_297 = arith.addi %multiple_of3A, %add3A_296 : i32
          %get3A_298 = arith.index_cast %add3A_297 : i32 to index
          %get3A_299 = tpu.vector_load %arg8[%get3A_298] {strides = array<i32>} : memref<16384xf32, #tpu.memory_space<vmem>>, vector<16xf32>,
          %bitcast3A_300 = vector.bitcast %get3A_299 : vector<16xf32> to vector<16xi32>
          %and3A_301 = arith.constant -65536 : i32
          %and3A_302 = vector.broadcast %and3A_301 : i32 to vector<16xi32>
          %and3A_303 = arith.andi %bitcast3A_300, %and3A_302 : vector<16xi32>
          %bitcast3A_304 = vector.bitcast %and3A_303 : vector<16xi32> to vector<16xf32>
          %shift_left3A_305 = arith.constant 16 : i32
          %shift_left3A_306 = vector.broadcast %shift_left3A_305 : i32 to vector<16xi32>
          %shift_left3A_307 = arith.shli %bitcast3A_300, %shift_left3A_306 : vector<16xi32>
          %bitcast3A_308 = vector.bitcast %shift_left3A_307 : vector<16xi32> to vector<16xf32>
          %get3A_309 = arith.index_cast %add3A_297 : i32 to index
          %get3A_310 = tpu.vector_load %arg9[%get3A_309] {strides = array<i32>} : memref<16384xf32, #tpu.memory_space<vmem>>, vector<16xf32>,
          %mul3A_311 = arith.mulf %gather3A_126, %bitcast3A_304 : vector<16xf32>
          %mul3A_312 = arith.mulf %gather3A_145, %bitcast3A_308 : vector<16xf32>
          %add3A_313 = arith.addf %mul3A_311, %mul3A_312 : vector<16xf32>
          %mul3A_314 = arith.mulf %gather3A_164, %get3A_310 : vector<16xf32>
          %add3A_315 = arith.addf %add3A_313, %mul3A_314 : vector<16xf32>
          %get3A_316 = arith.index_cast %add3A_297 : i32 to index
          %get3A_317 = tpu.vector_load %arg7[%get3A_316] {strides = array<i32>} : memref<16384xf32, #tpu.memory_space<vmem>>, vector<16xf32>,
          %add3A_318 = arith.addf %gather3A_109, %get3A_317 : vector<16xf32>
          %mul3A_319 = arith.constant 2.000000e+00 : f32
          %mul3A_320 = vector.broadcast %mul3A_319 : f32 to vector<16xf32>
          %mul3A_321 = arith.mulf %mul3A_320, %add3A_315 : vector<16xf32>
          %sub3A_322 = arith.subf %add3A_318, %mul3A_321 : vector<16xf32>
          %lt3A_323 = arith.constant 6.400000e-01 : f32
          %lt3A_324 = vector.broadcast %lt3A_323 : f32 to vector<16xf32>
          %lt3A_325 = arith.cmpf olt, %sub3A_322, %lt3A_324 : vector<16xf32>
          %or3A_326 = arith.ori %or3A_295, %lt3A_325 : vector<16xi1>
          %add3A_327 = arith.constant 64 : i32
          %add3A_328 = arith.addi %multiple_of3A, %add3A_327 : i32
          %get3A_329 = arith.index_cast %add3A_328 : i32 to index
          %get3A_330 = tpu.vector_load %arg8[%get3A_329] {strides = array<i32>} : memref<16384xf32, #tpu.memory_space<vmem>>, vector<16xf32>,
          %bitcast3A_331 = vector.bitcast %get3A_330 : vector<16xf32> to vector<16xi32>
          %and3A_332 = arith.constant -65536 : i32
          %and3A_333 = vector.broadcast %and3A_332 : i32 to vector<16xi32>
          %and3A_334 = arith.andi %bitcast3A_331, %and3A_333 : vector<16xi32>
          %bitcast3A_335 = vector.bitcast %and3A_334 : vector<16xi32> to vector<16xf32>
          %shift_left3A_336 = arith.constant 16 : i32
          %shift_left3A_337 = vector.broadcast %shift_left3A_336 : i32 to vector<16xi32>
          %shift_left3A_338 = arith.shli %bitcast3A_331, %shift_left3A_337 : vector<16xi32>
          %bitcast3A_339 = vector.bitcast %shift_left3A_338 : vector<16xi32> to vector<16xf32>
          %get3A_340 = arith.index_cast %add3A_328 : i32 to index
          %get3A_341 = tpu.vector_load %arg9[%get3A_340] {strides = array<i32>} : memref<16384xf32, #tpu.memory_space<vmem>>, vector<16xf32>,
          %mul3A_342 = arith.mulf %gather3A_126, %bitcast3A_335 : vector<16xf32>
          %mul3A_343 = arith.mulf %gather3A_145, %bitcast3A_339 : vector<16xf32>
          %add3A_344 = arith.addf %mul3A_342, %mul3A_343 : vector<16xf32>
          %mul3A_345 = arith.mulf %gather3A_164, %get3A_341 : vector<16xf32>
          %add3A_346 = arith.addf %add3A_344, %mul3A_345 : vector<16xf32>
          %get3A_347 = arith.index_cast %add3A_328 : i32 to index
          %get3A_348 = tpu.vector_load %arg7[%get3A_347] {strides = array<i32>} : memref<16384xf32, #tpu.memory_space<vmem>>, vector<16xf32>,
          %add3A_349 = arith.addf %gather3A_109, %get3A_348 : vector<16xf32>
          %mul3A_350 = arith.constant 2.000000e+00 : f32
          %mul3A_351 = vector.broadcast %mul3A_350 : f32 to vector<16xf32>
          %mul3A_352 = arith.mulf %mul3A_351, %add3A_346 : vector<16xf32>
          %sub3A_353 = arith.subf %add3A_349, %mul3A_352 : vector<16xf32>
          %lt3A_354 = arith.constant 6.400000e-01 : f32
          %lt3A_355 = vector.broadcast %lt3A_354 : f32 to vector<16xf32>
          %lt3A_356 = arith.cmpf olt, %sub3A_353, %lt3A_355 : vector<16xf32>
          %or3A_357 = arith.ori %or3A_326, %lt3A_356 : vector<16xi1>
          %add3A_358 = arith.constant 80 : i32
          %add3A_359 = arith.addi %multiple_of3A, %add3A_358 : i32
          %get3A_360 = arith.index_cast %add3A_359 : i32 to index
          %get3A_361 = tpu.vector_load %arg8[%get3A_360] {strides = array<i32>} : memref<16384xf32, #tpu.memory_space<vmem>>, vector<16xf32>,
          %bitcast3A_362 = vector.bitcast %get3A_361 : vector<16xf32> to vector<16xi32>
          %and3A_363 = arith.constant -65536 : i32
          %and3A_364 = vector.broadcast %and3A_363 : i32 to vector<16xi32>
          %and3A_365 = arith.andi %bitcast3A_362, %and3A_364 : vector<16xi32>
          %bitcast3A_366 = vector.bitcast %and3A_365 : vector<16xi32> to vector<16xf32>
          %shift_left3A_367 = arith.constant 16 : i32
          %shift_left3A_368 = vector.broadcast %shift_left3A_367 : i32 to vector<16xi32>
          %shift_left3A_369 = arith.shli %bitcast3A_362, %shift_left3A_368 : vector<16xi32>
          %bitcast3A_370 = vector.bitcast %shift_left3A_369 : vector<16xi32> to vector<16xf32>
          %get3A_371 = arith.index_cast %add3A_359 : i32 to index
          %get3A_372 = tpu.vector_load %arg9[%get3A_371] {strides = array<i32>} : memref<16384xf32, #tpu.memory_space<vmem>>, vector<16xf32>,
          %mul3A_373 = arith.mulf %gather3A_126, %bitcast3A_366 : vector<16xf32>
          %mul3A_374 = arith.mulf %gather3A_145, %bitcast3A_370 : vector<16xf32>
          %add3A_375 = arith.addf %mul3A_373, %mul3A_374 : vector<16xf32>
          %mul3A_376 = arith.mulf %gather3A_164, %get3A_372 : vector<16xf32>
          %add3A_377 = arith.addf %add3A_375, %mul3A_376 : vector<16xf32>
          %get3A_378 = arith.index_cast %add3A_359 : i32 to index
          %get3A_379 = tpu.vector_load %arg7[%get3A_378] {strides = array<i32>} : memref<16384xf32, #tpu.memory_space<vmem>>, vector<16xf32>,
          %add3A_380 = arith.addf %gather3A_109, %get3A_379 : vector<16xf32>
          %mul3A_381 = arith.constant 2.000000e+00 : f32
          %mul3A_382 = vector.broadcast %mul3A_381 : f32 to vector<16xf32>
          %mul3A_383 = arith.mulf %mul3A_382, %add3A_377 : vector<16xf32>
          %sub3A_384 = arith.subf %add3A_380, %mul3A_383 : vector<16xf32>
          %lt3A_385 = arith.constant 6.400000e-01 : f32
          %lt3A_386 = vector.broadcast %lt3A_385 : f32 to vector<16xf32>
          %lt3A_387 = arith.cmpf olt, %sub3A_384, %lt3A_386 : vector<16xf32>
          %or3A_388 = arith.ori %or3A_357, %lt3A_387 : vector<16xi1>
          %add3A_389 = arith.constant 96 : i32
          %add3A_390 = arith.addi %multiple_of3A, %add3A_389 : i32
          %get3A_391 = arith.index_cast %add3A_390 : i32 to index
          %get3A_392 = tpu.vector_load %arg8[%get3A_391] {strides = array<i32>} : memref<16384xf32, #tpu.memory_space<vmem>>, vector<16xf32>,
          %bitcast3A_393 = vector.bitcast %get3A_392 : vector<16xf32> to vector<16xi32>
          %and3A_394 = arith.constant -65536 : i32
          %and3A_395 = vector.broadcast %and3A_394 : i32 to vector<16xi32>
          %and3A_396 = arith.andi %bitcast3A_393, %and3A_395 : vector<16xi32>
          %bitcast3A_397 = vector.bitcast %and3A_396 : vector<16xi32> to vector<16xf32>
          %shift_left3A_398 = arith.constant 16 : i32
          %shift_left3A_399 = vector.broadcast %shift_left3A_398 : i32 to vector<16xi32>
          %shift_left3A_400 = arith.shli %bitcast3A_393, %shift_left3A_399 : vector<16xi32>
          %bitcast3A_401 = vector.bitcast %shift_left3A_400 : vector<16xi32> to vector<16xf32>
          %get3A_402 = arith.index_cast %add3A_390 : i32 to index
          %get3A_403 = tpu.vector_load %arg9[%get3A_402] {strides = array<i32>} : memref<16384xf32, #tpu.memory_space<vmem>>, vector<16xf32>,
          %mul3A_404 = arith.mulf %gather3A_126, %bitcast3A_397 : vector<16xf32>
          %mul3A_405 = arith.mulf %gather3A_145, %bitcast3A_401 : vector<16xf32>
          %add3A_406 = arith.addf %mul3A_404, %mul3A_405 : vector<16xf32>
          %mul3A_407 = arith.mulf %gather3A_164, %get3A_403 : vector<16xf32>
          %add3A_408 = arith.addf %add3A_406, %mul3A_407 : vector<16xf32>
          %get3A_409 = arith.index_cast %add3A_390 : i32 to index
          %get3A_410 = tpu.vector_load %arg7[%get3A_409] {strides = array<i32>} : memref<16384xf32, #tpu.memory_space<vmem>>, vector<16xf32>,
          %add3A_411 = arith.addf %gather3A_109, %get3A_410 : vector<16xf32>
          %mul3A_412 = arith.constant 2.000000e+00 : f32
          %mul3A_413 = vector.broadcast %mul3A_412 : f32 to vector<16xf32>
          %mul3A_414 = arith.mulf %mul3A_413, %add3A_408 : vector<16xf32>
          %sub3A_415 = arith.subf %add3A_411, %mul3A_414 : vector<16xf32>
          %lt3A_416 = arith.constant 6.400000e-01 : f32
          %lt3A_417 = vector.broadcast %lt3A_416 : f32 to vector<16xf32>
          %lt3A_418 = arith.cmpf olt, %sub3A_415, %lt3A_417 : vector<16xf32>
          %or3A_419 = arith.ori %or3A_388, %lt3A_418 : vector<16xi1>
          %add3A_420 = arith.constant 112 : i32
          %add3A_421 = arith.addi %multiple_of3A, %add3A_420 : i32
          %get3A_422 = arith.index_cast %add3A_421 : i32 to index
          %get3A_423 = tpu.vector_load %arg8[%get3A_422] {strides = array<i32>} : memref<16384xf32, #tpu.memory_space<vmem>>, vector<16xf32>,
          %bitcast3A_424 = vector.bitcast %get3A_423 : vector<16xf32> to vector<16xi32>
          %and3A_425 = arith.constant -65536 : i32
          %and3A_426 = vector.broadcast %and3A_425 : i32 to vector<16xi32>
          %and3A_427 = arith.andi %bitcast3A_424, %and3A_426 : vector<16xi32>
          %bitcast3A_428 = vector.bitcast %and3A_427 : vector<16xi32> to vector<16xf32>
          %shift_left3A_429 = arith.constant 16 : i32
          %shift_left3A_430 = vector.broadcast %shift_left3A_429 : i32 to vector<16xi32>
          %shift_left3A_431 = arith.shli %bitcast3A_424, %shift_left3A_430 : vector<16xi32>
          %bitcast3A_432 = vector.bitcast %shift_left3A_431 : vector<16xi32> to vector<16xf32>
          %get3A_433 = arith.index_cast %add3A_421 : i32 to index
          %get3A_434 = tpu.vector_load %arg9[%get3A_433] {strides = array<i32>} : memref<16384xf32, #tpu.memory_space<vmem>>, vector<16xf32>,
          %mul3A_435 = arith.mulf %gather3A_126, %bitcast3A_428 : vector<16xf32>
          %mul3A_436 = arith.mulf %gather3A_145, %bitcast3A_432 : vector<16xf32>
          %add3A_437 = arith.addf %mul3A_435, %mul3A_436 : vector<16xf32>
          %mul3A_438 = arith.mulf %gather3A_164, %get3A_434 : vector<16xf32>
          %add3A_439 = arith.addf %add3A_437, %mul3A_438 : vector<16xf32>
          %get3A_440 = arith.index_cast %add3A_421 : i32 to index
          %get3A_441 = tpu.vector_load %arg7[%get3A_440] {strides = array<i32>} : memref<16384xf32, #tpu.memory_space<vmem>>, vector<16xf32>,
          %add3A_442 = arith.addf %gather3A_109, %get3A_441 : vector<16xf32>
          %mul3A_443 = arith.constant 2.000000e+00 : f32
          %mul3A_444 = vector.broadcast %mul3A_443 : f32 to vector<16xf32>
          %mul3A_445 = arith.mulf %mul3A_444, %add3A_439 : vector<16xf32>
          %sub3A_446 = arith.subf %add3A_442, %mul3A_445 : vector<16xf32>
          %lt3A_447 = arith.constant 6.400000e-01 : f32
          %lt3A_448 = vector.broadcast %lt3A_447 : f32 to vector<16xf32>
          %lt3A_449 = arith.cmpf olt, %sub3A_446, %lt3A_448 : vector<16xf32>
          %or3A_450 = arith.ori %or3A_419, %lt3A_449 : vector<16xi1>
          %reduce_or3A = arith.constant 1.000000e+00 : f32
          %reduce_or3A_451 = arith.constant 0.000000e+00 : f32
          %reduce_or3A_452 = vector.broadcast %reduce_or3A : f32 to vector<16xf32>
          %reduce_or3A_453 = vector.broadcast %reduce_or3A_451 : f32 to vector<16xf32>
          %reduce_or3A_454 = arith.select %or3A_450, %reduce_or3A_452, %reduce_or3A_453 : vector<16xi1>, vector<16xf32>
          %reduce_or3A_455 = arith.constant true
          %reduce_or3A_456 = vector.broadcast %reduce_or3A_455 : i1 to vector<16xi1>
          %reduce_or3A_457 = tpu.scan <max>, %reduce_or3A_454 masked %reduce_or3A_456 : vector<16xf32>, vector<16xi1> -> vector<16xf32>
          %reduce_or3A_458 = vector.extract %reduce_or3A_457[15] : f32 from vector<16xf32>
          %reduce_or3A_459 = arith.constant 0.000000e+00 : f32
          %reduce_or3A_460 = arith.cmpf ogt, %reduce_or3A_458, %reduce_or3A_459 : f32
          %convert_element_type3A = arith.extui %reduce_or3A_460 : i1 to i32
          %cond3A = arith.constant 0 : i32
          %cond3A_461 = arith.cmpi ne, %convert_element_type3A, %cond3A : i32
          scf.if %cond3A_461 {
            %get3A_467 = arith.constant 0 : index
            %get3A_468 = tpu.vector_load %arg14[%get3A_467] {strides = array<i32>} : memref<16xi32, #tpu.memory_space<vmem>>, vector<16xi32>,
            %add3A_469 = arith.constant 0 : i32
            %add3A_470 = arith.addi %multiple_of3A, %add3A_469 : i32
            %get3A_471 = arith.index_cast %add3A_470 : i32 to index
            %get3A_472 = tpu.vector_load %arg8[%get3A_471] {strides = array<i32>} : memref<16384xf32, #tpu.memory_space<vmem>>, vector<16xf32>,
            %bitcast3A_473 = vector.bitcast %get3A_472 : vector<16xf32> to vector<16xi32>
            %and3A_474 = arith.constant -65536 : i32
            %and3A_475 = vector.broadcast %and3A_474 : i32 to vector<16xi32>
            %and3A_476 = arith.andi %bitcast3A_473, %and3A_475 : vector<16xi32>
            %bitcast3A_477 = vector.bitcast %and3A_476 : vector<16xi32> to vector<16xf32>
            %shift_left3A_478 = arith.constant 16 : i32
            %shift_left3A_479 = vector.broadcast %shift_left3A_478 : i32 to vector<16xi32>
            %shift_left3A_480 = arith.shli %bitcast3A_473, %shift_left3A_479 : vector<16xi32>
            %bitcast3A_481 = vector.bitcast %shift_left3A_480 : vector<16xi32> to vector<16xf32>
            %get3A_482 = arith.index_cast %add3A_470 : i32 to index
            %get3A_483 = tpu.vector_load %arg9[%get3A_482] {strides = array<i32>} : memref<16384xf32, #tpu.memory_space<vmem>>, vector<16xf32>,
            %mul3A_484 = arith.mulf %gather3A_126, %bitcast3A_477 : vector<16xf32>
            %mul3A_485 = arith.mulf %gather3A_145, %bitcast3A_481 : vector<16xf32>
            %add3A_486 = arith.addf %mul3A_484, %mul3A_485 : vector<16xf32>
            %mul3A_487 = arith.mulf %gather3A_164, %get3A_483 : vector<16xf32>
            %add3A_488 = arith.addf %add3A_486, %mul3A_487 : vector<16xf32>
            %get3A_489 = arith.index_cast %add3A_470 : i32 to index
            %get3A_490 = tpu.vector_load %arg7[%get3A_489] {strides = array<i32>} : memref<16384xf32, #tpu.memory_space<vmem>>, vector<16xf32>,
            %add3A_491 = arith.addf %gather3A_109, %get3A_490 : vector<16xf32>
            %mul3A_492 = arith.constant 2.000000e+00 : f32
            %mul3A_493 = vector.broadcast %mul3A_492 : f32 to vector<16xf32>
            %mul3A_494 = arith.mulf %mul3A_493, %add3A_488 : vector<16xf32>
            %sub3A_495 = arith.subf %add3A_491, %mul3A_494 : vector<16xf32>
            %lt3A_496 = arith.constant 6.400000e-01 : f32
            %lt3A_497 = vector.broadcast %lt3A_496 : f32 to vector<16xf32>
            %lt3A_498 = arith.cmpf olt, %sub3A_495, %lt3A_497 : vector<16xf32>
            %all_reduce_population_count3A = tpu.all_reduce %lt3A_498 {dim = 0 : i64, kind = #tpu.reduction_kind<sum>} : vector<16xi1> -> vector<16xi32>
            %add3A_499 = vector.broadcast %add3A_470 : i32 to vector<16xi32>
            %add3A_500 = arith.addi %add3A_499, %iota3A : vector<16xi32>
            %masked_sort3A = arith.constant -2147483648 : i32
            %masked_sort3A_501 = vector.broadcast %masked_sort3A : i32 to vector<16xi32>
            %masked_sort3A_502 = arith.xori %add3A_500, %masked_sort3A_501 : vector<16xi32>
            %masked_sort3A_503, %masked_sort3A_504, %masked_sort3A_505 = tpu.sort %masked_sort3A_502, %add3A_500 masked %lt3A_498 : (vector<16xi32>, vector<16xi32>, vector<16xi1>) -> (vector<16xi1>, vector<16xi32>, vector<16xi32>)
            %masked_sort3A_506 = arith.xori %masked_sort3A_504, %masked_sort3A_501 : vector<16xi32>
            %add3A_507 = arith.addi %get3A_468, %iota3A : vector<16xi32>
            %lt3A_508 = arith.cmpi slt, %iota3A, %all_reduce_population_count3A : vector<16xi32>
            %lt3A_509 = arith.constant 16 : i32
            %lt3A_510 = vector.broadcast %lt3A_509 : i32 to vector<16xi32>
            %lt3A_511 = arith.cmpi slt, %add3A_507, %lt3A_510 : vector<16xi32>
            %and3A_512 = arith.andi %lt3A_508, %lt3A_511 : vector<16xi1>
            tpu.vector_store_idx %arg13[%add3A_507], %masked_sort3A_506 masked %and3A_512 : memref<16xi32, #tpu.memory_space<vmem>>[vector<16xi32>], vector<16xi32>, vector<16xi1>
            %add3A_513 = arith.addi %get3A_468, %all_reduce_population_count3A : vector<16xi32>
            %min3A = arith.constant 16 : i32
            %min3A_514 = vector.broadcast %min3A : i32 to vector<16xi32>
            %min3A_515 = arith.minsi %add3A_513, %min3A_514 : vector<16xi32>
            %add3A_516 = arith.constant 16 : i32
            %add3A_517 = arith.addi %multiple_of3A, %add3A_516 : i32
            %get3A_518 = arith.index_cast %add3A_517 : i32 to index
            %get3A_519 = tpu.vector_load %arg8[%get3A_518] {strides = array<i32>} : memref<16384xf32, #tpu.memory_space<vmem>>, vector<16xf32>,
            %bitcast3A_520 = vector.bitcast %get3A_519 : vector<16xf32> to vector<16xi32>
            %and3A_521 = arith.constant -65536 : i32
            %and3A_522 = vector.broadcast %and3A_521 : i32 to vector<16xi32>
            %and3A_523 = arith.andi %bitcast3A_520, %and3A_522 : vector<16xi32>
            %bitcast3A_524 = vector.bitcast %and3A_523 : vector<16xi32> to vector<16xf32>
            %shift_left3A_525 = arith.constant 16 : i32
            %shift_left3A_526 = vector.broadcast %shift_left3A_525 : i32 to vector<16xi32>
            %shift_left3A_527 = arith.shli %bitcast3A_520, %shift_left3A_526 : vector<16xi32>
            %bitcast3A_528 = vector.bitcast %shift_left3A_527 : vector<16xi32> to vector<16xf32>
            %get3A_529 = arith.index_cast %add3A_517 : i32 to index
            %get3A_530 = tpu.vector_load %arg9[%get3A_529] {strides = array<i32>} : memref<16384xf32, #tpu.memory_space<vmem>>, vector<16xf32>,
            %mul3A_531 = arith.mulf %gather3A_126, %bitcast3A_524 : vector<16xf32>
            %mul3A_532 = arith.mulf %gather3A_145, %bitcast3A_528 : vector<16xf32>
            %add3A_533 = arith.addf %mul3A_531, %mul3A_532 : vector<16xf32>
            %mul3A_534 = arith.mulf %gather3A_164, %get3A_530 : vector<16xf32>
            %add3A_535 = arith.addf %add3A_533, %mul3A_534 : vector<16xf32>
            %get3A_536 = arith.index_cast %add3A_517 : i32 to index
            %get3A_537 = tpu.vector_load %arg7[%get3A_536] {strides = array<i32>} : memref<16384xf32, #tpu.memory_space<vmem>>, vector<16xf32>,
            %add3A_538 = arith.addf %gather3A_109, %get3A_537 : vector<16xf32>
            %mul3A_539 = arith.constant 2.000000e+00 : f32
            %mul3A_540 = vector.broadcast %mul3A_539 : f32 to vector<16xf32>
            %mul3A_541 = arith.mulf %mul3A_540, %add3A_535 : vector<16xf32>
            %sub3A_542 = arith.subf %add3A_538, %mul3A_541 : vector<16xf32>
            %lt3A_543 = arith.constant 6.400000e-01 : f32
            %lt3A_544 = vector.broadcast %lt3A_543 : f32 to vector<16xf32>
            %lt3A_545 = arith.cmpf olt, %sub3A_542, %lt3A_544 : vector<16xf32>
            %all_reduce_population_count3A_546 = tpu.all_reduce %lt3A_545 {dim = 0 : i64, kind = #tpu.reduction_kind<sum>} : vector<16xi1> -> vector<16xi32>
            %add3A_547 = vector.broadcast %add3A_517 : i32 to vector<16xi32>
            %add3A_548 = arith.addi %add3A_547, %iota3A : vector<16xi32>
            %masked_sort3A_549 = arith.constant -2147483648 : i32
            %masked_sort3A_550 = vector.broadcast %masked_sort3A_549 : i32 to vector<16xi32>
            %masked_sort3A_551 = arith.xori %add3A_548, %masked_sort3A_550 : vector<16xi32>
            %masked_sort3A_552, %masked_sort3A_553, %masked_sort3A_554 = tpu.sort %masked_sort3A_551, %add3A_548 masked %lt3A_545 : (vector<16xi32>, vector<16xi32>, vector<16xi1>) -> (vector<16xi1>, vector<16xi32>, vector<16xi32>)
            %masked_sort3A_555 = arith.xori %masked_sort3A_553, %masked_sort3A_550 : vector<16xi32>
            %add3A_556 = arith.addi %min3A_515, %iota3A : vector<16xi32>
            %lt3A_557 = arith.cmpi slt, %iota3A, %all_reduce_population_count3A_546 : vector<16xi32>
            %lt3A_558 = arith.constant 16 : i32
            %lt3A_559 = vector.broadcast %lt3A_558 : i32 to vector<16xi32>
            %lt3A_560 = arith.cmpi slt, %add3A_556, %lt3A_559 : vector<16xi32>
            %and3A_561 = arith.andi %lt3A_557, %lt3A_560 : vector<16xi1>
            tpu.vector_store_idx %arg13[%add3A_556], %masked_sort3A_555 masked %and3A_561 : memref<16xi32, #tpu.memory_space<vmem>>[vector<16xi32>], vector<16xi32>, vector<16xi1>
            %add3A_562 = arith.addi %min3A_515, %all_reduce_population_count3A_546 : vector<16xi32>
            %min3A_563 = arith.constant 16 : i32
            %min3A_564 = vector.broadcast %min3A_563 : i32 to vector<16xi32>
            %min3A_565 = arith.minsi %add3A_562, %min3A_564 : vector<16xi32>
            %add3A_566 = arith.constant 32 : i32
            %add3A_567 = arith.addi %multiple_of3A, %add3A_566 : i32
            %get3A_568 = arith.index_cast %add3A_567 : i32 to index
            %get3A_569 = tpu.vector_load %arg8[%get3A_568] {strides = array<i32>} : memref<16384xf32, #tpu.memory_space<vmem>>, vector<16xf32>,
            %bitcast3A_570 = vector.bitcast %get3A_569 : vector<16xf32> to vector<16xi32>
            %and3A_571 = arith.constant -65536 : i32
            %and3A_572 = vector.broadcast %and3A_571 : i32 to vector<16xi32>
            %and3A_573 = arith.andi %bitcast3A_570, %and3A_572 : vector<16xi32>
            %bitcast3A_574 = vector.bitcast %and3A_573 : vector<16xi32> to vector<16xf32>
            %shift_left3A_575 = arith.constant 16 : i32
            %shift_left3A_576 = vector.broadcast %shift_left3A_575 : i32 to vector<16xi32>
            %shift_left3A_577 = arith.shli %bitcast3A_570, %shift_left3A_576 : vector<16xi32>
            %bitcast3A_578 = vector.bitcast %shift_left3A_577 : vector<16xi32> to vector<16xf32>
            %get3A_579 = arith.index_cast %add3A_567 : i32 to index
            %get3A_580 = tpu.vector_load %arg9[%get3A_579] {strides = array<i32>} : memref<16384xf32, #tpu.memory_space<vmem>>, vector<16xf32>,
            %mul3A_581 = arith.mulf %gather3A_126, %bitcast3A_574 : vector<16xf32>
            %mul3A_582 = arith.mulf %gather3A_145, %bitcast3A_578 : vector<16xf32>
            %add3A_583 = arith.addf %mul3A_581, %mul3A_582 : vector<16xf32>
            %mul3A_584 = arith.mulf %gather3A_164, %get3A_580 : vector<16xf32>
            %add3A_585 = arith.addf %add3A_583, %mul3A_584 : vector<16xf32>
            %get3A_586 = arith.index_cast %add3A_567 : i32 to index
            %get3A_587 = tpu.vector_load %arg7[%get3A_586] {strides = array<i32>} : memref<16384xf32, #tpu.memory_space<vmem>>, vector<16xf32>,
            %add3A_588 = arith.addf %gather3A_109, %get3A_587 : vector<16xf32>
            %mul3A_589 = arith.constant 2.000000e+00 : f32
            %mul3A_590 = vector.broadcast %mul3A_589 : f32 to vector<16xf32>
            %mul3A_591 = arith.mulf %mul3A_590, %add3A_585 : vector<16xf32>
            %sub3A_592 = arith.subf %add3A_588, %mul3A_591 : vector<16xf32>
            %lt3A_593 = arith.constant 6.400000e-01 : f32
            %lt3A_594 = vector.broadcast %lt3A_593 : f32 to vector<16xf32>
            %lt3A_595 = arith.cmpf olt, %sub3A_592, %lt3A_594 : vector<16xf32>
            %all_reduce_population_count3A_596 = tpu.all_reduce %lt3A_595 {dim = 0 : i64, kind = #tpu.reduction_kind<sum>} : vector<16xi1> -> vector<16xi32>
            %add3A_597 = vector.broadcast %add3A_567 : i32 to vector<16xi32>
            %add3A_598 = arith.addi %add3A_597, %iota3A : vector<16xi32>
            %masked_sort3A_599 = arith.constant -2147483648 : i32
            %masked_sort3A_600 = vector.broadcast %masked_sort3A_599 : i32 to vector<16xi32>
            %masked_sort3A_601 = arith.xori %add3A_598, %masked_sort3A_600 : vector<16xi32>
            %masked_sort3A_602, %masked_sort3A_603, %masked_sort3A_604 = tpu.sort %masked_sort3A_601, %add3A_598 masked %lt3A_595 : (vector<16xi32>, vector<16xi32>, vector<16xi1>) -> (vector<16xi1>, vector<16xi32>, vector<16xi32>)
            %masked_sort3A_605 = arith.xori %masked_sort3A_603, %masked_sort3A_600 : vector<16xi32>
            %add3A_606 = arith.addi %min3A_565, %iota3A : vector<16xi32>
            %lt3A_607 = arith.cmpi slt, %iota3A, %all_reduce_population_count3A_596 : vector<16xi32>
            %lt3A_608 = arith.constant 16 : i32
            %lt3A_609 = vector.broadcast %lt3A_608 : i32 to vector<16xi32>
            %lt3A_610 = arith.cmpi slt, %add3A_606, %lt3A_609 : vector<16xi32>
            %and3A_611 = arith.andi %lt3A_607, %lt3A_610 : vector<16xi1>
            tpu.vector_store_idx %arg13[%add3A_606], %masked_sort3A_605 masked %and3A_611 : memref<16xi32, #tpu.memory_space<vmem>>[vector<16xi32>], vector<16xi32>, vector<16xi1>
            %add3A_612 = arith.addi %min3A_565, %all_reduce_population_count3A_596 : vector<16xi32>
            %min3A_613 = arith.constant 16 : i32
            %min3A_614 = vector.broadcast %min3A_613 : i32 to vector<16xi32>
            %min3A_615 = arith.minsi %add3A_612, %min3A_614 : vector<16xi32>
            %add3A_616 = arith.constant 48 : i32
            %add3A_617 = arith.addi %multiple_of3A, %add3A_616 : i32
            %get3A_618 = arith.index_cast %add3A_617 : i32 to index
            %get3A_619 = tpu.vector_load %arg8[%get3A_618] {strides = array<i32>} : memref<16384xf32, #tpu.memory_space<vmem>>, vector<16xf32>,
            %bitcast3A_620 = vector.bitcast %get3A_619 : vector<16xf32> to vector<16xi32>
            %and3A_621 = arith.constant -65536 : i32
            %and3A_622 = vector.broadcast %and3A_621 : i32 to vector<16xi32>
            %and3A_623 = arith.andi %bitcast3A_620, %and3A_622 : vector<16xi32>
            %bitcast3A_624 = vector.bitcast %and3A_623 : vector<16xi32> to vector<16xf32>
            %shift_left3A_625 = arith.constant 16 : i32
            %shift_left3A_626 = vector.broadcast %shift_left3A_625 : i32 to vector<16xi32>
            %shift_left3A_627 = arith.shli %bitcast3A_620, %shift_left3A_626 : vector<16xi32>
            %bitcast3A_628 = vector.bitcast %shift_left3A_627 : vector<16xi32> to vector<16xf32>
            %get3A_629 = arith.index_cast %add3A_617 : i32 to index
            %get3A_630 = tpu.vector_load %arg9[%get3A_629] {strides = array<i32>} : memref<16384xf32, #tpu.memory_space<vmem>>, vector<16xf32>,
            %mul3A_631 = arith.mulf %gather3A_126, %bitcast3A_624 : vector<16xf32>
            %mul3A_632 = arith.mulf %gather3A_145, %bitcast3A_628 : vector<16xf32>
            %add3A_633 = arith.addf %mul3A_631, %mul3A_632 : vector<16xf32>
            %mul3A_634 = arith.mulf %gather3A_164, %get3A_630 : vector<16xf32>
            %add3A_635 = arith.addf %add3A_633, %mul3A_634 : vector<16xf32>
            %get3A_636 = arith.index_cast %add3A_617 : i32 to index
            %get3A_637 = tpu.vector_load %arg7[%get3A_636] {strides = array<i32>} : memref<16384xf32, #tpu.memory_space<vmem>>, vector<16xf32>,
            %add3A_638 = arith.addf %gather3A_109, %get3A_637 : vector<16xf32>
            %mul3A_639 = arith.constant 2.000000e+00 : f32
            %mul3A_640 = vector.broadcast %mul3A_639 : f32 to vector<16xf32>
            %mul3A_641 = arith.mulf %mul3A_640, %add3A_635 : vector<16xf32>
            %sub3A_642 = arith.subf %add3A_638, %mul3A_641 : vector<16xf32>
            %lt3A_643 = arith.constant 6.400000e-01 : f32
            %lt3A_644 = vector.broadcast %lt3A_643 : f32 to vector<16xf32>
            %lt3A_645 = arith.cmpf olt, %sub3A_642, %lt3A_644 : vector<16xf32>
            %all_reduce_population_count3A_646 = tpu.all_reduce %lt3A_645 {dim = 0 : i64, kind = #tpu.reduction_kind<sum>} : vector<16xi1> -> vector<16xi32>
            %add3A_647 = vector.broadcast %add3A_617 : i32 to vector<16xi32>
            %add3A_648 = arith.addi %add3A_647, %iota3A : vector<16xi32>
            %masked_sort3A_649 = arith.constant -2147483648 : i32
            %masked_sort3A_650 = vector.broadcast %masked_sort3A_649 : i32 to vector<16xi32>
            %masked_sort3A_651 = arith.xori %add3A_648, %masked_sort3A_650 : vector<16xi32>
            %masked_sort3A_652, %masked_sort3A_653, %masked_sort3A_654 = tpu.sort %masked_sort3A_651, %add3A_648 masked %lt3A_645 : (vector<16xi32>, vector<16xi32>, vector<16xi1>) -> (vector<16xi1>, vector<16xi32>, vector<16xi32>)
            %masked_sort3A_655 = arith.xori %masked_sort3A_653, %masked_sort3A_650 : vector<16xi32>
            %add3A_656 = arith.addi %min3A_615, %iota3A : vector<16xi32>
            %lt3A_657 = arith.cmpi slt, %iota3A, %all_reduce_population_count3A_646 : vector<16xi32>
            %lt3A_658 = arith.constant 16 : i32
            %lt3A_659 = vector.broadcast %lt3A_658 : i32 to vector<16xi32>
            %lt3A_660 = arith.cmpi slt, %add3A_656, %lt3A_659 : vector<16xi32>
            %and3A_661 = arith.andi %lt3A_657, %lt3A_660 : vector<16xi1>
            tpu.vector_store_idx %arg13[%add3A_656], %masked_sort3A_655 masked %and3A_661 : memref<16xi32, #tpu.memory_space<vmem>>[vector<16xi32>], vector<16xi32>, vector<16xi1>
            %add3A_662 = arith.addi %min3A_615, %all_reduce_population_count3A_646 : vector<16xi32>
            %min3A_663 = arith.constant 16 : i32
            %min3A_664 = vector.broadcast %min3A_663 : i32 to vector<16xi32>
            %min3A_665 = arith.minsi %add3A_662, %min3A_664 : vector<16xi32>
            %add3A_666 = arith.constant 64 : i32
            %add3A_667 = arith.addi %multiple_of3A, %add3A_666 : i32
            %get3A_668 = arith.index_cast %add3A_667 : i32 to index
            %get3A_669 = tpu.vector_load %arg8[%get3A_668] {strides = array<i32>} : memref<16384xf32, #tpu.memory_space<vmem>>, vector<16xf32>,
            %bitcast3A_670 = vector.bitcast %get3A_669 : vector<16xf32> to vector<16xi32>
            %and3A_671 = arith.constant -65536 : i32
            %and3A_672 = vector.broadcast %and3A_671 : i32 to vector<16xi32>
            %and3A_673 = arith.andi %bitcast3A_670, %and3A_672 : vector<16xi32>
            %bitcast3A_674 = vector.bitcast %and3A_673 : vector<16xi32> to vector<16xf32>
            %shift_left3A_675 = arith.constant 16 : i32
            %shift_left3A_676 = vector.broadcast %shift_left3A_675 : i32 to vector<16xi32>
            %shift_left3A_677 = arith.shli %bitcast3A_670, %shift_left3A_676 : vector<16xi32>
            %bitcast3A_678 = vector.bitcast %shift_left3A_677 : vector<16xi32> to vector<16xf32>
            %get3A_679 = arith.index_cast %add3A_667 : i32 to index
            %get3A_680 = tpu.vector_load %arg9[%get3A_679] {strides = array<i32>} : memref<16384xf32, #tpu.memory_space<vmem>>, vector<16xf32>,
            %mul3A_681 = arith.mulf %gather3A_126, %bitcast3A_674 : vector<16xf32>
            %mul3A_682 = arith.mulf %gather3A_145, %bitcast3A_678 : vector<16xf32>
            %add3A_683 = arith.addf %mul3A_681, %mul3A_682 : vector<16xf32>
            %mul3A_684 = arith.mulf %gather3A_164, %get3A_680 : vector<16xf32>
            %add3A_685 = arith.addf %add3A_683, %mul3A_684 : vector<16xf32>
            %get3A_686 = arith.index_cast %add3A_667 : i32 to index
            %get3A_687 = tpu.vector_load %arg7[%get3A_686] {strides = array<i32>} : memref<16384xf32, #tpu.memory_space<vmem>>, vector<16xf32>,
            %add3A_688 = arith.addf %gather3A_109, %get3A_687 : vector<16xf32>
            %mul3A_689 = arith.constant 2.000000e+00 : f32
            %mul3A_690 = vector.broadcast %mul3A_689 : f32 to vector<16xf32>
            %mul3A_691 = arith.mulf %mul3A_690, %add3A_685 : vector<16xf32>
            %sub3A_692 = arith.subf %add3A_688, %mul3A_691 : vector<16xf32>
            %lt3A_693 = arith.constant 6.400000e-01 : f32
            %lt3A_694 = vector.broadcast %lt3A_693 : f32 to vector<16xf32>
            %lt3A_695 = arith.cmpf olt, %sub3A_692, %lt3A_694 : vector<16xf32>
            %all_reduce_population_count3A_696 = tpu.all_reduce %lt3A_695 {dim = 0 : i64, kind = #tpu.reduction_kind<sum>} : vector<16xi1> -> vector<16xi32>
            %add3A_697 = vector.broadcast %add3A_667 : i32 to vector<16xi32>
            %add3A_698 = arith.addi %add3A_697, %iota3A : vector<16xi32>
            %masked_sort3A_699 = arith.constant -2147483648 : i32
            %masked_sort3A_700 = vector.broadcast %masked_sort3A_699 : i32 to vector<16xi32>
            %masked_sort3A_701 = arith.xori %add3A_698, %masked_sort3A_700 : vector<16xi32>
            %masked_sort3A_702, %masked_sort3A_703, %masked_sort3A_704 = tpu.sort %masked_sort3A_701, %add3A_698 masked %lt3A_695 : (vector<16xi32>, vector<16xi32>, vector<16xi1>) -> (vector<16xi1>, vector<16xi32>, vector<16xi32>)
            %masked_sort3A_705 = arith.xori %masked_sort3A_703, %masked_sort3A_700 : vector<16xi32>
            %add3A_706 = arith.addi %min3A_665, %iota3A : vector<16xi32>
            %lt3A_707 = arith.cmpi slt, %iota3A, %all_reduce_population_count3A_696 : vector<16xi32>
            %lt3A_708 = arith.constant 16 : i32
            %lt3A_709 = vector.broadcast %lt3A_708 : i32 to vector<16xi32>
            %lt3A_710 = arith.cmpi slt, %add3A_706, %lt3A_709 : vector<16xi32>
            %and3A_711 = arith.andi %lt3A_707, %lt3A_710 : vector<16xi1>
            tpu.vector_store_idx %arg13[%add3A_706], %masked_sort3A_705 masked %and3A_711 : memref<16xi32, #tpu.memory_space<vmem>>[vector<16xi32>], vector<16xi32>, vector<16xi1>
            %add3A_712 = arith.addi %min3A_665, %all_reduce_population_count3A_696 : vector<16xi32>
            %min3A_713 = arith.constant 16 : i32
            %min3A_714 = vector.broadcast %min3A_713 : i32 to vector<16xi32>
            %min3A_715 = arith.minsi %add3A_712, %min3A_714 : vector<16xi32>
            %add3A_716 = arith.constant 80 : i32
            %add3A_717 = arith.addi %multiple_of3A, %add3A_716 : i32
            %get3A_718 = arith.index_cast %add3A_717 : i32 to index
            %get3A_719 = tpu.vector_load %arg8[%get3A_718] {strides = array<i32>} : memref<16384xf32, #tpu.memory_space<vmem>>, vector<16xf32>,
            %bitcast3A_720 = vector.bitcast %get3A_719 : vector<16xf32> to vector<16xi32>
            %and3A_721 = arith.constant -65536 : i32
            %and3A_722 = vector.broadcast %and3A_721 : i32 to vector<16xi32>
            %and3A_723 = arith.andi %bitcast3A_720, %and3A_722 : vector<16xi32>
            %bitcast3A_724 = vector.bitcast %and3A_723 : vector<16xi32> to vector<16xf32>
            %shift_left3A_725 = arith.constant 16 : i32
            %shift_left3A_726 = vector.broadcast %shift_left3A_725 : i32 to vector<16xi32>
            %shift_left3A_727 = arith.shli %bitcast3A_720, %shift_left3A_726 : vector<16xi32>
            %bitcast3A_728 = vector.bitcast %shift_left3A_727 : vector<16xi32> to vector<16xf32>
            %get3A_729 = arith.index_cast %add3A_717 : i32 to index
            %get3A_730 = tpu.vector_load %arg9[%get3A_729] {strides = array<i32>} : memref<16384xf32, #tpu.memory_space<vmem>>, vector<16xf32>,
            %mul3A_731 = arith.mulf %gather3A_126, %bitcast3A_724 : vector<16xf32>
            %mul3A_732 = arith.mulf %gather3A_145, %bitcast3A_728 : vector<16xf32>
            %add3A_733 = arith.addf %mul3A_731, %mul3A_732 : vector<16xf32>
            %mul3A_734 = arith.mulf %gather3A_164, %get3A_730 : vector<16xf32>
            %add3A_735 = arith.addf %add3A_733, %mul3A_734 : vector<16xf32>
            %get3A_736 = arith.index_cast %add3A_717 : i32 to index
            %get3A_737 = tpu.vector_load %arg7[%get3A_736] {strides = array<i32>} : memref<16384xf32, #tpu.memory_space<vmem>>, vector<16xf32>,
            %add3A_738 = arith.addf %gather3A_109, %get3A_737 : vector<16xf32>
            %mul3A_739 = arith.constant 2.000000e+00 : f32
            %mul3A_740 = vector.broadcast %mul3A_739 : f32 to vector<16xf32>
            %mul3A_741 = arith.mulf %mul3A_740, %add3A_735 : vector<16xf32>
            %sub3A_742 = arith.subf %add3A_738, %mul3A_741 : vector<16xf32>
            %lt3A_743 = arith.constant 6.400000e-01 : f32
            %lt3A_744 = vector.broadcast %lt3A_743 : f32 to vector<16xf32>
            %lt3A_745 = arith.cmpf olt, %sub3A_742, %lt3A_744 : vector<16xf32>
            %all_reduce_population_count3A_746 = tpu.all_reduce %lt3A_745 {dim = 0 : i64, kind = #tpu.reduction_kind<sum>} : vector<16xi1> -> vector<16xi32>
            %add3A_747 = vector.broadcast %add3A_717 : i32 to vector<16xi32>
            %add3A_748 = arith.addi %add3A_747, %iota3A : vector<16xi32>
            %masked_sort3A_749 = arith.constant -2147483648 : i32
            %masked_sort3A_750 = vector.broadcast %masked_sort3A_749 : i32 to vector<16xi32>
            %masked_sort3A_751 = arith.xori %add3A_748, %masked_sort3A_750 : vector<16xi32>
            %masked_sort3A_752, %masked_sort3A_753, %masked_sort3A_754 = tpu.sort %masked_sort3A_751, %add3A_748 masked %lt3A_745 : (vector<16xi32>, vector<16xi32>, vector<16xi1>) -> (vector<16xi1>, vector<16xi32>, vector<16xi32>)
            %masked_sort3A_755 = arith.xori %masked_sort3A_753, %masked_sort3A_750 : vector<16xi32>
            %add3A_756 = arith.addi %min3A_715, %iota3A : vector<16xi32>
            %lt3A_757 = arith.cmpi slt, %iota3A, %all_reduce_population_count3A_746 : vector<16xi32>
            %lt3A_758 = arith.constant 16 : i32
            %lt3A_759 = vector.broadcast %lt3A_758 : i32 to vector<16xi32>
            %lt3A_760 = arith.cmpi slt, %add3A_756, %lt3A_759 : vector<16xi32>
            %and3A_761 = arith.andi %lt3A_757, %lt3A_760 : vector<16xi1>
            tpu.vector_store_idx %arg13[%add3A_756], %masked_sort3A_755 masked %and3A_761 : memref<16xi32, #tpu.memory_space<vmem>>[vector<16xi32>], vector<16xi32>, vector<16xi1>
            %add3A_762 = arith.addi %min3A_715, %all_reduce_population_count3A_746 : vector<16xi32>
            %min3A_763 = arith.constant 16 : i32
            %min3A_764 = vector.broadcast %min3A_763 : i32 to vector<16xi32>
            %min3A_765 = arith.minsi %add3A_762, %min3A_764 : vector<16xi32>
            %add3A_766 = arith.constant 96 : i32
            %add3A_767 = arith.addi %multiple_of3A, %add3A_766 : i32
            %get3A_768 = arith.index_cast %add3A_767 : i32 to index
            %get3A_769 = tpu.vector_load %arg8[%get3A_768] {strides = array<i32>} : memref<16384xf32, #tpu.memory_space<vmem>>, vector<16xf32>,
            %bitcast3A_770 = vector.bitcast %get3A_769 : vector<16xf32> to vector<16xi32>
            %and3A_771 = arith.constant -65536 : i32
            %and3A_772 = vector.broadcast %and3A_771 : i32 to vector<16xi32>
            %and3A_773 = arith.andi %bitcast3A_770, %and3A_772 : vector<16xi32>
            %bitcast3A_774 = vector.bitcast %and3A_773 : vector<16xi32> to vector<16xf32>
            %shift_left3A_775 = arith.constant 16 : i32
            %shift_left3A_776 = vector.broadcast %shift_left3A_775 : i32 to vector<16xi32>
            %shift_left3A_777 = arith.shli %bitcast3A_770, %shift_left3A_776 : vector<16xi32>
            %bitcast3A_778 = vector.bitcast %shift_left3A_777 : vector<16xi32> to vector<16xf32>
            %get3A_779 = arith.index_cast %add3A_767 : i32 to index
            %get3A_780 = tpu.vector_load %arg9[%get3A_779] {strides = array<i32>} : memref<16384xf32, #tpu.memory_space<vmem>>, vector<16xf32>,
            %mul3A_781 = arith.mulf %gather3A_126, %bitcast3A_774 : vector<16xf32>
            %mul3A_782 = arith.mulf %gather3A_145, %bitcast3A_778 : vector<16xf32>
            %add3A_783 = arith.addf %mul3A_781, %mul3A_782 : vector<16xf32>
            %mul3A_784 = arith.mulf %gather3A_164, %get3A_780 : vector<16xf32>
            %add3A_785 = arith.addf %add3A_783, %mul3A_784 : vector<16xf32>
            %get3A_786 = arith.index_cast %add3A_767 : i32 to index
            %get3A_787 = tpu.vector_load %arg7[%get3A_786] {strides = array<i32>} : memref<16384xf32, #tpu.memory_space<vmem>>, vector<16xf32>,
            %add3A_788 = arith.addf %gather3A_109, %get3A_787 : vector<16xf32>
            %mul3A_789 = arith.constant 2.000000e+00 : f32
            %mul3A_790 = vector.broadcast %mul3A_789 : f32 to vector<16xf32>
            %mul3A_791 = arith.mulf %mul3A_790, %add3A_785 : vector<16xf32>
            %sub3A_792 = arith.subf %add3A_788, %mul3A_791 : vector<16xf32>
            %lt3A_793 = arith.constant 6.400000e-01 : f32
            %lt3A_794 = vector.broadcast %lt3A_793 : f32 to vector<16xf32>
            %lt3A_795 = arith.cmpf olt, %sub3A_792, %lt3A_794 : vector<16xf32>
            %all_reduce_population_count3A_796 = tpu.all_reduce %lt3A_795 {dim = 0 : i64, kind = #tpu.reduction_kind<sum>} : vector<16xi1> -> vector<16xi32>
            %add3A_797 = vector.broadcast %add3A_767 : i32 to vector<16xi32>
            %add3A_798 = arith.addi %add3A_797, %iota3A : vector<16xi32>
            %masked_sort3A_799 = arith.constant -2147483648 : i32
            %masked_sort3A_800 = vector.broadcast %masked_sort3A_799 : i32 to vector<16xi32>
            %masked_sort3A_801 = arith.xori %add3A_798, %masked_sort3A_800 : vector<16xi32>
            %masked_sort3A_802, %masked_sort3A_803, %masked_sort3A_804 = tpu.sort %masked_sort3A_801, %add3A_798 masked %lt3A_795 : (vector<16xi32>, vector<16xi32>, vector<16xi1>) -> (vector<16xi1>, vector<16xi32>, vector<16xi32>)
            %masked_sort3A_805 = arith.xori %masked_sort3A_803, %masked_sort3A_800 : vector<16xi32>
            %add3A_806 = arith.addi %min3A_765, %iota3A : vector<16xi32>
            %lt3A_807 = arith.cmpi slt, %iota3A, %all_reduce_population_count3A_796 : vector<16xi32>
            %lt3A_808 = arith.constant 16 : i32
            %lt3A_809 = vector.broadcast %lt3A_808 : i32 to vector<16xi32>
            %lt3A_810 = arith.cmpi slt, %add3A_806, %lt3A_809 : vector<16xi32>
            %and3A_811 = arith.andi %lt3A_807, %lt3A_810 : vector<16xi1>
            tpu.vector_store_idx %arg13[%add3A_806], %masked_sort3A_805 masked %and3A_811 : memref<16xi32, #tpu.memory_space<vmem>>[vector<16xi32>], vector<16xi32>, vector<16xi1>
            %add3A_812 = arith.addi %min3A_765, %all_reduce_population_count3A_796 : vector<16xi32>
            %min3A_813 = arith.constant 16 : i32
            %min3A_814 = vector.broadcast %min3A_813 : i32 to vector<16xi32>
            %min3A_815 = arith.minsi %add3A_812, %min3A_814 : vector<16xi32>
            %add3A_816 = arith.constant 112 : i32
            %add3A_817 = arith.addi %multiple_of3A, %add3A_816 : i32
            %get3A_818 = arith.index_cast %add3A_817 : i32 to index
            %get3A_819 = tpu.vector_load %arg8[%get3A_818] {strides = array<i32>} : memref<16384xf32, #tpu.memory_space<vmem>>, vector<16xf32>,
            %bitcast3A_820 = vector.bitcast %get3A_819 : vector<16xf32> to vector<16xi32>
            %and3A_821 = arith.constant -65536 : i32
            %and3A_822 = vector.broadcast %and3A_821 : i32 to vector<16xi32>
            %and3A_823 = arith.andi %bitcast3A_820, %and3A_822 : vector<16xi32>
            %bitcast3A_824 = vector.bitcast %and3A_823 : vector<16xi32> to vector<16xf32>
            %shift_left3A_825 = arith.constant 16 : i32
            %shift_left3A_826 = vector.broadcast %shift_left3A_825 : i32 to vector<16xi32>
            %shift_left3A_827 = arith.shli %bitcast3A_820, %shift_left3A_826 : vector<16xi32>
            %bitcast3A_828 = vector.bitcast %shift_left3A_827 : vector<16xi32> to vector<16xf32>
            %get3A_829 = arith.index_cast %add3A_817 : i32 to index
            %get3A_830 = tpu.vector_load %arg9[%get3A_829] {strides = array<i32>} : memref<16384xf32, #tpu.memory_space<vmem>>, vector<16xf32>,
            %mul3A_831 = arith.mulf %gather3A_126, %bitcast3A_824 : vector<16xf32>
            %mul3A_832 = arith.mulf %gather3A_145, %bitcast3A_828 : vector<16xf32>
            %add3A_833 = arith.addf %mul3A_831, %mul3A_832 : vector<16xf32>
            %mul3A_834 = arith.mulf %gather3A_164, %get3A_830 : vector<16xf32>
            %add3A_835 = arith.addf %add3A_833, %mul3A_834 : vector<16xf32>
            %get3A_836 = arith.index_cast %add3A_817 : i32 to index
            %get3A_837 = tpu.vector_load %arg7[%get3A_836] {strides = array<i32>} : memref<16384xf32, #tpu.memory_space<vmem>>, vector<16xf32>,
            %add3A_838 = arith.addf %gather3A_109, %get3A_837 : vector<16xf32>
            %mul3A_839 = arith.constant 2.000000e+00 : f32
            %mul3A_840 = vector.broadcast %mul3A_839 : f32 to vector<16xf32>
            %mul3A_841 = arith.mulf %mul3A_840, %add3A_835 : vector<16xf32>
            %sub3A_842 = arith.subf %add3A_838, %mul3A_841 : vector<16xf32>
            %lt3A_843 = arith.constant 6.400000e-01 : f32
            %lt3A_844 = vector.broadcast %lt3A_843 : f32 to vector<16xf32>
            %lt3A_845 = arith.cmpf olt, %sub3A_842, %lt3A_844 : vector<16xf32>
            %all_reduce_population_count3A_846 = tpu.all_reduce %lt3A_845 {dim = 0 : i64, kind = #tpu.reduction_kind<sum>} : vector<16xi1> -> vector<16xi32>
            %add3A_847 = vector.broadcast %add3A_817 : i32 to vector<16xi32>
            %add3A_848 = arith.addi %add3A_847, %iota3A : vector<16xi32>
            %masked_sort3A_849 = arith.constant -2147483648 : i32
            %masked_sort3A_850 = vector.broadcast %masked_sort3A_849 : i32 to vector<16xi32>
            %masked_sort3A_851 = arith.xori %add3A_848, %masked_sort3A_850 : vector<16xi32>
            %masked_sort3A_852, %masked_sort3A_853, %masked_sort3A_854 = tpu.sort %masked_sort3A_851, %add3A_848 masked %lt3A_845 : (vector<16xi32>, vector<16xi32>, vector<16xi1>) -> (vector<16xi1>, vector<16xi32>, vector<16xi32>)
            %masked_sort3A_855 = arith.xori %masked_sort3A_853, %masked_sort3A_850 : vector<16xi32>
            %add3A_856 = arith.addi %min3A_815, %iota3A : vector<16xi32>
            %lt3A_857 = arith.cmpi slt, %iota3A, %all_reduce_population_count3A_846 : vector<16xi32>
            %lt3A_858 = arith.constant 16 : i32
            %lt3A_859 = vector.broadcast %lt3A_858 : i32 to vector<16xi32>
            %lt3A_860 = arith.cmpi slt, %add3A_856, %lt3A_859 : vector<16xi32>
            %and3A_861 = arith.andi %lt3A_857, %lt3A_860 : vector<16xi1>
            tpu.vector_store_idx %arg13[%add3A_856], %masked_sort3A_855 masked %and3A_861 : memref<16xi32, #tpu.memory_space<vmem>>[vector<16xi32>], vector<16xi32>, vector<16xi1>
            %add3A_862 = arith.addi %min3A_815, %all_reduce_population_count3A_846 : vector<16xi32>
            %min3A_863 = arith.constant 16 : i32
            %min3A_864 = vector.broadcast %min3A_863 : i32 to vector<16xi32>
            %min3A_865 = arith.minsi %add3A_862, %min3A_864 : vector<16xi32>
            %swap3A_866 = arith.constant 0 : index
            %swap3A_867 = tpu.vector_load %arg14[%swap3A_866] {strides = array<i32>} : memref<16xi32, #tpu.memory_space<vmem>>, vector<16xi32>,
            tpu.vector_store %arg14[%swap3A_866], %min3A_865 {strides = array<i32>} : memref<16xi32, #tpu.memory_space<vmem>>, vector<16xi32>,
            %reduce_max3A = arith.constant true
            %reduce_max3A_868 = vector.broadcast %reduce_max3A : i1 to vector<16xi1>
            %reduce_max3A_869 = arith.constant -2147483648 : i32
            %reduce_max3A_870 = vector.broadcast %reduce_max3A_869 : i32 to vector<16xi32>
            %reduce_max3A_871 = arith.xori %min3A_865, %reduce_max3A_870 : vector<16xi32>
            %reduce_max3A_872 = tpu.scan <max>, %reduce_max3A_871 masked %reduce_max3A_868 : vector<16xi32>, vector<16xi1> -> vector<16xi32>
            %reduce_max3A_873 = arith.xori %reduce_max3A_872, %reduce_max3A_870 : vector<16xi32>
            %reduce_max3A_874 = vector.extract %reduce_max3A_873[15] : i32 from vector<16xi32>
            %swap3A_875 = arith.constant 0 : i32
            %swap3A_876 = arith.index_cast %swap3A_875 : i32 to index
            %swap3A_877 = memref.load %arg18[%swap3A_876] : memref<1xi32, #tpu.memory_space<smem>>
            memref.store %reduce_max3A_874, %arg18[%swap3A_876] : memref<1xi32, #tpu.memory_space<smem>>
          } else {
          }
          %add3A_462 = arith.constant 1 : i32
          %add3A_463 = arith.addi %while3A_204, %add3A_462 : i32
          %get3A_464 = arith.constant 0 : i32
          %get3A_465 = arith.index_cast %get3A_464 : i32 to index
          %get3A_466 = memref.load %arg18[%get3A_465] : memref<1xi32, #tpu.memory_space<smem>>
          scf.yield %add3A_463, %get3A_466 : i32, i32
        }
        %get3A_172 = arith.constant 0 : index
        %get3A_173 = tpu.vector_load %arg14[%get3A_172] {strides = array<i32>} : memref<16xi32, #tpu.memory_space<vmem>>, vector<16xi32>,
        %get3A_174 = arith.constant 0 : index
        %get3A_175 = tpu.vector_load %arg13[%get3A_174] {strides = array<i32>} : memref<16xi32, #tpu.memory_space<vmem>>, vector<16xi32>,
        %jit3A_176 = arith.constant -1 : i32
        %broadcast_in_dim3A_177 = vector.broadcast %jit3A_176 : i32 to vector<16xi32>
        %select_n3A_178 = arith.select %eq3A_34, %get3A_175, %broadcast_in_dim3A_177 : vector<16xi1>, vector<16xi32>
        %broadcast_in_dim3A_179 = arith.constant true
        %broadcast_in_dim3A_180 = vector.broadcast %broadcast_in_dim3A_179 : i1 to vector<16xi1>
        %masked_cummax3A = arith.constant -2147483648 : i32
        %masked_cummax3A_181 = vector.broadcast %masked_cummax3A : i32 to vector<16xi32>
        %masked_cummax3A_182 = arith.xori %select_n3A_178, %masked_cummax3A_181 : vector<16xi32>
        %masked_cummax3A_183 = tpu.scan <max>, %masked_cummax3A_182 masked %broadcast_in_dim3A_180 : vector<16xi32>, vector<16xi1> -> vector<16xi32>
        %masked_cummax3A_184 = arith.xori %masked_cummax3A_183, %masked_cummax3A_181 : vector<16xi32>
        %lt3A = arith.cmpi slt, %iota3A, %get3A_173 : vector<16xi32>
        %gt3A = arith.constant 0 : i32
        %gt3A_185 = vector.broadcast %gt3A : i32 to vector<16xi32>
        %gt3A_186 = arith.cmpi sgt, %get3A_173, %gt3A_185 : vector<16xi32>
        %select_n3A_187 = arith.select %lt3A, %get3A_175, %masked_cummax3A_184 : vector<16xi1>, vector<16xi32>
        %jit3A_188 = arith.constant 0 : i32
        %broadcast_in_dim3A_189 = vector.broadcast %jit3A_188 : i32 to vector<16xi32>
        %select_n3A_190 = arith.select %gt3A_186, %select_n3A_187, %broadcast_in_dim3A_189 : vector<16xi1>, vector<16xi32>
        %add3A_191 = arith.constant 32 : i32
        %add3A_192 = arith.addi %add3A_191, %scan3A_86 : i32
        %swap3A_193 = arith.index_cast %add3A_192 : i32 to index
        %swap3A_194 = arith.constant 0 : index
        %swap3A_195 = tpu.vector_load %arg15[%swap3A_193, %swap3A_194] {strides = array<i32>} : memref<64x16xi32, #tpu.memory_space<vmem>>, vector<16xi32>,
        tpu.vector_store %arg15[%swap3A_193, %swap3A_194], %select_n3A_190 {strides = array<i32>} : memref<64x16xi32, #tpu.memory_space<vmem>>, vector<16xi32>,
        %jit3A_196 = arith.constant 16384 : i32
        %broadcast_in_dim3A_197 = vector.broadcast %jit3A_196 : i32 to vector<16xi32>
        %select_n3A_198 = arith.select %gt3A_186, %select_n3A_190, %broadcast_in_dim3A_197 : vector<16xi1>, vector<16xi32>
        %swap3A_199 = arith.index_cast %add3A_192 : i32 to index
        %swap3A_200 = arith.constant 0 : index
        %swap3A_201 = tpu.vector_load %arg16[%swap3A_199, %swap3A_200] {strides = array<i32>} : memref<64x16xi32, #tpu.memory_space<vmem>>, vector<16xi32>,
        tpu.vector_store %arg16[%swap3A_199, %swap3A_200], %select_n3A_198 {strides = array<i32>} : memref<64x16xi32, #tpu.memory_space<vmem>>, vector<16xi32>,
        %broadcast_in_dim3A_202 = vector.broadcast %add3A_92 : i32 to vector<16xi32>
        tpu.vector_store_idx %arg17[%broadcast_in_dim3A_202], %get3A_173 masked %eq3A_34 : memref<512xi32, #tpu.memory_space<vmem>>[vector<16xi32>], vector<16xi32>, vector<16xi1>
        %scan3A_203 = arith.constant 0 : i32
        scf.yield %scan3A_203 : i32
      }
      %scan3A_71 = arith.constant 16 : i32
      %scan3A_72 = arith.constant 0 : i32
      %scan3A_73 = arith.constant 0 : i32
      %scan3A_74 = arith.constant 16 : i32
      %scan3A_75 = arith.addi %scan3A_73, %scan3A_74 : i32
      %scan3A_76 = arith.constant 1 : i32
      %scan3A_77 = scf.for %scan3A_86 = %scan3A_73 to %scan3A_75 step %scan3A_76 iter_args(%scan3A_87 = %scan3A_72) -> (i32)  : i32 {
        %mul3A_88 = arith.constant 64 : i32
        %mul3A_89 = arith.muli %scan3A_49, %mul3A_88 : i32
        %add3A_90 = arith.constant 48 : i32
        %add3A_91 = arith.addi %mul3A_89, %add3A_90 : i32
        %add3A_92 = arith.addi %add3A_91, %scan3A_86 : i32
        %mul3A_93 = arith.constant 64 : i32
        %mul3A_94 = arith.muli %scan3A_49, %mul3A_93 : i32
        %add3A_95 = arith.constant 48 : i32
        %add3A_96 = arith.addi %mul3A_94, %add3A_95 : i32
        %get3A = arith.index_cast %add3A_96 : i32 to index
        %get3A_97 = tpu.vector_load %arg10[%get3A] {strides = array<i32>} : memref<512xf32, #tpu.memory_space<vmem>>, vector<16xf32>,
        %get3A_98 = arith.index_cast %add3A_96 : i32 to index
        %get3A_99 = tpu.vector_load %arg11[%get3A_98] {strides = array<i32>} : memref<512xf32, #tpu.memory_space<vmem>>, vector<16xf32>,
        %get3A_100 = arith.index_cast %add3A_96 : i32 to index
        %get3A_101 = tpu.vector_load %arg12[%get3A_100] {strides = array<i32>} : memref<512xf32, #tpu.memory_space<vmem>>, vector<16xf32>,
        %mul3A_102 = arith.mulf %get3A_97, %get3A_97 : vector<16xf32>
        %mul3A_103 = arith.mulf %get3A_99, %get3A_99 : vector<16xf32>
        %add3A_104 = arith.addf %mul3A_102, %mul3A_103 : vector<16xf32>
        %mul3A_105 = arith.mulf %get3A_101, %get3A_101 : vector<16xf32>
        %add3A_106 = arith.addf %add3A_104, %mul3A_105 : vector<16xf32>
        %broadcast_in_dim3A_107 = vector.broadcast %scan3A_86 : i32 to vector<16xi32>
        %broadcast_in_dim3A_108 = vector.shape_cast %broadcast_in_dim3A_107 : vector<16xi32> to vector<16x1xi32>
        %gather3A = vector.shape_cast %broadcast_in_dim3A_108 : vector<16x1xi32> to vector<16xi32>
        %gather3A_109 = tpu.dynamic_gather %add3A_106[%gather3A] in [0] : vector<16xf32>, vector<16xi32> -> vector<16xf32>
        %bitcast3A = vector.bitcast %get3A_97 : vector<16xf32> to vector<16xi32>
        %add3A_110 = arith.constant 32767 : i32
        %add3A_111 = vector.broadcast %add3A_110 : i32 to vector<16xi32>
        %add3A_112 = arith.addi %bitcast3A, %add3A_111 : vector<16xi32>
        %shift_right_arithmetic3A = arith.constant 16 : i32
        %shift_right_arithmetic3A_113 = vector.broadcast %shift_right_arithmetic3A : i32 to vector<16xi32>
        %shift_right_arithmetic3A_114 = arith.shrsi %bitcast3A, %shift_right_arithmetic3A_113 : vector<16xi32>
        %and3A_115 = arith.constant 1 : i32
        %and3A_116 = vector.broadcast %and3A_115 : i32 to vector<16xi32>
        %and3A_117 = arith.andi %shift_right_arithmetic3A_114, %and3A_116 : vector<16xi32>
        %add3A_118 = arith.addi %add3A_112, %and3A_117 : vector<16xi32>
        %and3A_119 = arith.constant -65536 : i32
        %and3A_120 = vector.broadcast %and3A_119 : i32 to vector<16xi32>
        %and3A_121 = arith.andi %add3A_118, %and3A_120 : vector<16xi32>
        %bitcast3A_122 = vector.bitcast %and3A_121 : vector<16xi32> to vector<16xf32>
        %broadcast_in_dim3A_123 = vector.broadcast %scan3A_86 : i32 to vector<16xi32>
        %broadcast_in_dim3A_124 = vector.shape_cast %broadcast_in_dim3A_123 : vector<16xi32> to vector<16x1xi32>
        %gather3A_125 = vector.shape_cast %broadcast_in_dim3A_124 : vector<16x1xi32> to vector<16xi32>
        %gather3A_126 = tpu.dynamic_gather %bitcast3A_122[%gather3A_125] in [0] : vector<16xf32>, vector<16xi32> -> vector<16xf32>
        %bitcast3A_127 = vector.bitcast %get3A_99 : vector<16xf32> to vector<16xi32>
        %add3A_128 = arith.constant 32767 : i32
        %add3A_129 = vector.broadcast %add3A_128 : i32 to vector<16xi32>
        %add3A_130 = arith.addi %bitcast3A_127, %add3A_129 : vector<16xi32>
        %shift_right_arithmetic3A_131 = arith.constant 16 : i32
        %shift_right_arithmetic3A_132 = vector.broadcast %shift_right_arithmetic3A_131 : i32 to vector<16xi32>
        %shift_right_arithmetic3A_133 = arith.shrsi %bitcast3A_127, %shift_right_arithmetic3A_132 : vector<16xi32>
        %and3A_134 = arith.constant 1 : i32
        %and3A_135 = vector.broadcast %and3A_134 : i32 to vector<16xi32>
        %and3A_136 = arith.andi %shift_right_arithmetic3A_133, %and3A_135 : vector<16xi32>
        %add3A_137 = arith.addi %add3A_130, %and3A_136 : vector<16xi32>
        %and3A_138 = arith.constant -65536 : i32
        %and3A_139 = vector.broadcast %and3A_138 : i32 to vector<16xi32>
        %and3A_140 = arith.andi %add3A_137, %and3A_139 : vector<16xi32>
        %bitcast3A_141 = vector.bitcast %and3A_140 : vector<16xi32> to vector<16xf32>
        %broadcast_in_dim3A_142 = vector.broadcast %scan3A_86 : i32 to vector<16xi32>
        %broadcast_in_dim3A_143 = vector.shape_cast %broadcast_in_dim3A_142 : vector<16xi32> to vector<16x1xi32>
        %gather3A_144 = vector.shape_cast %broadcast_in_dim3A_143 : vector<16x1xi32> to vector<16xi32>
        %gather3A_145 = tpu.dynamic_gather %bitcast3A_141[%gather3A_144] in [0] : vector<16xf32>, vector<16xi32> -> vector<16xf32>
        %bitcast3A_146 = vector.bitcast %get3A_101 : vector<16xf32> to vector<16xi32>
        %add3A_147 = arith.constant 32767 : i32
        %add3A_148 = vector.broadcast %add3A_147 : i32 to vector<16xi32>
        %add3A_149 = arith.addi %bitcast3A_146, %add3A_148 : vector<16xi32>
        %shift_right_arithmetic3A_150 = arith.constant 16 : i32
        %shift_right_arithmetic3A_151 = vector.broadcast %shift_right_arithmetic3A_150 : i32 to vector<16xi32>
        %shift_right_arithmetic3A_152 = arith.shrsi %bitcast3A_146, %shift_right_arithmetic3A_151 : vector<16xi32>
        %and3A_153 = arith.constant 1 : i32
        %and3A_154 = vector.broadcast %and3A_153 : i32 to vector<16xi32>
        %and3A_155 = arith.andi %shift_right_arithmetic3A_152, %and3A_154 : vector<16xi32>
        %add3A_156 = arith.addi %add3A_149, %and3A_155 : vector<16xi32>
        %and3A_157 = arith.constant -65536 : i32
        %and3A_158 = vector.broadcast %and3A_157 : i32 to vector<16xi32>
        %and3A_159 = arith.andi %add3A_156, %and3A_158 : vector<16xi32>
        %bitcast3A_160 = vector.bitcast %and3A_159 : vector<16xi32> to vector<16xf32>
        %broadcast_in_dim3A_161 = vector.broadcast %scan3A_86 : i32 to vector<16xi32>
        %broadcast_in_dim3A_162 = vector.shape_cast %broadcast_in_dim3A_161 : vector<16xi32> to vector<16x1xi32>
        %gather3A_163 = vector.shape_cast %broadcast_in_dim3A_162 : vector<16x1xi32> to vector<16xi32>
        %gather3A_164 = tpu.dynamic_gather %bitcast3A_160[%gather3A_163] in [0] : vector<16xf32>, vector<16xi32> -> vector<16xf32>
        %swap3A = arith.constant 0 : index
        %swap3A_165 = tpu.vector_load %arg14[%swap3A] {strides = array<i32>} : memref<16xi32, #tpu.memory_space<vmem>>, vector<16xi32>,
        tpu.vector_store %arg14[%swap3A], %broadcast_in_dim3A_35 {strides = array<i32>} : memref<16xi32, #tpu.memory_space<vmem>>, vector<16xi32>,
        %swap3A_166 = arith.constant 0 : i32
        %swap3A_167 = arith.constant 0 : i32
        %swap3A_168 = arith.index_cast %swap3A_167 : i32 to index
        %swap3A_169 = memref.load %arg18[%swap3A_168] : memref<1xi32, #tpu.memory_space<smem>>
        memref.store %swap3A_166, %arg18[%swap3A_168] : memref<1xi32, #tpu.memory_space<smem>>
        %while3A = arith.constant 0 : i32
        %while3A_170 = arith.constant 0 : i32
        %while3A_171:2 = scf.while (%while3A_204 = %while3A, %while3A_205 = %while3A_170) : (i32, i32) -> (i32, i32) {
          %lt3A_206 = arith.constant 128 : i32
          %lt3A_207 = arith.cmpi slt, %while3A_204, %lt3A_206 : i32
          %lt3A_208 = arith.constant 16 : i32
          %lt3A_209 = arith.cmpi slt, %while3A_205, %lt3A_208 : i32
          %and3A_210 = arith.andi %lt3A_207, %lt3A_209 : i1
          scf.condition(%and3A_210) %while3A_204, %while3A_205 : i32, i32
        } do {
        ^bb0(%while3A_204: i32, %while3A_205: i32):
          %mul3A_206 = arith.constant 128 : i32
          %mul3A_207 = arith.muli %while3A_204, %mul3A_206 : i32
          %multiple_of3A = tpu.assume_multiple %mul3A_207, 128 : i32
          %get3A_208 = arith.index_cast %multiple_of3A : i32 to index
          %get3A_209 = tpu.vector_load %arg8[%get3A_208] {strides = array<i32>} : memref<16384xf32, #tpu.memory_space<vmem>>, vector<16xf32>,
          %bitcast3A_210 = vector.bitcast %get3A_209 : vector<16xf32> to vector<16xi32>
          %and3A_211 = arith.constant -65536 : i32
          %and3A_212 = vector.broadcast %and3A_211 : i32 to vector<16xi32>
          %and3A_213 = arith.andi %bitcast3A_210, %and3A_212 : vector<16xi32>
          %bitcast3A_214 = vector.bitcast %and3A_213 : vector<16xi32> to vector<16xf32>
          %shift_left3A = arith.constant 16 : i32
          %shift_left3A_215 = vector.broadcast %shift_left3A : i32 to vector<16xi32>
          %shift_left3A_216 = arith.shli %bitcast3A_210, %shift_left3A_215 : vector<16xi32>
          %bitcast3A_217 = vector.bitcast %shift_left3A_216 : vector<16xi32> to vector<16xf32>
          %get3A_218 = arith.index_cast %multiple_of3A : i32 to index
          %get3A_219 = tpu.vector_load %arg9[%get3A_218] {strides = array<i32>} : memref<16384xf32, #tpu.memory_space<vmem>>, vector<16xf32>,
          %mul3A_220 = arith.mulf %gather3A_126, %bitcast3A_214 : vector<16xf32>
          %mul3A_221 = arith.mulf %gather3A_145, %bitcast3A_217 : vector<16xf32>
          %add3A_222 = arith.addf %mul3A_220, %mul3A_221 : vector<16xf32>
          %mul3A_223 = arith.mulf %gather3A_164, %get3A_219 : vector<16xf32>
          %add3A_224 = arith.addf %add3A_222, %mul3A_223 : vector<16xf32>
          %get3A_225 = arith.index_cast %multiple_of3A : i32 to index
          %get3A_226 = tpu.vector_load %arg7[%get3A_225] {strides = array<i32>} : memref<16384xf32, #tpu.memory_space<vmem>>, vector<16xf32>,
          %add3A_227 = arith.addf %gather3A_109, %get3A_226 : vector<16xf32>
          %mul3A_228 = arith.constant 2.000000e+00 : f32
          %mul3A_229 = vector.broadcast %mul3A_228 : f32 to vector<16xf32>
          %mul3A_230 = arith.mulf %mul3A_229, %add3A_224 : vector<16xf32>
          %sub3A_231 = arith.subf %add3A_227, %mul3A_230 : vector<16xf32>
          %lt3A_232 = arith.constant 6.400000e-01 : f32
          %lt3A_233 = vector.broadcast %lt3A_232 : f32 to vector<16xf32>
          %lt3A_234 = arith.cmpf olt, %sub3A_231, %lt3A_233 : vector<16xf32>
          %add3A_235 = arith.constant 16 : i32
          %add3A_236 = arith.addi %multiple_of3A, %add3A_235 : i32
          %get3A_237 = arith.index_cast %add3A_236 : i32 to index
          %get3A_238 = tpu.vector_load %arg8[%get3A_237] {strides = array<i32>} : memref<16384xf32, #tpu.memory_space<vmem>>, vector<16xf32>,
          %bitcast3A_239 = vector.bitcast %get3A_238 : vector<16xf32> to vector<16xi32>
          %and3A_240 = arith.constant -65536 : i32
          %and3A_241 = vector.broadcast %and3A_240 : i32 to vector<16xi32>
          %and3A_242 = arith.andi %bitcast3A_239, %and3A_241 : vector<16xi32>
          %bitcast3A_243 = vector.bitcast %and3A_242 : vector<16xi32> to vector<16xf32>
          %shift_left3A_244 = arith.constant 16 : i32
          %shift_left3A_245 = vector.broadcast %shift_left3A_244 : i32 to vector<16xi32>
          %shift_left3A_246 = arith.shli %bitcast3A_239, %shift_left3A_245 : vector<16xi32>
          %bitcast3A_247 = vector.bitcast %shift_left3A_246 : vector<16xi32> to vector<16xf32>
          %get3A_248 = arith.index_cast %add3A_236 : i32 to index
          %get3A_249 = tpu.vector_load %arg9[%get3A_248] {strides = array<i32>} : memref<16384xf32, #tpu.memory_space<vmem>>, vector<16xf32>,
          %mul3A_250 = arith.mulf %gather3A_126, %bitcast3A_243 : vector<16xf32>
          %mul3A_251 = arith.mulf %gather3A_145, %bitcast3A_247 : vector<16xf32>
          %add3A_252 = arith.addf %mul3A_250, %mul3A_251 : vector<16xf32>
          %mul3A_253 = arith.mulf %gather3A_164, %get3A_249 : vector<16xf32>
          %add3A_254 = arith.addf %add3A_252, %mul3A_253 : vector<16xf32>
          %get3A_255 = arith.index_cast %add3A_236 : i32 to index
          %get3A_256 = tpu.vector_load %arg7[%get3A_255] {strides = array<i32>} : memref<16384xf32, #tpu.memory_space<vmem>>, vector<16xf32>,
          %add3A_257 = arith.addf %gather3A_109, %get3A_256 : vector<16xf32>
          %mul3A_258 = arith.constant 2.000000e+00 : f32
          %mul3A_259 = vector.broadcast %mul3A_258 : f32 to vector<16xf32>
          %mul3A_260 = arith.mulf %mul3A_259, %add3A_254 : vector<16xf32>
          %sub3A_261 = arith.subf %add3A_257, %mul3A_260 : vector<16xf32>
          %lt3A_262 = arith.constant 6.400000e-01 : f32
          %lt3A_263 = vector.broadcast %lt3A_262 : f32 to vector<16xf32>
          %lt3A_264 = arith.cmpf olt, %sub3A_261, %lt3A_263 : vector<16xf32>
          %or3A = arith.ori %lt3A_234, %lt3A_264 : vector<16xi1>
          %add3A_265 = arith.constant 32 : i32
          %add3A_266 = arith.addi %multiple_of3A, %add3A_265 : i32
          %get3A_267 = arith.index_cast %add3A_266 : i32 to index
          %get3A_268 = tpu.vector_load %arg8[%get3A_267] {strides = array<i32>} : memref<16384xf32, #tpu.memory_space<vmem>>, vector<16xf32>,
          %bitcast3A_269 = vector.bitcast %get3A_268 : vector<16xf32> to vector<16xi32>
          %and3A_270 = arith.constant -65536 : i32
          %and3A_271 = vector.broadcast %and3A_270 : i32 to vector<16xi32>
          %and3A_272 = arith.andi %bitcast3A_269, %and3A_271 : vector<16xi32>
          %bitcast3A_273 = vector.bitcast %and3A_272 : vector<16xi32> to vector<16xf32>
          %shift_left3A_274 = arith.constant 16 : i32
          %shift_left3A_275 = vector.broadcast %shift_left3A_274 : i32 to vector<16xi32>
          %shift_left3A_276 = arith.shli %bitcast3A_269, %shift_left3A_275 : vector<16xi32>
          %bitcast3A_277 = vector.bitcast %shift_left3A_276 : vector<16xi32> to vector<16xf32>
          %get3A_278 = arith.index_cast %add3A_266 : i32 to index
          %get3A_279 = tpu.vector_load %arg9[%get3A_278] {strides = array<i32>} : memref<16384xf32, #tpu.memory_space<vmem>>, vector<16xf32>,
          %mul3A_280 = arith.mulf %gather3A_126, %bitcast3A_273 : vector<16xf32>
          %mul3A_281 = arith.mulf %gather3A_145, %bitcast3A_277 : vector<16xf32>
          %add3A_282 = arith.addf %mul3A_280, %mul3A_281 : vector<16xf32>
          %mul3A_283 = arith.mulf %gather3A_164, %get3A_279 : vector<16xf32>
          %add3A_284 = arith.addf %add3A_282, %mul3A_283 : vector<16xf32>
          %get3A_285 = arith.index_cast %add3A_266 : i32 to index
          %get3A_286 = tpu.vector_load %arg7[%get3A_285] {strides = array<i32>} : memref<16384xf32, #tpu.memory_space<vmem>>, vector<16xf32>,
          %add3A_287 = arith.addf %gather3A_109, %get3A_286 : vector<16xf32>
          %mul3A_288 = arith.constant 2.000000e+00 : f32
          %mul3A_289 = vector.broadcast %mul3A_288 : f32 to vector<16xf32>
          %mul3A_290 = arith.mulf %mul3A_289, %add3A_284 : vector<16xf32>
          %sub3A_291 = arith.subf %add3A_287, %mul3A_290 : vector<16xf32>
          %lt3A_292 = arith.constant 6.400000e-01 : f32
          %lt3A_293 = vector.broadcast %lt3A_292 : f32 to vector<16xf32>
          %lt3A_294 = arith.cmpf olt, %sub3A_291, %lt3A_293 : vector<16xf32>
          %or3A_295 = arith.ori %or3A, %lt3A_294 : vector<16xi1>
          %add3A_296 = arith.constant 48 : i32
          %add3A_297 = arith.addi %multiple_of3A, %add3A_296 : i32
          %get3A_298 = arith.index_cast %add3A_297 : i32 to index
          %get3A_299 = tpu.vector_load %arg8[%get3A_298] {strides = array<i32>} : memref<16384xf32, #tpu.memory_space<vmem>>, vector<16xf32>,
          %bitcast3A_300 = vector.bitcast %get3A_299 : vector<16xf32> to vector<16xi32>
          %and3A_301 = arith.constant -65536 : i32
          %and3A_302 = vector.broadcast %and3A_301 : i32 to vector<16xi32>
          %and3A_303 = arith.andi %bitcast3A_300, %and3A_302 : vector<16xi32>
          %bitcast3A_304 = vector.bitcast %and3A_303 : vector<16xi32> to vector<16xf32>
          %shift_left3A_305 = arith.constant 16 : i32
          %shift_left3A_306 = vector.broadcast %shift_left3A_305 : i32 to vector<16xi32>
          %shift_left3A_307 = arith.shli %bitcast3A_300, %shift_left3A_306 : vector<16xi32>
          %bitcast3A_308 = vector.bitcast %shift_left3A_307 : vector<16xi32> to vector<16xf32>
          %get3A_309 = arith.index_cast %add3A_297 : i32 to index
          %get3A_310 = tpu.vector_load %arg9[%get3A_309] {strides = array<i32>} : memref<16384xf32, #tpu.memory_space<vmem>>, vector<16xf32>,
          %mul3A_311 = arith.mulf %gather3A_126, %bitcast3A_304 : vector<16xf32>
          %mul3A_312 = arith.mulf %gather3A_145, %bitcast3A_308 : vector<16xf32>
          %add3A_313 = arith.addf %mul3A_311, %mul3A_312 : vector<16xf32>
          %mul3A_314 = arith.mulf %gather3A_164, %get3A_310 : vector<16xf32>
          %add3A_315 = arith.addf %add3A_313, %mul3A_314 : vector<16xf32>
          %get3A_316 = arith.index_cast %add3A_297 : i32 to index
          %get3A_317 = tpu.vector_load %arg7[%get3A_316] {strides = array<i32>} : memref<16384xf32, #tpu.memory_space<vmem>>, vector<16xf32>,
          %add3A_318 = arith.addf %gather3A_109, %get3A_317 : vector<16xf32>
          %mul3A_319 = arith.constant 2.000000e+00 : f32
          %mul3A_320 = vector.broadcast %mul3A_319 : f32 to vector<16xf32>
          %mul3A_321 = arith.mulf %mul3A_320, %add3A_315 : vector<16xf32>
          %sub3A_322 = arith.subf %add3A_318, %mul3A_321 : vector<16xf32>
          %lt3A_323 = arith.constant 6.400000e-01 : f32
          %lt3A_324 = vector.broadcast %lt3A_323 : f32 to vector<16xf32>
          %lt3A_325 = arith.cmpf olt, %sub3A_322, %lt3A_324 : vector<16xf32>
          %or3A_326 = arith.ori %or3A_295, %lt3A_325 : vector<16xi1>
          %add3A_327 = arith.constant 64 : i32
          %add3A_328 = arith.addi %multiple_of3A, %add3A_327 : i32
          %get3A_329 = arith.index_cast %add3A_328 : i32 to index
          %get3A_330 = tpu.vector_load %arg8[%get3A_329] {strides = array<i32>} : memref<16384xf32, #tpu.memory_space<vmem>>, vector<16xf32>,
          %bitcast3A_331 = vector.bitcast %get3A_330 : vector<16xf32> to vector<16xi32>
          %and3A_332 = arith.constant -65536 : i32
          %and3A_333 = vector.broadcast %and3A_332 : i32 to vector<16xi32>
          %and3A_334 = arith.andi %bitcast3A_331, %and3A_333 : vector<16xi32>
          %bitcast3A_335 = vector.bitcast %and3A_334 : vector<16xi32> to vector<16xf32>
          %shift_left3A_336 = arith.constant 16 : i32
          %shift_left3A_337 = vector.broadcast %shift_left3A_336 : i32 to vector<16xi32>
          %shift_left3A_338 = arith.shli %bitcast3A_331, %shift_left3A_337 : vector<16xi32>
          %bitcast3A_339 = vector.bitcast %shift_left3A_338 : vector<16xi32> to vector<16xf32>
          %get3A_340 = arith.index_cast %add3A_328 : i32 to index
          %get3A_341 = tpu.vector_load %arg9[%get3A_340] {strides = array<i32>} : memref<16384xf32, #tpu.memory_space<vmem>>, vector<16xf32>,
          %mul3A_342 = arith.mulf %gather3A_126, %bitcast3A_335 : vector<16xf32>
          %mul3A_343 = arith.mulf %gather3A_145, %bitcast3A_339 : vector<16xf32>
          %add3A_344 = arith.addf %mul3A_342, %mul3A_343 : vector<16xf32>
          %mul3A_345 = arith.mulf %gather3A_164, %get3A_341 : vector<16xf32>
          %add3A_346 = arith.addf %add3A_344, %mul3A_345 : vector<16xf32>
          %get3A_347 = arith.index_cast %add3A_328 : i32 to index
          %get3A_348 = tpu.vector_load %arg7[%get3A_347] {strides = array<i32>} : memref<16384xf32, #tpu.memory_space<vmem>>, vector<16xf32>,
          %add3A_349 = arith.addf %gather3A_109, %get3A_348 : vector<16xf32>
          %mul3A_350 = arith.constant 2.000000e+00 : f32
          %mul3A_351 = vector.broadcast %mul3A_350 : f32 to vector<16xf32>
          %mul3A_352 = arith.mulf %mul3A_351, %add3A_346 : vector<16xf32>
          %sub3A_353 = arith.subf %add3A_349, %mul3A_352 : vector<16xf32>
          %lt3A_354 = arith.constant 6.400000e-01 : f32
          %lt3A_355 = vector.broadcast %lt3A_354 : f32 to vector<16xf32>
          %lt3A_356 = arith.cmpf olt, %sub3A_353, %lt3A_355 : vector<16xf32>
          %or3A_357 = arith.ori %or3A_326, %lt3A_356 : vector<16xi1>
          %add3A_358 = arith.constant 80 : i32
          %add3A_359 = arith.addi %multiple_of3A, %add3A_358 : i32
          %get3A_360 = arith.index_cast %add3A_359 : i32 to index
          %get3A_361 = tpu.vector_load %arg8[%get3A_360] {strides = array<i32>} : memref<16384xf32, #tpu.memory_space<vmem>>, vector<16xf32>,
          %bitcast3A_362 = vector.bitcast %get3A_361 : vector<16xf32> to vector<16xi32>
          %and3A_363 = arith.constant -65536 : i32
          %and3A_364 = vector.broadcast %and3A_363 : i32 to vector<16xi32>
          %and3A_365 = arith.andi %bitcast3A_362, %and3A_364 : vector<16xi32>
          %bitcast3A_366 = vector.bitcast %and3A_365 : vector<16xi32> to vector<16xf32>
          %shift_left3A_367 = arith.constant 16 : i32
          %shift_left3A_368 = vector.broadcast %shift_left3A_367 : i32 to vector<16xi32>
          %shift_left3A_369 = arith.shli %bitcast3A_362, %shift_left3A_368 : vector<16xi32>
          %bitcast3A_370 = vector.bitcast %shift_left3A_369 : vector<16xi32> to vector<16xf32>
          %get3A_371 = arith.index_cast %add3A_359 : i32 to index
          %get3A_372 = tpu.vector_load %arg9[%get3A_371] {strides = array<i32>} : memref<16384xf32, #tpu.memory_space<vmem>>, vector<16xf32>,
          %mul3A_373 = arith.mulf %gather3A_126, %bitcast3A_366 : vector<16xf32>
          %mul3A_374 = arith.mulf %gather3A_145, %bitcast3A_370 : vector<16xf32>
          %add3A_375 = arith.addf %mul3A_373, %mul3A_374 : vector<16xf32>
          %mul3A_376 = arith.mulf %gather3A_164, %get3A_372 : vector<16xf32>
          %add3A_377 = arith.addf %add3A_375, %mul3A_376 : vector<16xf32>
          %get3A_378 = arith.index_cast %add3A_359 : i32 to index
          %get3A_379 = tpu.vector_load %arg7[%get3A_378] {strides = array<i32>} : memref<16384xf32, #tpu.memory_space<vmem>>, vector<16xf32>,
          %add3A_380 = arith.addf %gather3A_109, %get3A_379 : vector<16xf32>
          %mul3A_381 = arith.constant 2.000000e+00 : f32
          %mul3A_382 = vector.broadcast %mul3A_381 : f32 to vector<16xf32>
          %mul3A_383 = arith.mulf %mul3A_382, %add3A_377 : vector<16xf32>
          %sub3A_384 = arith.subf %add3A_380, %mul3A_383 : vector<16xf32>
          %lt3A_385 = arith.constant 6.400000e-01 : f32
          %lt3A_386 = vector.broadcast %lt3A_385 : f32 to vector<16xf32>
          %lt3A_387 = arith.cmpf olt, %sub3A_384, %lt3A_386 : vector<16xf32>
          %or3A_388 = arith.ori %or3A_357, %lt3A_387 : vector<16xi1>
          %add3A_389 = arith.constant 96 : i32
          %add3A_390 = arith.addi %multiple_of3A, %add3A_389 : i32
          %get3A_391 = arith.index_cast %add3A_390 : i32 to index
          %get3A_392 = tpu.vector_load %arg8[%get3A_391] {strides = array<i32>} : memref<16384xf32, #tpu.memory_space<vmem>>, vector<16xf32>,
          %bitcast3A_393 = vector.bitcast %get3A_392 : vector<16xf32> to vector<16xi32>
          %and3A_394 = arith.constant -65536 : i32
          %and3A_395 = vector.broadcast %and3A_394 : i32 to vector<16xi32>
          %and3A_396 = arith.andi %bitcast3A_393, %and3A_395 : vector<16xi32>
          %bitcast3A_397 = vector.bitcast %and3A_396 : vector<16xi32> to vector<16xf32>
          %shift_left3A_398 = arith.constant 16 : i32
          %shift_left3A_399 = vector.broadcast %shift_left3A_398 : i32 to vector<16xi32>
          %shift_left3A_400 = arith.shli %bitcast3A_393, %shift_left3A_399 : vector<16xi32>
          %bitcast3A_401 = vector.bitcast %shift_left3A_400 : vector<16xi32> to vector<16xf32>
          %get3A_402 = arith.index_cast %add3A_390 : i32 to index
          %get3A_403 = tpu.vector_load %arg9[%get3A_402] {strides = array<i32>} : memref<16384xf32, #tpu.memory_space<vmem>>, vector<16xf32>,
          %mul3A_404 = arith.mulf %gather3A_126, %bitcast3A_397 : vector<16xf32>
          %mul3A_405 = arith.mulf %gather3A_145, %bitcast3A_401 : vector<16xf32>
          %add3A_406 = arith.addf %mul3A_404, %mul3A_405 : vector<16xf32>
          %mul3A_407 = arith.mulf %gather3A_164, %get3A_403 : vector<16xf32>
          %add3A_408 = arith.addf %add3A_406, %mul3A_407 : vector<16xf32>
          %get3A_409 = arith.index_cast %add3A_390 : i32 to index
          %get3A_410 = tpu.vector_load %arg7[%get3A_409] {strides = array<i32>} : memref<16384xf32, #tpu.memory_space<vmem>>, vector<16xf32>,
          %add3A_411 = arith.addf %gather3A_109, %get3A_410 : vector<16xf32>
          %mul3A_412 = arith.constant 2.000000e+00 : f32
          %mul3A_413 = vector.broadcast %mul3A_412 : f32 to vector<16xf32>
          %mul3A_414 = arith.mulf %mul3A_413, %add3A_408 : vector<16xf32>
          %sub3A_415 = arith.subf %add3A_411, %mul3A_414 : vector<16xf32>
          %lt3A_416 = arith.constant 6.400000e-01 : f32
          %lt3A_417 = vector.broadcast %lt3A_416 : f32 to vector<16xf32>
          %lt3A_418 = arith.cmpf olt, %sub3A_415, %lt3A_417 : vector<16xf32>
          %or3A_419 = arith.ori %or3A_388, %lt3A_418 : vector<16xi1>
          %add3A_420 = arith.constant 112 : i32
          %add3A_421 = arith.addi %multiple_of3A, %add3A_420 : i32
          %get3A_422 = arith.index_cast %add3A_421 : i32 to index
          %get3A_423 = tpu.vector_load %arg8[%get3A_422] {strides = array<i32>} : memref<16384xf32, #tpu.memory_space<vmem>>, vector<16xf32>,
          %bitcast3A_424 = vector.bitcast %get3A_423 : vector<16xf32> to vector<16xi32>
          %and3A_425 = arith.constant -65536 : i32
          %and3A_426 = vector.broadcast %and3A_425 : i32 to vector<16xi32>
          %and3A_427 = arith.andi %bitcast3A_424, %and3A_426 : vector<16xi32>
          %bitcast3A_428 = vector.bitcast %and3A_427 : vector<16xi32> to vector<16xf32>
          %shift_left3A_429 = arith.constant 16 : i32
          %shift_left3A_430 = vector.broadcast %shift_left3A_429 : i32 to vector<16xi32>
          %shift_left3A_431 = arith.shli %bitcast3A_424, %shift_left3A_430 : vector<16xi32>
          %bitcast3A_432 = vector.bitcast %shift_left3A_431 : vector<16xi32> to vector<16xf32>
          %get3A_433 = arith.index_cast %add3A_421 : i32 to index
          %get3A_434 = tpu.vector_load %arg9[%get3A_433] {strides = array<i32>} : memref<16384xf32, #tpu.memory_space<vmem>>, vector<16xf32>,
          %mul3A_435 = arith.mulf %gather3A_126, %bitcast3A_428 : vector<16xf32>
          %mul3A_436 = arith.mulf %gather3A_145, %bitcast3A_432 : vector<16xf32>
          %add3A_437 = arith.addf %mul3A_435, %mul3A_436 : vector<16xf32>
          %mul3A_438 = arith.mulf %gather3A_164, %get3A_434 : vector<16xf32>
          %add3A_439 = arith.addf %add3A_437, %mul3A_438 : vector<16xf32>
          %get3A_440 = arith.index_cast %add3A_421 : i32 to index
          %get3A_441 = tpu.vector_load %arg7[%get3A_440] {strides = array<i32>} : memref<16384xf32, #tpu.memory_space<vmem>>, vector<16xf32>,
          %add3A_442 = arith.addf %gather3A_109, %get3A_441 : vector<16xf32>
          %mul3A_443 = arith.constant 2.000000e+00 : f32
          %mul3A_444 = vector.broadcast %mul3A_443 : f32 to vector<16xf32>
          %mul3A_445 = arith.mulf %mul3A_444, %add3A_439 : vector<16xf32>
          %sub3A_446 = arith.subf %add3A_442, %mul3A_445 : vector<16xf32>
          %lt3A_447 = arith.constant 6.400000e-01 : f32
          %lt3A_448 = vector.broadcast %lt3A_447 : f32 to vector<16xf32>
          %lt3A_449 = arith.cmpf olt, %sub3A_446, %lt3A_448 : vector<16xf32>
          %or3A_450 = arith.ori %or3A_419, %lt3A_449 : vector<16xi1>
          %reduce_or3A = arith.constant 1.000000e+00 : f32
          %reduce_or3A_451 = arith.constant 0.000000e+00 : f32
          %reduce_or3A_452 = vector.broadcast %reduce_or3A : f32 to vector<16xf32>
          %reduce_or3A_453 = vector.broadcast %reduce_or3A_451 : f32 to vector<16xf32>
          %reduce_or3A_454 = arith.select %or3A_450, %reduce_or3A_452, %reduce_or3A_453 : vector<16xi1>, vector<16xf32>
          %reduce_or3A_455 = arith.constant true
          %reduce_or3A_456 = vector.broadcast %reduce_or3A_455 : i1 to vector<16xi1>
          %reduce_or3A_457 = tpu.scan <max>, %reduce_or3A_454 masked %reduce_or3A_456 : vector<16xf32>, vector<16xi1> -> vector<16xf32>
          %reduce_or3A_458 = vector.extract %reduce_or3A_457[15] : f32 from vector<16xf32>
          %reduce_or3A_459 = arith.constant 0.000000e+00 : f32
          %reduce_or3A_460 = arith.cmpf ogt, %reduce_or3A_458, %reduce_or3A_459 : f32
          %convert_element_type3A = arith.extui %reduce_or3A_460 : i1 to i32
          %cond3A = arith.constant 0 : i32
          %cond3A_461 = arith.cmpi ne, %convert_element_type3A, %cond3A : i32
          scf.if %cond3A_461 {
            %get3A_467 = arith.constant 0 : index
            %get3A_468 = tpu.vector_load %arg14[%get3A_467] {strides = array<i32>} : memref<16xi32, #tpu.memory_space<vmem>>, vector<16xi32>,
            %add3A_469 = arith.constant 0 : i32
            %add3A_470 = arith.addi %multiple_of3A, %add3A_469 : i32
            %get3A_471 = arith.index_cast %add3A_470 : i32 to index
            %get3A_472 = tpu.vector_load %arg8[%get3A_471] {strides = array<i32>} : memref<16384xf32, #tpu.memory_space<vmem>>, vector<16xf32>,
            %bitcast3A_473 = vector.bitcast %get3A_472 : vector<16xf32> to vector<16xi32>
            %and3A_474 = arith.constant -65536 : i32
            %and3A_475 = vector.broadcast %and3A_474 : i32 to vector<16xi32>
            %and3A_476 = arith.andi %bitcast3A_473, %and3A_475 : vector<16xi32>
            %bitcast3A_477 = vector.bitcast %and3A_476 : vector<16xi32> to vector<16xf32>
            %shift_left3A_478 = arith.constant 16 : i32
            %shift_left3A_479 = vector.broadcast %shift_left3A_478 : i32 to vector<16xi32>
            %shift_left3A_480 = arith.shli %bitcast3A_473, %shift_left3A_479 : vector<16xi32>
            %bitcast3A_481 = vector.bitcast %shift_left3A_480 : vector<16xi32> to vector<16xf32>
            %get3A_482 = arith.index_cast %add3A_470 : i32 to index
            %get3A_483 = tpu.vector_load %arg9[%get3A_482] {strides = array<i32>} : memref<16384xf32, #tpu.memory_space<vmem>>, vector<16xf32>,
            %mul3A_484 = arith.mulf %gather3A_126, %bitcast3A_477 : vector<16xf32>
            %mul3A_485 = arith.mulf %gather3A_145, %bitcast3A_481 : vector<16xf32>
            %add3A_486 = arith.addf %mul3A_484, %mul3A_485 : vector<16xf32>
            %mul3A_487 = arith.mulf %gather3A_164, %get3A_483 : vector<16xf32>
            %add3A_488 = arith.addf %add3A_486, %mul3A_487 : vector<16xf32>
            %get3A_489 = arith.index_cast %add3A_470 : i32 to index
            %get3A_490 = tpu.vector_load %arg7[%get3A_489] {strides = array<i32>} : memref<16384xf32, #tpu.memory_space<vmem>>, vector<16xf32>,
            %add3A_491 = arith.addf %gather3A_109, %get3A_490 : vector<16xf32>
            %mul3A_492 = arith.constant 2.000000e+00 : f32
            %mul3A_493 = vector.broadcast %mul3A_492 : f32 to vector<16xf32>
            %mul3A_494 = arith.mulf %mul3A_493, %add3A_488 : vector<16xf32>
            %sub3A_495 = arith.subf %add3A_491, %mul3A_494 : vector<16xf32>
            %lt3A_496 = arith.constant 6.400000e-01 : f32
            %lt3A_497 = vector.broadcast %lt3A_496 : f32 to vector<16xf32>
            %lt3A_498 = arith.cmpf olt, %sub3A_495, %lt3A_497 : vector<16xf32>
            %all_reduce_population_count3A = tpu.all_reduce %lt3A_498 {dim = 0 : i64, kind = #tpu.reduction_kind<sum>} : vector<16xi1> -> vector<16xi32>
            %add3A_499 = vector.broadcast %add3A_470 : i32 to vector<16xi32>
            %add3A_500 = arith.addi %add3A_499, %iota3A : vector<16xi32>
            %masked_sort3A = arith.constant -2147483648 : i32
            %masked_sort3A_501 = vector.broadcast %masked_sort3A : i32 to vector<16xi32>
            %masked_sort3A_502 = arith.xori %add3A_500, %masked_sort3A_501 : vector<16xi32>
            %masked_sort3A_503, %masked_sort3A_504, %masked_sort3A_505 = tpu.sort %masked_sort3A_502, %add3A_500 masked %lt3A_498 : (vector<16xi32>, vector<16xi32>, vector<16xi1>) -> (vector<16xi1>, vector<16xi32>, vector<16xi32>)
            %masked_sort3A_506 = arith.xori %masked_sort3A_504, %masked_sort3A_501 : vector<16xi32>
            %add3A_507 = arith.addi %get3A_468, %iota3A : vector<16xi32>
            %lt3A_508 = arith.cmpi slt, %iota3A, %all_reduce_population_count3A : vector<16xi32>
            %lt3A_509 = arith.constant 16 : i32
            %lt3A_510 = vector.broadcast %lt3A_509 : i32 to vector<16xi32>
            %lt3A_511 = arith.cmpi slt, %add3A_507, %lt3A_510 : vector<16xi32>
            %and3A_512 = arith.andi %lt3A_508, %lt3A_511 : vector<16xi1>
            tpu.vector_store_idx %arg13[%add3A_507], %masked_sort3A_506 masked %and3A_512 : memref<16xi32, #tpu.memory_space<vmem>>[vector<16xi32>], vector<16xi32>, vector<16xi1>
            %add3A_513 = arith.addi %get3A_468, %all_reduce_population_count3A : vector<16xi32>
            %min3A = arith.constant 16 : i32
            %min3A_514 = vector.broadcast %min3A : i32 to vector<16xi32>
            %min3A_515 = arith.minsi %add3A_513, %min3A_514 : vector<16xi32>
            %add3A_516 = arith.constant 16 : i32
            %add3A_517 = arith.addi %multiple_of3A, %add3A_516 : i32
            %get3A_518 = arith.index_cast %add3A_517 : i32 to index
            %get3A_519 = tpu.vector_load %arg8[%get3A_518] {strides = array<i32>} : memref<16384xf32, #tpu.memory_space<vmem>>, vector<16xf32>,
            %bitcast3A_520 = vector.bitcast %get3A_519 : vector<16xf32> to vector<16xi32>
            %and3A_521 = arith.constant -65536 : i32
            %and3A_522 = vector.broadcast %and3A_521 : i32 to vector<16xi32>
            %and3A_523 = arith.andi %bitcast3A_520, %and3A_522 : vector<16xi32>
            %bitcast3A_524 = vector.bitcast %and3A_523 : vector<16xi32> to vector<16xf32>
            %shift_left3A_525 = arith.constant 16 : i32
            %shift_left3A_526 = vector.broadcast %shift_left3A_525 : i32 to vector<16xi32>
            %shift_left3A_527 = arith.shli %bitcast3A_520, %shift_left3A_526 : vector<16xi32>
            %bitcast3A_528 = vector.bitcast %shift_left3A_527 : vector<16xi32> to vector<16xf32>
            %get3A_529 = arith.index_cast %add3A_517 : i32 to index
            %get3A_530 = tpu.vector_load %arg9[%get3A_529] {strides = array<i32>} : memref<16384xf32, #tpu.memory_space<vmem>>, vector<16xf32>,
            %mul3A_531 = arith.mulf %gather3A_126, %bitcast3A_524 : vector<16xf32>
            %mul3A_532 = arith.mulf %gather3A_145, %bitcast3A_528 : vector<16xf32>
            %add3A_533 = arith.addf %mul3A_531, %mul3A_532 : vector<16xf32>
            %mul3A_534 = arith.mulf %gather3A_164, %get3A_530 : vector<16xf32>
            %add3A_535 = arith.addf %add3A_533, %mul3A_534 : vector<16xf32>
            %get3A_536 = arith.index_cast %add3A_517 : i32 to index
            %get3A_537 = tpu.vector_load %arg7[%get3A_536] {strides = array<i32>} : memref<16384xf32, #tpu.memory_space<vmem>>, vector<16xf32>,
            %add3A_538 = arith.addf %gather3A_109, %get3A_537 : vector<16xf32>
            %mul3A_539 = arith.constant 2.000000e+00 : f32
            %mul3A_540 = vector.broadcast %mul3A_539 : f32 to vector<16xf32>
            %mul3A_541 = arith.mulf %mul3A_540, %add3A_535 : vector<16xf32>
            %sub3A_542 = arith.subf %add3A_538, %mul3A_541 : vector<16xf32>
            %lt3A_543 = arith.constant 6.400000e-01 : f32
            %lt3A_544 = vector.broadcast %lt3A_543 : f32 to vector<16xf32>
            %lt3A_545 = arith.cmpf olt, %sub3A_542, %lt3A_544 : vector<16xf32>
            %all_reduce_population_count3A_546 = tpu.all_reduce %lt3A_545 {dim = 0 : i64, kind = #tpu.reduction_kind<sum>} : vector<16xi1> -> vector<16xi32>
            %add3A_547 = vector.broadcast %add3A_517 : i32 to vector<16xi32>
            %add3A_548 = arith.addi %add3A_547, %iota3A : vector<16xi32>
            %masked_sort3A_549 = arith.constant -2147483648 : i32
            %masked_sort3A_550 = vector.broadcast %masked_sort3A_549 : i32 to vector<16xi32>
            %masked_sort3A_551 = arith.xori %add3A_548, %masked_sort3A_550 : vector<16xi32>
            %masked_sort3A_552, %masked_sort3A_553, %masked_sort3A_554 = tpu.sort %masked_sort3A_551, %add3A_548 masked %lt3A_545 : (vector<16xi32>, vector<16xi32>, vector<16xi1>) -> (vector<16xi1>, vector<16xi32>, vector<16xi32>)
            %masked_sort3A_555 = arith.xori %masked_sort3A_553, %masked_sort3A_550 : vector<16xi32>
            %add3A_556 = arith.addi %min3A_515, %iota3A : vector<16xi32>
            %lt3A_557 = arith.cmpi slt, %iota3A, %all_reduce_population_count3A_546 : vector<16xi32>
            %lt3A_558 = arith.constant 16 : i32
            %lt3A_559 = vector.broadcast %lt3A_558 : i32 to vector<16xi32>
            %lt3A_560 = arith.cmpi slt, %add3A_556, %lt3A_559 : vector<16xi32>
            %and3A_561 = arith.andi %lt3A_557, %lt3A_560 : vector<16xi1>
            tpu.vector_store_idx %arg13[%add3A_556], %masked_sort3A_555 masked %and3A_561 : memref<16xi32, #tpu.memory_space<vmem>>[vector<16xi32>], vector<16xi32>, vector<16xi1>
            %add3A_562 = arith.addi %min3A_515, %all_reduce_population_count3A_546 : vector<16xi32>
            %min3A_563 = arith.constant 16 : i32
            %min3A_564 = vector.broadcast %min3A_563 : i32 to vector<16xi32>
            %min3A_565 = arith.minsi %add3A_562, %min3A_564 : vector<16xi32>
            %add3A_566 = arith.constant 32 : i32
            %add3A_567 = arith.addi %multiple_of3A, %add3A_566 : i32
            %get3A_568 = arith.index_cast %add3A_567 : i32 to index
            %get3A_569 = tpu.vector_load %arg8[%get3A_568] {strides = array<i32>} : memref<16384xf32, #tpu.memory_space<vmem>>, vector<16xf32>,
            %bitcast3A_570 = vector.bitcast %get3A_569 : vector<16xf32> to vector<16xi32>
            %and3A_571 = arith.constant -65536 : i32
            %and3A_572 = vector.broadcast %and3A_571 : i32 to vector<16xi32>
            %and3A_573 = arith.andi %bitcast3A_570, %and3A_572 : vector<16xi32>
            %bitcast3A_574 = vector.bitcast %and3A_573 : vector<16xi32> to vector<16xf32>
            %shift_left3A_575 = arith.constant 16 : i32
            %shift_left3A_576 = vector.broadcast %shift_left3A_575 : i32 to vector<16xi32>
            %shift_left3A_577 = arith.shli %bitcast3A_570, %shift_left3A_576 : vector<16xi32>
            %bitcast3A_578 = vector.bitcast %shift_left3A_577 : vector<16xi32> to vector<16xf32>
            %get3A_579 = arith.index_cast %add3A_567 : i32 to index
            %get3A_580 = tpu.vector_load %arg9[%get3A_579] {strides = array<i32>} : memref<16384xf32, #tpu.memory_space<vmem>>, vector<16xf32>,
            %mul3A_581 = arith.mulf %gather3A_126, %bitcast3A_574 : vector<16xf32>
            %mul3A_582 = arith.mulf %gather3A_145, %bitcast3A_578 : vector<16xf32>
            %add3A_583 = arith.addf %mul3A_581, %mul3A_582 : vector<16xf32>
            %mul3A_584 = arith.mulf %gather3A_164, %get3A_580 : vector<16xf32>
            %add3A_585 = arith.addf %add3A_583, %mul3A_584 : vector<16xf32>
            %get3A_586 = arith.index_cast %add3A_567 : i32 to index
            %get3A_587 = tpu.vector_load %arg7[%get3A_586] {strides = array<i32>} : memref<16384xf32, #tpu.memory_space<vmem>>, vector<16xf32>,
            %add3A_588 = arith.addf %gather3A_109, %get3A_587 : vector<16xf32>
            %mul3A_589 = arith.constant 2.000000e+00 : f32
            %mul3A_590 = vector.broadcast %mul3A_589 : f32 to vector<16xf32>
            %mul3A_591 = arith.mulf %mul3A_590, %add3A_585 : vector<16xf32>
            %sub3A_592 = arith.subf %add3A_588, %mul3A_591 : vector<16xf32>
            %lt3A_593 = arith.constant 6.400000e-01 : f32
            %lt3A_594 = vector.broadcast %lt3A_593 : f32 to vector<16xf32>
            %lt3A_595 = arith.cmpf olt, %sub3A_592, %lt3A_594 : vector<16xf32>
            %all_reduce_population_count3A_596 = tpu.all_reduce %lt3A_595 {dim = 0 : i64, kind = #tpu.reduction_kind<sum>} : vector<16xi1> -> vector<16xi32>
            %add3A_597 = vector.broadcast %add3A_567 : i32 to vector<16xi32>
            %add3A_598 = arith.addi %add3A_597, %iota3A : vector<16xi32>
            %masked_sort3A_599 = arith.constant -2147483648 : i32
            %masked_sort3A_600 = vector.broadcast %masked_sort3A_599 : i32 to vector<16xi32>
            %masked_sort3A_601 = arith.xori %add3A_598, %masked_sort3A_600 : vector<16xi32>
            %masked_sort3A_602, %masked_sort3A_603, %masked_sort3A_604 = tpu.sort %masked_sort3A_601, %add3A_598 masked %lt3A_595 : (vector<16xi32>, vector<16xi32>, vector<16xi1>) -> (vector<16xi1>, vector<16xi32>, vector<16xi32>)
            %masked_sort3A_605 = arith.xori %masked_sort3A_603, %masked_sort3A_600 : vector<16xi32>
            %add3A_606 = arith.addi %min3A_565, %iota3A : vector<16xi32>
            %lt3A_607 = arith.cmpi slt, %iota3A, %all_reduce_population_count3A_596 : vector<16xi32>
            %lt3A_608 = arith.constant 16 : i32
            %lt3A_609 = vector.broadcast %lt3A_608 : i32 to vector<16xi32>
            %lt3A_610 = arith.cmpi slt, %add3A_606, %lt3A_609 : vector<16xi32>
            %and3A_611 = arith.andi %lt3A_607, %lt3A_610 : vector<16xi1>
            tpu.vector_store_idx %arg13[%add3A_606], %masked_sort3A_605 masked %and3A_611 : memref<16xi32, #tpu.memory_space<vmem>>[vector<16xi32>], vector<16xi32>, vector<16xi1>
            %add3A_612 = arith.addi %min3A_565, %all_reduce_population_count3A_596 : vector<16xi32>
            %min3A_613 = arith.constant 16 : i32
            %min3A_614 = vector.broadcast %min3A_613 : i32 to vector<16xi32>
            %min3A_615 = arith.minsi %add3A_612, %min3A_614 : vector<16xi32>
            %add3A_616 = arith.constant 48 : i32
            %add3A_617 = arith.addi %multiple_of3A, %add3A_616 : i32
            %get3A_618 = arith.index_cast %add3A_617 : i32 to index
            %get3A_619 = tpu.vector_load %arg8[%get3A_618] {strides = array<i32>} : memref<16384xf32, #tpu.memory_space<vmem>>, vector<16xf32>,
            %bitcast3A_620 = vector.bitcast %get3A_619 : vector<16xf32> to vector<16xi32>
            %and3A_621 = arith.constant -65536 : i32
            %and3A_622 = vector.broadcast %and3A_621 : i32 to vector<16xi32>
            %and3A_623 = arith.andi %bitcast3A_620, %and3A_622 : vector<16xi32>
            %bitcast3A_624 = vector.bitcast %and3A_623 : vector<16xi32> to vector<16xf32>
            %shift_left3A_625 = arith.constant 16 : i32
            %shift_left3A_626 = vector.broadcast %shift_left3A_625 : i32 to vector<16xi32>
            %shift_left3A_627 = arith.shli %bitcast3A_620, %shift_left3A_626 : vector<16xi32>
            %bitcast3A_628 = vector.bitcast %shift_left3A_627 : vector<16xi32> to vector<16xf32>
            %get3A_629 = arith.index_cast %add3A_617 : i32 to index
            %get3A_630 = tpu.vector_load %arg9[%get3A_629] {strides = array<i32>} : memref<16384xf32, #tpu.memory_space<vmem>>, vector<16xf32>,
            %mul3A_631 = arith.mulf %gather3A_126, %bitcast3A_624 : vector<16xf32>
            %mul3A_632 = arith.mulf %gather3A_145, %bitcast3A_628 : vector<16xf32>
            %add3A_633 = arith.addf %mul3A_631, %mul3A_632 : vector<16xf32>
            %mul3A_634 = arith.mulf %gather3A_164, %get3A_630 : vector<16xf32>
            %add3A_635 = arith.addf %add3A_633, %mul3A_634 : vector<16xf32>
            %get3A_636 = arith.index_cast %add3A_617 : i32 to index
            %get3A_637 = tpu.vector_load %arg7[%get3A_636] {strides = array<i32>} : memref<16384xf32, #tpu.memory_space<vmem>>, vector<16xf32>,
            %add3A_638 = arith.addf %gather3A_109, %get3A_637 : vector<16xf32>
            %mul3A_639 = arith.constant 2.000000e+00 : f32
            %mul3A_640 = vector.broadcast %mul3A_639 : f32 to vector<16xf32>
            %mul3A_641 = arith.mulf %mul3A_640, %add3A_635 : vector<16xf32>
            %sub3A_642 = arith.subf %add3A_638, %mul3A_641 : vector<16xf32>
            %lt3A_643 = arith.constant 6.400000e-01 : f32
            %lt3A_644 = vector.broadcast %lt3A_643 : f32 to vector<16xf32>
            %lt3A_645 = arith.cmpf olt, %sub3A_642, %lt3A_644 : vector<16xf32>
            %all_reduce_population_count3A_646 = tpu.all_reduce %lt3A_645 {dim = 0 : i64, kind = #tpu.reduction_kind<sum>} : vector<16xi1> -> vector<16xi32>
            %add3A_647 = vector.broadcast %add3A_617 : i32 to vector<16xi32>
            %add3A_648 = arith.addi %add3A_647, %iota3A : vector<16xi32>
            %masked_sort3A_649 = arith.constant -2147483648 : i32
            %masked_sort3A_650 = vector.broadcast %masked_sort3A_649 : i32 to vector<16xi32>
            %masked_sort3A_651 = arith.xori %add3A_648, %masked_sort3A_650 : vector<16xi32>
            %masked_sort3A_652, %masked_sort3A_653, %masked_sort3A_654 = tpu.sort %masked_sort3A_651, %add3A_648 masked %lt3A_645 : (vector<16xi32>, vector<16xi32>, vector<16xi1>) -> (vector<16xi1>, vector<16xi32>, vector<16xi32>)
            %masked_sort3A_655 = arith.xori %masked_sort3A_653, %masked_sort3A_650 : vector<16xi32>
            %add3A_656 = arith.addi %min3A_615, %iota3A : vector<16xi32>
            %lt3A_657 = arith.cmpi slt, %iota3A, %all_reduce_population_count3A_646 : vector<16xi32>
            %lt3A_658 = arith.constant 16 : i32
            %lt3A_659 = vector.broadcast %lt3A_658 : i32 to vector<16xi32>
            %lt3A_660 = arith.cmpi slt, %add3A_656, %lt3A_659 : vector<16xi32>
            %and3A_661 = arith.andi %lt3A_657, %lt3A_660 : vector<16xi1>
            tpu.vector_store_idx %arg13[%add3A_656], %masked_sort3A_655 masked %and3A_661 : memref<16xi32, #tpu.memory_space<vmem>>[vector<16xi32>], vector<16xi32>, vector<16xi1>
            %add3A_662 = arith.addi %min3A_615, %all_reduce_population_count3A_646 : vector<16xi32>
            %min3A_663 = arith.constant 16 : i32
            %min3A_664 = vector.broadcast %min3A_663 : i32 to vector<16xi32>
            %min3A_665 = arith.minsi %add3A_662, %min3A_664 : vector<16xi32>
            %add3A_666 = arith.constant 64 : i32
            %add3A_667 = arith.addi %multiple_of3A, %add3A_666 : i32
            %get3A_668 = arith.index_cast %add3A_667 : i32 to index
            %get3A_669 = tpu.vector_load %arg8[%get3A_668] {strides = array<i32>} : memref<16384xf32, #tpu.memory_space<vmem>>, vector<16xf32>,
            %bitcast3A_670 = vector.bitcast %get3A_669 : vector<16xf32> to vector<16xi32>
            %and3A_671 = arith.constant -65536 : i32
            %and3A_672 = vector.broadcast %and3A_671 : i32 to vector<16xi32>
            %and3A_673 = arith.andi %bitcast3A_670, %and3A_672 : vector<16xi32>
            %bitcast3A_674 = vector.bitcast %and3A_673 : vector<16xi32> to vector<16xf32>
            %shift_left3A_675 = arith.constant 16 : i32
            %shift_left3A_676 = vector.broadcast %shift_left3A_675 : i32 to vector<16xi32>
            %shift_left3A_677 = arith.shli %bitcast3A_670, %shift_left3A_676 : vector<16xi32>
            %bitcast3A_678 = vector.bitcast %shift_left3A_677 : vector<16xi32> to vector<16xf32>
            %get3A_679 = arith.index_cast %add3A_667 : i32 to index
            %get3A_680 = tpu.vector_load %arg9[%get3A_679] {strides = array<i32>} : memref<16384xf32, #tpu.memory_space<vmem>>, vector<16xf32>,
            %mul3A_681 = arith.mulf %gather3A_126, %bitcast3A_674 : vector<16xf32>
            %mul3A_682 = arith.mulf %gather3A_145, %bitcast3A_678 : vector<16xf32>
            %add3A_683 = arith.addf %mul3A_681, %mul3A_682 : vector<16xf32>
            %mul3A_684 = arith.mulf %gather3A_164, %get3A_680 : vector<16xf32>
            %add3A_685 = arith.addf %add3A_683, %mul3A_684 : vector<16xf32>
            %get3A_686 = arith.index_cast %add3A_667 : i32 to index
            %get3A_687 = tpu.vector_load %arg7[%get3A_686] {strides = array<i32>} : memref<16384xf32, #tpu.memory_space<vmem>>, vector<16xf32>,
            %add3A_688 = arith.addf %gather3A_109, %get3A_687 : vector<16xf32>
            %mul3A_689 = arith.constant 2.000000e+00 : f32
            %mul3A_690 = vector.broadcast %mul3A_689 : f32 to vector<16xf32>
            %mul3A_691 = arith.mulf %mul3A_690, %add3A_685 : vector<16xf32>
            %sub3A_692 = arith.subf %add3A_688, %mul3A_691 : vector<16xf32>
            %lt3A_693 = arith.constant 6.400000e-01 : f32
            %lt3A_694 = vector.broadcast %lt3A_693 : f32 to vector<16xf32>
            %lt3A_695 = arith.cmpf olt, %sub3A_692, %lt3A_694 : vector<16xf32>
            %all_reduce_population_count3A_696 = tpu.all_reduce %lt3A_695 {dim = 0 : i64, kind = #tpu.reduction_kind<sum>} : vector<16xi1> -> vector<16xi32>
            %add3A_697 = vector.broadcast %add3A_667 : i32 to vector<16xi32>
            %add3A_698 = arith.addi %add3A_697, %iota3A : vector<16xi32>
            %masked_sort3A_699 = arith.constant -2147483648 : i32
            %masked_sort3A_700 = vector.broadcast %masked_sort3A_699 : i32 to vector<16xi32>
            %masked_sort3A_701 = arith.xori %add3A_698, %masked_sort3A_700 : vector<16xi32>
            %masked_sort3A_702, %masked_sort3A_703, %masked_sort3A_704 = tpu.sort %masked_sort3A_701, %add3A_698 masked %lt3A_695 : (vector<16xi32>, vector<16xi32>, vector<16xi1>) -> (vector<16xi1>, vector<16xi32>, vector<16xi32>)
            %masked_sort3A_705 = arith.xori %masked_sort3A_703, %masked_sort3A_700 : vector<16xi32>
            %add3A_706 = arith.addi %min3A_665, %iota3A : vector<16xi32>
            %lt3A_707 = arith.cmpi slt, %iota3A, %all_reduce_population_count3A_696 : vector<16xi32>
            %lt3A_708 = arith.constant 16 : i32
            %lt3A_709 = vector.broadcast %lt3A_708 : i32 to vector<16xi32>
            %lt3A_710 = arith.cmpi slt, %add3A_706, %lt3A_709 : vector<16xi32>
            %and3A_711 = arith.andi %lt3A_707, %lt3A_710 : vector<16xi1>
            tpu.vector_store_idx %arg13[%add3A_706], %masked_sort3A_705 masked %and3A_711 : memref<16xi32, #tpu.memory_space<vmem>>[vector<16xi32>], vector<16xi32>, vector<16xi1>
            %add3A_712 = arith.addi %min3A_665, %all_reduce_population_count3A_696 : vector<16xi32>
            %min3A_713 = arith.constant 16 : i32
            %min3A_714 = vector.broadcast %min3A_713 : i32 to vector<16xi32>
            %min3A_715 = arith.minsi %add3A_712, %min3A_714 : vector<16xi32>
            %add3A_716 = arith.constant 80 : i32
            %add3A_717 = arith.addi %multiple_of3A, %add3A_716 : i32
            %get3A_718 = arith.index_cast %add3A_717 : i32 to index
            %get3A_719 = tpu.vector_load %arg8[%get3A_718] {strides = array<i32>} : memref<16384xf32, #tpu.memory_space<vmem>>, vector<16xf32>,
            %bitcast3A_720 = vector.bitcast %get3A_719 : vector<16xf32> to vector<16xi32>
            %and3A_721 = arith.constant -65536 : i32
            %and3A_722 = vector.broadcast %and3A_721 : i32 to vector<16xi32>
            %and3A_723 = arith.andi %bitcast3A_720, %and3A_722 : vector<16xi32>
            %bitcast3A_724 = vector.bitcast %and3A_723 : vector<16xi32> to vector<16xf32>
            %shift_left3A_725 = arith.constant 16 : i32
            %shift_left3A_726 = vector.broadcast %shift_left3A_725 : i32 to vector<16xi32>
            %shift_left3A_727 = arith.shli %bitcast3A_720, %shift_left3A_726 : vector<16xi32>
            %bitcast3A_728 = vector.bitcast %shift_left3A_727 : vector<16xi32> to vector<16xf32>
            %get3A_729 = arith.index_cast %add3A_717 : i32 to index
            %get3A_730 = tpu.vector_load %arg9[%get3A_729] {strides = array<i32>} : memref<16384xf32, #tpu.memory_space<vmem>>, vector<16xf32>,
            %mul3A_731 = arith.mulf %gather3A_126, %bitcast3A_724 : vector<16xf32>
            %mul3A_732 = arith.mulf %gather3A_145, %bitcast3A_728 : vector<16xf32>
            %add3A_733 = arith.addf %mul3A_731, %mul3A_732 : vector<16xf32>
            %mul3A_734 = arith.mulf %gather3A_164, %get3A_730 : vector<16xf32>
            %add3A_735 = arith.addf %add3A_733, %mul3A_734 : vector<16xf32>
            %get3A_736 = arith.index_cast %add3A_717 : i32 to index
            %get3A_737 = tpu.vector_load %arg7[%get3A_736] {strides = array<i32>} : memref<16384xf32, #tpu.memory_space<vmem>>, vector<16xf32>,
            %add3A_738 = arith.addf %gather3A_109, %get3A_737 : vector<16xf32>
            %mul3A_739 = arith.constant 2.000000e+00 : f32
            %mul3A_740 = vector.broadcast %mul3A_739 : f32 to vector<16xf32>
            %mul3A_741 = arith.mulf %mul3A_740, %add3A_735 : vector<16xf32>
            %sub3A_742 = arith.subf %add3A_738, %mul3A_741 : vector<16xf32>
            %lt3A_743 = arith.constant 6.400000e-01 : f32
            %lt3A_744 = vector.broadcast %lt3A_743 : f32 to vector<16xf32>
            %lt3A_745 = arith.cmpf olt, %sub3A_742, %lt3A_744 : vector<16xf32>
            %all_reduce_population_count3A_746 = tpu.all_reduce %lt3A_745 {dim = 0 : i64, kind = #tpu.reduction_kind<sum>} : vector<16xi1> -> vector<16xi32>
            %add3A_747 = vector.broadcast %add3A_717 : i32 to vector<16xi32>
            %add3A_748 = arith.addi %add3A_747, %iota3A : vector<16xi32>
            %masked_sort3A_749 = arith.constant -2147483648 : i32
            %masked_sort3A_750 = vector.broadcast %masked_sort3A_749 : i32 to vector<16xi32>
            %masked_sort3A_751 = arith.xori %add3A_748, %masked_sort3A_750 : vector<16xi32>
            %masked_sort3A_752, %masked_sort3A_753, %masked_sort3A_754 = tpu.sort %masked_sort3A_751, %add3A_748 masked %lt3A_745 : (vector<16xi32>, vector<16xi32>, vector<16xi1>) -> (vector<16xi1>, vector<16xi32>, vector<16xi32>)
            %masked_sort3A_755 = arith.xori %masked_sort3A_753, %masked_sort3A_750 : vector<16xi32>
            %add3A_756 = arith.addi %min3A_715, %iota3A : vector<16xi32>
            %lt3A_757 = arith.cmpi slt, %iota3A, %all_reduce_population_count3A_746 : vector<16xi32>
            %lt3A_758 = arith.constant 16 : i32
            %lt3A_759 = vector.broadcast %lt3A_758 : i32 to vector<16xi32>
            %lt3A_760 = arith.cmpi slt, %add3A_756, %lt3A_759 : vector<16xi32>
            %and3A_761 = arith.andi %lt3A_757, %lt3A_760 : vector<16xi1>
            tpu.vector_store_idx %arg13[%add3A_756], %masked_sort3A_755 masked %and3A_761 : memref<16xi32, #tpu.memory_space<vmem>>[vector<16xi32>], vector<16xi32>, vector<16xi1>
            %add3A_762 = arith.addi %min3A_715, %all_reduce_population_count3A_746 : vector<16xi32>
            %min3A_763 = arith.constant 16 : i32
            %min3A_764 = vector.broadcast %min3A_763 : i32 to vector<16xi32>
            %min3A_765 = arith.minsi %add3A_762, %min3A_764 : vector<16xi32>
            %add3A_766 = arith.constant 96 : i32
            %add3A_767 = arith.addi %multiple_of3A, %add3A_766 : i32
            %get3A_768 = arith.index_cast %add3A_767 : i32 to index
            %get3A_769 = tpu.vector_load %arg8[%get3A_768] {strides = array<i32>} : memref<16384xf32, #tpu.memory_space<vmem>>, vector<16xf32>,
            %bitcast3A_770 = vector.bitcast %get3A_769 : vector<16xf32> to vector<16xi32>
            %and3A_771 = arith.constant -65536 : i32
            %and3A_772 = vector.broadcast %and3A_771 : i32 to vector<16xi32>
            %and3A_773 = arith.andi %bitcast3A_770, %and3A_772 : vector<16xi32>
            %bitcast3A_774 = vector.bitcast %and3A_773 : vector<16xi32> to vector<16xf32>
            %shift_left3A_775 = arith.constant 16 : i32
            %shift_left3A_776 = vector.broadcast %shift_left3A_775 : i32 to vector<16xi32>
            %shift_left3A_777 = arith.shli %bitcast3A_770, %shift_left3A_776 : vector<16xi32>
            %bitcast3A_778 = vector.bitcast %shift_left3A_777 : vector<16xi32> to vector<16xf32>
            %get3A_779 = arith.index_cast %add3A_767 : i32 to index
            %get3A_780 = tpu.vector_load %arg9[%get3A_779] {strides = array<i32>} : memref<16384xf32, #tpu.memory_space<vmem>>, vector<16xf32>,
            %mul3A_781 = arith.mulf %gather3A_126, %bitcast3A_774 : vector<16xf32>
            %mul3A_782 = arith.mulf %gather3A_145, %bitcast3A_778 : vector<16xf32>
            %add3A_783 = arith.addf %mul3A_781, %mul3A_782 : vector<16xf32>
            %mul3A_784 = arith.mulf %gather3A_164, %get3A_780 : vector<16xf32>
            %add3A_785 = arith.addf %add3A_783, %mul3A_784 : vector<16xf32>
            %get3A_786 = arith.index_cast %add3A_767 : i32 to index
            %get3A_787 = tpu.vector_load %arg7[%get3A_786] {strides = array<i32>} : memref<16384xf32, #tpu.memory_space<vmem>>, vector<16xf32>,
            %add3A_788 = arith.addf %gather3A_109, %get3A_787 : vector<16xf32>
            %mul3A_789 = arith.constant 2.000000e+00 : f32
            %mul3A_790 = vector.broadcast %mul3A_789 : f32 to vector<16xf32>
            %mul3A_791 = arith.mulf %mul3A_790, %add3A_785 : vector<16xf32>
            %sub3A_792 = arith.subf %add3A_788, %mul3A_791 : vector<16xf32>
            %lt3A_793 = arith.constant 6.400000e-01 : f32
            %lt3A_794 = vector.broadcast %lt3A_793 : f32 to vector<16xf32>
            %lt3A_795 = arith.cmpf olt, %sub3A_792, %lt3A_794 : vector<16xf32>
            %all_reduce_population_count3A_796 = tpu.all_reduce %lt3A_795 {dim = 0 : i64, kind = #tpu.reduction_kind<sum>} : vector<16xi1> -> vector<16xi32>
            %add3A_797 = vector.broadcast %add3A_767 : i32 to vector<16xi32>
            %add3A_798 = arith.addi %add3A_797, %iota3A : vector<16xi32>
            %masked_sort3A_799 = arith.constant -2147483648 : i32
            %masked_sort3A_800 = vector.broadcast %masked_sort3A_799 : i32 to vector<16xi32>
            %masked_sort3A_801 = arith.xori %add3A_798, %masked_sort3A_800 : vector<16xi32>
            %masked_sort3A_802, %masked_sort3A_803, %masked_sort3A_804 = tpu.sort %masked_sort3A_801, %add3A_798 masked %lt3A_795 : (vector<16xi32>, vector<16xi32>, vector<16xi1>) -> (vector<16xi1>, vector<16xi32>, vector<16xi32>)
            %masked_sort3A_805 = arith.xori %masked_sort3A_803, %masked_sort3A_800 : vector<16xi32>
            %add3A_806 = arith.addi %min3A_765, %iota3A : vector<16xi32>
            %lt3A_807 = arith.cmpi slt, %iota3A, %all_reduce_population_count3A_796 : vector<16xi32>
            %lt3A_808 = arith.constant 16 : i32
            %lt3A_809 = vector.broadcast %lt3A_808 : i32 to vector<16xi32>
            %lt3A_810 = arith.cmpi slt, %add3A_806, %lt3A_809 : vector<16xi32>
            %and3A_811 = arith.andi %lt3A_807, %lt3A_810 : vector<16xi1>
            tpu.vector_store_idx %arg13[%add3A_806], %masked_sort3A_805 masked %and3A_811 : memref<16xi32, #tpu.memory_space<vmem>>[vector<16xi32>], vector<16xi32>, vector<16xi1>
            %add3A_812 = arith.addi %min3A_765, %all_reduce_population_count3A_796 : vector<16xi32>
            %min3A_813 = arith.constant 16 : i32
            %min3A_814 = vector.broadcast %min3A_813 : i32 to vector<16xi32>
            %min3A_815 = arith.minsi %add3A_812, %min3A_814 : vector<16xi32>
            %add3A_816 = arith.constant 112 : i32
            %add3A_817 = arith.addi %multiple_of3A, %add3A_816 : i32
            %get3A_818 = arith.index_cast %add3A_817 : i32 to index
            %get3A_819 = tpu.vector_load %arg8[%get3A_818] {strides = array<i32>} : memref<16384xf32, #tpu.memory_space<vmem>>, vector<16xf32>,
            %bitcast3A_820 = vector.bitcast %get3A_819 : vector<16xf32> to vector<16xi32>
            %and3A_821 = arith.constant -65536 : i32
            %and3A_822 = vector.broadcast %and3A_821 : i32 to vector<16xi32>
            %and3A_823 = arith.andi %bitcast3A_820, %and3A_822 : vector<16xi32>
            %bitcast3A_824 = vector.bitcast %and3A_823 : vector<16xi32> to vector<16xf32>
            %shift_left3A_825 = arith.constant 16 : i32
            %shift_left3A_826 = vector.broadcast %shift_left3A_825 : i32 to vector<16xi32>
            %shift_left3A_827 = arith.shli %bitcast3A_820, %shift_left3A_826 : vector<16xi32>
            %bitcast3A_828 = vector.bitcast %shift_left3A_827 : vector<16xi32> to vector<16xf32>
            %get3A_829 = arith.index_cast %add3A_817 : i32 to index
            %get3A_830 = tpu.vector_load %arg9[%get3A_829] {strides = array<i32>} : memref<16384xf32, #tpu.memory_space<vmem>>, vector<16xf32>,
            %mul3A_831 = arith.mulf %gather3A_126, %bitcast3A_824 : vector<16xf32>
            %mul3A_832 = arith.mulf %gather3A_145, %bitcast3A_828 : vector<16xf32>
            %add3A_833 = arith.addf %mul3A_831, %mul3A_832 : vector<16xf32>
            %mul3A_834 = arith.mulf %gather3A_164, %get3A_830 : vector<16xf32>
            %add3A_835 = arith.addf %add3A_833, %mul3A_834 : vector<16xf32>
            %get3A_836 = arith.index_cast %add3A_817 : i32 to index
            %get3A_837 = tpu.vector_load %arg7[%get3A_836] {strides = array<i32>} : memref<16384xf32, #tpu.memory_space<vmem>>, vector<16xf32>,
            %add3A_838 = arith.addf %gather3A_109, %get3A_837 : vector<16xf32>
            %mul3A_839 = arith.constant 2.000000e+00 : f32
            %mul3A_840 = vector.broadcast %mul3A_839 : f32 to vector<16xf32>
            %mul3A_841 = arith.mulf %mul3A_840, %add3A_835 : vector<16xf32>
            %sub3A_842 = arith.subf %add3A_838, %mul3A_841 : vector<16xf32>
            %lt3A_843 = arith.constant 6.400000e-01 : f32
            %lt3A_844 = vector.broadcast %lt3A_843 : f32 to vector<16xf32>
            %lt3A_845 = arith.cmpf olt, %sub3A_842, %lt3A_844 : vector<16xf32>
            %all_reduce_population_count3A_846 = tpu.all_reduce %lt3A_845 {dim = 0 : i64, kind = #tpu.reduction_kind<sum>} : vector<16xi1> -> vector<16xi32>
            %add3A_847 = vector.broadcast %add3A_817 : i32 to vector<16xi32>
            %add3A_848 = arith.addi %add3A_847, %iota3A : vector<16xi32>
            %masked_sort3A_849 = arith.constant -2147483648 : i32
            %masked_sort3A_850 = vector.broadcast %masked_sort3A_849 : i32 to vector<16xi32>
            %masked_sort3A_851 = arith.xori %add3A_848, %masked_sort3A_850 : vector<16xi32>
            %masked_sort3A_852, %masked_sort3A_853, %masked_sort3A_854 = tpu.sort %masked_sort3A_851, %add3A_848 masked %lt3A_845 : (vector<16xi32>, vector<16xi32>, vector<16xi1>) -> (vector<16xi1>, vector<16xi32>, vector<16xi32>)
            %masked_sort3A_855 = arith.xori %masked_sort3A_853, %masked_sort3A_850 : vector<16xi32>
            %add3A_856 = arith.addi %min3A_815, %iota3A : vector<16xi32>
            %lt3A_857 = arith.cmpi slt, %iota3A, %all_reduce_population_count3A_846 : vector<16xi32>
            %lt3A_858 = arith.constant 16 : i32
            %lt3A_859 = vector.broadcast %lt3A_858 : i32 to vector<16xi32>
            %lt3A_860 = arith.cmpi slt, %add3A_856, %lt3A_859 : vector<16xi32>
            %and3A_861 = arith.andi %lt3A_857, %lt3A_860 : vector<16xi1>
            tpu.vector_store_idx %arg13[%add3A_856], %masked_sort3A_855 masked %and3A_861 : memref<16xi32, #tpu.memory_space<vmem>>[vector<16xi32>], vector<16xi32>, vector<16xi1>
            %add3A_862 = arith.addi %min3A_815, %all_reduce_population_count3A_846 : vector<16xi32>
            %min3A_863 = arith.constant 16 : i32
            %min3A_864 = vector.broadcast %min3A_863 : i32 to vector<16xi32>
            %min3A_865 = arith.minsi %add3A_862, %min3A_864 : vector<16xi32>
            %swap3A_866 = arith.constant 0 : index
            %swap3A_867 = tpu.vector_load %arg14[%swap3A_866] {strides = array<i32>} : memref<16xi32, #tpu.memory_space<vmem>>, vector<16xi32>,
            tpu.vector_store %arg14[%swap3A_866], %min3A_865 {strides = array<i32>} : memref<16xi32, #tpu.memory_space<vmem>>, vector<16xi32>,
            %reduce_max3A = arith.constant true
            %reduce_max3A_868 = vector.broadcast %reduce_max3A : i1 to vector<16xi1>
            %reduce_max3A_869 = arith.constant -2147483648 : i32
            %reduce_max3A_870 = vector.broadcast %reduce_max3A_869 : i32 to vector<16xi32>
            %reduce_max3A_871 = arith.xori %min3A_865, %reduce_max3A_870 : vector<16xi32>
            %reduce_max3A_872 = tpu.scan <max>, %reduce_max3A_871 masked %reduce_max3A_868 : vector<16xi32>, vector<16xi1> -> vector<16xi32>
            %reduce_max3A_873 = arith.xori %reduce_max3A_872, %reduce_max3A_870 : vector<16xi32>
            %reduce_max3A_874 = vector.extract %reduce_max3A_873[15] : i32 from vector<16xi32>
            %swap3A_875 = arith.constant 0 : i32
            %swap3A_876 = arith.index_cast %swap3A_875 : i32 to index
            %swap3A_877 = memref.load %arg18[%swap3A_876] : memref<1xi32, #tpu.memory_space<smem>>
            memref.store %reduce_max3A_874, %arg18[%swap3A_876] : memref<1xi32, #tpu.memory_space<smem>>
          } else {
          }
          %add3A_462 = arith.constant 1 : i32
          %add3A_463 = arith.addi %while3A_204, %add3A_462 : i32
          %get3A_464 = arith.constant 0 : i32
          %get3A_465 = arith.index_cast %get3A_464 : i32 to index
          %get3A_466 = memref.load %arg18[%get3A_465] : memref<1xi32, #tpu.memory_space<smem>>
          scf.yield %add3A_463, %get3A_466 : i32, i32
        }
        %get3A_172 = arith.constant 0 : index
        %get3A_173 = tpu.vector_load %arg14[%get3A_172] {strides = array<i32>} : memref<16xi32, #tpu.memory_space<vmem>>, vector<16xi32>,
        %get3A_174 = arith.constant 0 : index
        %get3A_175 = tpu.vector_load %arg13[%get3A_174] {strides = array<i32>} : memref<16xi32, #tpu.memory_space<vmem>>, vector<16xi32>,
        %jit3A_176 = arith.constant -1 : i32
        %broadcast_in_dim3A_177 = vector.broadcast %jit3A_176 : i32 to vector<16xi32>
        %select_n3A_178 = arith.select %eq3A_34, %get3A_175, %broadcast_in_dim3A_177 : vector<16xi1>, vector<16xi32>
        %broadcast_in_dim3A_179 = arith.constant true
        %broadcast_in_dim3A_180 = vector.broadcast %broadcast_in_dim3A_179 : i1 to vector<16xi1>
        %masked_cummax3A = arith.constant -2147483648 : i32
        %masked_cummax3A_181 = vector.broadcast %masked_cummax3A : i32 to vector<16xi32>
        %masked_cummax3A_182 = arith.xori %select_n3A_178, %masked_cummax3A_181 : vector<16xi32>
        %masked_cummax3A_183 = tpu.scan <max>, %masked_cummax3A_182 masked %broadcast_in_dim3A_180 : vector<16xi32>, vector<16xi1> -> vector<16xi32>
        %masked_cummax3A_184 = arith.xori %masked_cummax3A_183, %masked_cummax3A_181 : vector<16xi32>
        %lt3A = arith.cmpi slt, %iota3A, %get3A_173 : vector<16xi32>
        %gt3A = arith.constant 0 : i32
        %gt3A_185 = vector.broadcast %gt3A : i32 to vector<16xi32>
        %gt3A_186 = arith.cmpi sgt, %get3A_173, %gt3A_185 : vector<16xi32>
        %select_n3A_187 = arith.select %lt3A, %get3A_175, %masked_cummax3A_184 : vector<16xi1>, vector<16xi32>
        %jit3A_188 = arith.constant 0 : i32
        %broadcast_in_dim3A_189 = vector.broadcast %jit3A_188 : i32 to vector<16xi32>
        %select_n3A_190 = arith.select %gt3A_186, %select_n3A_187, %broadcast_in_dim3A_189 : vector<16xi1>, vector<16xi32>
        %add3A_191 = arith.constant 48 : i32
        %add3A_192 = arith.addi %add3A_191, %scan3A_86 : i32
        %swap3A_193 = arith.index_cast %add3A_192 : i32 to index
        %swap3A_194 = arith.constant 0 : index
        %swap3A_195 = tpu.vector_load %arg15[%swap3A_193, %swap3A_194] {strides = array<i32>} : memref<64x16xi32, #tpu.memory_space<vmem>>, vector<16xi32>,
        tpu.vector_store %arg15[%swap3A_193, %swap3A_194], %select_n3A_190 {strides = array<i32>} : memref<64x16xi32, #tpu.memory_space<vmem>>, vector<16xi32>,
        %jit3A_196 = arith.constant 16384 : i32
        %broadcast_in_dim3A_197 = vector.broadcast %jit3A_196 : i32 to vector<16xi32>
        %select_n3A_198 = arith.select %gt3A_186, %select_n3A_190, %broadcast_in_dim3A_197 : vector<16xi1>, vector<16xi32>
        %swap3A_199 = arith.index_cast %add3A_192 : i32 to index
        %swap3A_200 = arith.constant 0 : index
        %swap3A_201 = tpu.vector_load %arg16[%swap3A_199, %swap3A_200] {strides = array<i32>} : memref<64x16xi32, #tpu.memory_space<vmem>>, vector<16xi32>,
        tpu.vector_store %arg16[%swap3A_199, %swap3A_200], %select_n3A_198 {strides = array<i32>} : memref<64x16xi32, #tpu.memory_space<vmem>>, vector<16xi32>,
        %broadcast_in_dim3A_202 = vector.broadcast %add3A_92 : i32 to vector<16xi32>
        tpu.vector_store_idx %arg17[%broadcast_in_dim3A_202], %get3A_173 masked %eq3A_34 : memref<512xi32, #tpu.memory_space<vmem>>[vector<16xi32>], vector<16xi32>, vector<16xi1>
        %scan3A_203 = arith.constant 0 : i32
        scf.yield %scan3A_203 : i32
      }
      %scan3A_78 = arith.constant 16 : i32
      %mul3A_79 = arith.constant 64 : i32
      %mul3A_80 = arith.muli %scan3A_49, %mul3A_79 : i32
      %add3A_81 = arith.addi %mul3A_2, %mul3A_80 : i32
      "tpu.region"() ({
        %run_scoped3A = tpu.sem_alloc : memref<!tpu.dma_semaphore, #tpu.memory_space<semaphore_mem>>
        %dma_start3A = arith.constant 0 : i32
        %dma_start3A_86 = tpu.memref_slice %arg4[%add3A_81, %dma_start3A] : memref<16384x16xi32, #tpu.memory_space<hbm>> -> memref<64x16xi32, #tpu.memory_space<hbm>>
        %dma_start3A_87 = arith.constant 0 : i32
        %dma_start3A_88 = tpu.memref_slice %arg4[%add3A_81, %dma_start3A_87] : memref<16384x16xi32, #tpu.memory_space<hbm>> -> memref<64x16xi32, #tpu.memory_space<hbm>>
        tpu.enqueue_dma source(%arg15 : memref<64x16xi32, #tpu.memory_space<vmem>>) target(%dma_start3A_88 : memref<64x16xi32, #tpu.memory_space<hbm>>) target_semaphore(%run_scoped3A : memref<!tpu.dma_semaphore, #tpu.memory_space<semaphore_mem>>)
        %dma_wait3A = arith.constant 0 : i32
        %dma_wait3A_89 = tpu.memref_slice %arg4[%add3A_81, %dma_wait3A] : memref<16384x16xi32, #tpu.memory_space<hbm>> -> memref<64x16xi32, #tpu.memory_space<hbm>>
        %dma_wait3A_90 = arith.constant 0 : i32
        %dma_wait3A_91 = tpu.memref_slice %arg4[%add3A_81, %dma_wait3A_90] : memref<16384x16xi32, #tpu.memory_space<hbm>> -> memref<64x16xi32, #tpu.memory_space<hbm>>
        tpu.wait_dma2 semaphore(%run_scoped3A : memref<!tpu.dma_semaphore, #tpu.memory_space<semaphore_mem>>) src(%arg15 : memref<64x16xi32, #tpu.memory_space<vmem>>) dst(%dma_wait3A_91 : memref<64x16xi32, #tpu.memory_space<hbm>>)
        tpu.yield
      }) : () -> ()
      %mul3A_82 = arith.constant 64 : i32
      %mul3A_83 = arith.muli %scan3A_49, %mul3A_82 : i32
      %add3A_84 = arith.addi %mul3A_2, %mul3A_83 : i32
      "tpu.region"() ({
        %run_scoped3A = tpu.sem_alloc : memref<!tpu.dma_semaphore, #tpu.memory_space<semaphore_mem>>
        %dma_start3A = arith.constant 0 : i32
        %dma_start3A_86 = tpu.memref_slice %arg5[%add3A_84, %dma_start3A] : memref<16384x16xi32, #tpu.memory_space<hbm>> -> memref<64x16xi32, #tpu.memory_space<hbm>>
        %dma_start3A_87 = arith.constant 0 : i32
        %dma_start3A_88 = tpu.memref_slice %arg5[%add3A_84, %dma_start3A_87] : memref<16384x16xi32, #tpu.memory_space<hbm>> -> memref<64x16xi32, #tpu.memory_space<hbm>>
        tpu.enqueue_dma source(%arg16 : memref<64x16xi32, #tpu.memory_space<vmem>>) target(%dma_start3A_88 : memref<64x16xi32, #tpu.memory_space<hbm>>) target_semaphore(%run_scoped3A : memref<!tpu.dma_semaphore, #tpu.memory_space<semaphore_mem>>)
        %dma_wait3A = arith.constant 0 : i32
        %dma_wait3A_89 = tpu.memref_slice %arg5[%add3A_84, %dma_wait3A] : memref<16384x16xi32, #tpu.memory_space<hbm>> -> memref<64x16xi32, #tpu.memory_space<hbm>>
        %dma_wait3A_90 = arith.constant 0 : i32
        %dma_wait3A_91 = tpu.memref_slice %arg5[%add3A_84, %dma_wait3A_90] : memref<16384x16xi32, #tpu.memory_space<hbm>> -> memref<64x16xi32, #tpu.memory_space<hbm>>
        tpu.wait_dma2 semaphore(%run_scoped3A : memref<!tpu.dma_semaphore, #tpu.memory_space<semaphore_mem>>) src(%arg16 : memref<64x16xi32, #tpu.memory_space<vmem>>) dst(%dma_wait3A_91 : memref<64x16xi32, #tpu.memory_space<hbm>>)
        tpu.yield
      }) : () -> ()
      %scan3A_85 = arith.constant 0 : i32
      scf.yield %scan3A_85 : i32
    }
    %scan3A_48 = arith.constant 8 : i32
    "tpu.region"() ({
      %run_scoped3A = tpu.sem_alloc : memref<!tpu.dma_semaphore, #tpu.memory_space<semaphore_mem>>
      %dma_start3A = tpu.memref_slice %arg6[%mul3A_2] : memref<16384xi32, #tpu.memory_space<hbm>> -> memref<512xi32, #tpu.memory_space<hbm>>
      %dma_start3A_49 = tpu.memref_slice %arg6[%mul3A_2] : memref<16384xi32, #tpu.memory_space<hbm>> -> memref<512xi32, #tpu.memory_space<hbm>>
      tpu.enqueue_dma source(%arg17 : memref<512xi32, #tpu.memory_space<vmem>>) target(%dma_start3A_49 : memref<512xi32, #tpu.memory_space<hbm>>) target_semaphore(%run_scoped3A : memref<!tpu.dma_semaphore, #tpu.memory_space<semaphore_mem>>)
      %dma_wait3A = tpu.memref_slice %arg6[%mul3A_2] : memref<16384xi32, #tpu.memory_space<hbm>> -> memref<512xi32, #tpu.memory_space<hbm>>
      %dma_wait3A_50 = tpu.memref_slice %arg6[%mul3A_2] : memref<16384xi32, #tpu.memory_space<hbm>> -> memref<512xi32, #tpu.memory_space<hbm>>
      tpu.wait_dma2 semaphore(%run_scoped3A : memref<!tpu.dma_semaphore, #tpu.memory_space<semaphore_mem>>) src(%arg17 : memref<512xi32, #tpu.memory_space<vmem>>) dst(%dma_wait3A_50 : memref<512xi32, #tpu.memory_space<hbm>>)
      tpu.yield
    }) : () -> ()
    return
  }
}

</mosaic_0001>

<sc_bundles>
// kernel: kernel.4.cloned.1.call-start
scs
__scs_entry_jumppad:
0x0: {  	(pc) =	sbr.rel $0x88, $3  }
0x1: {  	(tag) =	ssettag $0x0;
	lr =	simm.s32 $0x1  }
0x2: {  	[smem:$0x3F9E] =	sst lr;
	_ =	strace $0xD0000000  }
0x3: {  	_ = 	snop  }
0x4: {  	_ = 	snop  }
0x5: {  	_ = 	snop  }
0x6: {  	_ = 	snop  }
0x7: {  	_ = 	snop  }
__scs_overlays_trampoline_lowered:
0x8: {  	[smem:$0x3FAD] =	sst s0  }
0x9: {  	[smem:$0x3FAE] =	sst s1  }
0xa: {  	[smem:$0x3FAF] =	sst s2  }
0xb: {  	[smem:$0x3FB0] =	sst s3  }
0xc: {  	[smem:$0x3FB1] =	sst s4  }
0xd: {  	[smem:$0x3FB2] =	sst s5  }
0xe: {  	[smem:$0x3FB3] =	sst s6  }
0xf: {  	[smem:$0x3FB4] =	sst s7  }
0x10: {  	[smem:$0x3FB5] =	sst s8  }
0x11: {  	[smem:$0x3FB6] =	sst s9;
	s0 =	simm.s32 @!p0 $0x0  }
0x12: {  	s1 =	sld [smem:$0x3F9C];
	s0 =	simm.s32 @p0 $0x1  }
0x13: {  	[smem:$0x3FB7] =	sst s0;
	s0 =	simm.s32 @!p1 $0x0  }
0x14: {  	s2 =	sld [smem:$0x3F9B];
	s0 =	simm.s32 @p1 $0x1  }
0x15: {  	[smem:$0x3FB8] =	sst s0;
	s0 =	simm.s32 @!p2 $0x0  }
0x16: {  	s3 =	sld [smem:$0x3FDB];
	s0 =	simm.s32 @p2 $0x1  }
0x17: {  	s4 =	simm.s32 $0x1BF5;
	[smem:$0x3FBA] =	sst s0  }
0x18: {  	s0 =	sld [smem:$0x3F9D];
	_ =	swait.ge [sflag:s4], $0x0  }
0x19: {  	s7 =	sld [smem:$0x3F9E]  }
0x1a: {  	s8 =	sadd.s32 $0xFFFFE003, lr  }
0x1b: {  	s9 =	sadd.s32 $0xFFFFFEF7, lr;
	s5 =	simm.s32 $0xFFFFFFFF;
	p2 =	slt.u32 s8, $0xFFFFF086  }
0x1c: {  	p1 =	slt.u32 s9, $0xF7A;
	s5 =	simm.s32 @!p2 $0x0  }
0x1d: {  	s5 =	simm.s32 @p1 $0x1;
	p0 =	seq.s32 s7, s2  }
0x1e: {  	s7 =	smul.u32 @!p0 $0xF7A, s2;
	p2 =	seq.s32 @!p0 s5, $0x0  }
0x1f: {  	s9 =	smul.u32 $0xF7A, s1;
	s8 =	simm.s32 @!p0 $0x1BF5;
	p2 =	por !p2, p0  }
0x20: {  	[sflag:s8] =	ssyncset.s32 @!p0 $0xFFFFF086;
	s6 =	sadd.s32 @!p0 s3, s7;
	s7 =	simm.s32 @!p0 $0x108  }
0x21: {  	s3 =	sadd.s32 s3, s9;
	s6 =	sadd.s32 @!p0 $0x88, s6;
	s7 =	simm.s32 @p2 $0x1082  }
0x22: {  	[simem:s7], [sflag:s8] =	dma.local @!p0 [hbm:s6], $0xF7A  }
0x23: {  	s9 =	sor.u32 $0xD0000000, s2;
	s6 =	simm.s32 $0x108;
	_ =	swait.ge @!p0 [sflag:s8], $0x0  }
0x24: {  	s3 =	sadd.s32 $0x88, s3;
	s6 =	simm.s32 @!p1 $0x1082;
	[sflag:s4] =	ssyncset.s32 $0xFFFFF086  }
0x25: {  	[simem:s6], [sflag:s4] =	dma.local [hbm:s3], $0xF7A  }
0x26: {  	[smem:$0x3F9E] =	sst s1;
	(tag) =	ssettag s2;
	_ =	strace s9  }
0x27: {  	s1 =	sld [smem:$0x3FAE]  }
0x28: {  	s2 =	sld [smem:$0x3FAF]  }
0x29: {  	s4 =	sld [smem:$0x3FB1]  }
0x2a: {  	p0 =	seq.s32 s5, $0x0;
	s5 =	sld [smem:$0x3FB2]  }
0x2b: {  	s6 =	sld [smem:$0x3FB3]  }
0x2c: {  	s7 =	sld [smem:$0x3FB4]  }
0x2d: {  	s3 =	simm.s32 $0x108;
	s8 =	sld [smem:$0x3FB5]  }
0x2e: {  	s3 =	simm.s32 @!p0 $0x1082;
	s9 =	sld [smem:$0x3FB6]  }
0x2f: {  	lr =	sadd.s32 s0, s3;
	s0 =	sld [smem:$0x3FAD]  }
0x30: {  	s3 =	sld [smem:$0x3FB0]  }
0x31: {  	[smem:$0x3FB9] =	sst s10  }
0x32: {  	s10 =	sld [smem:$0x3FB7];
	_ =	sdelay $0x3  }
0x33: {  	p0 =	seq.s32 s10, $0x1;
	s10 =	sld [smem:$0x3FB9];
	_ =	sdelay $0x3  }
0x34: {  	[smem:$0x3FB9] =	sst s10  }
0x35: {  	s10 =	sld [smem:$0x3FB8];
	_ =	sdelay $0x3  }
0x36: {  	p1 =	seq.s32 s10, $0x1;
	s10 =	sld [smem:$0x3FB9];
	_ =	sdelay $0x3  }
0x37: {  	[smem:$0x3FB9] =	sst s10  }
0x38: {  	s10 =	sld [smem:$0x3FBA]  }
0x39: {  	_ = 	snop;
	(pc) =	sbr.ind lr, $3  }
0x3a: {  	_ = 	snop  }
0x3b: {  	_ = 	snop  }
0x3c: {  	p2 =	seq.s32 s10, $0x1;
	s10 =	sld [smem:$0x3FB9]  }
0x3d: {  	_ =	shalt  }
0x3e: {  	_ =	shalt  }
0x3f: {  	_ =	shalt  }
0x40: {  	_ =	shalt  }
0x41: {  	_ =	shalt  }
0x42: {  	_ =	shalt  }
0x43: {  	_ =	shalt  }
0x44: {  	_ =	shalt  }
0x45: {  	_ =	shalt  }
0x46: {  	_ =	shalt  }
0x47: {  	_ =	shalt  }
0x48: {  	_ =	shalt  }
0x49: {  	_ =	shalt  }
0x4a: {  	_ =	shalt  }
0x4b: {  	_ =	shalt  }
0x4c: {  	_ =	shalt  }
0x4d: {  	_ =	shalt  }
0x4e: {  	_ =	shalt  }
0x4f: {  	_ =	shalt  }
0x50: {  	_ =	shalt  }
0x51: {  	_ =	shalt  }
0x52: {  	_ =	shalt  }
0x53: {  	_ =	shalt  }
0x54: {  	_ =	shalt  }
0x55: {  	_ =	shalt  }
0x56: {  	_ =	shalt  }
0x57: {  	_ =	shalt  }
0x58: {  	_ =	shalt  }
0x59: {  	_ =	shalt  }
0x5a: {  	_ =	shalt  }
0x5b: {  	_ =	shalt  }
0x5c: {  	_ =	shalt  }
0x5d: {  	_ =	shalt  }
0x5e: {  	_ =	shalt  }
0x5f: {  	_ =	shalt  }
0x60: {  	_ =	shalt  }
0x61: {  	_ =	shalt  }
0x62: {  	_ =	shalt  }
0x63: {  	_ =	shalt  }
0x64: {  	_ =	shalt  }
0x65: {  	_ =	shalt  }
0x66: {  	_ =	shalt  }
0x67: {  	_ =	shalt  }
0x68: {  	_ =	shalt  }
0x69: {  	_ =	shalt  }
0x6a: {  	_ =	shalt  }
0x6b: {  	_ =	shalt  }
0x6c: {  	_ =	shalt  }
0x6d: {  	_ =	shalt  }
0x6e: {  	_ =	shalt  }
0x6f: {  	_ =	shalt  }
0x70: {  	_ =	shalt  }
0x71: {  	_ =	shalt  }
0x72: {  	_ =	shalt  }
0x73: {  	_ =	shalt  }
0x74: {  	_ =	shalt  }
0x75: {  	_ =	shalt  }
0x76: {  	_ =	shalt  }
0x77: {  	_ =	shalt  }
0x78: {  	_ =	shalt  }
0x79: {  	_ =	shalt  }
0x7a: {  	_ =	shalt  }
0x7b: {  	_ =	shalt  }
0x7c: {  	_ =	shalt  }
0x7d: {  	_ =	shalt  }
0x7e: {  	_ =	shalt  }
0x7f: {  	_ =	shalt  }
0x80: {  	_ =	shalt  }
0x81: {  	_ =	shalt  }
0x82: {  	_ =	shalt  }
0x83: {  	_ =	shalt  }
0x84: {  	_ =	shalt  }
0x85: {  	_ =	shalt  }
0x86: {  	_ =	shalt  }
0x87: {  	_ =	shalt  }
.Lfunc_end0:
.L_simem_size_0:
called_computation.1_lowered:
.L_overlay_start_0:
0x88: {  	s2 =	sld [smem:$0x3FD9]  }
0x89: {  	s3 =	sld [smem:$0x3FFE];
	_ =	sdelay $0x1  }
0x8a: {  	s1 =	srdreg.scid  }
0x8b: {  	s0 =	sand.u32 $0x1, s1  }
0x8c: {  	s14 =	sshll.u32 s0, $0xA;
	s2 =	sadd.s32 s3, s2  }
0x8d: {  	s2 =	sadd.s32 s2, s14  }
0x8e: {  	[smem:$0x3FC5] =	sst s2  }
0x8f: {  	_ = 	snop  }
0x90: {  	s2 =	sld [smem:$0x3FD0];
	_ =	sdelay $0x2  }
0x91: {  	s15 =	simm.s32 $0xA;
	s4 =	simm.s32 $0x10  }
0x92: {  	[smem:s4], [sflag:s15] =	dma.local [hbm:s2], $0x1  }
0x93: {  	_ =	swait.eq [sflag:s15], $0x1  }
0x94: {  	[sflag:s15] =	ssyncset.done $0x0  }
0x95: {  	[sflag:s15] =	ssyncadd.s32 $0xFFFFFFFF  }
0x96: {  	s16 =	sld [smem:$0x11];
	(tm) =	ssettm $0x1  }
0x97: {  	s17 =	sld [smem:$0x3FFB];
	_ =	sdelay $0x3  }
0x98: {  	_ =	strace s17  }
0x99: {  	s3 =	sld [smem:$0x3FFC];
	_ =	sdelay $0x3  }
0x9a: {  	_ =	strace s3  }
0x9b: {  	s3 =	sld [smem:$0x3FFD];
	_ =	sdelay $0x3  }
0x9c: {  	_ =	strace s3  }
0x9d: {  	_ =	strace $0x8FFFFFFF  }
0x9e: {  	s18 =	sld [smem:$0x3FDB];
	_ =	sdelay $0x1  }
0x9f: {  	s19 =	simm.s32 $_scs_section_size  }
0xa0: {  	s5 =	simm.s32 $_size__tile_overlayer_lowered;
	s6 =	simm.s32 $_tile_overlayer_lowered  }
0xa1: {  	s22 =	simm.s32 $0x1BFF;
	s21 =	sshll.u32 s6, $0x1;
	s3 =	sadd.s32 s19, s18  }
0xa2: {  	s7 =	simm.s32 $0x0;
	s20 =	sshll.u32 s5, $0x1;
	s5 =	sadd.s32 s21, s3  }
0xa3: {  	[timem:s7], [sflag:s22] =	dma.local [hbm:s5], s20  }
0xa4: {  	_ =	swait.ge [sflag:s22], s20  }
0xa5: {  	s4 =	ssub.s32 $0x0, s20;
	[sflag:s22] =	ssyncset.done $0x0  }
0xa6: {  	[sflag:s22] =	ssyncadd.s32 s4;
	_ =	sdelay $0x1  }
0xa7: {  	s23 =	simm.s32 $0x1B8B  }
0xa8: {  	_ =	swait.ge [sflag:s23], $0x1  }
0xa9: {  	[sflag:s23] =	ssyncset.done $0x0  }
0xaa: {  	s25 =	simm.s32 $0x1B8E;
	s24 =	sld [smem:$0x3FFE];
	[sflag:s23] =	ssyncadd.s32 $0xFFFFFFFF  }
0xab: {  	s26 =	simm.s32 $execute0_lowered;
	[smem:$0x3FD2] =	sst s25  }
0xac: {  	s5 =	sshll.u32 s26, $0x1;
	_ =	strace $0x80000046;
	[dreg:$0x1] =	wrdreg $0xFFFFFFFF  }
0xad: {  	s28 =	simm.s32 $_size_execute0_lowered;
	s3 =	sadd.s32 s3, s5;
	[dreg:$0x0] =	wrdreg $0x0  }
0xae: {  	s5 =	sshll.u32 s28, $0x1;
	[dreg:$0x2] =	wrdreg s3  }
0xaf: {  	[dreg:$0x3] =	wrdreg s5  }
0xb0: {  	[dreg:$0x4] =	wrdreg $0xC0  }
0xb1: {  	_ =	task [dreg:s7], $0x5FFFF  }
0xb2: {  	[dreg:$0x1] =	wrdreg $0xFFFFFFFF  }
0xb3: {  	[dreg:$0x0] =	wrdreg $0x60  }
0xb4: {  	[dreg:$0x2] =	wrdreg s16  }
0xb5: {  	[dreg:$0x3] =	wrdreg s24  }
0xb6: {  	[dreg:$0x4] =	wrdreg $0x9  }
0xb7: {  	_ =	task.clear_ibuf [dreg:s7], $0x5FFFF;
	_ =	strace $0x90000046  }
0xb8: {  	s29 =	simm.s32 $0x9;
	_ =	strace $0x80000048  }
0xb9: {  	_ =	swait.ge [sflag:s29], $0x1  }
0xba: {  	[sflag:s29] =	ssyncadd.s32 $0xFFFFFFFF  }
0xbb: {  	_ =	strace $0x90000048  }
0xbc: {  	_ =	sfence  }
0xbd: {  	s30 =	sld [smem:$0x0];
	_ =	sdelay $0x2  }
0xbe: {  	s31 =	sshll.u32 s1, $0xD;
	s1 =	sshrl.u32 s1, $0x2  }
0xbf: {  	s3 =	sand.u32 $0x4000, s31;
	s1 =	sadd.s32 s1, s30  }
0xc0: {  	s0 =	sor.u32 s3, s0;
	s1 =	sshll.u32 s1, $0x11  }
0xc1: {  	s0 =	sor.u32 s1, s0  }
0xc2: {  	s0 =	sadd.s32 $0x8F2B, s0  }
0xc3: {  	[sflag:s0] =	ssyncadd.remote.s32 $0x1  }
0xc4: {  	_ =	sfence.sel $0xFFFF  }
0xc5: {  	[dreg:$0x0] =	wrdreg $0xFFFFFFFF;
	(pc) =	sbr.abs _section_cstart, $3  }
0xc6: {  	[dreg:$0x1] =	wrdreg $0xFFFFFFFF  }
0xc7: {  	_ =	task.clear_ibuf [dreg:s7], $0x2FFFF;
	_ =	strace $0x9FFFFFFF  }
0xc8: {  	(tm) =	ssettm $0x7FFFFFFF  }
0xc9: {  	_ =	shalt  }
tec
execute0_lowered:
.L_overlay_start_1:
0x0: {  	(tag) =	ssettag $0x1  }
0x1: {  	s0 =	rddreg [dreg:$0x0]  }
0x2: {  	s1 =	rddreg [dreg:$0x1];
	s2 =	srdreg.scid  }
0x3: {  	s6 =	stileid.u32;
	s7 =	simm.s32 $0x1;
	s18 =	simm.s32 $0xC200  }
0x4: {  	s19 =	simm.s32 $0xC400;
	s20 =	simm.s32 $0xC600;
	s21 =	simm.s32 $0x10700  }
0x5: {  	s22 =	simm.s32 $0xC700;
	s23 =	simm.s32 $0xE700;
	s5 =	sand.u32 $0x1, s2  }
0x6: {  	s2 =	simm.s32 $0x0;
	s4 =	sshll.u32 s6, $0x9;
	s24 =	sand.u32 $0x7, s6  }
0x7: {  	s3 =	sshll.u32 s5, $0xD;
	[smem:$0x7FF] =	sst s2;
	p1 =	sne.s32 s24, $0x0  }
0x8: {  	s5 =	ssub.s32 $0x2, s5;
	s24 =	simm.s32 $0x0;
	s12 =	sor.u32 s4, s3  }
0x9: {  	_ =	strace $0x80000047;
	s3 =	sadd.s32 $0x43200, s1;
	s4 =	sadd.s32 $0x2A00, s1  }
0xa: {  	s26 =	sshrl.u32 s5, $0x1;
	p0 =	seq.s32 s12, $0x0;
	s25 =	sshrl.u32 s12, $0x3  }
0xb: {  	s8 =	sshrl.u32 s12, $0xC;
	s14 =	ssub.s32 s5, s26;
	p0 =	por !p1, !p0  }
0xc: {  	s5 =	simm.s32 $0x1;
	s12 =	sshll.u32 s12, $0x4;
	p0 =	por !p0, !p0  }
0xd: {  	s1 =	sadd.s32 s25, s1;
	s14 =	smax.u32 s14, $0x1;
	s7 =	simm.s32 @!p0 $0x0  }
.Ltmp0:
0xe: {  	s10 =	sadd.s32 $0x1A00, s1;
	s7 =	ssub.s32 s8, s7;
	(pc) =	sbr.rel .LBB2_1-.Ltmp0, $4  }
0xf: {  	s11 =	sadd.s32 $0x2200, s1;
	s13 =	sadd.s32 $0x42A00, s1;
	s28 =	sshll.u32 s7, $0xE  }
0x10: {  	s7 =	sshrl.u32 s28, $0x3;
	s29 =	sadd.s32 $0x10000, s28;
	s9 =	sadd.s32 $0x20000, s28  }
0x11: {  	v0 =	vlaneseq.u32;
	s6 =	sadd.s32 s0, s7;
	s30 =	sshrl.u32 s29, $0x3;
	s31 =	sshrl.u32 s9, $0x3  }
0x12: {  	v1 =	vimm.s32 $0x0;
	v2 =	vimm.f32 $0.0e+00;
	v3 =	vor.u32 $0x80000000, v0;
	s9 =	sadd.s32 $0x1200, s1;
	s7 =	sadd.s32 s0, s30;
	s8 =	sadd.s32 s0, s31  }
.LBB2_29:
0x13: {  	s24 =	sadd.s32 $0x1, s24  }
0x14: {  	p0 =	sne.s32 s24, s14  }
.Ltmp1:
0x15: {  	_ = 	snop;
	(pc) =	sbr.rel @!p0 .LBB2_30-.Ltmp1, $4  }
0x16: {  	[hbm4b:s13+s2] =	stream.linear.scatter [tilespmem:s21], [sflag:$0x1], $0x200, $0x38;
	[tilespmem:$0x10900] =	vst v63  }
0x17: {  	_ =	swait.ge [sflag:s5], $0x200  }
0x18: {  	[sflag:s5] =	ssyncset.done $0x0  }
0x19: {  	[sflag:s5] =	ssyncadd.s32 $0xFFFFFE00  }
.LBB2_1:
0x1a: {  	[tilespmem:s2], [sflag:$0x1] =	stream.linear.gather [hbm4b:s6+s2], $0x4000, $0x38;
	[tilespmem:$0x10900] =	vst v63  }
0x1b: {  	_ =	swait.ge [sflag:s5], $0x4000  }
0x1c: {  	[sflag:s5] =	ssyncset.done $0x0  }
0x1d: {  	s0 =	simm.s32 $0x4000;
	[sflag:s5] =	ssyncadd.s32 $0xFFFFC000  }
0x1e: {  	[tilespmem:s0], [sflag:$0x1] =	stream.linear.gather [hbm4b:s7+s2], $0x4000, $0x38;
	[tilespmem:$0x10900] =	vst v63  }
0x1f: {  	_ =	swait.ge [sflag:s5], $0x4000  }
0x20: {  	[sflag:s5] =	ssyncset.done $0x0  }
0x21: {  	s30 =	simm.s32 $0x8000;
	[sflag:s5] =	ssyncadd.s32 $0xFFFFC000  }
0x22: {  	[tilespmem:s30], [sflag:$0x1] =	stream.linear.gather [hbm4b:s8+s2], $0x4000, $0x38;
	[tilespmem:$0x10900] =	vst v63  }
0x23: {  	_ =	swait.ge [sflag:s5], $0x4000  }
0x24: {  	[sflag:s5] =	ssyncset.done $0x0  }
0x25: {  	s31 =	simm.s32 $0xC000;
	[sflag:s5] =	ssyncadd.s32 $0xFFFFC000  }
0x26: {  	[tilespmem:s31], [sflag:$0x1] =	stream.linear.gather [hbm4b:s9+s2], $0x200, $0x38;
	[tilespmem:$0x10900] =	vst v63  }
0x27: {  	_ =	swait.ge [sflag:s5], $0x200  }
0x28: {  	[sflag:s5] =	ssyncset.done $0x0  }
0x29: {  	[sflag:s5] =	ssyncadd.s32 $0xFFFFFE00  }
0x2a: {  	[tilespmem:s18], [sflag:$0x1] =	stream.linear.gather [hbm4b:s10+s2], $0x200, $0x38;
	[tilespmem:$0x10900] =	vst v63  }
0x2b: {  	_ =	swait.ge [sflag:s5], $0x200  }
0x2c: {  	[sflag:s5] =	ssyncset.done $0x0  }
0x2d: {  	[sflag:s5] =	ssyncadd.s32 $0xFFFFFE00  }
0x2e: {  	[tilespmem:s19], [sflag:$0x1] =	stream.linear.gather [hbm4b:s11+s2], $0x200, $0x38;
	[tilespmem:$0x10900] =	vst v63  }
0x2f: {  	_ =	swait.ge [sflag:s5], $0x200  }
0x30: {  	[sflag:s5] =	ssyncset.done $0x0  }
0x31: {  	s0 =	simm.s32 $0x0;
	[sflag:s5] =	ssyncadd.s32 $0xFFFFFE00  }
0x32: {  	v5 =	vld [tilespmem:s0+$0x8000]  }
0x33: {  	v7 =	vld [tilespmem:s0+$0x0]  }
0x34: {  	v6 =	vld [tilespmem:s0+$0x4000];
	_ =	sdelay $0x2  }
0x35: {  	v8 =	vshrl.u32 v5, $0x10;
	v4 =	vmul.f32 v5, v5  }
0x36: {  	v9 =	vmul.f32 v7, v7;
	v10 =	vshrl.u32 v7, $0x10;
	v8 =	vand.u32 $0x1, v8  }
0x37: {  	v11 =	vshrl.u32 v6, $0x10;
	v5 =	vadd.s32 v8, v5;
	v8 =	vmul.f32 v6, v6  }
0x38: {  	v11 =	vand.u32 $0x1, v11;
	v10 =	vand.u32 $0x1, v10;
	v5 =	vadd.s32 $0x7FFF, v5  }
0x39: {  	v11 =	vadd.s32 v11, v6;
	v12 =	vand.u32 $0xFFFF0000, v5;
	v6 =	vadd.f32 v8, v9  }
0x3a: {  	s1 =	simm.s32 $0x40;
	v7 =	vadd.s32 v10, v7;
	v5 =	vadd.s32 $0x7FFF, v11;
	[tilespmem:s0+$0x8000] =	vst v12  }
.LBB2_2:
0x3b: {  	p0 =	sne.s32 s1, $0xFFC0;
	v4 =	vadd.f32 v4, v6;
	v6 =	vadd.s32 $0x7FFF, v7;
	s15 =	smov.u32 s1;
	s1 =	sadd.s32 $0x40, s1  }
0x3c: {  	v5 =	vshrl.u32 v5, $0x10;
	s15 =	sshra.s32 s15, $0x2;
	v6 =	vand.u32 $0xFFFF0000, v6  }
0x3d: {  	v7 =	vld [tilespmem:s15+$0x8000];
	[tilespmem:s0+$0x0] =	vst v4;
	v4 =	vor.u32 v6, v5  }
0x3e: {  	v5 =	vld [tilespmem:s15+$0x0];
	[tilespmem:s0+$0x4000] =	vst v4;
	s0 =	smov.u32 s15  }
0x3f: {  	v8 =	vld [tilespmem:s0+$0x4000];
	_ =	sdelay $0x2  }
0x40: {  	v4 =	vmul.f32 v7, v7;
	v6 =	vshrl.u32 v7, $0x10  }
.Ltmp2:
0x41: {  	v9 =	vmul.f32 v5, v5;
	v10 =	vshrl.u32 v5, $0x10;
	v6 =	vand.u32 $0x1, v6;
	(pc) =	sbr.rel @p0 .LBB2_2-.Ltmp2, $4  }
0x42: {  	v11 =	vmul.f32 v8, v8;
	v12 =	vshrl.u32 v8, $0x10;
	v6 =	vadd.s32 v6, v7  }
0x43: {  	v7 =	vand.u32 $0x1, v10;
	v10 =	vand.u32 $0x1, v12;
	v12 =	vadd.s32 $0x7FFF, v6  }
0x44: {  	v6 =	vadd.f32 v11, v9;
	v8 =	vadd.s32 v10, v8;
	v9 =	vand.u32 $0xFFFF0000, v12  }
0x45: {  	v7 =	vadd.s32 v7, v5;
	v5 =	vadd.s32 $0x7FFF, v8;
	[tilespmem:s0+$0x8000] =	vst v9  }
.Ltmp3:
0x46: {  	(pc) =	sbr.rel .LBB2_4-.Ltmp3, $4  }
0x47: {  	v4 =	vadd.f32 v4, v6;
	v63 =	vadd.s32 $0x7FFF, v7  }
0x48: {  	v5 =	vshrl.u32 v5, $0x10;
	v6 =	vand.u32 $0xFFFF0000, v63  }
0x49: {  	[tilespmem:s0+$0x0] =	vst v4;
	v4 =	vor.u32 v6, v5  }
0x4a: {  	s25 =	simm.s32 $0x0;
	[tilespmem:s0+$0x4000] =	vst v4  }
.LBB2_28:
0x4b: {  	s0 =	sshll.u32 s25, $0xA  }
0x4c: {  	s0 =	sadd.s32 s12, s0  }
0x4d: {  	s1 =	sadd.s32 s3, s0  }
0x4e: {  	[hbm4b:s1+s2] =	stream.linear.scatter [tilespmem:s22], [sflag:$0x1], $0x2000, $0x38;
	[tilespmem:$0x10900] =	vst v63  }
0x4f: {  	s25 =	sadd.s32 $0x1, s25;
	_ =	swait.ge [sflag:s5], $0x2000  }
0x50: {  	p0 =	sne.s32 s25, $0x8;
	[sflag:s5] =	ssyncset.done $0x0  }
.Ltmp4:
0x51: {  	s0 =	sadd.s32 s4, s0;
	[sflag:s5] =	ssyncadd.s32 $0xFFFFE000;
	(pc) =	sbr.rel @!p0 .LBB2_29-.Ltmp4, $4  }
0x52: {  	[hbm4b:s0+s2] =	stream.linear.scatter [tilespmem:s23], [sflag:$0x1], $0x2000, $0x38;
	[tilespmem:$0x10900] =	vst v63  }
0x53: {  	_ =	swait.ge [sflag:s5], $0x2000  }
0x54: {  	[sflag:s5] =	ssyncset.done $0x0  }
0x55: {  	[sflag:s5] =	ssyncadd.s32 $0xFFFFE000  }
.LBB2_4:
.Ltmp5:
0x56: {  	(pc) =	sbr.rel .LBB2_5-.Ltmp5, $2  }
0x57: {  	_ =	sdelay $0x2  }
0x58: {  	s26 =	sshll.u32 s25, $0x6;
	s28 =	simm.s32 $0x0  }
.LBB2_9:
0x59: {  	v4 =	vld [tilespmem:$0xC600];
	_ =	sdelay $0x3  }
0x5a: {  	vm0 =	vmmov $0x1  }
0x5b: {  	v5 =	vnsel vm0, $0xFFFFFFFF, v4  }
0x5c: {  	v5 =	vxor.u32 $0x80000000, v5  }
0x5d: {  	(xrf0) =	vmax.scan.msk.u32 $0xffff, v5;
	_ =	sdelay $0x1  }
0x5e: {  	v5 =	vld [tilespmem:$0xC680];
	_ =	sdelay $0x3  }
0x5f: {  	s0 =	sor.u32 s26, s28;
	s31 =	sshll.u32 s28, $0x7;
	s28 =	sadd.s32 $0x1, s28;
	v6, _, _ =	vpop (xrf0)  }
0x60: {  	v7 =	vmov s0;
	p0 =	seq.s32 s28, $0x10;
	vm1 =	vgt.s32 v5, v0;
	v6 =	vxor.u32 $0x80000000, v6  }
.Ltmp6:
0x61: {  	v4 =	vsel vm1, v4, v6;
	vm1 =	vgt.s32 v5, $0x0;
	(pc) =	sbr.rel @p0 .LBB2_10-.Ltmp6, $4  }
0x62: {  	v6 =	vnsel vm1, $0x0, v4  }
0x63: {  	v4 =	vnsel vm1, $0x4000, v4;
	[tilespmem:s31+$0xC700] =	vst v6  }
0x64: {  	[tilespmem:s31+$0xE700] =	vst v4  }
0x65: {  	[tilespmem:v7+s21+$0x0] =	vst.idx.msk $0x1, v5  }
.LBB2_5:
0x66: {  	v4 =	vld [tilespmem:s26+$0xC000]  }
0x67: {  	v5 =	vld [tilespmem:s26+$0xC200];
	_ =	sdelay $0x1  }
0x68: {  	v6 =	vld [tilespmem:s26+$0xC400];
	_ =	sdelay $0x2  }
0x69: {  	v7 =	vmul.f32 v4, v4;
	v8 =	vmul.f32 v5, v5;
	_ =	sdelay $0x1  }
0x6a: {  	v10 =	vmov s28;
	v7 =	vadd.f32 v8, v7;
	v8 =	vmul.f32 v6, v6  }
0x6b: {  	v9 =	vshrl.u32 v4, $0x10;
	v62 =	vshrl.u32 v5, $0x10;
	v63 =	vshrl.u32 v6, $0x10  }
0x6c: {  	v7 =	vadd.f32 v8, v7;
	v8 =	vand.u32 $0x1, v9;
	v9 =	vand.u32 $0x1, v63  }
.Ltmp7:
0x6d: {  	v8 =	vadd.s32 v8, v4;
	v4 =	vand.u32 $0x1, v62;
	v6 =	vadd.s32 v9, v6;
	(pc) =	sbr.rel .LBB2_6-.Ltmp7, $4  }
0x6e: {  	v5 =	vadd.s32 v4, v5;
	v4 =	vperm.xlane v7, v10;
	v7 =	vadd.s32 $0x7FFF, v8  }
0x6f: {  	v6 =	vadd.s32 $0x7FFF, v6;
	v7 =	vand.u32 $0xFFFF0000, v7;
	v8 =	vadd.s32 $0x7FFF, v5  }
0x70: {  	s0 =	simm.s32 $0x0;
	s29 =	simm.s32 $0x40;
	s30 =	simm.s32 $0x8040;
	v5 =	vperm.xlane v7, v10;
	v7 =	vand.u32 $0xFFFF0000, v8;
	v8 =	vand.u32 $0xFFFF0000, v6  }
0x71: {  	[tilespmem:$0xC680] =	vst v1;
	s1 =	simm.s32 $0x4040;
	s15 =	simm.s32 $0x0;
	[smem:$0x0] =	sst s0;
	v6 =	vperm.xlane v7, v10;
	v7 =	vperm.xlane v8, v10  }
.LBB2_8:
0x72: {  	s16 =	sld [smem:$0x0];
	_ =	sdelay $0x1  }
0x73: {  	p0 =	sgt.u32 s0, $0x7E  }
0x74: {  	p1 =	slt.s32 @!p0 s16, $0x10  }
0x75: {  	p0 =	por p0, !p1  }
.Ltmp8:
0x76: {  	_ = 	snop;
	(pc) =	sbr.rel @p0 .LBB2_9-.Ltmp8, $3  }
0x77: {  	_ =	sdelay $0x1  }
0x78: {  	s0 =	sadd.s32 $0x1, s0;
	s15 =	sadd.s32 $0x80, s15  }
0x79: {  	s29 =	sadd.s32 $0x80, s29;
	s30 =	sadd.s32 $0x80, s30;
	s1 =	sadd.s32 $0x80, s1  }
.LBB2_6:
0x7a: {  	v8 =	vld [tilespmem:s1+$0xFFFFFFC0]  }
0x7b: {  	v9 =	vld [tilespmem:s1+$0xFFFFFFD0]  }
0x7c: {  	v10 =	vld [tilespmem:s30+$0xFFFFFFC0]  }
0x7d: {  	v12 =	vld [tilespmem:s30+$0xFFFFFFD0]  }
0x7e: {  	v13 =	vld [tilespmem:s1+$0xFFFFFFE0]  }
0x7f: {  	v16 =	vld [tilespmem:s1+$0xFFFFFFF0]  }
0x80: {  	v27 =	vld [tilespmem:s29+$0xFFFFFFD0]  }
0x81: {  	v31 =	vld [tilespmem:s29+$0xFFFFFFE0]  }
0x82: {  	v18 =	vld [tilespmem:s1+$0x0]  }
0x83: {  	v33 =	vld [tilespmem:s29+$0xFFFFFFF0]  }
0x84: {  	v19 =	vld [tilespmem:s1+$0x10]  }
0x85: {  	v40 =	vld [tilespmem:s1+$0x20];
	v11 =	vand.u32 $0xFFFF0000, v8  }
0x86: {  	v21 =	vld [tilespmem:s30+$0x20];
	v8 =	vshll.u32 v8, $0x10;
	v14 =	vand.u32 $0xFFFF0000, v9;
	v9 =	vshll.u32 v9, $0x10  }
0x87: {  	v10 =	vmul.f32 v10, v7;
	v26 =	vmul.f32 v12, v7;
	v28 =	vand.u32 $0xFFFF0000, v13  }
0x88: {  	v22 =	vld [tilespmem:s1+$0x30];
	v13 =	vshll.u32 v13, $0x10;
	v17 =	vand.u32 $0xFFFF0000, v16;
	v16 =	vshll.u32 v16, $0x10  }
0x89: {  	v12 =	vadd.f32 v27, v4;
	v34 =	vadd.f32 v31, v4;
	v36 =	vand.u32 $0xFFFF0000, v18  }
0x8a: {  	v50 =	vld [tilespmem:s29+$0x20];
	v38 =	vadd.f32 v33, v4;
	v39 =	vshll.u32 v18, $0x10;
	v20 =	vand.u32 $0xFFFF0000, v19  }
0x8b: {  	v56 =	vld [tilespmem:s29+$0x30];
	v19 =	vshll.u32 v19, $0x10;
	v45 =	vand.u32 $0xFFFF0000, v40;
	v49 =	vmul.f32 v21, v7  }
0x8c: {  	v57 =	vld [tilespmem:s29+$0xFFFFFFC0];
	v18 =	vshll.u32 v40, $0x10;
	v11 =	vmul.f32 v11, v5;
	v8 =	vmul.f32 v8, v6  }
0x8d: {  	v51 =	vand.u32 $0xFFFF0000, v22;
	v14 =	vmul.f32 v14, v5;
	v9 =	vmul.f32 v9, v6  }
0x8e: {  	v48 =	vld [tilespmem:s30+$0x30];
	v22 =	vshll.u32 v22, $0x10;
	v30 =	vmul.f32 v13, v6;
	v32 =	vmul.f32 v17, v5  }
0x8f: {  	v29 =	vld [tilespmem:s30+$0xFFFFFFF0];
	v58 =	vadd.f32 v50, v4;
	v16 =	vmul.f32 v16, v6;
	v20 =	vmul.f32 v20, v5  }
0x90: {  	v61 =	vadd.f32 v56, v4;
	v19 =	vmul.f32 v19, v6;
	v46 =	vmul.f32 v45, v5  }
0x91: {  	v63 =	vadd.f32 v57, v4;
	v47 =	vmul.f32 v18, v6;
	v52 =	vmul.f32 v51, v5  }
0x92: {  	v53 =	vmul.f32 v22, v6;
	v8 =	vadd.f32 v8, v11;
	v9 =	vadd.f32 v9, v14  }
0x93: {  	v15 =	vld [tilespmem:s30+$0xFFFFFFE0];
	v18 =	vmul.f32 v48, v7;
	v11 =	vadd.f32 v16, v32;
	v43 =	vadd.f32 v19, v20  }
0x94: {  	v42 =	vld [tilespmem:s29+$0x0];
	v14 =	vmul.f32 v29, v7;
	v16 =	vadd.f32 v47, v46;
	v55 =	vadd.f32 v53, v52  }
0x95: {  	v35 =	vld [tilespmem:s30+$0x0];
	v8 =	vadd.f32 v8, v10;
	v9 =	vadd.f32 v9, v26;
	v10 =	vmul.f32 v28, v5  }
0x96: {  	v37 =	vld [tilespmem:s30+$0x10];
	v17 =	vmul.f32 v39, v6;
	v11 =	vadd.f32 v11, v14;
	v54 =	vadd.f32 v16, v49  }
0x97: {  	v14 =	vmul.f32 v36, v5;
	v60 =	vadd.f32 v55, v18;
	v10 =	vadd.f32 v30, v10  }
0x98: {  	v15 =	vmul.f32 v15, v7;
	v9 =	vadd.f32 v9, v9;
	v11 =	vadd.f32 v11, v11  }
0x99: {  	v41 =	vadd.f32 v17, v14;
	v14 =	vadd.f32 v42, v4  }
0x9a: {  	v44 =	vld [tilespmem:s29+$0x10];
	v13 =	vmul.f32 v35, v7;
	v62 =	vadd.f32 v60, v60;
	v10 =	vadd.f32 v10, v15  }
0x9b: {  	v8 =	vadd.f32 v8, v8;
	v9 =	vsub.f32 v12, v9;
	v15 =	vmul.f32 v37, v7  }
0x9c: {  	v12 =	vadd.f32 v41, v13;
	v10 =	vadd.f32 v10, v10  }
0x9d: {  	v11 =	vsub.f32 v38, v11;
	v15 =	vadd.f32 v43, v15  }
0x9e: {  	v12 =	vadd.f32 v12, v12;
	v10 =	vsub.f32 v34, v10  }
0x9f: {  	v13 =	vadd.f32 v44, v4;
	vm0 =	vlt.f32 v9, $6.399999860e-01;
	v15 =	vadd.f32 v15, v15  }
0xa0: {  	v9 =	vadd.f32 v54, v54;
	v59 =	vsub.f32 v14, v12;
	vm1 =	vlt.f32 v10, $6.399999860e-01  }
0xa1: {  	vm2 =	vlt.f32 v11, $6.399999860e-01;
	v13 =	vsub.f32 v13, v15;
	vm0 =	vmor vm0, vm1  }
0xa2: {  	v9 =	vsub.f32 v58, v9;
	vm1 =	vlt.f32 v59, $6.399999860e-01;
	vm0 =	vmor vm0, vm2  }
0xa3: {  	v10 =	vsub.f32 v61, v62;
	vm2 =	vlt.f32 v13, $6.399999860e-01;
	vm0 =	vmor vm0, vm1  }
0xa4: {  	v8 =	vsub.f32 v63, v8;
	vm1 =	vlt.f32 v9, $6.399999860e-01;
	vm0 =	vmor vm0, vm2  }
0xa5: {  	vm2 =	vlt.f32 v10, $6.399999860e-01;
	vm1 =	vmor vm0, vm1  }
0xa6: {  	vm0 =	vlt.f32 v8, $6.399999860e-01;
	vm1 =	vmor vm1, vm2  }
0xa7: {  	vm1 =	vmor vm0, vm1  }
0xa8: {  	v8 =	vsel vm1, $0x3F800000, v2  }
0xa9: {  	(xrf0) =	vmax.scan.msk.f32 $0xffff, v8;
	_ =	sdelay $0x5  }
0xaa: {  	v8, _, _ =	vpop (xrf0)  }
0xab: {  	(v2sf) =	vpush v8, $0xF;
	_ =	sdelay $0xe  }
0xac: {  	s16 =	spop (v2sf)  }
0xad: {  	p0 =	sgt.f32 s16, $0.0e+00  }
.Ltmp9:
0xae: {  	_ = 	snop;
	(pc) =	sbr.rel @!p0 .LBB2_8-.Ltmp9, $1  }
0xaf: {  	_ =	sdelay $0x3  }
0xb0: {  	v8 =	vor.u32 s15, v0;
	v9 =	vor.u32 s15, v3  }
0xb1: {  	(xrf1) =	vsort.ascd.msk.u32 vm0, v9, v8;
	_ =	sdelay $0x2  }
0xb2: {  	v8 =	vld [tilespmem:$0xC680];
	_ =	sdelay $0x3  }
0xb3: {  	v63 =	vmpcnt.ones.xlane vm0  }
0xb4: {  	v10 =	vadd.s32 v0, v8  }
0xb5: {  	vm0 =	vgt.s32 v63, v0;
	vm1 =	vlt.s32 v10, $0x10  }
0xb6: {  	vm0 =	vmand vm0, vm1;
	_ =	sdelay $0x3  }
0xb7: {  	v11, _, _ =	vpop (xrf1)  }
0xb8: {  	v11 =	vxor.u32 $0x80000000, v11  }
0xb9: {  	[tilespmem:v10+s20+$0x0] =	vst.idx.msk vm0, v11  }
0xba: {  	v10 =	vld [tilespmem:s1+$0xFFFFFFD0];
	_ =	sdelay $0x2  }
0xbb: {  	v11 =	vld [tilespmem:s30+$0xFFFFFFD0];
	_ =	sdelay $0x1  }
0xbc: {  	v12 =	vand.u32 $0xFFFF0000, v10;
	v10 =	vshll.u32 v10, $0x10  }
0xbd: {  	v12 =	vmul.f32 v12, v5;
	v10 =	vmul.f32 v10, v6  }
0xbe: {  	v13 =	vld [tilespmem:s29+$0xFFFFFFD0]  }
0xbf: {  	v11 =	vmul.f32 v11, v7;
	v10 =	vadd.f32 v10, v12;
	_ =	sdelay $0x1  }
0xc0: {  	v10 =	vadd.f32 v10, v11;
	_ =	sdelay $0x1  }
0xc1: {  	v14 =	vadd.f32 v13, v4;
	v10 =	vadd.f32 v10, v10;
	_ =	sdelay $0x1  }
0xc2: {  	v10 =	vsub.f32 v14, v10  }
0xc3: {  	s16 =	sadd.s32 $0x10, s15  }
0xc4: {  	v15 =	vor.u32 s16, v0;
	v16 =	vor.u32 s16, v3;
	vm5 =	vlt.f32 v10, $6.399999860e-01  }
0xc5: {  	(xrf1) =	vsort.ascd.msk.u32 vm5, v16, v15;
	_ =	sdelay $0x4  }
0xc6: {  	v8 =	vadd.s32 v8, v63  }
0xc7: {  	vm6 =	vlt.s32 v8, $0x10  }
0xc8: {  	v8 =	vnsel vm6, $0x10, v8;
	v17 =	vmpcnt.ones.xlane vm5  }
0xc9: {  	v18 =	vadd.s32 v0, v8  }
0xca: {  	vm7 =	vlt.s32 v18, $0x10;
	vm0 =	vgt.s32 v17, v0  }
0xcb: {  	vm0 =	vmand vm7, vm0;
	_ =	sdelay $0x3  }
0xcc: {  	v11, _, _ =	vpop (xrf1)  }
0xcd: {  	v11 =	vxor.u32 $0x80000000, v11  }
0xce: {  	[tilespmem:v18+s20+$0x0] =	vst.idx.msk vm0, v11  }
0xcf: {  	v10 =	vld [tilespmem:s1+$0xFFFFFFE0];
	_ =	sdelay $0x2  }
0xd0: {  	v11 =	vld [tilespmem:s30+$0xFFFFFFE0];
	_ =	sdelay $0x1  }
0xd1: {  	v19 =	vand.u32 $0xFFFF0000, v10;
	v10 =	vshll.u32 v10, $0x10  }
0xd2: {  	v12 =	vmul.f32 v19, v5;
	v10 =	vmul.f32 v10, v6  }
0xd3: {  	v20 =	vld [tilespmem:s29+$0xFFFFFFE0]  }
0xd4: {  	v11 =	vmul.f32 v11, v7;
	v10 =	vadd.f32 v10, v12;
	_ =	sdelay $0x1  }
0xd5: {  	v10 =	vadd.f32 v10, v11;
	_ =	sdelay $0x1  }
0xd6: {  	v21 =	vadd.f32 v20, v4;
	v10 =	vadd.f32 v10, v10;
	_ =	sdelay $0x1  }
0xd7: {  	v10 =	vsub.f32 v21, v10  }
0xd8: {  	s31 =	sadd.s32 $0x20, s15  }
0xd9: {  	v22 =	vor.u32 s31, v0;
	v23 =	vor.u32 s31, v3;
	vm8 =	vlt.f32 v10, $6.399999860e-01  }
0xda: {  	(xrf1) =	vsort.ascd.msk.u32 vm8, v23, v22;
	_ =	sdelay $0x4  }
0xdb: {  	v8 =	vadd.s32 v8, v17  }
0xdc: {  	vm9 =	vlt.s32 v8, $0x10  }
0xdd: {  	v8 =	vnsel vm9, $0x10, v8;
	v24 =	vmpcnt.ones.xlane vm8  }
0xde: {  	v25 =	vadd.s32 v0, v8  }
0xdf: {  	vm10 =	vlt.s32 v25, $0x10;
	vm0 =	vgt.s32 v24, v0  }
0xe0: {  	vm0 =	vmand vm10, vm0;
	_ =	sdelay $0x3  }
0xe1: {  	v11, _, _ =	vpop (xrf1)  }
0xe2: {  	v11 =	vxor.u32 $0x80000000, v11  }
0xe3: {  	[tilespmem:v25+s20+$0x0] =	vst.idx.msk vm0, v11  }
0xe4: {  	v10 =	vld [tilespmem:s1+$0xFFFFFFF0];
	_ =	sdelay $0x2  }
0xe5: {  	v11 =	vld [tilespmem:s30+$0xFFFFFFF0];
	_ =	sdelay $0x1  }
0xe6: {  	v26 =	vand.u32 $0xFFFF0000, v10;
	v10 =	vshll.u32 v10, $0x10  }
0xe7: {  	v12 =	vmul.f32 v26, v5;
	v10 =	vmul.f32 v10, v6  }
0xe8: {  	v27 =	vld [tilespmem:s29+$0xFFFFFFF0]  }
0xe9: {  	v11 =	vmul.f32 v11, v7;
	v10 =	vadd.f32 v10, v12;
	_ =	sdelay $0x1  }
0xea: {  	v10 =	vadd.f32 v10, v11;
	_ =	sdelay $0x1  }
0xeb: {  	v28 =	vadd.f32 v27, v4;
	v10 =	vadd.f32 v10, v10;
	_ =	sdelay $0x1  }
0xec: {  	v10 =	vsub.f32 v28, v10  }
0xed: {  	s17 =	sadd.s32 $0x30, s15  }
0xee: {  	v29 =	vor.u32 s17, v0;
	v30 =	vor.u32 s17, v3;
	vm11 =	vlt.f32 v10, $6.399999860e-01  }
0xef: {  	(xrf1) =	vsort.ascd.msk.u32 vm11, v30, v29;
	_ =	sdelay $0x4  }
0xf0: {  	v8 =	vadd.s32 v8, v24  }
0xf1: {  	vm12 =	vlt.s32 v8, $0x10  }
0xf2: {  	v8 =	vnsel vm12, $0x10, v8;
	v31 =	vmpcnt.ones.xlane vm11  }
0xf3: {  	v32 =	vadd.s32 v0, v8  }
0xf4: {  	vm13 =	vlt.s32 v32, $0x10;
	vm0 =	vgt.s32 v31, v0  }
0xf5: {  	vm0 =	vmand vm13, vm0;
	_ =	sdelay $0x3  }
0xf6: {  	v11, _, _ =	vpop (xrf1)  }
0xf7: {  	v11 =	vxor.u32 $0x80000000, v11  }
0xf8: {  	[tilespmem:v32+s20+$0x0] =	vst.idx.msk vm0, v11  }
0xf9: {  	v10 =	vld [tilespmem:s1+$0x0];
	_ =	sdelay $0x2  }
0xfa: {  	v11 =	vld [tilespmem:s30+$0x0];
	_ =	sdelay $0x1  }
0xfb: {  	v33 =	vand.u32 $0xFFFF0000, v10;
	v10 =	vshll.u32 v10, $0x10  }
0xfc: {  	v12 =	vmul.f32 v33, v5;
	v10 =	vmul.f32 v10, v6  }
0xfd: {  	v34 =	vld [tilespmem:s29+$0x0]  }
0xfe: {  	v11 =	vmul.f32 v11, v7;
	v10 =	vadd.f32 v10, v12;
	_ =	sdelay $0x1  }
0xff: {  	v10 =	vadd.f32 v10, v11;
	_ =	sdelay $0x1  }
0x100: {  	v35 =	vadd.f32 v34, v4;
	v10 =	vadd.f32 v10, v10;
	_ =	sdelay $0x1  }
0x101: {  	v10 =	vsub.f32 v35, v10  }
0x102: {  	s31 =	sadd.s32 $0x40, s15  }
0x103: {  	v36 =	vor.u32 s31, v0;
	v37 =	vor.u32 s31, v3;
	vm14 =	vlt.f32 v10, $6.399999860e-01  }
0x104: {  	(xrf1) =	vsort.ascd.msk.u32 vm14, v37, v36;
	_ =	sdelay $0x4  }
0x105: {  	v8 =	vadd.s32 v8, v31  }
0x106: {  	vm15 =	vlt.s32 v8, $0x10  }
0x107: {  	v8 =	vnsel vm15, $0x10, v8;
	v38 =	vmpcnt.ones.xlane vm14  }
0x108: {  	v39 =	vadd.s32 v0, v8  }
0x109: {  	vm4 =	vlt.s32 v39, $0x10;
	vm0 =	vgt.s32 v38, v0  }
0x10a: {  	vm0 =	vmand vm4, vm0;
	_ =	sdelay $0x3  }
0x10b: {  	v11, _, _ =	vpop (xrf1)  }
0x10c: {  	v11 =	vxor.u32 $0x80000000, v11  }
0x10d: {  	[tilespmem:v39+s20+$0x0] =	vst.idx.msk vm0, v11  }
0x10e: {  	v10 =	vld [tilespmem:s1+$0x10];
	_ =	sdelay $0x2  }
0x10f: {  	v11 =	vld [tilespmem:s30+$0x10];
	_ =	sdelay $0x1  }
0x110: {  	v40 =	vand.u32 $0xFFFF0000, v10;
	v10 =	vshll.u32 v10, $0x10  }
0x111: {  	v12 =	vmul.f32 v40, v5;
	v10 =	vmul.f32 v10, v6  }
0x112: {  	v41 =	vld [tilespmem:s29+$0x10]  }
0x113: {  	v11 =	vmul.f32 v11, v7;
	v10 =	vadd.f32 v10, v12;
	_ =	sdelay $0x1  }
0x114: {  	v10 =	vadd.f32 v10, v11;
	_ =	sdelay $0x1  }
0x115: {  	v42 =	vadd.f32 v41, v4;
	v10 =	vadd.f32 v10, v10;
	_ =	sdelay $0x1  }
0x116: {  	v10 =	vsub.f32 v42, v10  }
0x117: {  	s17 =	sadd.s32 $0x50, s15  }
0x118: {  	v43 =	vor.u32 s17, v0;
	v44 =	vor.u32 s17, v3;
	vm5 =	vlt.f32 v10, $6.399999860e-01  }
0x119: {  	(xrf1) =	vsort.ascd.msk.u32 vm5, v44, v43;
	_ =	sdelay $0x4  }
0x11a: {  	v8 =	vadd.s32 v8, v38  }
0x11b: {  	vm6 =	vlt.s32 v8, $0x10  }
0x11c: {  	v8 =	vnsel vm6, $0x10, v8;
	v45 =	vmpcnt.ones.xlane vm5  }
0x11d: {  	v46 =	vadd.s32 v0, v8  }
0x11e: {  	vm7 =	vlt.s32 v46, $0x10;
	vm0 =	vgt.s32 v45, v0  }
0x11f: {  	vm0 =	vmand vm7, vm0;
	_ =	sdelay $0x3  }
0x120: {  	v11, _, _ =	vpop (xrf1)  }
0x121: {  	v11 =	vxor.u32 $0x80000000, v11  }
0x122: {  	[tilespmem:v46+s20+$0x0] =	vst.idx.msk vm0, v11  }
0x123: {  	v10 =	vld [tilespmem:s1+$0x20];
	_ =	sdelay $0x2  }
0x124: {  	v11 =	vld [tilespmem:s30+$0x20];
	_ =	sdelay $0x1  }
0x125: {  	v47 =	vand.u32 $0xFFFF0000, v10;
	v10 =	vshll.u32 v10, $0x10  }
0x126: {  	v12 =	vmul.f32 v47, v5;
	v10 =	vmul.f32 v10, v6  }
0x127: {  	v48 =	vld [tilespmem:s29+$0x20]  }
0x128: {  	v11 =	vmul.f32 v11, v7;
	v10 =	vadd.f32 v10, v12;
	_ =	sdelay $0x1  }
0x129: {  	v10 =	vadd.f32 v10, v11;
	_ =	sdelay $0x1  }
0x12a: {  	v49 =	vadd.f32 v48, v4;
	v10 =	vadd.f32 v10, v10;
	_ =	sdelay $0x1  }
0x12b: {  	v10 =	vsub.f32 v49, v10  }
0x12c: {  	s31 =	sadd.s32 $0x60, s15  }
0x12d: {  	v50 =	vor.u32 s31, v0;
	v51 =	vor.u32 s31, v3;
	vm8 =	vlt.f32 v10, $6.399999860e-01  }
0x12e: {  	(xrf1) =	vsort.ascd.msk.u32 vm8, v51, v50;
	_ =	sdelay $0x4  }
0x12f: {  	v8 =	vadd.s32 v8, v45  }
0x130: {  	vm9 =	vlt.s32 v8, $0x10  }
0x131: {  	v8 =	vnsel vm9, $0x10, v8;
	v52 =	vmpcnt.ones.xlane vm8  }
0x132: {  	v53 =	vadd.s32 v0, v8  }
0x133: {  	vm10 =	vlt.s32 v53, $0x10;
	vm0 =	vgt.s32 v52, v0  }
0x134: {  	vm0 =	vmand vm10, vm0;
	_ =	sdelay $0x3  }
0x135: {  	v11, _, _ =	vpop (xrf1)  }
0x136: {  	v11 =	vxor.u32 $0x80000000, v11  }
0x137: {  	[tilespmem:v53+s20+$0x0] =	vst.idx.msk vm0, v11  }
0x138: {  	v10 =	vld [tilespmem:s1+$0x30];
	_ =	sdelay $0x2  }
0x139: {  	v11 =	vld [tilespmem:s30+$0x30];
	_ =	sdelay $0x1  }
0x13a: {  	v54 =	vand.u32 $0xFFFF0000, v10;
	v10 =	vshll.u32 v10, $0x10  }
0x13b: {  	v12 =	vmul.f32 v54, v5;
	v10 =	vmul.f32 v10, v6  }
0x13c: {  	v55 =	vld [tilespmem:s29+$0x30]  }
0x13d: {  	v11 =	vmul.f32 v11, v7;
	v10 =	vadd.f32 v10, v12;
	_ =	sdelay $0x1  }
0x13e: {  	v10 =	vadd.f32 v10, v11;
	_ =	sdelay $0x1  }
0x13f: {  	v56 =	vadd.f32 v55, v4;
	v10 =	vadd.f32 v10, v10;
	_ =	sdelay $0x1  }
0x140: {  	v10 =	vsub.f32 v56, v10;
	_ =	sdelay $0x1  }
0x141: {  	v8 =	vadd.s32 v8, v52;
	vm11 =	vlt.f32 v10, $6.399999860e-01  }
0x142: {  	vm12 =	vlt.s32 v8, $0x10;
	v57 =	vmpcnt.ones.xlane vm11  }
0x143: {  	v8 =	vnsel vm12, $0x10, v8  }
0x144: {  	v58 =	vadd.s32 v8, v57  }
0x145: {  	vm13 =	vlt.s32 v58, $0x10  }
0x146: {  	v10 =	vnsel vm13, $0x10, v58  }
0x147: {  	v59 =	vxor.u32 $0x80000000, v10  }
0x148: {  	(xrf0) =	vmax.scan.msk.u32 $0xffff, v59;
	_ =	sdelay $0x4  }
0x149: {  	s17 =	sadd.s32 $0x70, s15  }
0x14a: {  	v60 =	vor.u32 s17, v0;
	v61 =	vor.u32 s17, v3;
	v62, _, _ =	vpop (xrf0)  }
0x14b: {  	(xrf1) =	vsort.ascd.msk.u32 vm11, v61, v60;
	(v2sf) =	vpush v62, $0xF;
	_ =	sdelay $0x7  }
0x14c: {  	v8 =	vadd.s32 v0, v8  }
0x14d: {  	vm14 =	vgt.s32 v57, v0;
	vm15 =	vlt.s32 v8, $0x10  }
0x14e: {  	vm0 =	vmand vm15, vm14;
	_ =	sdelay $0x2  }
.Ltmp10:
0x14f: {  	_ = 	snop;
	(pc) =	sbr.rel .LBB2_8-.Ltmp10, $4  }
0x150: {  	v63, _, _ =	vpop (xrf1)  }
0x151: {  	v9 =	vxor.u32 $0x80000000, v63;
	s31 =	spop (v2sf)  }
0x152: {  	[tilespmem:v8+s20+$0x0] =	vst.idx.msk vm0, v9;
	s16 =	sxor.u32 $0x80000000, s31  }
0x153: {  	[tilespmem:$0xC680] =	vst v10;
	[smem:$0x0] =	sst s16  }
.LBB2_10:
.Ltmp11:
0x154: {  	(pc) =	sbr.rel .LBB2_11-.Ltmp11, $2  }
0x155: {  	_ =	sdelay $0x2  }
0x156: {  	s28 =	sor.u32 $0x10, s26;
	s29 =	simm.s32 $0x0;
	s30 =	simm.s32 $0x0  }
.LBB2_15:
0x157: {  	v4 =	vld [tilespmem:$0xC600];
	_ =	sdelay $0x4  }
0x158: {  	v5 =	vnsel vm0, $0xFFFFFFFF, v4  }
0x159: {  	v5 =	vxor.u32 $0x80000000, v5  }
0x15a: {  	(xrf0) =	vmax.scan.msk.u32 $0xffff, v5;
	_ =	sdelay $0x1  }
0x15b: {  	v5 =	vld [tilespmem:$0xC680];
	_ =	sdelay $0x3  }
0x15c: {  	s0 =	sor.u32 s28, s30;
	s31 =	sshll.u32 s30, $0x7;
	s30 =	sadd.s32 $0x1, s30;
	v6, _, _ =	vpop (xrf0)  }
0x15d: {  	v7 =	vmov s0;
	p0 =	seq.s32 s30, $0x10;
	vm1 =	vgt.s32 v5, v0;
	v6 =	vxor.u32 $0x80000000, v6  }
.Ltmp12:
0x15e: {  	v4 =	vsel vm1, v4, v6;
	vm1 =	vgt.s32 v5, $0x0;
	(pc) =	sbr.rel @p0 .LBB2_16-.Ltmp12, $4  }
0x15f: {  	v6 =	vnsel vm1, $0x0, v4  }
0x160: {  	v4 =	vnsel vm1, $0x4000, v4;
	[tilespmem:s31+$0xCF00] =	vst v6  }
0x161: {  	[tilespmem:s31+$0xEF00] =	vst v4  }
0x162: {  	[tilespmem:v7+s21+$0x0] =	vst.idx.msk $0x1, v5  }
.LBB2_11:
0x163: {  	v4 =	vld [tilespmem:s26+$0xC010]  }
0x164: {  	v5 =	vld [tilespmem:s26+$0xC210];
	_ =	sdelay $0x1  }
0x165: {  	v6 =	vld [tilespmem:s26+$0xC410];
	_ =	sdelay $0x2  }
0x166: {  	v7 =	vmul.f32 v4, v4;
	v8 =	vmul.f32 v5, v5;
	_ =	sdelay $0x1  }
0x167: {  	v10 =	vmov s30;
	v7 =	vadd.f32 v8, v7;
	v8 =	vmul.f32 v6, v6  }
0x168: {  	v9 =	vshrl.u32 v4, $0x10;
	v62 =	vshrl.u32 v5, $0x10;
	v63 =	vshrl.u32 v6, $0x10  }
0x169: {  	v7 =	vadd.f32 v8, v7;
	v8 =	vand.u32 $0x1, v9;
	v9 =	vand.u32 $0x1, v63  }
.Ltmp13:
0x16a: {  	v8 =	vadd.s32 v8, v4;
	v4 =	vand.u32 $0x1, v62;
	v6 =	vadd.s32 v9, v6;
	(pc) =	sbr.rel .LBB2_12-.Ltmp13, $4  }
0x16b: {  	v5 =	vadd.s32 v4, v5;
	v4 =	vperm.xlane v7, v10;
	v7 =	vadd.s32 $0x7FFF, v8  }
0x16c: {  	v6 =	vadd.s32 $0x7FFF, v6;
	v7 =	vand.u32 $0xFFFF0000, v7;
	v8 =	vadd.s32 $0x7FFF, v5  }
0x16d: {  	[smem:$0x0] =	sst s29;
	s31 =	simm.s32 $0x40;
	s0 =	simm.s32 $0x8040;
	v5 =	vperm.xlane v7, v10;
	v7 =	vand.u32 $0xFFFF0000, v8;
	v8 =	vand.u32 $0xFFFF0000, v6  }
0x16e: {  	[tilespmem:$0xC680] =	vst v1;
	s1 =	simm.s32 $0x4040;
	s15 =	simm.s32 $0x0;
	s16 =	simm.s32 $0x0;
	v6 =	vperm.xlane v7, v10;
	v7 =	vperm.xlane v8, v10  }
.LBB2_14:
0x16f: {  	s17 =	sld [smem:$0x0];
	_ =	sdelay $0x1  }
0x170: {  	p0 =	sgt.u32 s16, $0x7E  }
0x171: {  	p1 =	slt.s32 @!p0 s17, $0x10  }
0x172: {  	p0 =	por p0, !p1  }
.Ltmp14:
0x173: {  	_ = 	snop;
	(pc) =	sbr.rel @p0 .LBB2_15-.Ltmp14, $3  }
0x174: {  	_ =	sdelay $0x1  }
0x175: {  	s16 =	sadd.s32 $0x1, s16;
	s15 =	sadd.s32 $0x80, s15  }
0x176: {  	s31 =	sadd.s32 $0x80, s31;
	s0 =	sadd.s32 $0x80, s0;
	s1 =	sadd.s32 $0x80, s1  }
.LBB2_12:
0x177: {  	v8 =	vld [tilespmem:s1+$0xFFFFFFC0]  }
0x178: {  	v9 =	vld [tilespmem:s1+$0xFFFFFFD0]  }
0x179: {  	v10 =	vld [tilespmem:s0+$0xFFFFFFC0]  }
0x17a: {  	v12 =	vld [tilespmem:s0+$0xFFFFFFD0]  }
0x17b: {  	v13 =	vld [tilespmem:s1+$0xFFFFFFE0]  }
0x17c: {  	v16 =	vld [tilespmem:s1+$0xFFFFFFF0]  }
0x17d: {  	v27 =	vld [tilespmem:s31+$0xFFFFFFD0]  }
0x17e: {  	v31 =	vld [tilespmem:s31+$0xFFFFFFE0]  }
0x17f: {  	v18 =	vld [tilespmem:s1+$0x0]  }
0x180: {  	v33 =	vld [tilespmem:s31+$0xFFFFFFF0]  }
0x181: {  	v19 =	vld [tilespmem:s1+$0x10]  }
0x182: {  	v40 =	vld [tilespmem:s1+$0x20];
	v11 =	vand.u32 $0xFFFF0000, v8  }
0x183: {  	v21 =	vld [tilespmem:s0+$0x20];
	v8 =	vshll.u32 v8, $0x10;
	v14 =	vand.u32 $0xFFFF0000, v9;
	v9 =	vshll.u32 v9, $0x10  }
0x184: {  	v10 =	vmul.f32 v10, v7;
	v26 =	vmul.f32 v12, v7;
	v28 =	vand.u32 $0xFFFF0000, v13  }
0x185: {  	v22 =	vld [tilespmem:s1+$0x30];
	v13 =	vshll.u32 v13, $0x10;
	v17 =	vand.u32 $0xFFFF0000, v16;
	v16 =	vshll.u32 v16, $0x10  }
0x186: {  	v12 =	vadd.f32 v27, v4;
	v34 =	vadd.f32 v31, v4;
	v36 =	vand.u32 $0xFFFF0000, v18  }
0x187: {  	v50 =	vld [tilespmem:s31+$0x20];
	v38 =	vadd.f32 v33, v4;
	v39 =	vshll.u32 v18, $0x10;
	v20 =	vand.u32 $0xFFFF0000, v19  }
0x188: {  	v56 =	vld [tilespmem:s31+$0x30];
	v19 =	vshll.u32 v19, $0x10;
	v45 =	vand.u32 $0xFFFF0000, v40;
	v49 =	vmul.f32 v21, v7  }
0x189: {  	v57 =	vld [tilespmem:s31+$0xFFFFFFC0];
	v18 =	vshll.u32 v40, $0x10;
	v11 =	vmul.f32 v11, v5;
	v8 =	vmul.f32 v8, v6  }
0x18a: {  	v51 =	vand.u32 $0xFFFF0000, v22;
	v14 =	vmul.f32 v14, v5;
	v9 =	vmul.f32 v9, v6  }
0x18b: {  	v48 =	vld [tilespmem:s0+$0x30];
	v22 =	vshll.u32 v22, $0x10;
	v30 =	vmul.f32 v13, v6;
	v32 =	vmul.f32 v17, v5  }
0x18c: {  	v29 =	vld [tilespmem:s0+$0xFFFFFFF0];
	v58 =	vadd.f32 v50, v4;
	v16 =	vmul.f32 v16, v6;
	v20 =	vmul.f32 v20, v5  }
0x18d: {  	v61 =	vadd.f32 v56, v4;
	v19 =	vmul.f32 v19, v6;
	v46 =	vmul.f32 v45, v5  }
0x18e: {  	v63 =	vadd.f32 v57, v4;
	v47 =	vmul.f32 v18, v6;
	v52 =	vmul.f32 v51, v5  }
0x18f: {  	v53 =	vmul.f32 v22, v6;
	v8 =	vadd.f32 v8, v11;
	v9 =	vadd.f32 v9, v14  }
0x190: {  	v15 =	vld [tilespmem:s0+$0xFFFFFFE0];
	v18 =	vmul.f32 v48, v7;
	v11 =	vadd.f32 v16, v32;
	v43 =	vadd.f32 v19, v20  }
0x191: {  	v42 =	vld [tilespmem:s31+$0x0];
	v14 =	vmul.f32 v29, v7;
	v16 =	vadd.f32 v47, v46;
	v55 =	vadd.f32 v53, v52  }
0x192: {  	v35 =	vld [tilespmem:s0+$0x0];
	v8 =	vadd.f32 v8, v10;
	v9 =	vadd.f32 v9, v26;
	v10 =	vmul.f32 v28, v5  }
0x193: {  	v37 =	vld [tilespmem:s0+$0x10];
	v17 =	vmul.f32 v39, v6;
	v11 =	vadd.f32 v11, v14;
	v54 =	vadd.f32 v16, v49  }
0x194: {  	v14 =	vmul.f32 v36, v5;
	v60 =	vadd.f32 v55, v18;
	v10 =	vadd.f32 v30, v10  }
0x195: {  	v15 =	vmul.f32 v15, v7;
	v9 =	vadd.f32 v9, v9;
	v11 =	vadd.f32 v11, v11  }
0x196: {  	v41 =	vadd.f32 v17, v14;
	v14 =	vadd.f32 v42, v4  }
0x197: {  	v44 =	vld [tilespmem:s31+$0x10];
	v13 =	vmul.f32 v35, v7;
	v62 =	vadd.f32 v60, v60;
	v10 =	vadd.f32 v10, v15  }
0x198: {  	v8 =	vadd.f32 v8, v8;
	v9 =	vsub.f32 v12, v9;
	v15 =	vmul.f32 v37, v7  }
0x199: {  	v12 =	vadd.f32 v41, v13;
	v10 =	vadd.f32 v10, v10  }
0x19a: {  	v11 =	vsub.f32 v38, v11;
	v15 =	vadd.f32 v43, v15  }
0x19b: {  	v12 =	vadd.f32 v12, v12;
	v10 =	vsub.f32 v34, v10  }
0x19c: {  	v13 =	vadd.f32 v44, v4;
	vm1 =	vlt.f32 v9, $6.399999860e-01;
	v15 =	vadd.f32 v15, v15  }
0x19d: {  	v9 =	vadd.f32 v54, v54;
	v59 =	vsub.f32 v14, v12;
	vm2 =	vlt.f32 v10, $6.399999860e-01  }
0x19e: {  	vm3 =	vlt.f32 v11, $6.399999860e-01;
	v13 =	vsub.f32 v13, v15;
	vm1 =	vmor vm1, vm2  }
0x19f: {  	v9 =	vsub.f32 v58, v9;
	vm2 =	vlt.f32 v59, $6.399999860e-01;
	vm1 =	vmor vm1, vm3  }
0x1a0: {  	v10 =	vsub.f32 v61, v62;
	vm3 =	vlt.f32 v13, $6.399999860e-01;
	vm1 =	vmor vm1, vm2  }
0x1a1: {  	v8 =	vsub.f32 v63, v8;
	vm2 =	vlt.f32 v9, $6.399999860e-01;
	vm1 =	vmor vm1, vm3  }
0x1a2: {  	vm3 =	vlt.f32 v10, $6.399999860e-01;
	vm2 =	vmor vm1, vm2  }
0x1a3: {  	vm1 =	vlt.f32 v8, $6.399999860e-01;
	vm2 =	vmor vm2, vm3  }
0x1a4: {  	vm2 =	vmor vm1, vm2  }
0x1a5: {  	v8 =	vsel vm2, $0x3F800000, v2  }
0x1a6: {  	(xrf0) =	vmax.scan.msk.f32 $0xffff, v8;
	_ =	sdelay $0x5  }
0x1a7: {  	v8, _, _ =	vpop (xrf0)  }
0x1a8: {  	(v2sf) =	vpush v8, $0xF;
	_ =	sdelay $0xe  }
0x1a9: {  	s17 =	spop (v2sf)  }
0x1aa: {  	p0 =	sgt.f32 s17, $0.0e+00  }
.Ltmp15:
0x1ab: {  	_ = 	snop;
	(pc) =	sbr.rel @!p0 .LBB2_14-.Ltmp15, $1  }
0x1ac: {  	_ =	sdelay $0x3  }
0x1ad: {  	v8 =	vor.u32 s15, v0;
	v9 =	vor.u32 s15, v3  }
0x1ae: {  	(xrf1) =	vsort.ascd.msk.u32 vm1, v9, v8;
	_ =	sdelay $0x2  }
0x1af: {  	v8 =	vld [tilespmem:$0xC680];
	_ =	sdelay $0x3  }
0x1b0: {  	v63 =	vmpcnt.ones.xlane vm1  }
0x1b1: {  	v10 =	vadd.s32 v0, v8  }
0x1b2: {  	vm1 =	vgt.s32 v63, v0;
	vm2 =	vlt.s32 v10, $0x10  }
0x1b3: {  	vm1 =	vmand vm1, vm2;
	_ =	sdelay $0x3  }
0x1b4: {  	v11, _, _ =	vpop (xrf1)  }
0x1b5: {  	v11 =	vxor.u32 $0x80000000, v11  }
0x1b6: {  	[tilespmem:v10+s20+$0x0] =	vst.idx.msk vm1, v11  }
0x1b7: {  	v10 =	vld [tilespmem:s1+$0xFFFFFFD0];
	_ =	sdelay $0x2  }
0x1b8: {  	v11 =	vld [tilespmem:s0+$0xFFFFFFD0];
	_ =	sdelay $0x1  }
0x1b9: {  	v12 =	vand.u32 $0xFFFF0000, v10;
	v10 =	vshll.u32 v10, $0x10  }
0x1ba: {  	v12 =	vmul.f32 v12, v5;
	v10 =	vmul.f32 v10, v6  }
0x1bb: {  	v13 =	vld [tilespmem:s31+$0xFFFFFFD0]  }
0x1bc: {  	v11 =	vmul.f32 v11, v7;
	v10 =	vadd.f32 v10, v12;
	_ =	sdelay $0x1  }
0x1bd: {  	v10 =	vadd.f32 v10, v11;
	_ =	sdelay $0x1  }
0x1be: {  	v14 =	vadd.f32 v13, v4;
	v10 =	vadd.f32 v10, v10;
	_ =	sdelay $0x1  }
0x1bf: {  	v10 =	vsub.f32 v14, v10  }
0x1c0: {  	s17 =	sadd.s32 $0x10, s15  }
0x1c1: {  	v15 =	vor.u32 s17, v0;
	v16 =	vor.u32 s17, v3;
	vm1 =	vlt.f32 v10, $6.399999860e-01  }
0x1c2: {  	(xrf1) =	vsort.ascd.msk.u32 vm1, v16, v15;
	_ =	sdelay $0x4  }
0x1c3: {  	v8 =	vadd.s32 v8, v63  }
0x1c4: {  	vm2 =	vlt.s32 v8, $0x10  }
0x1c5: {  	v8 =	vnsel vm2, $0x10, v8;
	v17 =	vmpcnt.ones.xlane vm1  }
0x1c6: {  	v18 =	vadd.s32 v0, v8  }
0x1c7: {  	vm2 =	vlt.s32 v18, $0x10;
	vm1 =	vgt.s32 v17, v0  }
0x1c8: {  	vm1 =	vmand vm2, vm1;
	_ =	sdelay $0x3  }
0x1c9: {  	v11, _, _ =	vpop (xrf1)  }
0x1ca: {  	v11 =	vxor.u32 $0x80000000, v11  }
0x1cb: {  	[tilespmem:v18+s20+$0x0] =	vst.idx.msk vm1, v11  }
0x1cc: {  	v10 =	vld [tilespmem:s1+$0xFFFFFFE0];
	_ =	sdelay $0x2  }
0x1cd: {  	v11 =	vld [tilespmem:s0+$0xFFFFFFE0];
	_ =	sdelay $0x1  }
0x1ce: {  	v19 =	vand.u32 $0xFFFF0000, v10;
	v10 =	vshll.u32 v10, $0x10  }
0x1cf: {  	v12 =	vmul.f32 v19, v5;
	v10 =	vmul.f32 v10, v6  }
0x1d0: {  	v20 =	vld [tilespmem:s31+$0xFFFFFFE0]  }
0x1d1: {  	v11 =	vmul.f32 v11, v7;
	v10 =	vadd.f32 v10, v12;
	_ =	sdelay $0x1  }
0x1d2: {  	v10 =	vadd.f32 v10, v11;
	_ =	sdelay $0x1  }
0x1d3: {  	v21 =	vadd.f32 v20, v4;
	v10 =	vadd.f32 v10, v10;
	_ =	sdelay $0x1  }
0x1d4: {  	v10 =	vsub.f32 v21, v10  }
0x1d5: {  	s17 =	sadd.s32 $0x20, s15  }
0x1d6: {  	v22 =	vor.u32 s17, v0;
	v23 =	vor.u32 s17, v3;
	vm1 =	vlt.f32 v10, $6.399999860e-01  }
0x1d7: {  	(xrf1) =	vsort.ascd.msk.u32 vm1, v23, v22;
	_ =	sdelay $0x4  }
0x1d8: {  	v8 =	vadd.s32 v8, v17  }
0x1d9: {  	vm2 =	vlt.s32 v8, $0x10  }
0x1da: {  	v8 =	vnsel vm2, $0x10, v8;
	v24 =	vmpcnt.ones.xlane vm1  }
0x1db: {  	v25 =	vadd.s32 v0, v8  }
0x1dc: {  	vm2 =	vlt.s32 v25, $0x10;
	vm1 =	vgt.s32 v24, v0  }
0x1dd: {  	vm1 =	vmand vm2, vm1;
	_ =	sdelay $0x3  }
0x1de: {  	v11, _, _ =	vpop (xrf1)  }
0x1df: {  	v11 =	vxor.u32 $0x80000000, v11  }
0x1e0: {  	[tilespmem:v25+s20+$0x0] =	vst.idx.msk vm1, v11  }
0x1e1: {  	v10 =	vld [tilespmem:s1+$0xFFFFFFF0];
	_ =	sdelay $0x2  }
0x1e2: {  	v11 =	vld [tilespmem:s0+$0xFFFFFFF0];
	_ =	sdelay $0x1  }
0x1e3: {  	v26 =	vand.u32 $0xFFFF0000, v10;
	v10 =	vshll.u32 v10, $0x10  }
0x1e4: {  	v12 =	vmul.f32 v26, v5;
	v10 =	vmul.f32 v10, v6  }
0x1e5: {  	v27 =	vld [tilespmem:s31+$0xFFFFFFF0]  }
0x1e6: {  	v11 =	vmul.f32 v11, v7;
	v10 =	vadd.f32 v10, v12;
	_ =	sdelay $0x1  }
0x1e7: {  	v10 =	vadd.f32 v10, v11;
	_ =	sdelay $0x1  }
0x1e8: {  	v28 =	vadd.f32 v27, v4;
	v10 =	vadd.f32 v10, v10;
	_ =	sdelay $0x1  }
0x1e9: {  	v10 =	vsub.f32 v28, v10  }
0x1ea: {  	s17 =	sadd.s32 $0x30, s15  }
0x1eb: {  	v29 =	vor.u32 s17, v0;
	v30 =	vor.u32 s17, v3;
	vm1 =	vlt.f32 v10, $6.399999860e-01  }
0x1ec: {  	(xrf1) =	vsort.ascd.msk.u32 vm1, v30, v29;
	_ =	sdelay $0x4  }
0x1ed: {  	v8 =	vadd.s32 v8, v24  }
0x1ee: {  	vm2 =	vlt.s32 v8, $0x10  }
0x1ef: {  	v8 =	vnsel vm2, $0x10, v8;
	v31 =	vmpcnt.ones.xlane vm1  }
0x1f0: {  	v32 =	vadd.s32 v0, v8  }
0x1f1: {  	vm2 =	vlt.s32 v32, $0x10;
	vm1 =	vgt.s32 v31, v0  }
0x1f2: {  	vm1 =	vmand vm2, vm1;
	_ =	sdelay $0x3  }
0x1f3: {  	v11, _, _ =	vpop (xrf1)  }
0x1f4: {  	v11 =	vxor.u32 $0x80000000, v11  }
0x1f5: {  	[tilespmem:v32+s20+$0x0] =	vst.idx.msk vm1, v11  }
0x1f6: {  	v10 =	vld [tilespmem:s1+$0x0];
	_ =	sdelay $0x2  }
0x1f7: {  	v11 =	vld [tilespmem:s0+$0x0];
	_ =	sdelay $0x1  }
0x1f8: {  	v33 =	vand.u32 $0xFFFF0000, v10;
	v10 =	vshll.u32 v10, $0x10  }
0x1f9: {  	v12 =	vmul.f32 v33, v5;
	v10 =	vmul.f32 v10, v6  }
0x1fa: {  	v34 =	vld [tilespmem:s31+$0x0]  }
0x1fb: {  	v11 =	vmul.f32 v11, v7;
	v10 =	vadd.f32 v10, v12;
	_ =	sdelay $0x1  }
0x1fc: {  	v10 =	vadd.f32 v10, v11;
	_ =	sdelay $0x1  }
0x1fd: {  	v35 =	vadd.f32 v34, v4;
	v10 =	vadd.f32 v10, v10;
	_ =	sdelay $0x1  }
0x1fe: {  	v10 =	vsub.f32 v35, v10  }
0x1ff: {  	s17 =	sadd.s32 $0x40, s15  }
0x200: {  	v36 =	vor.u32 s17, v0;
	v37 =	vor.u32 s17, v3;
	vm1 =	vlt.f32 v10, $6.399999860e-01  }
0x201: {  	(xrf1) =	vsort.ascd.msk.u32 vm1, v37, v36;
	_ =	sdelay $0x4  }
0x202: {  	v8 =	vadd.s32 v8, v31  }
0x203: {  	vm2 =	vlt.s32 v8, $0x10  }
0x204: {  	v8 =	vnsel vm2, $0x10, v8;
	v38 =	vmpcnt.ones.xlane vm1  }
0x205: {  	v39 =	vadd.s32 v0, v8  }
0x206: {  	vm2 =	vlt.s32 v39, $0x10;
	vm1 =	vgt.s32 v38, v0  }
0x207: {  	vm1 =	vmand vm2, vm1;
	_ =	sdelay $0x3  }
0x208: {  	v11, _, _ =	vpop (xrf1)  }
0x209: {  	v11 =	vxor.u32 $0x80000000, v11  }
0x20a: {  	[tilespmem:v39+s20+$0x0] =	vst.idx.msk vm1, v11  }
0x20b: {  	v10 =	vld [tilespmem:s1+$0x10];
	_ =	sdelay $0x2  }
0x20c: {  	v11 =	vld [tilespmem:s0+$0x10];
	_ =	sdelay $0x1  }
0x20d: {  	v40 =	vand.u32 $0xFFFF0000, v10;
	v10 =	vshll.u32 v10, $0x10  }
0x20e: {  	v12 =	vmul.f32 v40, v5;
	v10 =	vmul.f32 v10, v6  }
0x20f: {  	v41 =	vld [tilespmem:s31+$0x10]  }
0x210: {  	v11 =	vmul.f32 v11, v7;
	v10 =	vadd.f32 v10, v12;
	_ =	sdelay $0x1  }
0x211: {  	v10 =	vadd.f32 v10, v11;
	_ =	sdelay $0x1  }
0x212: {  	v42 =	vadd.f32 v41, v4;
	v10 =	vadd.f32 v10, v10;
	_ =	sdelay $0x1  }
0x213: {  	v10 =	vsub.f32 v42, v10  }
0x214: {  	s17 =	sadd.s32 $0x50, s15  }
0x215: {  	v43 =	vor.u32 s17, v0;
	v44 =	vor.u32 s17, v3;
	vm1 =	vlt.f32 v10, $6.399999860e-01  }
0x216: {  	(xrf1) =	vsort.ascd.msk.u32 vm1, v44, v43;
	_ =	sdelay $0x4  }
0x217: {  	v8 =	vadd.s32 v8, v38  }
0x218: {  	vm2 =	vlt.s32 v8, $0x10  }
0x219: {  	v8 =	vnsel vm2, $0x10, v8;
	v45 =	vmpcnt.ones.xlane vm1  }
0x21a: {  	v46 =	vadd.s32 v0, v8  }
0x21b: {  	vm2 =	vlt.s32 v46, $0x10;
	vm1 =	vgt.s32 v45, v0  }
0x21c: {  	vm1 =	vmand vm2, vm1;
	_ =	sdelay $0x3  }
0x21d: {  	v11, _, _ =	vpop (xrf1)  }
0x21e: {  	v11 =	vxor.u32 $0x80000000, v11  }
0x21f: {  	[tilespmem:v46+s20+$0x0] =	vst.idx.msk vm1, v11  }
0x220: {  	v10 =	vld [tilespmem:s1+$0x20];
	_ =	sdelay $0x2  }
0x221: {  	v11 =	vld [tilespmem:s0+$0x20];
	_ =	sdelay $0x1  }
0x222: {  	v47 =	vand.u32 $0xFFFF0000, v10;
	v10 =	vshll.u32 v10, $0x10  }
0x223: {  	v12 =	vmul.f32 v47, v5;
	v10 =	vmul.f32 v10, v6  }
0x224: {  	v48 =	vld [tilespmem:s31+$0x20]  }
0x225: {  	v11 =	vmul.f32 v11, v7;
	v10 =	vadd.f32 v10, v12;
	_ =	sdelay $0x1  }
0x226: {  	v10 =	vadd.f32 v10, v11;
	_ =	sdelay $0x1  }
0x227: {  	v49 =	vadd.f32 v48, v4;
	v10 =	vadd.f32 v10, v10;
	_ =	sdelay $0x1  }
0x228: {  	v10 =	vsub.f32 v49, v10  }
0x229: {  	s17 =	sadd.s32 $0x60, s15  }
0x22a: {  	v50 =	vor.u32 s17, v0;
	v51 =	vor.u32 s17, v3;
	vm1 =	vlt.f32 v10, $6.399999860e-01  }
0x22b: {  	(xrf1) =	vsort.ascd.msk.u32 vm1, v51, v50;
	_ =	sdelay $0x4  }
0x22c: {  	v8 =	vadd.s32 v8, v45  }
0x22d: {  	vm2 =	vlt.s32 v8, $0x10  }
0x22e: {  	v8 =	vnsel vm2, $0x10, v8;
	v52 =	vmpcnt.ones.xlane vm1  }
0x22f: {  	v53 =	vadd.s32 v0, v8  }
0x230: {  	vm2 =	vlt.s32 v53, $0x10;
	vm1 =	vgt.s32 v52, v0  }
0x231: {  	vm1 =	vmand vm2, vm1;
	_ =	sdelay $0x3  }
0x232: {  	v11, _, _ =	vpop (xrf1)  }
0x233: {  	v11 =	vxor.u32 $0x80000000, v11  }
0x234: {  	[tilespmem:v53+s20+$0x0] =	vst.idx.msk vm1, v11  }
0x235: {  	v10 =	vld [tilespmem:s1+$0x30];
	_ =	sdelay $0x2  }
0x236: {  	v11 =	vld [tilespmem:s0+$0x30];
	_ =	sdelay $0x1  }
0x237: {  	v54 =	vand.u32 $0xFFFF0000, v10;
	v10 =	vshll.u32 v10, $0x10  }
0x238: {  	v12 =	vmul.f32 v54, v5;
	v10 =	vmul.f32 v10, v6  }
0x239: {  	v55 =	vld [tilespmem:s31+$0x30]  }
0x23a: {  	v11 =	vmul.f32 v11, v7;
	v10 =	vadd.f32 v10, v12;
	_ =	sdelay $0x1  }
0x23b: {  	v10 =	vadd.f32 v10, v11;
	_ =	sdelay $0x1  }
0x23c: {  	v56 =	vadd.f32 v55, v4;
	v10 =	vadd.f32 v10, v10;
	_ =	sdelay $0x1  }
0x23d: {  	v10 =	vsub.f32 v56, v10;
	_ =	sdelay $0x1  }
0x23e: {  	v8 =	vadd.s32 v8, v52;
	vm1 =	vlt.f32 v10, $6.399999860e-01  }
0x23f: {  	vm2 =	vlt.s32 v8, $0x10;
	v57 =	vmpcnt.ones.xlane vm1  }
0x240: {  	v8 =	vnsel vm2, $0x10, v8  }
0x241: {  	v58 =	vadd.s32 v8, v57  }
0x242: {  	vm2 =	vlt.s32 v58, $0x10  }
0x243: {  	v10 =	vnsel vm2, $0x10, v58  }
0x244: {  	v59 =	vxor.u32 $0x80000000, v10  }
0x245: {  	(xrf0) =	vmax.scan.msk.u32 $0xffff, v59;
	_ =	sdelay $0x4  }
0x246: {  	s17 =	sadd.s32 $0x70, s15  }
0x247: {  	v60 =	vor.u32 s17, v0;
	v61 =	vor.u32 s17, v3;
	v62, _, _ =	vpop (xrf0)  }
0x248: {  	(xrf1) =	vsort.ascd.msk.u32 vm1, v61, v60;
	(v2sf) =	vpush v62, $0xF;
	_ =	sdelay $0x7  }
0x249: {  	v8 =	vadd.s32 v0, v8  }
0x24a: {  	vm1 =	vgt.s32 v57, v0;
	vm2 =	vlt.s32 v8, $0x10  }
0x24b: {  	vm1 =	vmand vm2, vm1;
	_ =	sdelay $0x2  }
.Ltmp16:
0x24c: {  	_ = 	snop;
	(pc) =	sbr.rel .LBB2_14-.Ltmp16, $4  }
0x24d: {  	v63, _, _ =	vpop (xrf1)  }
0x24e: {  	v9 =	vxor.u32 $0x80000000, v63;
	s17 =	spop (v2sf)  }
0x24f: {  	[tilespmem:v8+s20+$0x0] =	vst.idx.msk vm1, v9;
	s17 =	sxor.u32 $0x80000000, s17  }
0x250: {  	[tilespmem:$0xC680] =	vst v10;
	[smem:$0x0] =	sst s17  }
.LBB2_16:
.Ltmp17:
0x251: {  	(pc) =	sbr.rel .LBB2_17-.Ltmp17, $2  }
0x252: {  	_ =	sdelay $0x2  }
0x253: {  	s28 =	sor.u32 $0x20, s26;
	s29 =	simm.s32 $0x0;
	s30 =	simm.s32 $0x0  }
.LBB2_21:
0x254: {  	v4 =	vld [tilespmem:$0xC600];
	_ =	sdelay $0x4  }
0x255: {  	v5 =	vnsel vm0, $0xFFFFFFFF, v4  }
0x256: {  	v5 =	vxor.u32 $0x80000000, v5  }
0x257: {  	(xrf0) =	vmax.scan.msk.u32 $0xffff, v5;
	_ =	sdelay $0x1  }
0x258: {  	v5 =	vld [tilespmem:$0xC680];
	_ =	sdelay $0x3  }
0x259: {  	s0 =	sor.u32 s28, s30;
	s31 =	sshll.u32 s30, $0x7;
	s30 =	sadd.s32 $0x1, s30;
	v6, _, _ =	vpop (xrf0)  }
0x25a: {  	v7 =	vmov s0;
	p0 =	seq.s32 s30, $0x10;
	vm1 =	vgt.s32 v5, v0;
	v6 =	vxor.u32 $0x80000000, v6  }
.Ltmp18:
0x25b: {  	v4 =	vsel vm1, v4, v6;
	vm1 =	vgt.s32 v5, $0x0;
	(pc) =	sbr.rel @p0 .LBB2_22-.Ltmp18, $4  }
0x25c: {  	v6 =	vnsel vm1, $0x0, v4  }
0x25d: {  	v4 =	vnsel vm1, $0x4000, v4;
	[tilespmem:s31+$0xD700] =	vst v6  }
0x25e: {  	[tilespmem:s31+$0xF700] =	vst v4  }
0x25f: {  	[tilespmem:v7+s21+$0x0] =	vst.idx.msk $0x1, v5  }
.LBB2_17:
0x260: {  	v4 =	vld [tilespmem:s26+$0xC020]  }
0x261: {  	v5 =	vld [tilespmem:s26+$0xC220];
	_ =	sdelay $0x1  }
0x262: {  	v6 =	vld [tilespmem:s26+$0xC420];
	_ =	sdelay $0x2  }
0x263: {  	v7 =	vmul.f32 v4, v4;
	v8 =	vmul.f32 v5, v5;
	_ =	sdelay $0x1  }
0x264: {  	v10 =	vmov s30;
	v7 =	vadd.f32 v8, v7;
	v8 =	vmul.f32 v6, v6  }
0x265: {  	v9 =	vshrl.u32 v4, $0x10;
	v62 =	vshrl.u32 v5, $0x10;
	v63 =	vshrl.u32 v6, $0x10  }
0x266: {  	v7 =	vadd.f32 v8, v7;
	v8 =	vand.u32 $0x1, v9;
	v9 =	vand.u32 $0x1, v63  }
.Ltmp19:
0x267: {  	v8 =	vadd.s32 v8, v4;
	v4 =	vand.u32 $0x1, v62;
	v6 =	vadd.s32 v9, v6;
	(pc) =	sbr.rel .LBB2_18-.Ltmp19, $4  }
0x268: {  	v5 =	vadd.s32 v4, v5;
	v4 =	vperm.xlane v7, v10;
	v7 =	vadd.s32 $0x7FFF, v8  }
0x269: {  	v6 =	vadd.s32 $0x7FFF, v6;
	v7 =	vand.u32 $0xFFFF0000, v7;
	v8 =	vadd.s32 $0x7FFF, v5  }
0x26a: {  	[smem:$0x0] =	sst s29;
	s31 =	simm.s32 $0x40;
	s0 =	simm.s32 $0x8040;
	v5 =	vperm.xlane v7, v10;
	v7 =	vand.u32 $0xFFFF0000, v8;
	v8 =	vand.u32 $0xFFFF0000, v6  }
0x26b: {  	[tilespmem:$0xC680] =	vst v1;
	s1 =	simm.s32 $0x4040;
	s15 =	simm.s32 $0x0;
	s16 =	simm.s32 $0x0;
	v6 =	vperm.xlane v7, v10;
	v7 =	vperm.xlane v8, v10  }
.LBB2_20:
0x26c: {  	s17 =	sld [smem:$0x0];
	_ =	sdelay $0x1  }
0x26d: {  	p0 =	sgt.u32 s16, $0x7E  }
0x26e: {  	p1 =	slt.s32 @!p0 s17, $0x10  }
0x26f: {  	p0 =	por p0, !p1  }
.Ltmp20:
0x270: {  	_ = 	snop;
	(pc) =	sbr.rel @p0 .LBB2_21-.Ltmp20, $3  }
0x271: {  	_ =	sdelay $0x1  }
0x272: {  	s16 =	sadd.s32 $0x1, s16;
	s15 =	sadd.s32 $0x80, s15  }
0x273: {  	s31 =	sadd.s32 $0x80, s31;
	s0 =	sadd.s32 $0x80, s0;
	s1 =	sadd.s32 $0x80, s1  }
.LBB2_18:
0x274: {  	v8 =	vld [tilespmem:s1+$0xFFFFFFC0]  }
0x275: {  	v9 =	vld [tilespmem:s1+$0xFFFFFFD0]  }
0x276: {  	v10 =	vld [tilespmem:s0+$0xFFFFFFC0]  }
0x277: {  	v12 =	vld [tilespmem:s0+$0xFFFFFFD0]  }
0x278: {  	v13 =	vld [tilespmem:s1+$0xFFFFFFE0]  }
0x279: {  	v16 =	vld [tilespmem:s1+$0xFFFFFFF0]  }
0x27a: {  	v27 =	vld [tilespmem:s31+$0xFFFFFFD0]  }
0x27b: {  	v31 =	vld [tilespmem:s31+$0xFFFFFFE0]  }
0x27c: {  	v18 =	vld [tilespmem:s1+$0x0]  }
0x27d: {  	v33 =	vld [tilespmem:s31+$0xFFFFFFF0]  }
0x27e: {  	v19 =	vld [tilespmem:s1+$0x10]  }
0x27f: {  	v40 =	vld [tilespmem:s1+$0x20];
	v11 =	vand.u32 $0xFFFF0000, v8  }
0x280: {  	v21 =	vld [tilespmem:s0+$0x20];
	v8 =	vshll.u32 v8, $0x10;
	v14 =	vand.u32 $0xFFFF0000, v9;
	v9 =	vshll.u32 v9, $0x10  }
0x281: {  	v10 =	vmul.f32 v10, v7;
	v26 =	vmul.f32 v12, v7;
	v28 =	vand.u32 $0xFFFF0000, v13  }
0x282: {  	v22 =	vld [tilespmem:s1+$0x30];
	v13 =	vshll.u32 v13, $0x10;
	v17 =	vand.u32 $0xFFFF0000, v16;
	v16 =	vshll.u32 v16, $0x10  }
0x283: {  	v12 =	vadd.f32 v27, v4;
	v34 =	vadd.f32 v31, v4;
	v36 =	vand.u32 $0xFFFF0000, v18  }
0x284: {  	v50 =	vld [tilespmem:s31+$0x20];
	v38 =	vadd.f32 v33, v4;
	v39 =	vshll.u32 v18, $0x10;
	v20 =	vand.u32 $0xFFFF0000, v19  }
0x285: {  	v56 =	vld [tilespmem:s31+$0x30];
	v19 =	vshll.u32 v19, $0x10;
	v45 =	vand.u32 $0xFFFF0000, v40;
	v49 =	vmul.f32 v21, v7  }
0x286: {  	v57 =	vld [tilespmem:s31+$0xFFFFFFC0];
	v18 =	vshll.u32 v40, $0x10;
	v11 =	vmul.f32 v11, v5;
	v8 =	vmul.f32 v8, v6  }
0x287: {  	v51 =	vand.u32 $0xFFFF0000, v22;
	v14 =	vmul.f32 v14, v5;
	v9 =	vmul.f32 v9, v6  }
0x288: {  	v48 =	vld [tilespmem:s0+$0x30];
	v22 =	vshll.u32 v22, $0x10;
	v30 =	vmul.f32 v13, v6;
	v32 =	vmul.f32 v17, v5  }
0x289: {  	v29 =	vld [tilespmem:s0+$0xFFFFFFF0];
	v58 =	vadd.f32 v50, v4;
	v16 =	vmul.f32 v16, v6;
	v20 =	vmul.f32 v20, v5  }
0x28a: {  	v61 =	vadd.f32 v56, v4;
	v19 =	vmul.f32 v19, v6;
	v46 =	vmul.f32 v45, v5  }
0x28b: {  	v63 =	vadd.f32 v57, v4;
	v47 =	vmul.f32 v18, v6;
	v52 =	vmul.f32 v51, v5  }
0x28c: {  	v53 =	vmul.f32 v22, v6;
	v8 =	vadd.f32 v8, v11;
	v9 =	vadd.f32 v9, v14  }
0x28d: {  	v15 =	vld [tilespmem:s0+$0xFFFFFFE0];
	v18 =	vmul.f32 v48, v7;
	v11 =	vadd.f32 v16, v32;
	v43 =	vadd.f32 v19, v20  }
0x28e: {  	v42 =	vld [tilespmem:s31+$0x0];
	v14 =	vmul.f32 v29, v7;
	v16 =	vadd.f32 v47, v46;
	v55 =	vadd.f32 v53, v52  }
0x28f: {  	v35 =	vld [tilespmem:s0+$0x0];
	v8 =	vadd.f32 v8, v10;
	v9 =	vadd.f32 v9, v26;
	v10 =	vmul.f32 v28, v5  }
0x290: {  	v37 =	vld [tilespmem:s0+$0x10];
	v17 =	vmul.f32 v39, v6;
	v11 =	vadd.f32 v11, v14;
	v54 =	vadd.f32 v16, v49  }
0x291: {  	v14 =	vmul.f32 v36, v5;
	v60 =	vadd.f32 v55, v18;
	v10 =	vadd.f32 v30, v10  }
0x292: {  	v15 =	vmul.f32 v15, v7;
	v9 =	vadd.f32 v9, v9;
	v11 =	vadd.f32 v11, v11  }
0x293: {  	v41 =	vadd.f32 v17, v14;
	v14 =	vadd.f32 v42, v4  }
0x294: {  	v44 =	vld [tilespmem:s31+$0x10];
	v13 =	vmul.f32 v35, v7;
	v62 =	vadd.f32 v60, v60;
	v10 =	vadd.f32 v10, v15  }
0x295: {  	v8 =	vadd.f32 v8, v8;
	v9 =	vsub.f32 v12, v9;
	v15 =	vmul.f32 v37, v7  }
0x296: {  	v12 =	vadd.f32 v41, v13;
	v10 =	vadd.f32 v10, v10  }
0x297: {  	v11 =	vsub.f32 v38, v11;
	v15 =	vadd.f32 v43, v15  }
0x298: {  	v12 =	vadd.f32 v12, v12;
	v10 =	vsub.f32 v34, v10  }
0x299: {  	v13 =	vadd.f32 v44, v4;
	vm1 =	vlt.f32 v9, $6.399999860e-01;
	v15 =	vadd.f32 v15, v15  }
0x29a: {  	v9 =	vadd.f32 v54, v54;
	v59 =	vsub.f32 v14, v12;
	vm2 =	vlt.f32 v10, $6.399999860e-01  }
0x29b: {  	vm3 =	vlt.f32 v11, $6.399999860e-01;
	v13 =	vsub.f32 v13, v15;
	vm1 =	vmor vm1, vm2  }
0x29c: {  	v9 =	vsub.f32 v58, v9;
	vm2 =	vlt.f32 v59, $6.399999860e-01;
	vm1 =	vmor vm1, vm3  }
0x29d: {  	v10 =	vsub.f32 v61, v62;
	vm3 =	vlt.f32 v13, $6.399999860e-01;
	vm1 =	vmor vm1, vm2  }
0x29e: {  	v8 =	vsub.f32 v63, v8;
	vm2 =	vlt.f32 v9, $6.399999860e-01;
	vm1 =	vmor vm1, vm3  }
0x29f: {  	vm3 =	vlt.f32 v10, $6.399999860e-01;
	vm2 =	vmor vm1, vm2  }
0x2a0: {  	vm1 =	vlt.f32 v8, $6.399999860e-01;
	vm2 =	vmor vm2, vm3  }
0x2a1: {  	vm2 =	vmor vm1, vm2  }
0x2a2: {  	v8 =	vsel vm2, $0x3F800000, v2  }
0x2a3: {  	(xrf0) =	vmax.scan.msk.f32 $0xffff, v8;
	_ =	sdelay $0x5  }
0x2a4: {  	v8, _, _ =	vpop (xrf0)  }
0x2a5: {  	(v2sf) =	vpush v8, $0xF;
	_ =	sdelay $0xe  }
0x2a6: {  	s17 =	spop (v2sf)  }
0x2a7: {  	p0 =	sgt.f32 s17, $0.0e+00  }
.Ltmp21:
0x2a8: {  	_ = 	snop;
	(pc) =	sbr.rel @!p0 .LBB2_20-.Ltmp21, $1  }
0x2a9: {  	_ =	sdelay $0x3  }
0x2aa: {  	v8 =	vor.u32 s15, v0;
	v9 =	vor.u32 s15, v3  }
0x2ab: {  	(xrf1) =	vsort.ascd.msk.u32 vm1, v9, v8;
	_ =	sdelay $0x2  }
0x2ac: {  	v8 =	vld [tilespmem:$0xC680];
	_ =	sdelay $0x3  }
0x2ad: {  	v63 =	vmpcnt.ones.xlane vm1  }
0x2ae: {  	v10 =	vadd.s32 v0, v8  }
0x2af: {  	vm1 =	vgt.s32 v63, v0;
	vm2 =	vlt.s32 v10, $0x10  }
0x2b0: {  	vm1 =	vmand vm1, vm2;
	_ =	sdelay $0x3  }
0x2b1: {  	v11, _, _ =	vpop (xrf1)  }
0x2b2: {  	v11 =	vxor.u32 $0x80000000, v11  }
0x2b3: {  	[tilespmem:v10+s20+$0x0] =	vst.idx.msk vm1, v11  }
0x2b4: {  	v10 =	vld [tilespmem:s1+$0xFFFFFFD0];
	_ =	sdelay $0x2  }
0x2b5: {  	v11 =	vld [tilespmem:s0+$0xFFFFFFD0];
	_ =	sdelay $0x1  }
0x2b6: {  	v12 =	vand.u32 $0xFFFF0000, v10;
	v10 =	vshll.u32 v10, $0x10  }
0x2b7: {  	v12 =	vmul.f32 v12, v5;
	v10 =	vmul.f32 v10, v6  }
0x2b8: {  	v13 =	vld [tilespmem:s31+$0xFFFFFFD0]  }
0x2b9: {  	v11 =	vmul.f32 v11, v7;
	v10 =	vadd.f32 v10, v12;
	_ =	sdelay $0x1  }
0x2ba: {  	v10 =	vadd.f32 v10, v11;
	_ =	sdelay $0x1  }
0x2bb: {  	v14 =	vadd.f32 v13, v4;
	v10 =	vadd.f32 v10, v10;
	_ =	sdelay $0x1  }
0x2bc: {  	v10 =	vsub.f32 v14, v10  }
0x2bd: {  	s17 =	sadd.s32 $0x10, s15  }
0x2be: {  	v15 =	vor.u32 s17, v0;
	v16 =	vor.u32 s17, v3;
	vm1 =	vlt.f32 v10, $6.399999860e-01  }
0x2bf: {  	(xrf1) =	vsort.ascd.msk.u32 vm1, v16, v15;
	_ =	sdelay $0x4  }
0x2c0: {  	v8 =	vadd.s32 v8, v63  }
0x2c1: {  	vm2 =	vlt.s32 v8, $0x10  }
0x2c2: {  	v8 =	vnsel vm2, $0x10, v8;
	v17 =	vmpcnt.ones.xlane vm1  }
0x2c3: {  	v18 =	vadd.s32 v0, v8  }
0x2c4: {  	vm2 =	vlt.s32 v18, $0x10;
	vm1 =	vgt.s32 v17, v0  }
0x2c5: {  	vm1 =	vmand vm2, vm1;
	_ =	sdelay $0x3  }
0x2c6: {  	v11, _, _ =	vpop (xrf1)  }
0x2c7: {  	v11 =	vxor.u32 $0x80000000, v11  }
0x2c8: {  	[tilespmem:v18+s20+$0x0] =	vst.idx.msk vm1, v11  }
0x2c9: {  	v10 =	vld [tilespmem:s1+$0xFFFFFFE0];
	_ =	sdelay $0x2  }
0x2ca: {  	v11 =	vld [tilespmem:s0+$0xFFFFFFE0];
	_ =	sdelay $0x1  }
0x2cb: {  	v19 =	vand.u32 $0xFFFF0000, v10;
	v10 =	vshll.u32 v10, $0x10  }
0x2cc: {  	v12 =	vmul.f32 v19, v5;
	v10 =	vmul.f32 v10, v6  }
0x2cd: {  	v20 =	vld [tilespmem:s31+$0xFFFFFFE0]  }
0x2ce: {  	v11 =	vmul.f32 v11, v7;
	v10 =	vadd.f32 v10, v12;
	_ =	sdelay $0x1  }
0x2cf: {  	v10 =	vadd.f32 v10, v11;
	_ =	sdelay $0x1  }
0x2d0: {  	v21 =	vadd.f32 v20, v4;
	v10 =	vadd.f32 v10, v10;
	_ =	sdelay $0x1  }
0x2d1: {  	v10 =	vsub.f32 v21, v10  }
0x2d2: {  	s17 =	sadd.s32 $0x20, s15  }
0x2d3: {  	v22 =	vor.u32 s17, v0;
	v23 =	vor.u32 s17, v3;
	vm1 =	vlt.f32 v10, $6.399999860e-01  }
0x2d4: {  	(xrf1) =	vsort.ascd.msk.u32 vm1, v23, v22;
	_ =	sdelay $0x4  }
0x2d5: {  	v8 =	vadd.s32 v8, v17  }
0x2d6: {  	vm2 =	vlt.s32 v8, $0x10  }
0x2d7: {  	v8 =	vnsel vm2, $0x10, v8;
	v24 =	vmpcnt.ones.xlane vm1  }
0x2d8: {  	v25 =	vadd.s32 v0, v8  }
0x2d9: {  	vm2 =	vlt.s32 v25, $0x10;
	vm1 =	vgt.s32 v24, v0  }
0x2da: {  	vm1 =	vmand vm2, vm1;
	_ =	sdelay $0x3  }
0x2db: {  	v11, _, _ =	vpop (xrf1)  }
0x2dc: {  	v11 =	vxor.u32 $0x80000000, v11  }
0x2dd: {  	[tilespmem:v25+s20+$0x0] =	vst.idx.msk vm1, v11  }
0x2de: {  	v10 =	vld [tilespmem:s1+$0xFFFFFFF0];
	_ =	sdelay $0x2  }
0x2df: {  	v11 =	vld [tilespmem:s0+$0xFFFFFFF0];
	_ =	sdelay $0x1  }
0x2e0: {  	v26 =	vand.u32 $0xFFFF0000, v10;
	v10 =	vshll.u32 v10, $0x10  }
0x2e1: {  	v12 =	vmul.f32 v26, v5;
	v10 =	vmul.f32 v10, v6  }
0x2e2: {  	v27 =	vld [tilespmem:s31+$0xFFFFFFF0]  }
0x2e3: {  	v11 =	vmul.f32 v11, v7;
	v10 =	vadd.f32 v10, v12;
	_ =	sdelay $0x1  }
0x2e4: {  	v10 =	vadd.f32 v10, v11;
	_ =	sdelay $0x1  }
0x2e5: {  	v28 =	vadd.f32 v27, v4;
	v10 =	vadd.f32 v10, v10;
	_ =	sdelay $0x1  }
0x2e6: {  	v10 =	vsub.f32 v28, v10  }
0x2e7: {  	s17 =	sadd.s32 $0x30, s15  }
0x2e8: {  	v29 =	vor.u32 s17, v0;
	v30 =	vor.u32 s17, v3;
	vm1 =	vlt.f32 v10, $6.399999860e-01  }
0x2e9: {  	(xrf1) =	vsort.ascd.msk.u32 vm1, v30, v29;
	_ =	sdelay $0x4  }
0x2ea: {  	v8 =	vadd.s32 v8, v24  }
0x2eb: {  	vm2 =	vlt.s32 v8, $0x10  }
0x2ec: {  	v8 =	vnsel vm2, $0x10, v8;
	v31 =	vmpcnt.ones.xlane vm1  }
0x2ed: {  	v32 =	vadd.s32 v0, v8  }
0x2ee: {  	vm2 =	vlt.s32 v32, $0x10;
	vm1 =	vgt.s32 v31, v0  }
0x2ef: {  	vm1 =	vmand vm2, vm1;
	_ =	sdelay $0x3  }
0x2f0: {  	v11, _, _ =	vpop (xrf1)  }
0x2f1: {  	v11 =	vxor.u32 $0x80000000, v11  }
0x2f2: {  	[tilespmem:v32+s20+$0x0] =	vst.idx.msk vm1, v11  }
0x2f3: {  	v10 =	vld [tilespmem:s1+$0x0];
	_ =	sdelay $0x2  }
0x2f4: {  	v11 =	vld [tilespmem:s0+$0x0];
	_ =	sdelay $0x1  }
0x2f5: {  	v33 =	vand.u32 $0xFFFF0000, v10;
	v10 =	vshll.u32 v10, $0x10  }
0x2f6: {  	v12 =	vmul.f32 v33, v5;
	v10 =	vmul.f32 v10, v6  }
0x2f7: {  	v34 =	vld [tilespmem:s31+$0x0]  }
0x2f8: {  	v11 =	vmul.f32 v11, v7;
	v10 =	vadd.f32 v10, v12;
	_ =	sdelay $0x1  }
0x2f9: {  	v10 =	vadd.f32 v10, v11;
	_ =	sdelay $0x1  }
0x2fa: {  	v35 =	vadd.f32 v34, v4;
	v10 =	vadd.f32 v10, v10;
	_ =	sdelay $0x1  }
0x2fb: {  	v10 =	vsub.f32 v35, v10  }
0x2fc: {  	s17 =	sadd.s32 $0x40, s15  }
0x2fd: {  	v36 =	vor.u32 s17, v0;
	v37 =	vor.u32 s17, v3;
	vm1 =	vlt.f32 v10, $6.399999860e-01  }
0x2fe: {  	(xrf1) =	vsort.ascd.msk.u32 vm1, v37, v36;
	_ =	sdelay $0x4  }
0x2ff: {  	v8 =	vadd.s32 v8, v31  }
0x300: {  	vm2 =	vlt.s32 v8, $0x10  }
0x301: {  	v8 =	vnsel vm2, $0x10, v8;
	v38 =	vmpcnt.ones.xlane vm1  }
0x302: {  	v39 =	vadd.s32 v0, v8  }
0x303: {  	vm2 =	vlt.s32 v39, $0x10;
	vm1 =	vgt.s32 v38, v0  }
0x304: {  	vm1 =	vmand vm2, vm1;
	_ =	sdelay $0x3  }
0x305: {  	v11, _, _ =	vpop (xrf1)  }
0x306: {  	v11 =	vxor.u32 $0x80000000, v11  }
0x307: {  	[tilespmem:v39+s20+$0x0] =	vst.idx.msk vm1, v11  }
0x308: {  	v10 =	vld [tilespmem:s1+$0x10];
	_ =	sdelay $0x2  }
0x309: {  	v11 =	vld [tilespmem:s0+$0x10];
	_ =	sdelay $0x1  }
0x30a: {  	v40 =	vand.u32 $0xFFFF0000, v10;
	v10 =	vshll.u32 v10, $0x10  }
0x30b: {  	v12 =	vmul.f32 v40, v5;
	v10 =	vmul.f32 v10, v6  }
0x30c: {  	v41 =	vld [tilespmem:s31+$0x10]  }
0x30d: {  	v11 =	vmul.f32 v11, v7;
	v10 =	vadd.f32 v10, v12;
	_ =	sdelay $0x1  }
0x30e: {  	v10 =	vadd.f32 v10, v11;
	_ =	sdelay $0x1  }
0x30f: {  	v42 =	vadd.f32 v41, v4;
	v10 =	vadd.f32 v10, v10;
	_ =	sdelay $0x1  }
0x310: {  	v10 =	vsub.f32 v42, v10  }
0x311: {  	s17 =	sadd.s32 $0x50, s15  }
0x312: {  	v43 =	vor.u32 s17, v0;
	v44 =	vor.u32 s17, v3;
	vm1 =	vlt.f32 v10, $6.399999860e-01  }
0x313: {  	(xrf1) =	vsort.ascd.msk.u32 vm1, v44, v43;
	_ =	sdelay $0x4  }
0x314: {  	v8 =	vadd.s32 v8, v38  }
0x315: {  	vm2 =	vlt.s32 v8, $0x10  }
0x316: {  	v8 =	vnsel vm2, $0x10, v8;
	v45 =	vmpcnt.ones.xlane vm1  }
0x317: {  	v46 =	vadd.s32 v0, v8  }
0x318: {  	vm2 =	vlt.s32 v46, $0x10;
	vm1 =	vgt.s32 v45, v0  }
0x319: {  	vm1 =	vmand vm2, vm1;
	_ =	sdelay $0x3  }
0x31a: {  	v11, _, _ =	vpop (xrf1)  }
0x31b: {  	v11 =	vxor.u32 $0x80000000, v11  }
0x31c: {  	[tilespmem:v46+s20+$0x0] =	vst.idx.msk vm1, v11  }
0x31d: {  	v10 =	vld [tilespmem:s1+$0x20];
	_ =	sdelay $0x2  }
0x31e: {  	v11 =	vld [tilespmem:s0+$0x20];
	_ =	sdelay $0x1  }
0x31f: {  	v47 =	vand.u32 $0xFFFF0000, v10;
	v10 =	vshll.u32 v10, $0x10  }
0x320: {  	v12 =	vmul.f32 v47, v5;
	v10 =	vmul.f32 v10, v6  }
0x321: {  	v48 =	vld [tilespmem:s31+$0x20]  }
0x322: {  	v11 =	vmul.f32 v11, v7;
	v10 =	vadd.f32 v10, v12;
	_ =	sdelay $0x1  }
0x323: {  	v10 =	vadd.f32 v10, v11;
	_ =	sdelay $0x1  }
0x324: {  	v49 =	vadd.f32 v48, v4;
	v10 =	vadd.f32 v10, v10;
	_ =	sdelay $0x1  }
0x325: {  	v10 =	vsub.f32 v49, v10  }
0x326: {  	s17 =	sadd.s32 $0x60, s15  }
0x327: {  	v50 =	vor.u32 s17, v0;
	v51 =	vor.u32 s17, v3;
	vm1 =	vlt.f32 v10, $6.399999860e-01  }
0x328: {  	(xrf1) =	vsort.ascd.msk.u32 vm1, v51, v50;
	_ =	sdelay $0x4  }
0x329: {  	v8 =	vadd.s32 v8, v45  }
0x32a: {  	vm2 =	vlt.s32 v8, $0x10  }
0x32b: {  	v8 =	vnsel vm2, $0x10, v8;
	v52 =	vmpcnt.ones.xlane vm1  }
0x32c: {  	v53 =	vadd.s32 v0, v8  }
0x32d: {  	vm2 =	vlt.s32 v53, $0x10;
	vm1 =	vgt.s32 v52, v0  }
0x32e: {  	vm1 =	vmand vm2, vm1;
	_ =	sdelay $0x3  }
0x32f: {  	v11, _, _ =	vpop (xrf1)  }
0x330: {  	v11 =	vxor.u32 $0x80000000, v11  }
0x331: {  	[tilespmem:v53+s20+$0x0] =	vst.idx.msk vm1, v11  }
0x332: {  	v10 =	vld [tilespmem:s1+$0x30];
	_ =	sdelay $0x2  }
0x333: {  	v11 =	vld [tilespmem:s0+$0x30];
	_ =	sdelay $0x1  }
0x334: {  	v54 =	vand.u32 $0xFFFF0000, v10;
	v10 =	vshll.u32 v10, $0x10  }
0x335: {  	v12 =	vmul.f32 v54, v5;
	v10 =	vmul.f32 v10, v6  }
0x336: {  	v55 =	vld [tilespmem:s31+$0x30]  }
0x337: {  	v11 =	vmul.f32 v11, v7;
	v10 =	vadd.f32 v10, v12;
	_ =	sdelay $0x1  }
0x338: {  	v10 =	vadd.f32 v10, v11;
	_ =	sdelay $0x1  }
0x339: {  	v56 =	vadd.f32 v55, v4;
	v10 =	vadd.f32 v10, v10;
	_ =	sdelay $0x1  }
0x33a: {  	v10 =	vsub.f32 v56, v10;
	_ =	sdelay $0x1  }
0x33b: {  	v8 =	vadd.s32 v8, v52;
	vm1 =	vlt.f32 v10, $6.399999860e-01  }
0x33c: {  	vm2 =	vlt.s32 v8, $0x10;
	v57 =	vmpcnt.ones.xlane vm1  }
0x33d: {  	v8 =	vnsel vm2, $0x10, v8  }
0x33e: {  	v58 =	vadd.s32 v8, v57  }
0x33f: {  	vm2 =	vlt.s32 v58, $0x10  }
0x340: {  	v10 =	vnsel vm2, $0x10, v58  }
0x341: {  	v59 =	vxor.u32 $0x80000000, v10  }
0x342: {  	(xrf0) =	vmax.scan.msk.u32 $0xffff, v59;
	_ =	sdelay $0x4  }
0x343: {  	s17 =	sadd.s32 $0x70, s15  }
0x344: {  	v60 =	vor.u32 s17, v0;
	v61 =	vor.u32 s17, v3;
	v62, _, _ =	vpop (xrf0)  }
0x345: {  	(xrf1) =	vsort.ascd.msk.u32 vm1, v61, v60;
	(v2sf) =	vpush v62, $0xF;
	_ =	sdelay $0x7  }
0x346: {  	v8 =	vadd.s32 v0, v8  }
0x347: {  	vm1 =	vgt.s32 v57, v0;
	vm2 =	vlt.s32 v8, $0x10  }
0x348: {  	vm1 =	vmand vm2, vm1;
	_ =	sdelay $0x2  }
.Ltmp22:
0x349: {  	_ = 	snop;
	(pc) =	sbr.rel .LBB2_20-.Ltmp22, $4  }
0x34a: {  	v63, _, _ =	vpop (xrf1)  }
0x34b: {  	v9 =	vxor.u32 $0x80000000, v63;
	s17 =	spop (v2sf)  }
0x34c: {  	[tilespmem:v8+s20+$0x0] =	vst.idx.msk vm1, v9;
	s17 =	sxor.u32 $0x80000000, s17  }
0x34d: {  	[tilespmem:$0xC680] =	vst v10;
	[smem:$0x0] =	sst s17  }
.LBB2_22:
.Ltmp23:
0x34e: {  	(pc) =	sbr.rel .LBB2_23-.Ltmp23, $2  }
0x34f: {  	_ =	sdelay $0x2  }
0x350: {  	s28 =	sor.u32 $0x30, s26;
	s29 =	simm.s32 $0x0;
	s30 =	simm.s32 $0x0  }
.LBB2_27:
0x351: {  	v4 =	vld [tilespmem:$0xC600];
	_ =	sdelay $0x4  }
0x352: {  	v5 =	vnsel vm0, $0xFFFFFFFF, v4  }
0x353: {  	v5 =	vxor.u32 $0x80000000, v5  }
0x354: {  	(xrf0) =	vmax.scan.msk.u32 $0xffff, v5;
	_ =	sdelay $0x1  }
0x355: {  	v5 =	vld [tilespmem:$0xC680];
	_ =	sdelay $0x3  }
0x356: {  	s0 =	sor.u32 s28, s30;
	s31 =	sshll.u32 s30, $0x7;
	s30 =	sadd.s32 $0x1, s30;
	v6, _, _ =	vpop (xrf0)  }
0x357: {  	v7 =	vmov s0;
	p0 =	sne.s32 s30, $0x10;
	vm1 =	vgt.s32 v5, v0;
	v6 =	vxor.u32 $0x80000000, v6  }
.Ltmp24:
0x358: {  	v4 =	vsel vm1, v4, v6;
	vm1 =	vgt.s32 v5, $0x0;
	(pc) =	sbr.rel @!p0 .LBB2_28-.Ltmp24, $4  }
0x359: {  	v6 =	vnsel vm1, $0x0, v4  }
0x35a: {  	v4 =	vnsel vm1, $0x4000, v4;
	[tilespmem:s31+$0xDF00] =	vst v6  }
0x35b: {  	[tilespmem:s31+$0xFF00] =	vst v4  }
0x35c: {  	[tilespmem:v7+s21+$0x0] =	vst.idx.msk $0x1, v5  }
.LBB2_23:
0x35d: {  	v4 =	vld [tilespmem:s26+$0xC030]  }
0x35e: {  	v5 =	vld [tilespmem:s26+$0xC230];
	_ =	sdelay $0x1  }
0x35f: {  	v6 =	vld [tilespmem:s26+$0xC430];
	_ =	sdelay $0x2  }
0x360: {  	v7 =	vmul.f32 v4, v4;
	v8 =	vmul.f32 v5, v5;
	_ =	sdelay $0x1  }
0x361: {  	v10 =	vmov s30;
	v7 =	vadd.f32 v8, v7;
	v8 =	vmul.f32 v6, v6  }
0x362: {  	v9 =	vshrl.u32 v4, $0x10;
	v62 =	vshrl.u32 v5, $0x10;
	v63 =	vshrl.u32 v6, $0x10  }
0x363: {  	v7 =	vadd.f32 v8, v7;
	v8 =	vand.u32 $0x1, v9;
	v9 =	vand.u32 $0x1, v63  }
.Ltmp25:
0x364: {  	v8 =	vadd.s32 v8, v4;
	v4 =	vand.u32 $0x1, v62;
	v6 =	vadd.s32 v9, v6;
	(pc) =	sbr.rel .LBB2_24-.Ltmp25, $4  }
0x365: {  	v5 =	vadd.s32 v4, v5;
	v4 =	vperm.xlane v7, v10;
	v7 =	vadd.s32 $0x7FFF, v8  }
0x366: {  	v6 =	vadd.s32 $0x7FFF, v6;
	v7 =	vand.u32 $0xFFFF0000, v7;
	v8 =	vadd.s32 $0x7FFF, v5  }
0x367: {  	[smem:$0x0] =	sst s29;
	s31 =	simm.s32 $0x40;
	s0 =	simm.s32 $0x8040;
	v5 =	vperm.xlane v7, v10;
	v7 =	vand.u32 $0xFFFF0000, v8;
	v8 =	vand.u32 $0xFFFF0000, v6  }
0x368: {  	[tilespmem:$0xC680] =	vst v1;
	s1 =	simm.s32 $0x4040;
	s15 =	simm.s32 $0x0;
	s16 =	simm.s32 $0x0;
	v6 =	vperm.xlane v7, v10;
	v7 =	vperm.xlane v8, v10  }
.LBB2_26:
0x369: {  	s17 =	sld [smem:$0x0];
	_ =	sdelay $0x1  }
0x36a: {  	p0 =	sgt.u32 s16, $0x7E  }
0x36b: {  	p1 =	slt.s32 @!p0 s17, $0x10  }
0x36c: {  	p0 =	por p0, !p1  }
.Ltmp26:
0x36d: {  	_ = 	snop;
	(pc) =	sbr.rel @p0 .LBB2_27-.Ltmp26, $3  }
0x36e: {  	_ =	sdelay $0x1  }
0x36f: {  	s16 =	sadd.s32 $0x1, s16;
	s15 =	sadd.s32 $0x80, s15  }
0x370: {  	s31 =	sadd.s32 $0x80, s31;
	s0 =	sadd.s32 $0x80, s0;
	s1 =	sadd.s32 $0x80, s1  }
.LBB2_24:
0x371: {  	v8 =	vld [tilespmem:s1+$0xFFFFFFC0]  }
0x372: {  	v9 =	vld [tilespmem:s1+$0xFFFFFFD0]  }
0x373: {  	v10 =	vld [tilespmem:s0+$0xFFFFFFC0]  }
0x374: {  	v12 =	vld [tilespmem:s0+$0xFFFFFFD0]  }
0x375: {  	v13 =	vld [tilespmem:s1+$0xFFFFFFE0]  }
0x376: {  	v16 =	vld [tilespmem:s1+$0xFFFFFFF0]  }
0x377: {  	v27 =	vld [tilespmem:s31+$0xFFFFFFD0]  }
0x378: {  	v31 =	vld [tilespmem:s31+$0xFFFFFFE0]  }
0x379: {  	v18 =	vld [tilespmem:s1+$0x0]  }
0x37a: {  	v33 =	vld [tilespmem:s31+$0xFFFFFFF0]  }
0x37b: {  	v19 =	vld [tilespmem:s1+$0x10]  }
0x37c: {  	v40 =	vld [tilespmem:s1+$0x20];
	v11 =	vand.u32 $0xFFFF0000, v8  }
0x37d: {  	v21 =	vld [tilespmem:s0+$0x20];
	v8 =	vshll.u32 v8, $0x10;
	v14 =	vand.u32 $0xFFFF0000, v9;
	v9 =	vshll.u32 v9, $0x10  }
0x37e: {  	v10 =	vmul.f32 v10, v7;
	v26 =	vmul.f32 v12, v7;
	v28 =	vand.u32 $0xFFFF0000, v13  }
0x37f: {  	v22 =	vld [tilespmem:s1+$0x30];
	v13 =	vshll.u32 v13, $0x10;
	v17 =	vand.u32 $0xFFFF0000, v16;
	v16 =	vshll.u32 v16, $0x10  }
0x380: {  	v12 =	vadd.f32 v27, v4;
	v34 =	vadd.f32 v31, v4;
	v36 =	vand.u32 $0xFFFF0000, v18  }
0x381: {  	v50 =	vld [tilespmem:s31+$0x20];
	v38 =	vadd.f32 v33, v4;
	v39 =	vshll.u32 v18, $0x10;
	v20 =	vand.u32 $0xFFFF0000, v19  }
0x382: {  	v56 =	vld [tilespmem:s31+$0x30];
	v19 =	vshll.u32 v19, $0x10;
	v45 =	vand.u32 $0xFFFF0000, v40;
	v49 =	vmul.f32 v21, v7  }
0x383: {  	v57 =	vld [tilespmem:s31+$0xFFFFFFC0];
	v18 =	vshll.u32 v40, $0x10;
	v11 =	vmul.f32 v11, v5;
	v8 =	vmul.f32 v8, v6  }
0x384: {  	v51 =	vand.u32 $0xFFFF0000, v22;
	v14 =	vmul.f32 v14, v5;
	v9 =	vmul.f32 v9, v6  }
0x385: {  	v48 =	vld [tilespmem:s0+$0x30];
	v22 =	vshll.u32 v22, $0x10;
	v30 =	vmul.f32 v13, v6;
	v32 =	vmul.f32 v17, v5  }
0x386: {  	v29 =	vld [tilespmem:s0+$0xFFFFFFF0];
	v58 =	vadd.f32 v50, v4;
	v16 =	vmul.f32 v16, v6;
	v20 =	vmul.f32 v20, v5  }
0x387: {  	v61 =	vadd.f32 v56, v4;
	v19 =	vmul.f32 v19, v6;
	v46 =	vmul.f32 v45, v5  }
0x388: {  	v63 =	vadd.f32 v57, v4;
	v47 =	vmul.f32 v18, v6;
	v52 =	vmul.f32 v51, v5  }
0x389: {  	v53 =	vmul.f32 v22, v6;
	v8 =	vadd.f32 v8, v11;
	v9 =	vadd.f32 v9, v14  }
0x38a: {  	v15 =	vld [tilespmem:s0+$0xFFFFFFE0];
	v18 =	vmul.f32 v48, v7;
	v11 =	vadd.f32 v16, v32;
	v43 =	vadd.f32 v19, v20  }
0x38b: {  	v42 =	vld [tilespmem:s31+$0x0];
	v14 =	vmul.f32 v29, v7;
	v16 =	vadd.f32 v47, v46;
	v55 =	vadd.f32 v53, v52  }
0x38c: {  	v35 =	vld [tilespmem:s0+$0x0];
	v8 =	vadd.f32 v8, v10;
	v9 =	vadd.f32 v9, v26;
	v10 =	vmul.f32 v28, v5  }
0x38d: {  	v37 =	vld [tilespmem:s0+$0x10];
	v17 =	vmul.f32 v39, v6;
	v11 =	vadd.f32 v11, v14;
	v54 =	vadd.f32 v16, v49  }
0x38e: {  	v14 =	vmul.f32 v36, v5;
	v60 =	vadd.f32 v55, v18;
	v10 =	vadd.f32 v30, v10  }
0x38f: {  	v15 =	vmul.f32 v15, v7;
	v9 =	vadd.f32 v9, v9;
	v11 =	vadd.f32 v11, v11  }
0x390: {  	v41 =	vadd.f32 v17, v14;
	v14 =	vadd.f32 v42, v4  }
0x391: {  	v44 =	vld [tilespmem:s31+$0x10];
	v13 =	vmul.f32 v35, v7;
	v62 =	vadd.f32 v60, v60;
	v10 =	vadd.f32 v10, v15  }
0x392: {  	v8 =	vadd.f32 v8, v8;
	v9 =	vsub.f32 v12, v9;
	v15 =	vmul.f32 v37, v7  }
0x393: {  	v12 =	vadd.f32 v41, v13;
	v10 =	vadd.f32 v10, v10  }
0x394: {  	v11 =	vsub.f32 v38, v11;
	v15 =	vadd.f32 v43, v15  }
0x395: {  	v12 =	vadd.f32 v12, v12;
	v10 =	vsub.f32 v34, v10  }
0x396: {  	v13 =	vadd.f32 v44, v4;
	vm1 =	vlt.f32 v9, $6.399999860e-01;
	v15 =	vadd.f32 v15, v15  }
0x397: {  	v9 =	vadd.f32 v54, v54;
	v59 =	vsub.f32 v14, v12;
	vm2 =	vlt.f32 v10, $6.399999860e-01  }
0x398: {  	vm3 =	vlt.f32 v11, $6.399999860e-01;
	v13 =	vsub.f32 v13, v15;
	vm1 =	vmor vm1, vm2  }
0x399: {  	v9 =	vsub.f32 v58, v9;
	vm2 =	vlt.f32 v59, $6.399999860e-01;
	vm1 =	vmor vm1, vm3  }
0x39a: {  	v10 =	vsub.f32 v61, v62;
	vm3 =	vlt.f32 v13, $6.399999860e-01;
	vm1 =	vmor vm1, vm2  }
0x39b: {  	v8 =	vsub.f32 v63, v8;
	vm2 =	vlt.f32 v9, $6.399999860e-01;
	vm1 =	vmor vm1, vm3  }
0x39c: {  	vm3 =	vlt.f32 v10, $6.399999860e-01;
	vm2 =	vmor vm1, vm2  }
0x39d: {  	vm1 =	vlt.f32 v8, $6.399999860e-01;
	vm2 =	vmor vm2, vm3  }
0x39e: {  	vm2 =	vmor vm1, vm2  }
0x39f: {  	v8 =	vsel vm2, $0x3F800000, v2  }
0x3a0: {  	(xrf0) =	vmax.scan.msk.f32 $0xffff, v8;
	_ =	sdelay $0x5  }
0x3a1: {  	v8, _, _ =	vpop (xrf0)  }
0x3a2: {  	(v2sf) =	vpush v8, $0xF;
	_ =	sdelay $0xe  }
0x3a3: {  	s17 =	spop (v2sf)  }
0x3a4: {  	p0 =	sgt.f32 s17, $0.0e+00  }
.Ltmp27:
0x3a5: {  	_ = 	snop;
	(pc) =	sbr.rel @!p0 .LBB2_26-.Ltmp27, $1  }
0x3a6: {  	_ =	sdelay $0x3  }
0x3a7: {  	v8 =	vor.u32 s15, v0;
	v9 =	vor.u32 s15, v3  }
0x3a8: {  	(xrf1) =	vsort.ascd.msk.u32 vm1, v9, v8;
	_ =	sdelay $0x2  }
0x3a9: {  	v8 =	vld [tilespmem:$0xC680];
	_ =	sdelay $0x3  }
0x3aa: {  	v63 =	vmpcnt.ones.xlane vm1  }
0x3ab: {  	v10 =	vadd.s32 v0, v8  }
0x3ac: {  	vm1 =	vgt.s32 v63, v0;
	vm2 =	vlt.s32 v10, $0x10  }
0x3ad: {  	vm1 =	vmand vm1, vm2;
	_ =	sdelay $0x3  }
0x3ae: {  	v11, _, _ =	vpop (xrf1)  }
0x3af: {  	v11 =	vxor.u32 $0x80000000, v11  }
0x3b0: {  	[tilespmem:v10+s20+$0x0] =	vst.idx.msk vm1, v11  }
0x3b1: {  	v10 =	vld [tilespmem:s1+$0xFFFFFFD0];
	_ =	sdelay $0x2  }
0x3b2: {  	v11 =	vld [tilespmem:s0+$0xFFFFFFD0];
	_ =	sdelay $0x1  }
0x3b3: {  	v12 =	vand.u32 $0xFFFF0000, v10;
	v10 =	vshll.u32 v10, $0x10  }
0x3b4: {  	v12 =	vmul.f32 v12, v5;
	v10 =	vmul.f32 v10, v6  }
0x3b5: {  	v13 =	vld [tilespmem:s31+$0xFFFFFFD0]  }
0x3b6: {  	v11 =	vmul.f32 v11, v7;
	v10 =	vadd.f32 v10, v12;
	_ =	sdelay $0x1  }
0x3b7: {  	v10 =	vadd.f32 v10, v11;
	_ =	sdelay $0x1  }
0x3b8: {  	v14 =	vadd.f32 v13, v4;
	v10 =	vadd.f32 v10, v10;
	_ =	sdelay $0x1  }
0x3b9: {  	v10 =	vsub.f32 v14, v10  }
0x3ba: {  	s17 =	sadd.s32 $0x10, s15  }
0x3bb: {  	v15 =	vor.u32 s17, v0;
	v16 =	vor.u32 s17, v3;
	vm1 =	vlt.f32 v10, $6.399999860e-01  }
0x3bc: {  	(xrf1) =	vsort.ascd.msk.u32 vm1, v16, v15;
	_ =	sdelay $0x4  }
0x3bd: {  	v8 =	vadd.s32 v8, v63  }
0x3be: {  	vm2 =	vlt.s32 v8, $0x10  }
0x3bf: {  	v8 =	vnsel vm2, $0x10, v8;
	v17 =	vmpcnt.ones.xlane vm1  }
0x3c0: {  	v18 =	vadd.s32 v0, v8  }
0x3c1: {  	vm2 =	vlt.s32 v18, $0x10;
	vm1 =	vgt.s32 v17, v0  }
0x3c2: {  	vm1 =	vmand vm2, vm1;
	_ =	sdelay $0x3  }
0x3c3: {  	v11, _, _ =	vpop (xrf1)  }
0x3c4: {  	v11 =	vxor.u32 $0x80000000, v11  }
0x3c5: {  	[tilespmem:v18+s20+$0x0] =	vst.idx.msk vm1, v11  }
0x3c6: {  	v10 =	vld [tilespmem:s1+$0xFFFFFFE0];
	_ =	sdelay $0x2  }
0x3c7: {  	v11 =	vld [tilespmem:s0+$0xFFFFFFE0];
	_ =	sdelay $0x1  }
0x3c8: {  	v19 =	vand.u32 $0xFFFF0000, v10;
	v10 =	vshll.u32 v10, $0x10  }
0x3c9: {  	v12 =	vmul.f32 v19, v5;
	v10 =	vmul.f32 v10, v6  }
0x3ca: {  	v20 =	vld [tilespmem:s31+$0xFFFFFFE0]  }
0x3cb: {  	v11 =	vmul.f32 v11, v7;
	v10 =	vadd.f32 v10, v12;
	_ =	sdelay $0x1  }
0x3cc: {  	v10 =	vadd.f32 v10, v11;
	_ =	sdelay $0x1  }
0x3cd: {  	v21 =	vadd.f32 v20, v4;
	v10 =	vadd.f32 v10, v10;
	_ =	sdelay $0x1  }
0x3ce: {  	v10 =	vsub.f32 v21, v10  }
0x3cf: {  	s17 =	sadd.s32 $0x20, s15  }
0x3d0: {  	v22 =	vor.u32 s17, v0;
	v23 =	vor.u32 s17, v3;
	vm1 =	vlt.f32 v10, $6.399999860e-01  }
0x3d1: {  	(xrf1) =	vsort.ascd.msk.u32 vm1, v23, v22;
	_ =	sdelay $0x4  }
0x3d2: {  	v8 =	vadd.s32 v8, v17  }
0x3d3: {  	vm2 =	vlt.s32 v8, $0x10  }
0x3d4: {  	v8 =	vnsel vm2, $0x10, v8;
	v24 =	vmpcnt.ones.xlane vm1  }
0x3d5: {  	v25 =	vadd.s32 v0, v8  }
0x3d6: {  	vm2 =	vlt.s32 v25, $0x10;
	vm1 =	vgt.s32 v24, v0  }
0x3d7: {  	vm1 =	vmand vm2, vm1;
	_ =	sdelay $0x3  }
0x3d8: {  	v11, _, _ =	vpop (xrf1)  }
0x3d9: {  	v11 =	vxor.u32 $0x80000000, v11  }
0x3da: {  	[tilespmem:v25+s20+$0x0] =	vst.idx.msk vm1, v11  }
0x3db: {  	v10 =	vld [tilespmem:s1+$0xFFFFFFF0];
	_ =	sdelay $0x2  }
0x3dc: {  	v11 =	vld [tilespmem:s0+$0xFFFFFFF0];
	_ =	sdelay $0x1  }
0x3dd: {  	v26 =	vand.u32 $0xFFFF0000, v10;
	v10 =	vshll.u32 v10, $0x10  }
0x3de: {  	v12 =	vmul.f32 v26, v5;
	v10 =	vmul.f32 v10, v6  }
0x3df: {  	v27 =	vld [tilespmem:s31+$0xFFFFFFF0]  }
0x3e0: {  	v11 =	vmul.f32 v11, v7;
	v10 =	vadd.f32 v10, v12;
	_ =	sdelay $0x1  }
0x3e1: {  	v10 =	vadd.f32 v10, v11;
	_ =	sdelay $0x1  }
0x3e2: {  	v28 =	vadd.f32 v27, v4;
	v10 =	vadd.f32 v10, v10;
	_ =	sdelay $0x1  }
0x3e3: {  	v10 =	vsub.f32 v28, v10  }
0x3e4: {  	s17 =	sadd.s32 $0x30, s15  }
0x3e5: {  	v29 =	vor.u32 s17, v0;
	v30 =	vor.u32 s17, v3;
	vm1 =	vlt.f32 v10, $6.399999860e-01  }
0x3e6: {  	(xrf1) =	vsort.ascd.msk.u32 vm1, v30, v29;
	_ =	sdelay $0x4  }
0x3e7: {  	v8 =	vadd.s32 v8, v24  }
0x3e8: {  	vm2 =	vlt.s32 v8, $0x10  }
0x3e9: {  	v8 =	vnsel vm2, $0x10, v8;
	v31 =	vmpcnt.ones.xlane vm1  }
0x3ea: {  	v32 =	vadd.s32 v0, v8  }
0x3eb: {  	vm2 =	vlt.s32 v32, $0x10;
	vm1 =	vgt.s32 v31, v0  }
0x3ec: {  	vm1 =	vmand vm2, vm1;
	_ =	sdelay $0x3  }
0x3ed: {  	v11, _, _ =	vpop (xrf1)  }
0x3ee: {  	v11 =	vxor.u32 $0x80000000, v11  }
0x3ef: {  	[tilespmem:v32+s20+$0x0] =	vst.idx.msk vm1, v11  }
0x3f0: {  	v10 =	vld [tilespmem:s1+$0x0];
	_ =	sdelay $0x2  }
0x3f1: {  	v11 =	vld [tilespmem:s0+$0x0];
	_ =	sdelay $0x1  }
0x3f2: {  	v33 =	vand.u32 $0xFFFF0000, v10;
	v10 =	vshll.u32 v10, $0x10  }
0x3f3: {  	v12 =	vmul.f32 v33, v5;
	v10 =	vmul.f32 v10, v6  }
0x3f4: {  	v34 =	vld [tilespmem:s31+$0x0]  }
0x3f5: {  	v11 =	vmul.f32 v11, v7;
	v10 =	vadd.f32 v10, v12;
	_ =	sdelay $0x1  }
0x3f6: {  	v10 =	vadd.f32 v10, v11;
	_ =	sdelay $0x1  }
0x3f7: {  	v35 =	vadd.f32 v34, v4;
	v10 =	vadd.f32 v10, v10;
	_ =	sdelay $0x1  }
0x3f8: {  	v10 =	vsub.f32 v35, v10  }
0x3f9: {  	s17 =	sadd.s32 $0x40, s15  }
0x3fa: {  	v36 =	vor.u32 s17, v0;
	v37 =	vor.u32 s17, v3;
	vm1 =	vlt.f32 v10, $6.399999860e-01  }
0x3fb: {  	(xrf1) =	vsort.ascd.msk.u32 vm1, v37, v36;
	_ =	sdelay $0x4  }
0x3fc: {  	v8 =	vadd.s32 v8, v31  }
0x3fd: {  	vm2 =	vlt.s32 v8, $0x10  }
0x3fe: {  	v8 =	vnsel vm2, $0x10, v8;
	v38 =	vmpcnt.ones.xlane vm1  }
0x3ff: {  	v39 =	vadd.s32 v0, v8  }
0x400: {  	vm2 =	vlt.s32 v39, $0x10;
	vm1 =	vgt.s32 v38, v0  }
0x401: {  	vm1 =	vmand vm2, vm1;
	_ =	sdelay $0x3  }
0x402: {  	v11, _, _ =	vpop (xrf1)  }
0x403: {  	v11 =	vxor.u32 $0x80000000, v11  }
0x404: {  	[tilespmem:v39+s20+$0x0] =	vst.idx.msk vm1, v11  }
0x405: {  	v10 =	vld [tilespmem:s1+$0x10];
	_ =	sdelay $0x2  }
0x406: {  	v11 =	vld [tilespmem:s0+$0x10];
	_ =	sdelay $0x1  }
0x407: {  	v40 =	vand.u32 $0xFFFF0000, v10;
	v10 =	vshll.u32 v10, $0x10  }
0x408: {  	v12 =	vmul.f32 v40, v5;
	v10 =	vmul.f32 v10, v6  }
0x409: {  	v41 =	vld [tilespmem:s31+$0x10]  }
0x40a: {  	v11 =	vmul.f32 v11, v7;
	v10 =	vadd.f32 v10, v12;
	_ =	sdelay $0x1  }
0x40b: {  	v10 =	vadd.f32 v10, v11;
	_ =	sdelay $0x1  }
0x40c: {  	v42 =	vadd.f32 v41, v4;
	v10 =	vadd.f32 v10, v10;
	_ =	sdelay $0x1  }
0x40d: {  	v10 =	vsub.f32 v42, v10  }
0x40e: {  	s17 =	sadd.s32 $0x50, s15  }
0x40f: {  	v43 =	vor.u32 s17, v0;
	v44 =	vor.u32 s17, v3;
	vm1 =	vlt.f32 v10, $6.399999860e-01  }
0x410: {  	(xrf1) =	vsort.ascd.msk.u32 vm1, v44, v43;
	_ =	sdelay $0x4  }
0x411: {  	v8 =	vadd.s32 v8, v38  }
0x412: {  	vm2 =	vlt.s32 v8, $0x10  }
0x413: {  	v8 =	vnsel vm2, $0x10, v8;
	v45 =	vmpcnt.ones.xlane vm1  }
0x414: {  	v46 =	vadd.s32 v0, v8  }
0x415: {  	vm2 =	vlt.s32 v46, $0x10;
	vm1 =	vgt.s32 v45, v0  }
0x416: {  	vm1 =	vmand vm2, vm1;
	_ =	sdelay $0x3  }
0x417: {  	v11, _, _ =	vpop (xrf1)  }
0x418: {  	v11 =	vxor.u32 $0x80000000, v11  }
0x419: {  	[tilespmem:v46+s20+$0x0] =	vst.idx.msk vm1, v11  }
0x41a: {  	v10 =	vld [tilespmem:s1+$0x20];
	_ =	sdelay $0x2  }
0x41b: {  	v11 =	vld [tilespmem:s0+$0x20];
	_ =	sdelay $0x1  }
0x41c: {  	v47 =	vand.u32 $0xFFFF0000, v10;
	v10 =	vshll.u32 v10, $0x10  }
0x41d: {  	v12 =	vmul.f32 v47, v5;
	v10 =	vmul.f32 v10, v6  }
0x41e: {  	v48 =	vld [tilespmem:s31+$0x20]  }
0x41f: {  	v11 =	vmul.f32 v11, v7;
	v10 =	vadd.f32 v10, v12;
	_ =	sdelay $0x1  }
0x420: {  	v10 =	vadd.f32 v10, v11;
	_ =	sdelay $0x1  }
0x421: {  	v49 =	vadd.f32 v48, v4;
	v10 =	vadd.f32 v10, v10;
	_ =	sdelay $0x1  }
0x422: {  	v10 =	vsub.f32 v49, v10  }
0x423: {  	s17 =	sadd.s32 $0x60, s15  }
0x424: {  	v50 =	vor.u32 s17, v0;
	v51 =	vor.u32 s17, v3;
	vm1 =	vlt.f32 v10, $6.399999860e-01  }
0x425: {  	(xrf1) =	vsort.ascd.msk.u32 vm1, v51, v50;
	_ =	sdelay $0x4  }
0x426: {  	v8 =	vadd.s32 v8, v45  }
0x427: {  	vm2 =	vlt.s32 v8, $0x10  }
0x428: {  	v8 =	vnsel vm2, $0x10, v8;
	v52 =	vmpcnt.ones.xlane vm1  }
0x429: {  	v53 =	vadd.s32 v0, v8  }
0x42a: {  	vm2 =	vlt.s32 v53, $0x10;
	vm1 =	vgt.s32 v52, v0  }
0x42b: {  	vm1 =	vmand vm2, vm1;
	_ =	sdelay $0x3  }
0x42c: {  	v11, _, _ =	vpop (xrf1)  }
0x42d: {  	v11 =	vxor.u32 $0x80000000, v11  }
0x42e: {  	[tilespmem:v53+s20+$0x0] =	vst.idx.msk vm1, v11  }
0x42f: {  	v10 =	vld [tilespmem:s1+$0x30];
	_ =	sdelay $0x2  }
0x430: {  	v11 =	vld [tilespmem:s0+$0x30];
	_ =	sdelay $0x1  }
0x431: {  	v54 =	vand.u32 $0xFFFF0000, v10;
	v10 =	vshll.u32 v10, $0x10  }
0x432: {  	v12 =	vmul.f32 v54, v5;
	v10 =	vmul.f32 v10, v6  }
0x433: {  	v55 =	vld [tilespmem:s31+$0x30]  }
0x434: {  	v11 =	vmul.f32 v11, v7;
	v10 =	vadd.f32 v10, v12;
	_ =	sdelay $0x1  }
0x435: {  	v10 =	vadd.f32 v10, v11;
	_ =	sdelay $0x1  }
0x436: {  	v56 =	vadd.f32 v55, v4;
	v10 =	vadd.f32 v10, v10;
	_ =	sdelay $0x1  }
0x437: {  	v10 =	vsub.f32 v56, v10;
	_ =	sdelay $0x1  }
0x438: {  	v8 =	vadd.s32 v8, v52;
	vm1 =	vlt.f32 v10, $6.399999860e-01  }
0x439: {  	vm2 =	vlt.s32 v8, $0x10;
	v57 =	vmpcnt.ones.xlane vm1  }
0x43a: {  	v8 =	vnsel vm2, $0x10, v8  }
0x43b: {  	v58 =	vadd.s32 v8, v57  }
0x43c: {  	vm2 =	vlt.s32 v58, $0x10  }
0x43d: {  	v10 =	vnsel vm2, $0x10, v58  }
0x43e: {  	v59 =	vxor.u32 $0x80000000, v10  }
0x43f: {  	(xrf0) =	vmax.scan.msk.u32 $0xffff, v59;
	_ =	sdelay $0x4  }
0x440: {  	s17 =	sadd.s32 $0x70, s15  }
0x441: {  	v60 =	vor.u32 s17, v0;
	v61 =	vor.u32 s17, v3;
	v62, _, _ =	vpop (xrf0)  }
0x442: {  	(xrf1) =	vsort.ascd.msk.u32 vm1, v61, v60;
	(v2sf) =	vpush v62, $0xF;
	_ =	sdelay $0x7  }
0x443: {  	v8 =	vadd.s32 v0, v8  }
0x444: {  	vm1 =	vgt.s32 v57, v0;
	vm2 =	vlt.s32 v8, $0x10  }
0x445: {  	vm1 =	vmand vm2, vm1;
	_ =	sdelay $0x2  }
.Ltmp28:
0x446: {  	_ = 	snop;
	(pc) =	sbr.rel .LBB2_26-.Ltmp28, $4  }
0x447: {  	v63, _, _ =	vpop (xrf1)  }
0x448: {  	v9 =	vxor.u32 $0x80000000, v63;
	s17 =	spop (v2sf)  }
0x449: {  	[tilespmem:v8+s20+$0x0] =	vst.idx.msk vm1, v9;
	s17 =	sxor.u32 $0x80000000, s17  }
0x44a: {  	[tilespmem:$0xC680] =	vst v10;
	[smem:$0x0] =	sst s17  }
.LBB2_30:
0x44b: {  	_ =	sfence.sel $0x180000  }
0x44c: {  	[bflag:$0x0] =	sbarrier.arrive $0xFFFF  }
0x44d: {  	_ =	strace $0x90000047  }
0x44e: {  	s0 =	stileid.u32;
	[bflag:$0x2] =	sbarrier.arrive $0xFFFF  }
0x44f: {  	p0 =	sne.s32 s0, $0x0;
	s0 =	rddreg [dreg:$0x2]  }
0x450: {  	s0 =	sadd.s32 @!p0 $0x100000, s0  }
0x451: {  	[sflag:s0] =	ssyncadd.tile.s32 @!p0 $0x1;
	_ =	shalt  }
.Lfunc_end2:
_tile_overlayer_lowered:
.L_overlay_start_2:
0x452: {  	(tag) =	ssettag $0x2  }
0x453: {  	s0 =	rddreg [dreg:$0x0];
	s2 =	stileid.u32  }
0x454: {  	s1 =	rddreg [dreg:$0x1];
	p0 =	sne.s32 s2, $0x0  }
0x455: {  	s3 =	rddreg [dreg:$0x2];
	[bflag:$0x3] =	sbarrier.arrive $0xFFFF;
	s2 =	simm.s32 @!p0 $0x1C01  }
0x456: {  	[timem:s3], [sflag:s2] =	dma.local @!p0 [hbm:s0], s1  }
0x457: {  	s0 =	simm.s32 @!p0 $0x1  }
0x458: {  	_ =	swait.ge @!p0 [sflag:s0], s1  }
0x459: {  	s1 =	ssub.s32 @!p0 $0x0, s1;
	[sflag:s0] =	ssyncset.done @!p0 $0x0  }
0x45a: {  	[sflag:s0] =	ssyncadd.s32 @!p0 s1  }
0x45b: {  	[bflag:$0x3] =	sbarrier.arrive $0xFFFF  }
0x45c: {  	_ =	shalt  }

// kernel: kernel.7.cloned.1.call-start
scs
__scs_entry_jumppad:
0x0: {  	(pc) =	sbr.rel $0x88, $3  }
0x1: {  	(tag) =	ssettag $0x0;
	lr =	simm.s32 $0x1  }
0x2: {  	[smem:$0x3F9E] =	sst lr;
	_ =	strace $0xD0000000  }
0x3: {  	_ = 	snop  }
0x4: {  	_ = 	snop  }
0x5: {  	_ = 	snop  }
0x6: {  	_ = 	snop  }
0x7: {  	_ = 	snop  }
__scs_overlays_trampoline_lowered:
0x8: {  	[smem:$0x3FAD] =	sst s0  }
0x9: {  	[smem:$0x3FAE] =	sst s1  }
0xa: {  	[smem:$0x3FAF] =	sst s2  }
0xb: {  	[smem:$0x3FB0] =	sst s3  }
0xc: {  	[smem:$0x3FB1] =	sst s4  }
0xd: {  	[smem:$0x3FB2] =	sst s5  }
0xe: {  	[smem:$0x3FB3] =	sst s6  }
0xf: {  	[smem:$0x3FB4] =	sst s7  }
0x10: {  	[smem:$0x3FB5] =	sst s8  }
0x11: {  	[smem:$0x3FB6] =	sst s9;
	s0 =	simm.s32 @!p0 $0x0  }
0x12: {  	s1 =	sld [smem:$0x3F9C];
	s0 =	simm.s32 @p0 $0x1  }
0x13: {  	[smem:$0x3FB7] =	sst s0;
	s0 =	simm.s32 @!p1 $0x0  }
0x14: {  	s2 =	sld [smem:$0x3F9B];
	s0 =	simm.s32 @p1 $0x1  }
0x15: {  	[smem:$0x3FB8] =	sst s0;
	s0 =	simm.s32 @!p2 $0x0  }
0x16: {  	s3 =	sld [smem:$0x3FDB];
	s0 =	simm.s32 @p2 $0x1  }
0x17: {  	s4 =	simm.s32 $0x1BF5;
	[smem:$0x3FBA] =	sst s0  }
0x18: {  	s0 =	sld [smem:$0x3F9D];
	_ =	swait.ge [sflag:s4], $0x0  }
0x19: {  	s7 =	sld [smem:$0x3F9E]  }
0x1a: {  	s8 =	sadd.s32 $0xFFFFE003, lr  }
0x1b: {  	s9 =	sadd.s32 $0xFFFFFEF7, lr;
	s5 =	simm.s32 $0xFFFFFFFF;
	p2 =	slt.u32 s8, $0xFFFFF086  }
0x1c: {  	p1 =	slt.u32 s9, $0xF7A;
	s5 =	simm.s32 @!p2 $0x0  }
0x1d: {  	s5 =	simm.s32 @p1 $0x1;
	p0 =	seq.s32 s7, s2  }
0x1e: {  	s7 =	smul.u32 @!p0 $0xF7A, s2;
	p2 =	seq.s32 @!p0 s5, $0x0  }
0x1f: {  	s9 =	smul.u32 $0xF7A, s1;
	s8 =	simm.s32 @!p0 $0x1BF5;
	p2 =	por !p2, p0  }
0x20: {  	[sflag:s8] =	ssyncset.s32 @!p0 $0xFFFFF086;
	s6 =	sadd.s32 @!p0 s3, s7;
	s7 =	simm.s32 @!p0 $0x108  }
0x21: {  	s3 =	sadd.s32 s3, s9;
	s6 =	sadd.s32 @!p0 $0x88, s6;
	s7 =	simm.s32 @p2 $0x1082  }
0x22: {  	[simem:s7], [sflag:s8] =	dma.local @!p0 [hbm:s6], $0xF7A  }
0x23: {  	s9 =	sor.u32 $0xD0000000, s2;
	s6 =	simm.s32 $0x108;
	_ =	swait.ge @!p0 [sflag:s8], $0x0  }
0x24: {  	s3 =	sadd.s32 $0x88, s3;
	s6 =	simm.s32 @!p1 $0x1082;
	[sflag:s4] =	ssyncset.s32 $0xFFFFF086  }
0x25: {  	[simem:s6], [sflag:s4] =	dma.local [hbm:s3], $0xF7A  }
0x26: {  	[smem:$0x3F9E] =	sst s1;
	(tag) =	ssettag s2;
	_ =	strace s9  }
0x27: {  	s1 =	sld [smem:$0x3FAE]  }
0x28: {  	s2 =	sld [smem:$0x3FAF]  }
0x29: {  	s4 =	sld [smem:$0x3FB1]  }
0x2a: {  	p0 =	seq.s32 s5, $0x0;
	s5 =	sld [smem:$0x3FB2]  }
0x2b: {  	s6 =	sld [smem:$0x3FB3]  }
0x2c: {  	s7 =	sld [smem:$0x3FB4]  }
0x2d: {  	s3 =	simm.s32 $0x108;
	s8 =	sld [smem:$0x3FB5]  }
0x2e: {  	s3 =	simm.s32 @!p0 $0x1082;
	s9 =	sld [smem:$0x3FB6]  }
0x2f: {  	lr =	sadd.s32 s0, s3;
	s0 =	sld [smem:$0x3FAD]  }
0x30: {  	s3 =	sld [smem:$0x3FB0]  }
0x31: {  	[smem:$0x3FB9] =	sst s10  }
0x32: {  	s10 =	sld [smem:$0x3FB7];
	_ =	sdelay $0x3  }
0x33: {  	p0 =	seq.s32 s10, $0x1;
	s10 =	sld [smem:$0x3FB9];
	_ =	sdelay $0x3  }
0x34: {  	[smem:$0x3FB9] =	sst s10  }
0x35: {  	s10 =	sld [smem:$0x3FB8];
	_ =	sdelay $0x3  }
0x36: {  	p1 =	seq.s32 s10, $0x1;
	s10 =	sld [smem:$0x3FB9];
	_ =	sdelay $0x3  }
0x37: {  	[smem:$0x3FB9] =	sst s10  }
0x38: {  	s10 =	sld [smem:$0x3FBA]  }
0x39: {  	_ = 	snop;
	(pc) =	sbr.ind lr, $3  }
0x3a: {  	_ = 	snop  }
0x3b: {  	_ = 	snop  }
0x3c: {  	p2 =	seq.s32 s10, $0x1;
	s10 =	sld [smem:$0x3FB9]  }
0x3d: {  	_ =	shalt  }
0x3e: {  	_ =	shalt  }
0x3f: {  	_ =	shalt  }
0x40: {  	_ =	shalt  }
0x41: {  	_ =	shalt  }
0x42: {  	_ =	shalt  }
0x43: {  	_ =	shalt  }
0x44: {  	_ =	shalt  }
0x45: {  	_ =	shalt  }
0x46: {  	_ =	shalt  }
0x47: {  	_ =	shalt  }
0x48: {  	_ =	shalt  }
0x49: {  	_ =	shalt  }
0x4a: {  	_ =	shalt  }
0x4b: {  	_ =	shalt  }
0x4c: {  	_ =	shalt  }
0x4d: {  	_ =	shalt  }
0x4e: {  	_ =	shalt  }
0x4f: {  	_ =	shalt  }
0x50: {  	_ =	shalt  }
0x51: {  	_ =	shalt  }
0x52: {  	_ =	shalt  }
0x53: {  	_ =	shalt  }
0x54: {  	_ =	shalt  }
0x55: {  	_ =	shalt  }
0x56: {  	_ =	shalt  }
0x57: {  	_ =	shalt  }
0x58: {  	_ =	shalt  }
0x59: {  	_ =	shalt  }
0x5a: {  	_ =	shalt  }
0x5b: {  	_ =	shalt  }
0x5c: {  	_ =	shalt  }
0x5d: {  	_ =	shalt  }
0x5e: {  	_ =	shalt  }
0x5f: {  	_ =	shalt  }
0x60: {  	_ =	shalt  }
0x61: {  	_ =	shalt  }
0x62: {  	_ =	shalt  }
0x63: {  	_ =	shalt  }
0x64: {  	_ =	shalt  }
0x65: {  	_ =	shalt  }
0x66: {  	_ =	shalt  }
0x67: {  	_ =	shalt  }
0x68: {  	_ =	shalt  }
0x69: {  	_ =	shalt  }
0x6a: {  	_ =	shalt  }
0x6b: {  	_ =	shalt  }
0x6c: {  	_ =	shalt  }
0x6d: {  	_ =	shalt  }
0x6e: {  	_ =	shalt  }
0x6f: {  	_ =	shalt  }
0x70: {  	_ =	shalt  }
0x71: {  	_ =	shalt  }
0x72: {  	_ =	shalt  }
0x73: {  	_ =	shalt  }
0x74: {  	_ =	shalt  }
0x75: {  	_ =	shalt  }
0x76: {  	_ =	shalt  }
0x77: {  	_ =	shalt  }
0x78: {  	_ =	shalt  }
0x79: {  	_ =	shalt  }
0x7a: {  	_ =	shalt  }
0x7b: {  	_ =	shalt  }
0x7c: {  	_ =	shalt  }
0x7d: {  	_ =	shalt  }
0x7e: {  	_ =	shalt  }
0x7f: {  	_ =	shalt  }
0x80: {  	_ =	shalt  }
0x81: {  	_ =	shalt  }
0x82: {  	_ =	shalt  }
0x83: {  	_ =	shalt  }
0x84: {  	_ =	shalt  }
0x85: {  	_ =	shalt  }
0x86: {  	_ =	shalt  }
0x87: {  	_ =	shalt  }
.Lfunc_end0:
.L_simem_size_0:
called_computation.2_lowered:
.L_overlay_start_0:
0x88: {  	s2 =	sld [smem:$0x3FD9]  }
0x89: {  	s3 =	sld [smem:$0x3FFE];
	_ =	sdelay $0x1  }
0x8a: {  	s1 =	srdreg.scid  }
0x8b: {  	s0 =	sand.u32 $0x1, s1  }
0x8c: {  	s14 =	sshll.u32 s0, $0xA;
	s2 =	sadd.s32 s3, s2  }
0x8d: {  	s2 =	sadd.s32 s2, s14  }
0x8e: {  	[smem:$0x3FC5] =	sst s2  }
0x8f: {  	_ = 	snop  }
0x90: {  	s2 =	sld [smem:$0x3FD0];
	_ =	sdelay $0x2  }
0x91: {  	s15 =	simm.s32 $0xA;
	s4 =	simm.s32 $0x10  }
0x92: {  	[smem:s4], [sflag:s15] =	dma.local [hbm:s2], $0x1  }
0x93: {  	_ =	swait.eq [sflag:s15], $0x1  }
0x94: {  	[sflag:s15] =	ssyncset.done $0x0  }
0x95: {  	[sflag:s15] =	ssyncadd.s32 $0xFFFFFFFF  }
0x96: {  	s16 =	sld [smem:$0x10];
	(tm) =	ssettm $0x1  }
0x97: {  	s17 =	sld [smem:$0x3FFB];
	_ =	sdelay $0x3  }
0x98: {  	_ =	strace s17  }
0x99: {  	s3 =	sld [smem:$0x3FFC];
	_ =	sdelay $0x3  }
0x9a: {  	_ =	strace s3  }
0x9b: {  	s3 =	sld [smem:$0x3FFD];
	_ =	sdelay $0x3  }
0x9c: {  	_ =	strace s3  }
0x9d: {  	_ =	strace $0x8FFFFFFF  }
0x9e: {  	s18 =	sld [smem:$0x3FDB];
	_ =	sdelay $0x1  }
0x9f: {  	s19 =	simm.s32 $_scs_section_size  }
0xa0: {  	s5 =	simm.s32 $_size__tile_overlayer_lowered;
	s6 =	simm.s32 $_tile_overlayer_lowered  }
0xa1: {  	s22 =	simm.s32 $0x1BFF;
	s21 =	sshll.u32 s6, $0x1;
	s3 =	sadd.s32 s19, s18  }
0xa2: {  	s7 =	simm.s32 $0x0;
	s20 =	sshll.u32 s5, $0x1;
	s5 =	sadd.s32 s21, s3  }
0xa3: {  	[timem:s7], [sflag:s22] =	dma.local [hbm:s5], s20  }
0xa4: {  	_ =	swait.ge [sflag:s22], s20  }
0xa5: {  	s4 =	ssub.s32 $0x0, s20;
	[sflag:s22] =	ssyncset.done $0x0  }
0xa6: {  	[sflag:s22] =	ssyncadd.s32 s4;
	_ =	sdelay $0x1  }
0xa7: {  	s23 =	simm.s32 $0x1B8B  }
0xa8: {  	_ =	swait.ge [sflag:s23], $0x1  }
0xa9: {  	[sflag:s23] =	ssyncset.done $0x0  }
0xaa: {  	s25 =	simm.s32 $0x1B8E;
	s24 =	sld [smem:$0x3FFE];
	[sflag:s23] =	ssyncadd.s32 $0xFFFFFFFF  }
0xab: {  	s26 =	simm.s32 $execute0_lowered;
	[smem:$0x3FD2] =	sst s25  }
0xac: {  	s5 =	sshll.u32 s26, $0x1;
	_ =	strace $0x80000049;
	[dreg:$0x1] =	wrdreg $0xFFFFFFFF  }
0xad: {  	s28 =	simm.s32 $_size_execute0_lowered;
	s3 =	sadd.s32 s3, s5;
	[dreg:$0x0] =	wrdreg $0x0  }
0xae: {  	s5 =	sshll.u32 s28, $0x1;
	[dreg:$0x2] =	wrdreg s3  }
0xaf: {  	[dreg:$0x3] =	wrdreg s5  }
0xb0: {  	[dreg:$0x4] =	wrdreg $0xC0  }
0xb1: {  	_ =	task [dreg:s7], $0x5FFFF  }
0xb2: {  	[dreg:$0x1] =	wrdreg $0xFFFFFFFF  }
0xb3: {  	[dreg:$0x0] =	wrdreg $0x60  }
0xb4: {  	[dreg:$0x2] =	wrdreg s16  }
0xb5: {  	[dreg:$0x3] =	wrdreg s24  }
0xb6: {  	[dreg:$0x4] =	wrdreg $0x9  }
0xb7: {  	_ =	task.clear_ibuf [dreg:s7], $0x5FFFF;
	_ =	strace $0x90000049  }
0xb8: {  	s29 =	simm.s32 $0x9;
	_ =	strace $0x8000004B  }
0xb9: {  	_ =	swait.ge [sflag:s29], $0x1  }
0xba: {  	[sflag:s29] =	ssyncadd.s32 $0xFFFFFFFF  }
0xbb: {  	_ =	strace $0x9000004B  }
0xbc: {  	_ =	sfence  }
0xbd: {  	s30 =	sld [smem:$0x0];
	_ =	sdelay $0x2  }
0xbe: {  	s31 =	sshll.u32 s1, $0xD;
	s1 =	sshrl.u32 s1, $0x2  }
0xbf: {  	s3 =	sand.u32 $0x4000, s31;
	s1 =	sadd.s32 s1, s30  }
0xc0: {  	s0 =	sor.u32 s3, s0;
	s1 =	sshll.u32 s1, $0x11  }
0xc1: {  	s0 =	sor.u32 s1, s0  }
0xc2: {  	s0 =	sadd.s32 $0x8F2B, s0  }
0xc3: {  	[sflag:s0] =	ssyncadd.remote.s32 $0x1  }
0xc4: {  	_ =	sfence.sel $0xFFFF  }
0xc5: {  	[dreg:$0x0] =	wrdreg $0xFFFFFFFF;
	(pc) =	sbr.abs _section_cstart, $3  }
0xc6: {  	[dreg:$0x1] =	wrdreg $0xFFFFFFFF  }
0xc7: {  	_ =	task.clear_ibuf [dreg:s7], $0x2FFFF;
	_ =	strace $0x9FFFFFFF  }
0xc8: {  	(tm) =	ssettm $0x7FFFFFFF  }
0xc9: {  	_ =	shalt  }
tec
execute0_lowered:
.L_overlay_start_1:
0x0: {  	(tag) =	ssettag $0x1  }
0x1: {  	s0 =	srdreg.scid  }
0x2: {  	s15 =	stileid.u32;
	s13 =	rddreg [dreg:$0x0]  }
0x3: {  	s2 =	simm.s32 $0x1;
	s7 =	rddreg [dreg:$0x1];
	s3 =	simm.s32 $0x0  }
0x4: {  	s21 =	simm.s32 $0x2;
	s22 =	simm.s32 $0x4080;
	s23 =	simm.s32 $0x8100  }
0x5: {  	s28 =	simm.s32 $0x11180;
	s29 =	simm.s32 $0x0;
	s0 =	sand.u32 $0x1, s0  }
0x6: {  	s8 =	sand.u32 $0x7, s15;
	[smem:$0x7FF] =	sst s3;
	s6 =	sadd.s32 $0x42A00, s7  }
0x7: {  	s12 =	sor.u32 $0x8, s15;
	s17 =	sor.u32 $0x18, s15;
	s1 =	sshll.u32 s0, $0x4  }
0x8: {  	p1 =	sne.s32 s8, $0x0;
	s4 =	sshll.u32 s8, $0xE;
	_ =	strace $0x8000004A  }
0x9: {  	s9 =	sshll.u32 s8, $0x10;
	s0 =	ssub.s32 $0x2, s0;
	s10 =	sshll.u32 s12, $0x10  }
0xa: {  	s12 =	sshll.u32 s12, $0x15;
	s25 =	sor.u32 $0x10, s8;
	s1 =	sor.u32 s15, s1  }
0xb: {  	s18 =	sor.u32 $0x20, s8;
	s11 =	sshrl.u32 s0, $0x1;
	p0 =	seq.s32 s1, $0x0  }
0xc: {  	s30 =	sshll.u32 s25, $0x10;
	s15 =	sshll.u32 s17, $0x10;
	p0 =	por !p1, !p0  }
0xd: {  	s19 =	sshll.u32 s18, $0x10;
	s17 =	sshll.u32 s17, $0x15;
	p0 =	por !p0, !p0  }
0xe: {  	s1 =	sshrl.u32 s1, $0x3;
	s0 =	ssub.s32 s0, s11;
	s2 =	simm.s32 @!p0 $0x0  }
0xf: {  	s11 =	sshll.u32 s8, $0x15;
	s20 =	smax.u32 s0, $0x1;
	s1 =	ssub.s32 s1, s2  }
0x10: {  	p0 =	sgt.u32 s8, $0x2;
	s2 =	sshll.u32 s1, $0xC;
	s16 =	sshll.u32 s1, $0xE  }
0x11: {  	s4 =	sadd.s32 s4, s2;
	s9 =	sadd.s32 s9, s16;
	s10 =	sadd.s32 s10, s16  }
0x12: {  	s15 =	sadd.s32 s15, s16;
	s19 =	sadd.s32 s19, s16;
	s5 =	sshrl.u32 s4, $0x3  }
0x13: {  	s4 =	simm.s32 $0x1;
	s9 =	sshrl.u32 s9, $0x3;
	s24 =	sshrl.u32 s10, $0x3  }
0x14: {  	s10 =	sshll.u32 s1, $0x13;
	s15 =	sshrl.u32 s15, $0x3;
	s31 =	sshrl.u32 s19, $0x3  }
0x15: {  	s19 =	sshll.u32 s18, $0x15;
	s14 =	sadd.s32 s5, s7;
	s5 =	sadd.s32 $0x2A00, s7  }
0x16: {  	s7 =	sadd.s32 $0x83200, s7;
	s9 =	sadd.s32 s13, s9;
	s15 =	sadd.s32 s13, s15  }
.Ltmp0:
0x17: {  	s1 =	sadd.s32 s13, s31;
	[dreg:$0x3] =	wrdreg s9;
	(pc) =	sbr.rel .LBB2_1-.Ltmp0, $4  }
0x18: {  	s9 =	sadd.s32 s13, s24;
	s26 =	sadd.s32 $0x1200, s14;
	s14 =	sadd.s32 s30, s16  }
0x19: {  	s16 =	sshll.u32 s25, $0x15;
	[dreg:$0x6] =	wrdreg s1;
	s24 =	simm.s32 $0x9100  }
0x1a: {  	s25 =	simm.s32 $0xD100;
	[dreg:$0x4] =	wrdreg s9;
	s14 =	sshrl.u32 s14, $0x3  }
0x1b: {  	v0 =	vimm.f32 $0.0e+00;
	[dreg:$0x5] =	wrdreg s26;
	s26 =	simm.s32 $0xD180;
	s14 =	sadd.s32 s13, s14  }
.LBB2_18:
0x1c: {  	s29 =	sadd.s32 $0x1, s29  }
0x1d: {  	p1 =	sne.s32 s29, s20  }
.Ltmp1:
0x1e: {  	_ = 	snop;
	(pc) =	sbr.rel @!p1 .LBB2_19-.Ltmp1, $1  }
0x1f: {  	_ =	sdelay $0x3  }
.LBB2_1:
0x20: {  	s0 =	rddreg [dreg:$0x3]  }
0x21: {  	[tilespmem:s3], [sflag:$0x2] =	stream.linear.gather [hbm4b:s0+s3], $0x4000, $0x38;
	[tilespmem:$0x15180] =	vst v63  }
0x22: {  	_ =	swait.ge [sflag:s21], $0x4000  }
0x23: {  	[sflag:s21] =	ssyncset.done $0x0  }
0x24: {  	[sflag:s21] =	ssyncadd.s32 $0xFFFFC000  }
0x25: {  	s31 =	rddreg [dreg:$0x4];
	[tilespmem:$0x4000] =	vst v0  }
0x26: {  	[tilespmem:s22], [sflag:$0x2] =	stream.linear.gather [hbm4b:s31+s3], $0x4000, $0x38;
	[tilespmem:$0x15180] =	vst v63  }
.Ltmp2:
0x27: {  	_ = 	snop;
	(pc) =	sbr.rel @p0 .LBB2_6-.Ltmp2, $4  }
0x28: {  	_ =	swait.ge [sflag:s21], $0x4000  }
0x29: {  	[sflag:s21] =	ssyncset.done $0x0  }
0x2a: {  	[sflag:s21] =	ssyncadd.s32 $0xFFFFC000  }
0x2b: {  	s30 =	simm.s32 $0x0;
	[tilespmem:$0x8080] =	vst v0  }
0x2c: {  	s0 =	simm.s32 $0x0;
	s1 =	rddreg [dreg:$0x5]  }
0x2d: {  	[tilespmem:s23], [sflag:$0x2] =	stream.linear.gather [hbm4b:s1+s0], $0x1000, $0x38;
	[tilespmem:$0x15180] =	vst v63  }
0x2e: {  	_ =	swait.ge [sflag:s21], $0x1000  }
0x2f: {  	[sflag:s21] =	ssyncset.done $0x0  }
0x30: {  	s1 =	simm.s32 $0x0;
	[sflag:s21] =	ssyncadd.s32 $0xFFFFF000  }
.LBB2_3:
0x31: {  	s8 =	sshll.u32 s1, $0x7  }
0x32: {  	s13 =	sor.u32 s2, s8  }
0x33: {  	s18 =	sshll.u32 s13, $0x4  }
0x34: {  	s18 =	sadd.s32 s5, s18  }
0x35: {  	[tilespmem:s24], [sflag:$0x2] =	stream.linear.gather [hbm4b:s18+s0], $0x4000, $0x38;
	[tilespmem:$0x15180] =	vst v63  }
0x36: {  	_ =	swait.ge [sflag:s21], $0x4000  }
0x37: {  	s9 =	sshrl.u32 s13, $0x3;
	[sflag:s21] =	ssyncset.done $0x0  }
0x38: {  	s18 =	sadd.s32 s6, s9;
	[sflag:s21] =	ssyncadd.s32 $0xFFFFC000  }
0x39: {  	[tilespmem:s25], [sflag:$0x2] =	stream.linear.gather [hbm4b:s18+s0], $0x80, $0x38;
	[tilespmem:$0x15180] =	vst v63  }
0x3a: {  	_ =	swait.ge [sflag:s21], $0x80  }
0x3b: {  	s30 =	simm.s32 $0x9200;
	s31 =	simm.s32 $0xD280;
	[sflag:s21] =	ssyncset.done $0x0  }
0x3c: {  	v1 =	vmov s8;
	s8 =	simm.s32 $0x0;
	s18 =	simm.s32 $0x11280;
	[sflag:s21] =	ssyncadd.s32 $0xFFFFFF80  }
.LBB2_4:
0x3d: {  	v2 =	vld [tilespmem:s30+$0xFFFFFF00];
	_ =	sdelay $0x1  }
0x3e: {  	v3 =	vor.u32 s8, v1;
	_ =	sdelay $0x1  }
0x3f: {  	v4 =	vmov s8;
	_ =	sdelay $0x2  }
0x40: {  	v3 =	vld.idx.msk [tilespmem:v3+s23+$0x0], $0xffff  }
0x41: {  	v5 =	vld.idx.msk [tilespmem:v2+s3+$0x0], $0xffff  }
0x42: {  	v4 =	vld.idx.msk [tilespmem:v4+s25+$0x0], $0xffff;
	_ =	sdelay $0x3  }
0x43: {  	v3 =	vsub.f32 v5, v3  }
0x44: {  	vm0 =	vgt.s32 v4, $0x0  }
0x45: {  	v3 =	vnsel vm0, $0x0, v3  }
0x46: {  	[tilespmem:s31+$0xFFFFFF00] =	vst v3  }
0x47: {  	v2 =	vld.idx.msk [tilespmem:v2+s22+$0x0], $0xffff;
	_ =	sdelay $0x4  }
0x48: {  	[tilespmem:s18+$0xFFFFFF00] =	vst v2  }
0x49: {  	v2 =	vld [tilespmem:s30+$0xFFFFFF80]  }
0x4a: {  	s9 =	sadd.s32 $0x1, s8  }
0x4b: {  	v3 =	vor.u32 s9, v1;
	_ =	sdelay $0x1  }
0x4c: {  	v58 =	vmov s9;
	_ =	sdelay $0x2  }
0x4d: {  	v3 =	vld.idx.msk [tilespmem:v3+s23+$0x0], $0xffff  }
0x4e: {  	v59 =	vld.idx.msk [tilespmem:v2+s3+$0x0], $0xffff  }
0x4f: {  	v4 =	vld.idx.msk [tilespmem:v58+s25+$0x0], $0xffff;
	_ =	sdelay $0x3  }
0x50: {  	v3 =	vsub.f32 v59, v3  }
0x51: {  	vm13 =	vgt.s32 v4, $0x0  }
0x52: {  	v3 =	vnsel vm13, $0x0, v3  }
0x53: {  	[tilespmem:s31+$0xFFFFFF80] =	vst v3  }
0x54: {  	v2 =	vld.idx.msk [tilespmem:v2+s22+$0x0], $0xffff;
	_ =	sdelay $0x4  }
0x55: {  	[tilespmem:s18+$0xFFFFFF80] =	vst v2  }
0x56: {  	v2 =	vld [tilespmem:s30+$0x0]  }
0x57: {  	s9 =	sadd.s32 $0x2, s8  }
0x58: {  	v3 =	vor.u32 s9, v1;
	_ =	sdelay $0x1  }
0x59: {  	v60 =	vmov s9;
	_ =	sdelay $0x2  }
0x5a: {  	v3 =	vld.idx.msk [tilespmem:v3+s23+$0x0], $0xffff  }
0x5b: {  	v61 =	vld.idx.msk [tilespmem:v2+s3+$0x0], $0xffff  }
0x5c: {  	v4 =	vld.idx.msk [tilespmem:v60+s25+$0x0], $0xffff;
	_ =	sdelay $0x3  }
0x5d: {  	v3 =	vsub.f32 v61, v3  }
0x5e: {  	vm14 =	vgt.s32 v4, $0x0  }
0x5f: {  	v3 =	vnsel vm14, $0x0, v3  }
0x60: {  	[tilespmem:s31+$0x0] =	vst v3  }
0x61: {  	v2 =	vld.idx.msk [tilespmem:v2+s22+$0x0], $0xffff;
	_ =	sdelay $0x4  }
0x62: {  	[tilespmem:s18+$0x0] =	vst v2  }
0x63: {  	v2 =	vld [tilespmem:s30+$0x80]  }
0x64: {  	s9 =	sadd.s32 $0x3, s8  }
0x65: {  	v3 =	vor.u32 s9, v1;
	_ =	sdelay $0x1  }
0x66: {  	v62 =	vmov s9;
	_ =	sdelay $0x2  }
0x67: {  	v3 =	vld.idx.msk [tilespmem:v3+s23+$0x0], $0xffff  }
0x68: {  	v63 =	vld.idx.msk [tilespmem:v2+s3+$0x0], $0xffff  }
0x69: {  	v4 =	vld.idx.msk [tilespmem:v62+s25+$0x0], $0xffff;
	_ =	sdelay $0x3  }
0x6a: {  	v3 =	vsub.f32 v63, v3  }
0x6b: {  	vm15 =	vgt.s32 v4, $0x0  }
0x6c: {  	v3 =	vnsel vm15, $0x0, v3  }
0x6d: {  	[tilespmem:s31+$0x80] =	vst v3  }
0x6e: {  	p1 =	sne.s32 s8, $0x7C;
	v2 =	vld.idx.msk [tilespmem:v2+s22+$0x0], $0xffff  }
.Ltmp3:
0x6f: {  	_ = 	snop;
	(pc) =	sbr.rel @p1 .LBB2_4-.Ltmp3, $3  }
0x70: {  	_ =	sdelay $0x1  }
0x71: {  	s8 =	sadd.s32 $0x4, s8  }
0x72: {  	s30 =	sadd.s32 $0x200, s30;
	s31 =	sadd.s32 $0x200, s31;
	[tilespmem:s18+$0x80] =	vst v2;
	s18 =	sadd.s32 $0x200, s18  }
0x73: {  	s8 =	sshll.u32 s13, $0x7  }
0x74: {  	s9 =	sadd.s32 s11, s8  }
0x75: {  	s8 =	sadd.s32 s12, s8;
	s9 =	sshrl.u32 s9, $0x3  }
0x76: {  	s8 =	sshrl.u32 s8, $0x3;
	s9 =	sadd.s32 s7, s9  }
0x77: {  	[hbm4b:s9+s3] =	stream.linear.scatter [tilespmem:s26], [sflag:$0x1], $0x4000, $0x38;
	[tilespmem:$0x15180] =	vst v63  }
0x78: {  	s1 =	sadd.s32 $0x1, s1;
	s8 =	sadd.s32 s7, s8  }
0x79: {  	[hbm4b:s8+s3] =	stream.linear.scatter [tilespmem:s28], [sflag:$0x1], $0x4000, $0x38;
	[tilespmem:$0x15180] =	vst v63  }
0x7a: {  	p1 =	seq.s32 s1, $0x20;
	_ =	swait.ge [sflag:s4], $0x4000  }
.Ltmp4:
0x7b: {  	[sflag:s4] =	ssyncset.done $0x0;
	(pc) =	sbr.rel @!p1 .LBB2_3-.Ltmp4, $4  }
.Ltmp5:
0x7c: {  	[sflag:s4] =	ssyncadd.s32 $0xFFFFC000;
	(pc) =	sbr.rel @p1 .LBB2_9-.Ltmp5, $4  }
0x7d: {  	_ =	swait.ge [sflag:s4], $0x4000  }
0x7e: {  	[sflag:s4] =	ssyncset.done $0x0  }
0x7f: {  	[sflag:s4] =	ssyncadd.s32 $0xFFFFC000  }
0x80: {  	_ = 	snop  }
.LBB2_6:
0x81: {  	s0 =	sshll.u32 s30, $0xE  }
0x82: {  	s31 =	sadd.s32 s10, s0  }
0x83: {  	s0 =	sshrl.u32 s31, $0x3  }
0x84: {  	s1 =	simm.s32 $0x0;
	s0 =	sadd.s32 s5, s0  }
0x85: {  	[tilespmem:s24], [sflag:$0x2] =	stream.linear.gather [hbm4b:s0+s1], $0x4000, $0x38;
	[tilespmem:$0x15180] =	vst v63  }
0x86: {  	_ =	swait.ge [sflag:s21], $0x4000  }
0x87: {  	[sflag:s21] =	ssyncset.done $0x0  }
0x88: {  	s1 =	simm.s32 $0x0;
	[sflag:s21] =	ssyncadd.s32 $0xFFFFC000  }
0x89: {  	v1 =	vld [tilespmem:s1+$0x9100];
	_ =	sdelay $0x7  }
0x8a: {  	v2 =	vld.idx.msk [tilespmem:v1+s3+$0x0], $0xffff;
	_ =	sdelay $0x4  }
0x8b: {  	[tilespmem:s1+$0xD180] =	vst v2;
	v2 =	vld [tilespmem:s1+$0x9180];
	_ =	sdelay $0x1  }
0x8c: {  	v1 =	vld.idx.msk [tilespmem:v1+s22+$0x0], $0xffff;
	_ =	sdelay $0x4  }
0x8d: {  	[tilespmem:s1+$0x11180] =	vst v1  }
0x8e: {  	v1 =	vld.idx.msk [tilespmem:v2+s3+$0x0], $0xffff;
	_ =	sdelay $0x3  }
0x8f: {  	v3 =	vld [tilespmem:s1+$0x9200]  }
0x90: {  	[tilespmem:s1+$0xD200] =	vst v1  }
0x91: {  	v1 =	vld.idx.msk [tilespmem:v2+s22+$0x0], $0xffff;
	_ =	sdelay $0x4  }
0x92: {  	[tilespmem:s1+$0x11200] =	vst v1  }
0x93: {  	v1 =	vld.idx.msk [tilespmem:v3+s3+$0x0], $0xffff;
	_ =	sdelay $0x4  }
0x94: {  	[tilespmem:s1+$0xD280] =	vst v1;
	v1 =	vld [tilespmem:s1+$0x9280];
	_ =	sdelay $0x1  }
0x95: {  	v2 =	vld.idx.msk [tilespmem:v3+s22+$0x0], $0xffff;
	_ =	sdelay $0x4  }
0x96: {  	[tilespmem:s1+$0x11280] =	vst v2  }
0x97: {  	v2 =	vld.idx.msk [tilespmem:v1+s3+$0x0], $0xffff;
	_ =	sdelay $0x3  }
0x98: {  	s8 =	simm.s32 $0x200;
	s0 =	simm.s32 $0x1000  }
.LBB2_7:
0x99: {  	p1 =	sne.s32 s0, $0xF800;
	v3 =	vld [tilespmem:s8+$0x9100];
	[tilespmem:s1+$0xD300] =	vst v2  }
0x9a: {  	v1 =	vld.idx.msk [tilespmem:v1+s22+$0x0], $0xffff;
	_ =	sdelay $0x5  }
0x9b: {  	[tilespmem:s1+$0x11300] =	vst v1;
	s1 =	smov.u32 s8  }
0x9c: {  	v1 =	vld.idx.msk [tilespmem:v3+s3+$0x0], $0xffff;
	_ =	sdelay $0x5  }
0x9d: {  	[tilespmem:s1+$0xD180] =	vst v1;
	v1 =	vld [tilespmem:s1+$0x9180]  }
0x9e: {  	v2 =	vld.idx.msk [tilespmem:v3+s22+$0x0], $0xffff;
	_ =	sdelay $0x5  }
0x9f: {  	[tilespmem:s1+$0x11180] =	vst v2  }
0xa0: {  	v2 =	vld.idx.msk [tilespmem:v1+s3+$0x0], $0xffff;
	_ =	sdelay $0x5  }
0xa1: {  	[tilespmem:s1+$0xD200] =	vst v2;
	v2 =	vld [tilespmem:s1+$0x9200]  }
0xa2: {  	v1 =	vld.idx.msk [tilespmem:v1+s22+$0x0], $0xffff;
	_ =	sdelay $0x5  }
0xa3: {  	[tilespmem:s1+$0x11200] =	vst v1  }
0xa4: {  	v1 =	vld.idx.msk [tilespmem:v2+s3+$0x0], $0xffff;
	_ =	sdelay $0x5  }
0xa5: {  	[tilespmem:s1+$0xD280] =	vst v1;
	v1 =	vld [tilespmem:s1+$0x9280]  }
0xa6: {  	v2 =	vld.idx.msk [tilespmem:v2+s22+$0x0], $0xffff;
	_ =	sdelay $0x5  }
0xa7: {  	[tilespmem:s1+$0x11280] =	vst v2  }
0xa8: {  	v2 =	vld.idx.msk [tilespmem:v1+s3+$0x0], $0xffff  }
.Ltmp6:
0xa9: {  	(pc) =	sbr.rel @p1 .LBB2_7-.Ltmp6, $2  }
0xaa: {  	_ =	sdelay $0x2  }
0xab: {  	s8 =	sshra.s32 s0, $0x2;
	s0 =	sadd.s32 $0x800, s0  }
0xac: {  	_ =	sdelay $0x1  }
0xad: {  	v3 =	vld [tilespmem:s8+$0x9100]  }
0xae: {  	[tilespmem:s1+$0xD300] =	vst v2  }
0xaf: {  	v1 =	vld.idx.msk [tilespmem:v1+s22+$0x0], $0xffff;
	_ =	sdelay $0x4  }
0xb0: {  	[tilespmem:s1+$0x11300] =	vst v1  }
0xb1: {  	v1 =	vld.idx.msk [tilespmem:v3+s3+$0x0], $0xffff;
	_ =	sdelay $0x4  }
0xb2: {  	[tilespmem:s8+$0xD180] =	vst v1;
	v1 =	vld [tilespmem:s8+$0x9180];
	_ =	sdelay $0x1  }
0xb3: {  	v2 =	vld.idx.msk [tilespmem:v3+s22+$0x0], $0xffff;
	_ =	sdelay $0x4  }
0xb4: {  	[tilespmem:s8+$0x11180] =	vst v2  }
0xb5: {  	v2 =	vld.idx.msk [tilespmem:v1+s3+$0x0], $0xffff;
	_ =	sdelay $0x4  }
0xb6: {  	[tilespmem:s8+$0xD200] =	vst v2;
	v2 =	vld [tilespmem:s8+$0x9200];
	_ =	sdelay $0x1  }
0xb7: {  	v1 =	vld.idx.msk [tilespmem:v1+s22+$0x0], $0xffff;
	_ =	sdelay $0x4  }
0xb8: {  	[tilespmem:s8+$0x11200] =	vst v1  }
0xb9: {  	v1 =	vld.idx.msk [tilespmem:v2+s3+$0x0], $0xffff;
	_ =	sdelay $0x4  }
0xba: {  	[tilespmem:s8+$0xD280] =	vst v1;
	v1 =	vld [tilespmem:s8+$0x9280];
	_ =	sdelay $0x1  }
0xbb: {  	v2 =	vld.idx.msk [tilespmem:v2+s22+$0x0], $0xffff;
	_ =	sdelay $0x4  }
0xbc: {  	[tilespmem:s8+$0x11280] =	vst v2  }
0xbd: {  	v2 =	vld.idx.msk [tilespmem:v1+s3+$0x0], $0xffff;
	_ =	sdelay $0x4  }
0xbe: {  	[tilespmem:s8+$0xD300] =	vst v2  }
0xbf: {  	v1 =	vld.idx.msk [tilespmem:v1+s22+$0x0], $0xffff;
	_ =	sdelay $0x2  }
0xc0: {  	s0 =	sadd.s32 s11, s31  }
0xc1: {  	s0 =	sshrl.u32 s0, $0x3  }
0xc2: {  	s31 =	sadd.s32 s12, s31;
	s0 =	sadd.s32 s7, s0;
	[tilespmem:s8+$0x11300] =	vst v1  }
0xc3: {  	[hbm4b:s0+s3] =	stream.linear.scatter [tilespmem:s26], [sflag:$0x1], $0x4000, $0x38;
	[tilespmem:$0x15180] =	vst v63  }
0xc4: {  	s0 =	sshrl.u32 s31, $0x3  }
0xc5: {  	s30 =	sadd.s32 $0x1, s30;
	s0 =	sadd.s32 s7, s0  }
0xc6: {  	[hbm4b:s0+s3] =	stream.linear.scatter [tilespmem:s28], [sflag:$0x1], $0x4000, $0x38;
	[tilespmem:$0x15180] =	vst v63  }
0xc7: {  	p1 =	sne.s32 s30, $0x20;
	_ =	swait.ge [sflag:s4], $0x4000  }
.Ltmp7:
0xc8: {  	[sflag:s4] =	ssyncset.done $0x0;
	(pc) =	sbr.rel @p1 .LBB2_6-.Ltmp7, $4  }
0xc9: {  	[sflag:s4] =	ssyncadd.s32 $0xFFFFC000  }
0xca: {  	_ =	swait.ge [sflag:s4], $0x4000  }
0xcb: {  	[sflag:s4] =	ssyncset.done $0x0  }
0xcc: {  	[sflag:s4] =	ssyncadd.s32 $0xFFFFC000  }
.LBB2_9:
0xcd: {  	s30 =	simm.s32 $0x0  }
0xce: {  	[tilespmem:s30], [sflag:$0x2] =	stream.linear.gather [hbm4b:s14+s30], $0x4000, $0x38;
	[tilespmem:$0x15180] =	vst v63  }
0xcf: {  	_ =	swait.ge [sflag:s21], $0x4000  }
0xd0: {  	[sflag:s21] =	ssyncset.done $0x0  }
0xd1: {  	[sflag:s21] =	ssyncadd.s32 $0xFFFFC000  }
0xd2: {  	[tilespmem:$0x4000] =	vst v0  }
0xd3: {  	[tilespmem:s22], [sflag:$0x2] =	stream.linear.gather [hbm4b:s15+s30], $0x4000, $0x38;
	[tilespmem:$0x15180] =	vst v63  }
0xd4: {  	_ =	swait.ge [sflag:s21], $0x4000  }
0xd5: {  	[sflag:s21] =	ssyncset.done $0x0  }
0xd6: {  	[sflag:s21] =	ssyncadd.s32 $0xFFFFC000  }
0xd7: {  	s31 =	simm.s32 $0x0;
	[tilespmem:$0x8080] =	vst v0  }
.LBB2_10:
0xd8: {  	s0 =	sshll.u32 s31, $0xE  }
0xd9: {  	s1 =	sadd.s32 s10, s0  }
0xda: {  	s0 =	sshrl.u32 s1, $0x3  }
0xdb: {  	s0 =	sadd.s32 s5, s0  }
0xdc: {  	[tilespmem:s24], [sflag:$0x2] =	stream.linear.gather [hbm4b:s0+s30], $0x4000, $0x38;
	[tilespmem:$0x15180] =	vst v63  }
0xdd: {  	_ =	swait.ge [sflag:s21], $0x4000  }
0xde: {  	[sflag:s21] =	ssyncset.done $0x0  }
0xdf: {  	s0 =	simm.s32 $0x0;
	[sflag:s21] =	ssyncadd.s32 $0xFFFFC000  }
0xe0: {  	v1 =	vld [tilespmem:s0+$0x9100];
	_ =	sdelay $0x7  }
0xe1: {  	v2 =	vld.idx.msk [tilespmem:v1+s3+$0x0], $0xffff;
	_ =	sdelay $0x4  }
0xe2: {  	[tilespmem:s0+$0xD180] =	vst v2;
	v2 =	vld [tilespmem:s0+$0x9180];
	_ =	sdelay $0x1  }
0xe3: {  	v1 =	vld.idx.msk [tilespmem:v1+s22+$0x0], $0xffff;
	_ =	sdelay $0x4  }
0xe4: {  	[tilespmem:s0+$0x11180] =	vst v1  }
0xe5: {  	v1 =	vld.idx.msk [tilespmem:v2+s3+$0x0], $0xffff;
	_ =	sdelay $0x3  }
0xe6: {  	v3 =	vld [tilespmem:s0+$0x9200]  }
0xe7: {  	[tilespmem:s0+$0xD200] =	vst v1  }
0xe8: {  	v1 =	vld.idx.msk [tilespmem:v2+s22+$0x0], $0xffff;
	_ =	sdelay $0x4  }
0xe9: {  	[tilespmem:s0+$0x11200] =	vst v1  }
0xea: {  	v1 =	vld.idx.msk [tilespmem:v3+s3+$0x0], $0xffff;
	_ =	sdelay $0x4  }
0xeb: {  	[tilespmem:s0+$0xD280] =	vst v1;
	v1 =	vld [tilespmem:s0+$0x9280];
	_ =	sdelay $0x1  }
0xec: {  	v2 =	vld.idx.msk [tilespmem:v3+s22+$0x0], $0xffff;
	_ =	sdelay $0x4  }
0xed: {  	[tilespmem:s0+$0x11280] =	vst v2  }
0xee: {  	v2 =	vld.idx.msk [tilespmem:v1+s3+$0x0], $0xffff;
	_ =	sdelay $0x3  }
0xef: {  	s8 =	simm.s32 $0x200;
	s13 =	simm.s32 $0x1000  }
.LBB2_11:
0xf0: {  	p1 =	sne.s32 s13, $0xF800;
	v3 =	vld [tilespmem:s8+$0x9100];
	[tilespmem:s0+$0xD300] =	vst v2  }
0xf1: {  	v1 =	vld.idx.msk [tilespmem:v1+s22+$0x0], $0xffff;
	_ =	sdelay $0x5  }
0xf2: {  	[tilespmem:s0+$0x11300] =	vst v1;
	s0 =	smov.u32 s8  }
0xf3: {  	v1 =	vld.idx.msk [tilespmem:v3+s3+$0x0], $0xffff;
	_ =	sdelay $0x5  }
0xf4: {  	[tilespmem:s0+$0xD180] =	vst v1;
	v1 =	vld [tilespmem:s0+$0x9180]  }
0xf5: {  	v2 =	vld.idx.msk [tilespmem:v3+s22+$0x0], $0xffff;
	_ =	sdelay $0x5  }
0xf6: {  	[tilespmem:s0+$0x11180] =	vst v2  }
0xf7: {  	v2 =	vld.idx.msk [tilespmem:v1+s3+$0x0], $0xffff;
	_ =	sdelay $0x5  }
0xf8: {  	[tilespmem:s0+$0xD200] =	vst v2;
	v2 =	vld [tilespmem:s0+$0x9200]  }
0xf9: {  	v1 =	vld.idx.msk [tilespmem:v1+s22+$0x0], $0xffff;
	_ =	sdelay $0x5  }
0xfa: {  	[tilespmem:s0+$0x11200] =	vst v1  }
0xfb: {  	v1 =	vld.idx.msk [tilespmem:v2+s3+$0x0], $0xffff;
	_ =	sdelay $0x5  }
0xfc: {  	[tilespmem:s0+$0xD280] =	vst v1;
	v1 =	vld [tilespmem:s0+$0x9280]  }
0xfd: {  	v2 =	vld.idx.msk [tilespmem:v2+s22+$0x0], $0xffff;
	_ =	sdelay $0x5  }
0xfe: {  	[tilespmem:s0+$0x11280] =	vst v2  }
0xff: {  	v2 =	vld.idx.msk [tilespmem:v1+s3+$0x0], $0xffff  }
.Ltmp8:
0x100: {  	(pc) =	sbr.rel @p1 .LBB2_11-.Ltmp8, $2  }
0x101: {  	_ =	sdelay $0x2  }
0x102: {  	s8 =	sshra.s32 s13, $0x2;
	s13 =	sadd.s32 $0x800, s13  }
0x103: {  	_ =	sdelay $0x1  }
0x104: {  	v3 =	vld [tilespmem:s8+$0x9100]  }
0x105: {  	[tilespmem:s0+$0xD300] =	vst v2  }
0x106: {  	v1 =	vld.idx.msk [tilespmem:v1+s22+$0x0], $0xffff;
	_ =	sdelay $0x4  }
0x107: {  	[tilespmem:s0+$0x11300] =	vst v1  }
0x108: {  	v1 =	vld.idx.msk [tilespmem:v3+s3+$0x0], $0xffff;
	_ =	sdelay $0x4  }
0x109: {  	[tilespmem:s8+$0xD180] =	vst v1;
	v1 =	vld [tilespmem:s8+$0x9180];
	_ =	sdelay $0x1  }
0x10a: {  	v2 =	vld.idx.msk [tilespmem:v3+s22+$0x0], $0xffff;
	_ =	sdelay $0x4  }
0x10b: {  	[tilespmem:s8+$0x11180] =	vst v2  }
0x10c: {  	v2 =	vld.idx.msk [tilespmem:v1+s3+$0x0], $0xffff;
	_ =	sdelay $0x4  }
0x10d: {  	[tilespmem:s8+$0xD200] =	vst v2;
	v2 =	vld [tilespmem:s8+$0x9200];
	_ =	sdelay $0x1  }
0x10e: {  	v1 =	vld.idx.msk [tilespmem:v1+s22+$0x0], $0xffff;
	_ =	sdelay $0x4  }
0x10f: {  	[tilespmem:s8+$0x11200] =	vst v1  }
0x110: {  	v1 =	vld.idx.msk [tilespmem:v2+s3+$0x0], $0xffff;
	_ =	sdelay $0x4  }
0x111: {  	[tilespmem:s8+$0xD280] =	vst v1;
	v1 =	vld [tilespmem:s8+$0x9280];
	_ =	sdelay $0x1  }
0x112: {  	v2 =	vld.idx.msk [tilespmem:v2+s22+$0x0], $0xffff;
	_ =	sdelay $0x4  }
0x113: {  	[tilespmem:s8+$0x11280] =	vst v2  }
0x114: {  	v2 =	vld.idx.msk [tilespmem:v1+s3+$0x0], $0xffff;
	_ =	sdelay $0x4  }
0x115: {  	[tilespmem:s8+$0xD300] =	vst v2  }
0x116: {  	v1 =	vld.idx.msk [tilespmem:v1+s22+$0x0], $0xffff;
	_ =	sdelay $0x2  }
0x117: {  	s13 =	sadd.s32 s16, s1  }
0x118: {  	s0 =	sshrl.u32 s13, $0x3  }
0x119: {  	s18 =	sadd.s32 s17, s1;
	s0 =	sadd.s32 s7, s0;
	[tilespmem:s8+$0x11300] =	vst v1  }
0x11a: {  	[hbm4b:s0+s3] =	stream.linear.scatter [tilespmem:s26], [sflag:$0x1], $0x4000, $0x38;
	[tilespmem:$0x15180] =	vst v63  }
0x11b: {  	s0 =	sshrl.u32 s18, $0x3  }
0x11c: {  	s31 =	sadd.s32 $0x1, s31;
	s0 =	sadd.s32 s7, s0  }
0x11d: {  	[hbm4b:s0+s3] =	stream.linear.scatter [tilespmem:s28], [sflag:$0x1], $0x4000, $0x38;
	[tilespmem:$0x15180] =	vst v63  }
0x11e: {  	p1 =	sne.s32 s31, $0x20;
	_ =	swait.ge [sflag:s4], $0x4000  }
.Ltmp9:
0x11f: {  	[sflag:s4] =	ssyncset.done $0x0;
	(pc) =	sbr.rel @p1 .LBB2_10-.Ltmp9, $4  }
0x120: {  	[sflag:s4] =	ssyncadd.s32 $0xFFFFC000  }
0x121: {  	_ =	swait.ge [sflag:s4], $0x4000  }
0x122: {  	[sflag:s4] =	ssyncset.done $0x0  }
0x123: {  	[sflag:s4] =	ssyncadd.s32 $0xFFFFC000  }
.Ltmp10:
0x124: {  	(pc) =	sbr.rel @p0 .LBB2_18-.Ltmp10, $1  }
0x125: {  	_ =	sdelay $0x3  }
0x126: {  	s0 =	simm.s32 $0x0;
	s1 =	rddreg [dreg:$0x6]  }
0x127: {  	[tilespmem:s0], [sflag:$0x2] =	stream.linear.gather [hbm4b:s1+s0], $0x4000, $0x38;
	[tilespmem:$0x15180] =	vst v63  }
0x128: {  	_ =	swait.ge [sflag:s21], $0x4000  }
0x129: {  	[sflag:s21] =	ssyncset.done $0x0  }
0x12a: {  	[sflag:s21] =	ssyncadd.s32 $0xFFFFC000  }
0x12b: {  	s1 =	simm.s32 $0x0;
	[tilespmem:$0x4000] =	vst v0  }
.LBB2_15:
0x12c: {  	s8 =	sshll.u32 s1, $0xE  }
0x12d: {  	s13 =	sadd.s32 s10, s8  }
0x12e: {  	s8 =	sshrl.u32 s13, $0x3  }
0x12f: {  	s8 =	sadd.s32 s5, s8  }
0x130: {  	[tilespmem:s24], [sflag:$0x2] =	stream.linear.gather [hbm4b:s8+s0], $0x4000, $0x38;
	[tilespmem:$0x15180] =	vst v63  }
0x131: {  	_ =	swait.ge [sflag:s21], $0x4000  }
0x132: {  	[sflag:s21] =	ssyncset.done $0x0  }
0x133: {  	s30 =	simm.s32 $0x0;
	[sflag:s21] =	ssyncadd.s32 $0xFFFFC000  }
0x134: {  	v1 =	vld [tilespmem:s30+$0x9100];
	_ =	sdelay $0x5  }
0x135: {  	v2 =	vld [tilespmem:s30+$0x9180];
	_ =	sdelay $0x1  }
0x136: {  	v1 =	vld.idx.msk [tilespmem:v1+s3+$0x0], $0xffff;
	_ =	sdelay $0x4  }
0x137: {  	v3 =	vld [tilespmem:s30+$0x9200];
	[tilespmem:s30+$0xD180] =	vst v1  }
0x138: {  	v1 =	vld.idx.msk [tilespmem:v2+s3+$0x0], $0xffff;
	_ =	sdelay $0x4  }
0x139: {  	[tilespmem:s30+$0xD200] =	vst v1;
	v1 =	vld [tilespmem:s30+$0x9280];
	_ =	sdelay $0x1  }
0x13a: {  	v2 =	vld.idx.msk [tilespmem:v3+s3+$0x0], $0xffff;
	_ =	sdelay $0x3  }
0x13b: {  	s18 =	simm.s32 $0x200;
	s8 =	simm.s32 $0x1000  }
.LBB2_16:
0x13c: {  	p1 =	sne.s32 s8, $0xF800;
	v3 =	vld [tilespmem:s18+$0x9100];
	[tilespmem:s30+$0xD280] =	vst v2  }
0x13d: {  	v1 =	vld.idx.msk [tilespmem:v1+s3+$0x0], $0xffff;
	_ =	sdelay $0x5  }
0x13e: {  	v2 =	vld [tilespmem:s18+$0x9180];
	[tilespmem:s30+$0xD300] =	vst v1;
	s30 =	smov.u32 s18  }
0x13f: {  	v1 =	vld.idx.msk [tilespmem:v3+s3+$0x0], $0xffff;
	_ =	sdelay $0x5  }
0x140: {  	[tilespmem:s30+$0xD180] =	vst v1;
	v3 =	vld [tilespmem:s30+$0x9200]  }
0x141: {  	v1 =	vld.idx.msk [tilespmem:v2+s3+$0x0], $0xffff;
	_ =	sdelay $0x5  }
0x142: {  	[tilespmem:s30+$0xD200] =	vst v1;
	v1 =	vld [tilespmem:s30+$0x9280]  }
0x143: {  	v2 =	vld.idx.msk [tilespmem:v3+s3+$0x0], $0xffff  }
.Ltmp11:
0x144: {  	(pc) =	sbr.rel @p1 .LBB2_16-.Ltmp11, $2  }
0x145: {  	_ =	sdelay $0x2  }
0x146: {  	s18 =	sshra.s32 s8, $0x2;
	s8 =	sadd.s32 $0x800, s8  }
0x147: {  	_ =	sdelay $0x1  }
0x148: {  	v3 =	vld [tilespmem:s18+$0x9100]  }
0x149: {  	[tilespmem:s30+$0xD280] =	vst v2  }
0x14a: {  	v1 =	vld.idx.msk [tilespmem:v1+s3+$0x0], $0xffff;
	_ =	sdelay $0x3  }
0x14b: {  	v2 =	vld [tilespmem:s18+$0x9180]  }
0x14c: {  	[tilespmem:s30+$0xD300] =	vst v1  }
0x14d: {  	v1 =	vld.idx.msk [tilespmem:v3+s3+$0x0], $0xffff;
	_ =	sdelay $0x4  }
0x14e: {  	[tilespmem:s18+$0xD180] =	vst v1;
	v1 =	vld [tilespmem:s18+$0x9200]  }
0x14f: {  	v2 =	vld.idx.msk [tilespmem:v2+s3+$0x0], $0xffff;
	_ =	sdelay $0x4  }
0x150: {  	[tilespmem:s18+$0xD200] =	vst v2;
	v2 =	vld [tilespmem:s18+$0x9280];
	_ =	sdelay $0x1  }
0x151: {  	v1 =	vld.idx.msk [tilespmem:v1+s3+$0x0], $0xffff;
	_ =	sdelay $0x4  }
0x152: {  	[tilespmem:s18+$0xD280] =	vst v1  }
0x153: {  	v1 =	vld.idx.msk [tilespmem:v2+s3+$0x0], $0xffff;
	_ =	sdelay $0x2  }
0x154: {  	s8 =	sadd.s32 s19, s13  }
0x155: {  	s1 =	sadd.s32 $0x1, s1;
	s8 =	sshrl.u32 s8, $0x3  }
0x156: {  	p1 =	sne.s32 s1, $0x20;
	s8 =	sadd.s32 s7, s8;
	[tilespmem:s18+$0xD300] =	vst v1  }
0x157: {  	[hbm4b:s8+s3] =	stream.linear.scatter [tilespmem:s26], [sflag:$0x2], $0x4000, $0x38;
	[tilespmem:$0x15180] =	vst v63  }
.Ltmp12:
0x158: {  	_ = 	snop;
	(pc) =	sbr.rel @p1 .LBB2_15-.Ltmp12, $4  }
.Ltmp13:
0x159: {  	_ = 	snop;
	(pc) =	sbr.rel @!p1 .LBB2_18-.Ltmp13, $4  }
0x15a: {  	_ =	swait.ge [sflag:s21], $0x4000  }
0x15b: {  	[sflag:s21] =	ssyncset.done $0x0  }
0x15c: {  	[sflag:s21] =	ssyncadd.s32 $0xFFFFC000  }
0x15d: {  	_ = 	snop  }
.LBB2_19:
0x15e: {  	_ =	sfence.sel $0x180000  }
0x15f: {  	[bflag:$0x0] =	sbarrier.arrive $0xFFFF  }
0x160: {  	_ =	strace $0x9000004A  }
0x161: {  	s0 =	stileid.u32;
	[bflag:$0x2] =	sbarrier.arrive $0xFFFF  }
0x162: {  	p0 =	sne.s32 s0, $0x0;
	s0 =	rddreg [dreg:$0x2]  }
0x163: {  	s0 =	sadd.s32 @!p0 $0x100000, s0  }
0x164: {  	[sflag:s0] =	ssyncadd.tile.s32 @!p0 $0x1;
	_ =	shalt  }
.Lfunc_end2:
_tile_overlayer_lowered:
.L_overlay_start_2:
0x165: {  	(tag) =	ssettag $0x2  }
0x166: {  	s0 =	rddreg [dreg:$0x0];
	s2 =	stileid.u32  }
0x167: {  	s1 =	rddreg [dreg:$0x1];
	p0 =	sne.s32 s2, $0x0  }
0x168: {  	s3 =	rddreg [dreg:$0x2];
	[bflag:$0x3] =	sbarrier.arrive $0xFFFF;
	s2 =	simm.s32 @!p0 $0x1C02  }
0x169: {  	[timem:s3], [sflag:s2] =	dma.local @!p0 [hbm:s0], s1  }
0x16a: {  	s0 =	simm.s32 @!p0 $0x2  }
0x16b: {  	_ =	swait.ge @!p0 [sflag:s0], s1  }
0x16c: {  	s1 =	ssub.s32 @!p0 $0x0, s1;
	[sflag:s0] =	ssyncset.done @!p0 $0x0  }
0x16d: {  	[sflag:s0] =	ssyncadd.s32 @!p0 s1  }
0x16e: {  	[bflag:$0x3] =	sbarrier.arrive $0xFFFF  }
0x16f: {  	_ =	shalt  }

// kernel: sparse-core-data-format-call.cloned.1.call-start
scs
called_computation_lowered:
.L_overlay_start_0:
0x0: {  	s2 =	sld [smem:$0x3FD9]  }
0x1: {  	s3 =	sld [smem:$0x3FFE];
	_ =	sdelay $0x1  }
0x2: {  	s1 =	srdreg.scid  }
0x3: {  	s0 =	sand.u32 $0x1, s1  }
0x4: {  	s15 =	sshll.u32 s0, $0xA;
	s2 =	sadd.s32 s3, s2  }
0x5: {  	s2 =	sadd.s32 s2, s15  }
0x6: {  	[smem:$0x3FC5] =	sst s2  }
0x7: {  	_ = 	snop  }
0x8: {  	s2 =	sld [smem:$0x3FD0];
	_ =	sdelay $0x2  }
0x9: {  	s16 =	simm.s32 $0xA;
	s4 =	simm.s32 $0x10  }
0xa: {  	[smem:s4], [sflag:s16] =	dma.local [hbm:s2], $0x1  }
0xb: {  	_ =	swait.eq [sflag:s16], $0x1  }
0xc: {  	[sflag:s16] =	ssyncset.done $0x0  }
0xd: {  	[sflag:s16] =	ssyncadd.s32 $0xFFFFFFFF  }
0xe: {  	s17 =	sld [smem:$0x10];
	(tm) =	ssettm $0x1  }
0xf: {  	s18 =	sld [smem:$0x3FFB];
	_ =	sdelay $0x3  }
0x10: {  	_ =	strace s18  }
0x11: {  	s3 =	sld [smem:$0x3FFC];
	_ =	sdelay $0x3  }
0x12: {  	_ =	strace s3  }
0x13: {  	s3 =	sld [smem:$0x3FFD];
	_ =	sdelay $0x3  }
0x14: {  	_ =	strace s3  }
0x15: {  	_ =	strace $0x8FFFFFFF  }
0x16: {  	s19 =	sld [smem:$0x3FDB];
	_ =	sdelay $0x1  }
0x17: {  	s20 =	simm.s32 $_scs_section_size  }
0x18: {  	s5 =	simm.s32 $_size__tile_overlayer_lowered;
	s6 =	simm.s32 $_tile_overlayer_lowered  }
0x19: {  	s23 =	simm.s32 $0x1BFF;
	s22 =	sshll.u32 s6, $0x1;
	s3 =	sadd.s32 s20, s19  }
0x1a: {  	s7 =	simm.s32 $0x0;
	s21 =	sshll.u32 s5, $0x1;
	s5 =	sadd.s32 s22, s3  }
0x1b: {  	[timem:s7], [sflag:s23] =	dma.local [hbm:s5], s21  }
0x1c: {  	_ =	swait.ge [sflag:s23], s21  }
0x1d: {  	s4 =	ssub.s32 $0x0, s21;
	[sflag:s23] =	ssyncset.done $0x0  }
0x1e: {  	[sflag:s23] =	ssyncadd.s32 s4;
	_ =	sdelay $0x1  }
0x1f: {  	s24 =	simm.s32 $0x1B8B  }
0x20: {  	_ =	swait.ge [sflag:s24], $0x1  }
0x21: {  	[sflag:s24] =	ssyncset.done $0x0  }
0x22: {  	s26 =	simm.s32 $0x1B8E;
	s25 =	sld [smem:$0x3FFE];
	[sflag:s24] =	ssyncadd.s32 $0xFFFFFFFF  }
0x23: {  	s27 =	simm.s32 $execute0_lowered;
	[smem:$0x3FD2] =	sst s26  }
0x24: {  	s5 =	sshll.u32 s27, $0x1;
	_ =	strace $0x8000004C;
	[dreg:$0x1] =	wrdreg $0xFFFFFFFF  }
0x25: {  	s28 =	simm.s32 $_size_execute0_lowered;
	s3 =	sadd.s32 s3, s5;
	[dreg:$0x0] =	wrdreg $0x0  }
0x26: {  	s5 =	sshll.u32 s28, $0x1;
	[dreg:$0x2] =	wrdreg s3  }
0x27: {  	[dreg:$0x3] =	wrdreg s5  }
0x28: {  	[dreg:$0x4] =	wrdreg $0xC0  }
0x29: {  	_ =	task [dreg:s7], $0x5FFFF  }
0x2a: {  	[dreg:$0x1] =	wrdreg $0xFFFFFFFF  }
0x2b: {  	[dreg:$0x0] =	wrdreg $0x60  }
0x2c: {  	[dreg:$0x2] =	wrdreg s25  }
0x2d: {  	[dreg:$0x3] =	wrdreg s17  }
0x2e: {  	[dreg:$0x4] =	wrdreg $0x9  }
0x2f: {  	_ =	task.clear_ibuf [dreg:s7], $0x5FFFF;
	_ =	strace $0x9000004C  }
0x30: {  	s29 =	simm.s32 $0x9;
	_ =	strace $0x8000004E  }
0x31: {  	_ =	swait.ge [sflag:s29], $0x1  }
0x32: {  	[sflag:s29] =	ssyncadd.s32 $0xFFFFFFFF  }
0x33: {  	_ =	strace $0x9000004E  }
0x34: {  	_ =	sfence  }
0x35: {  	s30 =	sld [smem:$0x0];
	_ =	sdelay $0x2  }
0x36: {  	s31 =	sshll.u32 s1, $0xD;
	s1 =	sshrl.u32 s1, $0x2  }
0x37: {  	s3 =	sand.u32 $0x4000, s31;
	s1 =	sadd.s32 s1, s30  }
0x38: {  	s0 =	sor.u32 s3, s0;
	s1 =	sshll.u32 s1, $0x11  }
0x39: {  	s0 =	sor.u32 s1, s0  }
0x3a: {  	s0 =	sadd.s32 $0x8F2B, s0  }
0x3b: {  	[sflag:s0] =	ssyncadd.remote.s32 $0x1  }
0x3c: {  	_ =	sfence.sel $0xFFFF  }
0x3d: {  	[dreg:$0x0] =	wrdreg $0xFFFFFFFF;
	(pc) =	sbr.abs _section_cstart, $3  }
0x3e: {  	[dreg:$0x1] =	wrdreg $0xFFFFFFFF  }
0x3f: {  	_ =	task.clear_ibuf [dreg:s7], $0x2FFFF;
	_ =	strace $0x9FFFFFFF  }
0x40: {  	(tm) =	ssettm $0x7FFFFFFF  }
0x41: {  	_ =	shalt  }
tec
execute0_lowered:
.L_overlay_start_1:
0x0: {  	(tag) =	ssettag $0x1  }
0x1: {  	s0 =	srdreg.scid  }
0x2: {  	s1 =	sshll.u32 s0, $0x4  }
0x3: {  	s0 =	stileid.u32;
	s1 =	sand.u32 $0x10, s1  }
0x4: {  	s1 =	sor.u32 s0, s1  }
0x5: {  	s6 =	rddreg [dreg:$0x0];
	s4 =	simm.s32 $0x1;
	s2 =	sshll.u32 s1, $0x7  }
0x6: {  	s7 =	simm.s32 $0x2;
	s12 =	simm.s32 $0x0;
	s1 =	ssub.s32 $0x4000, s2  }
0x7: {  	s8 =	simm.s32 $0x20000;
	s13 =	simm.s32 $0x0;
	s3 =	sand.u32 $0xF80, s1  }
0x8: {  	s10 =	simm.s32 $0x0;
	s5 =	sshrl.u32 s1, $0xC;
	p0 =	sne.s32 s3, $0x0  }
.Ltmp0:
0x9: {  	s1 =	rddreg [dreg:$0x2];
	s4 =	simm.s32 @!p0 $0x0;
	(pc) =	sbr.rel .LBB1_1-.Ltmp0, $4  }
0xa: {  	s11 =	simm.s32 $0x0;
	s3 =	rddreg [dreg:$0x1];
	s5 =	sadd.s32 s4, s5  }
0xb: {  	_ =	strace $0x8000004D;
	s4 =	simm.s32 $0x1;
	s5 =	smul.u32 $0x23, s5  }
0xc: {  	s6 =	sadd.s32 $0x83200, s6;
	s9 =	smov.u32 s2;
	[sflag:s4] =	ssyncpa.u1 $0x0  }
0xd: {  	p0 =	por $0x0, $0x0;
	[sflag:s7] =	ssyncpa.u1 $0x0;
	s7 =	sadd.s32 $0x1, s5  }
.LBB1_4:
0xe: {  	s16 =	sshll.u32 s12, $0x3;
	[tilespmem:s14+$0xFFFFFFFC ss:$0x81] =	vst.msk $0xffff, v4;
	s17 =	sand.u32 $0x78, s12  }
0xf: {  	[tilespmem:s14+$0xFFFFFFFD ss:$0x81] =	vst.msk $0xffff, v3;
	s13 =	sshll.u32 s13, $0xF;
	s30 =	sand.u32 $0x7800, s12;
	s16 =	sand.u32 $0x3C00, s16  }
0x10: {  	[tilespmem:s14+$0xFFFFFFFE ss:$0x81] =	vst.msk $0xffff, v1;
	s31 =	sand.u32 $0x7, s12;
	s13 =	sadd.s32 s3, s13;
	s16 =	sor.u32 s17, s16  }
0x11: {  	[tilespmem:s14+$0xFFFFFFFF ss:$0x81] =	vst.msk $0xffff, v2;
	s12 =	sshll.u32 s31, $0x12;
	s13 =	sadd.s32 s30, s13;
	s16 =	sshrl.u32 s16, $0x3  }
0x12: {  	[tilespmem:s14+$0xFFFFFFF9 ss:$0x81] =	vst.msk $0xffff, v0;
	s12 =	sor.u32 $0x400, s12;
	s13 =	sadd.s32 s16, s13  }
0x13: {  	[hbm4b:s13+s12] =	stream.strided.scatter [tilespmem:s15], [sflag:$0x2], $0x800, s8, s12, $0x20;
	[tilespmem:$0x2020] =	vst v63  }
.LBB1_5:
0x14: {  	s14 =	sadd.s32 $0x1000, s9  }
0x15: {  	s12 =	simm.s32 $0x1;
	p2 =	sgt.s32 s14, $0x3FFF  }
0x16: {  	s12 =	simm.s32 @!p2 $0x0  }
0x17: {  	s16 =	sadd.s32 s12, s10  }
0x18: {  	s14 =	smov.u32 @p2 s2;
	p2 =	sgt.s32 s16, $0x22  }
0x19: {  	s16 =	simm.s32 @p2 $0x0;
	p2 =	sne.s32 s11, s7  }
.Ltmp1:
0x1a: {  	p1 =	slt.u32 s11, $0x2;
	(pc) =	sbr.rel @!p2 .LBB1_6-.Ltmp1, $4  }
0x1b: {  	s15 =	simm.s32 @!p1 $0x2  }
0x1c: {  	s13 =	smov.u32 s10;
	p0 =	por !p0, !p0;
	_ =	swait.ge @!p1 [sflag:s15], $0x800  }
0x1d: {  	[sflag:s15] =	ssyncset.done @!p1 $0x0;
	s12 =	smov.u32 s9;
	s9 =	smov.u32 s14  }
0x1e: {  	[sflag:s15] =	ssyncadd.s32 @!p1 $0xFFFFF800;
	s11 =	sadd.s32 $0x1, s11;
	s10 =	smov.u32 s16  }
.LBB1_1:
0x1f: {  	p1 =	sge.u32 s11, s5  }
0x20: {  	s31 =	sadd.s32 $0xFFFFFFFF, s11;
	s14 =	sxor.u32 @!p1 $0xFFFFFFFF, s11  }
0x21: {  	s15 =	sshll.u32 @!p1 s10, $0x12;
	s16 =	sshll.u32 @!p1 s9, $0x4;
	s17 =	simm.s32 @!p1 $0x80  }
0x22: {  	s14 =	sshll.u32 @!p1 s14, $0xB;
	s16 =	sand.u32 @!p1 $0x3FFF0, s16;
	s15 =	sadd.s32 @!p1 s6, s15  }
0x23: {  	s14 =	sand.u32 @!p1 $0x800, s14;
	s15 =	sadd.s32 @!p1 s16, s15;
	s16 =	simm.s32 @!p1 $0x10  }
0x24: {  	[tilespmem:s14], [sflag:$0x1] =	stream.strided.gather @!p1 [hbm4b:s15+s16], $0x800, s17, s16, $0x38;
	[tilespmem:$0x2020] =	vst v63  }
0x25: {  	p1 =	sge.u32 s31, s5  }
.Ltmp2:
0x26: {  	_ = 	snop;
	(pc) =	sbr.rel @p1 .LBB1_5-.Ltmp2, $1  }
0x27: {  	_ =	sdelay $0x3  }
0x28: {  	s14 =	simm.s32 $0x1  }
0x29: {  	_ =	swait.ge [sflag:s4], $0x800;
	s14 =	simm.s32 @!p0 $0x0  }
0x2a: {  	[sflag:s4] =	ssyncset.done $0x0;
	s15 =	sshll.u32 s14, $0xB  }
0x2b: {  	[sflag:s4] =	ssyncadd.s32 $0xFFFFF800;
	s17 =	sor.u32 $0x40, s15  }
0x2c: {  	v0 =	vld [tilespmem:s17+$0x30]  }
0x2d: {  	s14 =	smul.u32 $0x2040, s14;
	v2 =	vld [tilespmem:s17+$0xFFFFFFD0]  }
0x2e: {  	v5 =	vld [tilespmem:s17+$0xFFFFFFE0]  }
0x2f: {  	s31 =	sand.u32 $0x1, s11;
	s14 =	sshrl.u32 s14, $0x2;
	v4 =	vld [tilespmem:s17+$0xFFFFFFF0]  }
0x30: {  	s15 =	smul.u32 $0x2040, s31;
	v3 =	vld [tilespmem:s17+$0x0];
	s14 =	sor.u32 $0x1007, s14  }
0x31: {  	v1 =	vld [tilespmem:s17+$0x10];
	[tilespmem:s14+$0x0 ss:$0x81] =	vst.msk $0xffff, v0  }
0x32: {  	s15 =	sshrl.u32 s15, $0x2;
	[tilespmem:s14+$0xFFFFFFFA ss:$0x81] =	vst.msk $0xffff, v2;
	v2 =	vld [tilespmem:s17+$0x20]  }
0x33: {  	s16 =	simm.s32 $0x0;
	s15 =	sor.u32 $0x1000, s15;
	v0 =	vld [tilespmem:s17+$0xFFFFFFC0];
	[tilespmem:s14+$0xFFFFFFFB ss:$0x81] =	vst.msk $0xffff, v5;
	s17 =	sadd.s32 $0x80, s17  }
.LBB1_3:
0x34: {  	v5 =	vld [tilespmem:s17+$0x30];
	s16 =	sadd.s32 $0x8, s16;
	[tilespmem:s14+$0xFFFFFFFC ss:$0x81] =	vst.msk $0xffff, v4  }
0x35: {  	v6 =	vld [tilespmem:s17+$0xFFFFFFD0];
	p1 =	slt.u32 s16, $0x78;
	[tilespmem:s14+$0xFFFFFFFD ss:$0x81] =	vst.msk $0xffff, v3  }
0x36: {  	v7 =	vld [tilespmem:s17+$0xFFFFFFE0];
	[tilespmem:s14+$0xFFFFFFFE ss:$0x81] =	vst.msk $0xffff, v1  }
.Ltmp3:
0x37: {  	v4 =	vld [tilespmem:s17+$0xFFFFFFF0];
	[tilespmem:s14+$0xFFFFFFFF ss:$0x81] =	vst.msk $0xffff, v2;
	(pc) =	sbr.rel @p1 .LBB1_3-.Ltmp3, $4  }
0x38: {  	v3 =	vld [tilespmem:s17+$0x0];
	[tilespmem:s14+$0xFFFFFFF9 ss:$0x81] =	vst.msk $0xffff, v0;
	s14 =	sadd.s32 $0x8, s14  }
0x39: {  	v1 =	vld [tilespmem:s17+$0x10];
	[tilespmem:s14+$0x0 ss:$0x81] =	vst.msk $0xffff, v5  }
0x3a: {  	[tilespmem:s14+$0xFFFFFFFA ss:$0x81] =	vst.msk $0xffff, v6;
	v2 =	vld [tilespmem:s17+$0x20]  }
0x3b: {  	v0 =	vld [tilespmem:s17+$0xFFFFFFC0];
	[tilespmem:s14+$0xFFFFFFFB ss:$0x81] =	vst.msk $0xffff, v7;
	s17 =	sadd.s32 $0x80, s17  }
.Ltmp4:
0x3c: {  	_ = 	snop;
	(pc) =	sbr.rel .LBB1_4-.Ltmp4, $1  }
0x3d: {  	_ =	sdelay $0x3  }
.LBB1_6:
0x3e: {  	_ =	sfence.sel $0x180000  }
0x3f: {  	s2 =	simm.s32 $0x1;
	[bflag:$0x0] =	sbarrier.arrive $0xFFFF  }
0x40: {  	s31 =	simm.s32 $0x2;
	[sflag:s2] =	ssyncpa.u1 $0x1  }
0x41: {  	[sflag:s31] =	ssyncpa.u1 $0x1  }
0x42: {  	p0 =	sne.s32 s0, $0x0;
	_ =	strace $0x9000004D  }
0x43: {  	s0 =	sadd.s32 @!p0 $0x100000, s1;
	[bflag:$0x2] =	sbarrier.arrive $0xFFFF  }
0x44: {  	[sflag:s0] =	ssyncadd.tile.s32 @!p0 $0x1;
	_ =	shalt  }
.Lfunc_end1:
_tile_overlayer_lowered:
.L_overlay_start_2:
0x45: {  	(tag) =	ssettag $0x2  }
0x46: {  	s0 =	rddreg [dreg:$0x0];
	s2 =	stileid.u32  }
0x47: {  	s1 =	rddreg [dreg:$0x1];
	p0 =	sne.s32 s2, $0x0  }
0x48: {  	s3 =	rddreg [dreg:$0x2];
	[bflag:$0x3] =	sbarrier.arrive $0xFFFF;
	s2 =	simm.s32 @!p0 $0x1C01  }
0x49: {  	[timem:s3], [sflag:s2] =	dma.local @!p0 [hbm:s0], s1  }
0x4a: {  	s0 =	simm.s32 @!p0 $0x1  }
0x4b: {  	_ =	swait.ge @!p0 [sflag:s0], s1  }
0x4c: {  	s1 =	ssub.s32 @!p0 $0x0, s1;
	[sflag:s0] =	ssyncset.done @!p0 $0x0  }
0x4d: {  	[sflag:s0] =	ssyncadd.s32 @!p0 s1  }
0x4e: {  	[bflag:$0x3] =	sbarrier.arrive $0xFFFF  }
0x4f: {  	_ =	shalt  }

</sc_bundles>
